<compile_context>
chip_gen: v7x
topology: tpu7x:2x2x1
jax: 0.10.2.dev20260603
libtpu: 0.0.44.dev20260713+nightly
codegen_flags: <defaults>
</compile_context>

<pallas_src>
import functools

import jax
import jax.numpy as jnp
from jax import lax
from jax.experimental import pallas as pl
from jax.experimental.pallas import tpu as pltpu
from jax.experimental.pallas import tpu_sc as plsc

_NUM_WORKERS = 32
_W = 16
_LANES = 16


def _fused_gather_add(x, idx, emb):
    nb, nl, d = x.shape
    n = nb * nl
    rows_per_worker = n // _NUM_WORKERS
    workers_per_batch = nl // rows_per_worker
    steps = rows_per_worker // _W
    mesh = plsc.VectorSubcoreMesh(core_axis_name="c", subcore_axis_name="s")

    @functools.partial(
        pl.kernel,
        mesh=mesh,
        out_type=jax.ShapeDtypeStruct((nb, nl, d), jnp.float32),
        scratch_types=[
            pltpu.VMEM((rows_per_worker,), jnp.int32),
            pltpu.VMEM((2, _W, d), jnp.float32),
            pltpu.VMEM((2, _W, d), jnp.float32),
            pltpu.VMEM((2, _W, d), jnp.float32),
            pltpu.SemaphoreType.DMA,
            pltpu.SemaphoreType.DMA,
            pltpu.SemaphoreType.DMA,
            pltpu.SemaphoreType.DMA,
            pltpu.SemaphoreType.DMA,
            pltpu.SemaphoreType.DMA,
        ],
    )
    def k(x_hbm3, idx_hbm, emb_hbm3, out_hbm3, idx_v, rows_v, x_v, o_v,
          gsem0, gsem1, xsem0, xsem1, osem0, osem1):
        x_hbm = x_hbm3.reshape(n, d)
        emb_hbm = emb_hbm3.reshape(emb_hbm3.shape[0], d)
        out_hbm = out_hbm3.reshape(n, d)
        gsems = (gsem0, gsem1)
        xsems = (xsem0, xsem1)
        osems = (osem0, osem1)
        wid = lax.axis_index("s") * 2 + lax.axis_index("c")
        base = wid * rows_per_worker
        bidx = wid // workers_per_batch
        l_base = (wid % workers_per_batch) * rows_per_worker

        pltpu.sync_copy(idx_hbm.at[bidx, pl.ds(l_base, rows_per_worker)], idx_v)

        def issue(loc, b):
            idx_slice = idx_v.at[pl.ds(loc, _W)]
            pltpu.async_copy(emb_hbm.at[idx_slice], rows_v.at[b], gsems[b])
            pltpu.async_copy(x_hbm.at[pl.ds(base + loc, _W)], x_v.at[b],
                             xsems[b])

        for b in range(2):
            issue(b * _W, b)

        @pl.loop(0, steps, step=2)
        def _(i):
            for b in range(2):
                loc = (i + b) * _W
                off = base + loc
                pltpu.make_async_copy(emb_hbm.at[idx_v.at[pl.ds(loc, _W)]],
                                      rows_v.at[b], gsems[b]).wait()
                pltpu.make_async_copy(x_hbm.at[pl.ds(off, _W)], x_v.at[b],
                                      xsems[b]).wait()
                @pl.when(i >= 2)
                def _():
                    pltpu.make_async_copy(
                        o_v.at[b], out_hbm.at[pl.ds(off - 2 * _W, _W)],
                        osems[b]).wait()

                rb, xb, ob = rows_v.at[b], x_v.at[b], o_v.at[b]

                @pl.loop(0, _W)
                def _(r):
                    for c in range(0, d, _LANES):
                        ob[r, pl.ds(c, _LANES)] = (
                            rb[r, pl.ds(c, _LANES)] + xb[r, pl.ds(c, _LANES)]
                        )

                pltpu.async_copy(o_v.at[b], out_hbm.at[pl.ds(off, _W)], osems[b])

                @pl.when(i + 2 < steps)
                def _():
                    issue(loc + 2 * _W, b)

        for b in range(2):
            off = base + (steps - 2 + b) * _W
            pltpu.make_async_copy(o_v.at[b], out_hbm.at[pl.ds(off, _W)],
                                  osems[b]).wait()

    return k(x, idx, emb)


def kernel(x, pos_idx, embed):
    if pos_idx.dtype != jnp.int32:
        pos_idx = pos_idx.astype(jnp.int32)
    return _fused_gather_add(x, pos_idx, embed)

# --- scband reference (transcript-rebuilt; emitter-appended) ---
"""Pipeline reference for scband-partial-position-embedding-48000554500758 (READ-ONLY COPY).

The authoritative reference and input builder live on the scoring server;
editing this copy changes nothing except your own understanding.
"""

import math
import jax, jax.numpy as jnp
import numpy as np

SEQ_LENGTH = 8192
DIM = 1024
BATCH = 2
L = 8192


def pe1d_sincos(seq_length, dim):
    position = jnp.arange(0, seq_length, dtype=jnp.float32)[:, None]
    div_term = jnp.exp(jnp.arange(0, dim, 2, dtype=jnp.float32) * -(math.log(10000.0) / dim))
    pe = jnp.zeros((seq_length, dim), dtype=jnp.float32)
    pe = pe.at[:, 0::2].set(jnp.sin(position * div_term))
    pe = pe.at[:, 1::2].set(jnp.cos(position * div_term))
    return pe[:, None, :]  # [seq_length, 1, dim]


def setup_inputs(seed: int = 0) -> dict:
    key = jax.random.key(seed)
    k1, k2 = jax.random.split(key)
    x = jax.random.normal(k1, (BATCH, L, DIM), dtype=jnp.float32)
    pos_idx = jax.random.randint(k2, (BATCH, L), 0, SEQ_LENGTH, dtype=jnp.int64 if jax.config.jax_enable_x64 else jnp.int32)
    embed = pe1d_sincos(SEQ_LENGTH, DIM)  # non-learned buffer-like parameter (requires_grad=False)
    return {"x": x, "pos_idx": pos_idx, "embed": embed}


def reference(x, pos_idx, embed):
    # torch.index_select(self.embed, dim=0, index=pos_idx.view(-1))
    partial_embed = jnp.take(embed, pos_idx.reshape(-1), axis=0)  # [B*L, 1, dim]
    partial_embed = partial_embed.reshape(pos_idx.shape[0], pos_idx.shape[1], -1)  # [B, L, dim]
    out = x + partial_embed
    # dropout p=0 -> identity
    return out

if __name__ == "__main__":
    import jax
    _d = setup_inputs()
    print(jax.jit(kernel)(*tuple(_d.values())))

</pallas_src>

<mosaic_0001>
#map = affine_map<(d0, d1) -> (0, 0, 0)>
#map1 = affine_map<(d0, d1) -> (0, 0)>
module attributes {stable_mosaic.version = 14 : i64} {
  func.func @k(%arg0: i32, %arg1: i32, %arg2: memref<2x8192x1024xf32, #tpu.memory_space<hbm>>, %arg3: memref<2x8192xi32, #tpu.memory_space<hbm>>, %arg4: memref<8192x1x1024xf32, #tpu.memory_space<hbm>>, %arg5: memref<2x8192x1024xf32, #tpu.memory_space<hbm>>, %arg6: memref<512xi32, #tpu.memory_space<vmem>>, %arg7: memref<2x16x1024xf32, #tpu.memory_space<vmem>>, %arg8: memref<2x16x1024xf32, #tpu.memory_space<vmem>>, %arg9: memref<2x16x1024xf32, #tpu.memory_space<vmem>>, %arg10: memref<!tpu.dma_semaphore, #tpu.memory_space<semaphore_mem>>, %arg11: memref<!tpu.dma_semaphore, #tpu.memory_space<semaphore_mem>>, %arg12: memref<!tpu.dma_semaphore, #tpu.memory_space<semaphore_mem>>, %arg13: memref<!tpu.dma_semaphore, #tpu.memory_space<semaphore_mem>>, %arg14: memref<!tpu.dma_semaphore, #tpu.memory_space<semaphore_mem>>, %arg15: memref<!tpu.dma_semaphore, #tpu.memory_space<semaphore_mem>>) attributes {dimension_semantics = [#tpu.dimension_semantics<core_parallel>, #tpu.dimension_semantics<subcore_parallel>], iteration_bounds = array<i64: 2, 16>, scalar_prefetch = 0 : i64, scratch_operands = 10 : i64, tpu.core_type = #tpu.core_type<sc_vector_subcore>, window_params = [{transform_indices = #map}, {transform_indices = #map1}, {transform_indices = #map}, {transform_indices = #map}]} {
    %mul3A = arith.constant 2 : i32
    %mul3A_0 = arith.muli %arg1, %mul3A : i32
    %add3A = arith.addi %mul3A_0, %arg0 : i32
    %mul3A_1 = arith.constant 512 : i32
    %mul3A_2 = arith.muli %add3A, %mul3A_1 : i32
    %jit3A = arith.constant 16 : i32
    %div3A = arith.divsi %add3A, %jit3A : i32
    %sign3A = arith.constant 0 : i32
    %sign3A_3 = arith.cmpi sgt, %add3A, %sign3A : i32
    %sign3A_4 = arith.extui %sign3A_3 : i1 to i32
    %sign3A_5 = arith.constant 0 : i32
    %sign3A_6 = arith.cmpi slt, %add3A, %sign3A_5 : i32
    %sign3A_7 = arith.extui %sign3A_6 : i1 to i32
    %sign3A_8 = arith.subi %sign3A_4, %sign3A_7 : i32
    %sign3A_9 = arith.constant 0 : i32
    %sign3A_10 = arith.cmpi sgt, %jit3A, %sign3A_9 : i32
    %sign3A_11 = arith.extui %sign3A_10 : i1 to i32
    %sign3A_12 = arith.constant 0 : i32
    %sign3A_13 = arith.cmpi slt, %jit3A, %sign3A_12 : i32
    %sign3A_14 = arith.extui %sign3A_13 : i1 to i32
    %sign3A_15 = arith.subi %sign3A_11, %sign3A_14 : i32
    %ne3A = arith.cmpi ne, %sign3A_8, %sign3A_15 : i32
    %rem3A = arith.remsi %add3A, %jit3A : i32
    %ne3A_16 = arith.constant 0 : i32
    %ne3A_17 = arith.cmpi ne, %rem3A, %ne3A_16 : i32
    %and3A = arith.andi %ne3A, %ne3A_17 : i1
    %sub3A = arith.constant 1 : i32
    %sub3A_18 = arith.subi %div3A, %sub3A : i32
    %select_n3A = arith.select %and3A, %sub3A_18, %div3A : i32
    %jit3A_19 = arith.constant 16 : i32
    %eq3A = arith.constant 0 : i32
    %eq3A_20 = arith.cmpi eq, %jit3A_19, %eq3A : i32
    %jit3A_21 = arith.constant 1 : i32
    %select_n3A_22 = arith.select %eq3A_20, %jit3A_21, %jit3A_19 : i32
    %rem3A_23 = arith.remsi %add3A, %select_n3A_22 : i32
    %ne3A_24 = arith.constant 0 : i32
    %ne3A_25 = arith.cmpi ne, %rem3A_23, %ne3A_24 : i32
    %lt3A = arith.constant 0 : i32
    %lt3A_26 = arith.cmpi slt, %rem3A_23, %lt3A : i32
    %lt3A_27 = arith.constant 0 : i32
    %lt3A_28 = arith.cmpi slt, %select_n3A_22, %lt3A_27 : i32
    %ne3A_29 = arith.xori %lt3A_26, %lt3A_28 : i1
    %and3A_30 = arith.andi %ne3A_29, %ne3A_25 : i1
    %add3A_31 = arith.addi %rem3A_23, %select_n3A_22 : i32
    %select_n3A_32 = arith.select %and3A_30, %add3A_31, %rem3A_23 : i32
    %mul3A_33 = arith.constant 512 : i32
    %mul3A_34 = arith.muli %select_n3A_32, %mul3A_33 : i32
    "tpu.region"() ({
      %run_scoped3A = tpu.sem_alloc : memref<!tpu.dma_semaphore, #tpu.memory_space<semaphore_mem>>
      %dma_start3A_127 = tpu.memref_slice %arg3[%select_n3A, %mul3A_34] : memref<2x8192xi32, #tpu.memory_space<hbm>> -> memref<1x512xi32, #tpu.memory_space<hbm>>
      %dma_start3A_128 = tpu.memref_squeeze %dma_start3A_127 : memref<1x512xi32, #tpu.memory_space<hbm>> -> memref<512xi32, #tpu.memory_space<hbm>>
      %dma_start3A_129 = tpu.memref_slice %arg3[%select_n3A, %mul3A_34] : memref<2x8192xi32, #tpu.memory_space<hbm>> -> memref<1x512xi32, #tpu.memory_space<hbm>>
      %dma_start3A_130 = tpu.memref_squeeze %dma_start3A_129 : memref<1x512xi32, #tpu.memory_space<hbm>> -> memref<512xi32, #tpu.memory_space<hbm>>
      tpu.enqueue_dma source(%dma_start3A_130 : memref<512xi32, #tpu.memory_space<hbm>>) target(%arg6 : memref<512xi32, #tpu.memory_space<vmem>>) target_semaphore(%run_scoped3A : memref<!tpu.dma_semaphore, #tpu.memory_space<semaphore_mem>>)
      %dma_wait3A_131 = tpu.memref_slice %arg3[%select_n3A, %mul3A_34] : memref<2x8192xi32, #tpu.memory_space<hbm>> -> memref<1x512xi32, #tpu.memory_space<hbm>>
      %dma_wait3A_132 = tpu.memref_squeeze %dma_wait3A_131 : memref<1x512xi32, #tpu.memory_space<hbm>> -> memref<512xi32, #tpu.memory_space<hbm>>
      %dma_wait3A_133 = tpu.memref_slice %arg3[%select_n3A, %mul3A_34] : memref<2x8192xi32, #tpu.memory_space<hbm>> -> memref<1x512xi32, #tpu.memory_space<hbm>>
      %dma_wait3A_134 = tpu.memref_squeeze %dma_wait3A_133 : memref<1x512xi32, #tpu.memory_space<hbm>> -> memref<512xi32, #tpu.memory_space<hbm>>
      tpu.wait_dma2 semaphore(%run_scoped3A : memref<!tpu.dma_semaphore, #tpu.memory_space<semaphore_mem>>) src(%dma_wait3A_134 : memref<512xi32, #tpu.memory_space<hbm>>) dst(%arg6 : memref<512xi32, #tpu.memory_space<vmem>>)
      tpu.yield
    }) : () -> ()
    %dma_start3A = arith.constant 0 : i32
    %dma_start3A_35 = arith.constant 0 : i32
    %dma_start3A_36 = arith.constant 0 : i32
    %dma_start3A_37 = tpu.memref_slice %arg7[%dma_start3A, %dma_start3A_35, %dma_start3A_36] : memref<2x16x1024xf32, #tpu.memory_space<vmem>> -> memref<1x16x1024xf32, #tpu.memory_space<vmem>>
    %dma_start3A_38 = tpu.memref_squeeze %dma_start3A_37 : memref<1x16x1024xf32, #tpu.memory_space<vmem>> -> memref<16x1024xf32, #tpu.memory_space<vmem>>
    %dma_start3A_39 = arith.constant 0 : i32
    %dma_start3A_40 = tpu.memref_slice %arg6[%dma_start3A_39] : memref<512xi32, #tpu.memory_space<vmem>> -> memref<16xi32, #tpu.memory_space<vmem>>
    %dma_start3A_41 = tpu.memref_reshape %arg4 : memref<8192x1x1024xf32, #tpu.memory_space<hbm>> -> memref<8192x1024xf32, #tpu.memory_space<hbm>>
    %dma_start3A_42 = arith.constant 0 : i32
    %dma_start3A_43 = arith.constant 0 : i32
    %dma_start3A_44 = tpu.memref_slice %dma_start3A_41[%dma_start3A_42, %dma_start3A_43] : memref<8192x1024xf32, #tpu.memory_space<hbm>> -> memref<8192x1024xf32, #tpu.memory_space<hbm>>
    tpu.enqueue_indirect_dma source(%dma_start3A_44 : memref<8192x1024xf32, #tpu.memory_space<hbm>>) target(%dma_start3A_38 : memref<16x1024xf32, #tpu.memory_space<vmem>>) offsets(%dma_start3A_40 : memref<16xi32, #tpu.memory_space<vmem>>) semaphore(%arg10 : memref<!tpu.dma_semaphore, #tpu.memory_space<semaphore_mem>>)
    %add3A_45 = arith.constant 0 : i32
    %add3A_46 = arith.addi %mul3A_2, %add3A_45 : i32
    %dma_start3A_47 = arith.constant 0 : i32
    %dma_start3A_48 = arith.constant 0 : i32
    %dma_start3A_49 = arith.constant 0 : i32
    %dma_start3A_50 = tpu.memref_slice %arg8[%dma_start3A_47, %dma_start3A_48, %dma_start3A_49] : memref<2x16x1024xf32, #tpu.memory_space<vmem>> -> memref<1x16x1024xf32, #tpu.memory_space<vmem>>
    %dma_start3A_51 = tpu.memref_squeeze %dma_start3A_50 : memref<1x16x1024xf32, #tpu.memory_space<vmem>> -> memref<16x1024xf32, #tpu.memory_space<vmem>>
    %dma_start3A_52 = tpu.memref_reshape %arg2 : memref<2x8192x1024xf32, #tpu.memory_space<hbm>> -> memref<16384x1024xf32, #tpu.memory_space<hbm>>
    %dma_start3A_53 = arith.constant 0 : i32
    %dma_start3A_54 = tpu.memref_slice %dma_start3A_52[%add3A_46, %dma_start3A_53] : memref<16384x1024xf32, #tpu.memory_space<hbm>> -> memref<16x1024xf32, #tpu.memory_space<hbm>>
    %dma_start3A_55 = arith.constant 0 : i32
    %dma_start3A_56 = arith.constant 0 : i32
    %dma_start3A_57 = tpu.memref_slice %arg8[%dma_start3A_47, %dma_start3A_55, %dma_start3A_56] : memref<2x16x1024xf32, #tpu.memory_space<vmem>> -> memref<1x16x1024xf32, #tpu.memory_space<vmem>>
    %dma_start3A_58 = tpu.memref_squeeze %dma_start3A_57 : memref<1x16x1024xf32, #tpu.memory_space<vmem>> -> memref<16x1024xf32, #tpu.memory_space<vmem>>
    %dma_start3A_59 = tpu.memref_reshape %arg2 : memref<2x8192x1024xf32, #tpu.memory_space<hbm>> -> memref<16384x1024xf32, #tpu.memory_space<hbm>>
    %dma_start3A_60 = arith.constant 0 : i32
    %dma_start3A_61 = tpu.memref_slice %dma_start3A_59[%add3A_46, %dma_start3A_60] : memref<16384x1024xf32, #tpu.memory_space<hbm>> -> memref<16x1024xf32, #tpu.memory_space<hbm>>
    tpu.enqueue_dma source(%dma_start3A_61 : memref<16x1024xf32, #tpu.memory_space<hbm>>) target(%dma_start3A_58 : memref<16x1024xf32, #tpu.memory_space<vmem>>) target_semaphore(%arg12 : memref<!tpu.dma_semaphore, #tpu.memory_space<semaphore_mem>>)
    %dma_start3A_62 = arith.constant 1 : i32
    %dma_start3A_63 = arith.constant 0 : i32
    %dma_start3A_64 = arith.constant 0 : i32
    %dma_start3A_65 = tpu.memref_slice %arg7[%dma_start3A_62, %dma_start3A_63, %dma_start3A_64] : memref<2x16x1024xf32, #tpu.memory_space<vmem>> -> memref<1x16x1024xf32, #tpu.memory_space<vmem>>
    %dma_start3A_66 = tpu.memref_squeeze %dma_start3A_65 : memref<1x16x1024xf32, #tpu.memory_space<vmem>> -> memref<16x1024xf32, #tpu.memory_space<vmem>>
    %dma_start3A_67 = arith.constant 16 : i32
    %dma_start3A_68 = tpu.memref_slice %arg6[%dma_start3A_67] : memref<512xi32, #tpu.memory_space<vmem>> -> memref<16xi32, #tpu.memory_space<vmem>>
    %dma_start3A_69 = tpu.memref_reshape %arg4 : memref<8192x1x1024xf32, #tpu.memory_space<hbm>> -> memref<8192x1024xf32, #tpu.memory_space<hbm>>
    %dma_start3A_70 = arith.constant 0 : i32
    %dma_start3A_71 = arith.constant 0 : i32
    %dma_start3A_72 = tpu.memref_slice %dma_start3A_69[%dma_start3A_70, %dma_start3A_71] : memref<8192x1024xf32, #tpu.memory_space<hbm>> -> memref<8192x1024xf32, #tpu.memory_space<hbm>>
    tpu.enqueue_indirect_dma source(%dma_start3A_72 : memref<8192x1024xf32, #tpu.memory_space<hbm>>) target(%dma_start3A_66 : memref<16x1024xf32, #tpu.memory_space<vmem>>) offsets(%dma_start3A_68 : memref<16xi32, #tpu.memory_space<vmem>>) semaphore(%arg11 : memref<!tpu.dma_semaphore, #tpu.memory_space<semaphore_mem>>)
    %add3A_73 = arith.constant 16 : i32
    %add3A_74 = arith.addi %mul3A_2, %add3A_73 : i32
    %dma_start3A_75 = arith.constant 1 : i32
    %dma_start3A_76 = arith.constant 0 : i32
    %dma_start3A_77 = arith.constant 0 : i32
    %dma_start3A_78 = tpu.memref_slice %arg8[%dma_start3A_75, %dma_start3A_76, %dma_start3A_77] : memref<2x16x1024xf32, #tpu.memory_space<vmem>> -> memref<1x16x1024xf32, #tpu.memory_space<vmem>>
    %dma_start3A_79 = tpu.memref_squeeze %dma_start3A_78 : memref<1x16x1024xf32, #tpu.memory_space<vmem>> -> memref<16x1024xf32, #tpu.memory_space<vmem>>
    %dma_start3A_80 = tpu.memref_reshape %arg2 : memref<2x8192x1024xf32, #tpu.memory_space<hbm>> -> memref<16384x1024xf32, #tpu.memory_space<hbm>>
    %dma_start3A_81 = arith.constant 0 : i32
    %dma_start3A_82 = tpu.memref_slice %dma_start3A_80[%add3A_74, %dma_start3A_81] : memref<16384x1024xf32, #tpu.memory_space<hbm>> -> memref<16x1024xf32, #tpu.memory_space<hbm>>
    %dma_start3A_83 = arith.constant 0 : i32
    %dma_start3A_84 = arith.constant 0 : i32
    %dma_start3A_85 = tpu.memref_slice %arg8[%dma_start3A_75, %dma_start3A_83, %dma_start3A_84] : memref<2x16x1024xf32, #tpu.memory_space<vmem>> -> memref<1x16x1024xf32, #tpu.memory_space<vmem>>
    %dma_start3A_86 = tpu.memref_squeeze %dma_start3A_85 : memref<1x16x1024xf32, #tpu.memory_space<vmem>> -> memref<16x1024xf32, #tpu.memory_space<vmem>>
    %dma_start3A_87 = tpu.memref_reshape %arg2 : memref<2x8192x1024xf32, #tpu.memory_space<hbm>> -> memref<16384x1024xf32, #tpu.memory_space<hbm>>
    %dma_start3A_88 = arith.constant 0 : i32
    %dma_start3A_89 = tpu.memref_slice %dma_start3A_87[%add3A_74, %dma_start3A_88] : memref<16384x1024xf32, #tpu.memory_space<hbm>> -> memref<16x1024xf32, #tpu.memory_space<hbm>>
    tpu.enqueue_dma source(%dma_start3A_89 : memref<16x1024xf32, #tpu.memory_space<hbm>>) target(%dma_start3A_86 : memref<16x1024xf32, #tpu.memory_space<vmem>>) target_semaphore(%arg13 : memref<!tpu.dma_semaphore, #tpu.memory_space<semaphore_mem>>)
    %scan3A = arith.constant 0 : i32
    %scan3A_90 = arith.constant 16 : i32
    %scan3A_91 = arith.addi %scan3A, %scan3A_90 : i32
    %scan3A_92 = arith.constant 1 : i32
    scf.for %scan3A_127 = %scan3A to %scan3A_91 step %scan3A_92  : i32 {
      %mul3A_128 = arith.constant 2 : i32
      %mul3A_129 = arith.muli %scan3A_127, %mul3A_128 : i32
      %add3A_130 = arith.constant 0 : i32
      %add3A_131 = arith.addi %add3A_130, %mul3A_129 : i32
      %add3A_132 = arith.constant 0 : i32
      %add3A_133 = arith.addi %add3A_131, %add3A_132 : i32
      %mul3A_134 = arith.constant 16 : i32
      %mul3A_135 = arith.muli %add3A_133, %mul3A_134 : i32
      %add3A_136 = arith.addi %mul3A_2, %mul3A_135 : i32
      %dma_wait3A_137 = arith.constant 0 : i32
      %dma_wait3A_138 = arith.constant 0 : i32
      %dma_wait3A_139 = arith.constant 0 : i32
      %dma_wait3A_140 = tpu.memref_slice %arg7[%dma_wait3A_137, %dma_wait3A_138, %dma_wait3A_139] : memref<2x16x1024xf32, #tpu.memory_space<vmem>> -> memref<1x16x1024xf32, #tpu.memory_space<vmem>>
      %dma_wait3A_141 = tpu.memref_squeeze %dma_wait3A_140 : memref<1x16x1024xf32, #tpu.memory_space<vmem>> -> memref<16x1024xf32, #tpu.memory_space<vmem>>
      %dma_wait3A_142 = tpu.memref_slice %arg6[%mul3A_135] : memref<512xi32, #tpu.memory_space<vmem>> -> memref<16xi32, #tpu.memory_space<vmem>>
      %dma_wait3A_143 = tpu.memref_reshape %arg4 : memref<8192x1x1024xf32, #tpu.memory_space<hbm>> -> memref<8192x1024xf32, #tpu.memory_space<hbm>>
      %dma_wait3A_144 = arith.constant 0 : i32
      %dma_wait3A_145 = arith.constant 0 : i32
      %dma_wait3A_146 = tpu.memref_slice %dma_wait3A_143[%dma_wait3A_144, %dma_wait3A_145] : memref<8192x1024xf32, #tpu.memory_space<hbm>> -> memref<8192x1024xf32, #tpu.memory_space<hbm>>
      tpu.wait_indirect_dma semaphore(%arg10 : memref<!tpu.dma_semaphore, #tpu.memory_space<semaphore_mem>>) src(%dma_wait3A_146 : memref<8192x1024xf32, #tpu.memory_space<hbm>>) dst(%dma_wait3A_141 : memref<16x1024xf32, #tpu.memory_space<vmem>>)
      %dma_wait3A_147 = arith.constant 0 : i32
      %dma_wait3A_148 = arith.constant 0 : i32
      %dma_wait3A_149 = arith.constant 0 : i32
      %dma_wait3A_150 = tpu.memref_slice %arg8[%dma_wait3A_147, %dma_wait3A_148, %dma_wait3A_149] : memref<2x16x1024xf32, #tpu.memory_space<vmem>> -> memref<1x16x1024xf32, #tpu.memory_space<vmem>>
      %dma_wait3A_151 = tpu.memref_squeeze %dma_wait3A_150 : memref<1x16x1024xf32, #tpu.memory_space<vmem>> -> memref<16x1024xf32, #tpu.memory_space<vmem>>
      %dma_wait3A_152 = tpu.memref_reshape %arg2 : memref<2x8192x1024xf32, #tpu.memory_space<hbm>> -> memref<16384x1024xf32, #tpu.memory_space<hbm>>
      %dma_wait3A_153 = arith.constant 0 : i32
      %dma_wait3A_154 = tpu.memref_slice %dma_wait3A_152[%add3A_136, %dma_wait3A_153] : memref<16384x1024xf32, #tpu.memory_space<hbm>> -> memref<16x1024xf32, #tpu.memory_space<hbm>>
      %dma_wait3A_155 = arith.constant 0 : i32
      %dma_wait3A_156 = arith.constant 0 : i32
      %dma_wait3A_157 = tpu.memref_slice %arg8[%dma_wait3A_147, %dma_wait3A_155, %dma_wait3A_156] : memref<2x16x1024xf32, #tpu.memory_space<vmem>> -> memref<1x16x1024xf32, #tpu.memory_space<vmem>>
      %dma_wait3A_158 = tpu.memref_squeeze %dma_wait3A_157 : memref<1x16x1024xf32, #tpu.memory_space<vmem>> -> memref<16x1024xf32, #tpu.memory_space<vmem>>
      %dma_wait3A_159 = tpu.memref_reshape %arg2 : memref<2x8192x1024xf32, #tpu.memory_space<hbm>> -> memref<16384x1024xf32, #tpu.memory_space<hbm>>
      %dma_wait3A_160 = arith.constant 0 : i32
      %dma_wait3A_161 = tpu.memref_slice %dma_wait3A_159[%add3A_136, %dma_wait3A_160] : memref<16384x1024xf32, #tpu.memory_space<hbm>> -> memref<16x1024xf32, #tpu.memory_space<hbm>>
      tpu.wait_dma2 semaphore(%arg12 : memref<!tpu.dma_semaphore, #tpu.memory_space<semaphore_mem>>) src(%dma_wait3A_161 : memref<16x1024xf32, #tpu.memory_space<hbm>>) dst(%dma_wait3A_158 : memref<16x1024xf32, #tpu.memory_space<vmem>>)
      %ge3A = arith.constant 2 : i32
      %ge3A_162 = arith.cmpi sge, %add3A_131, %ge3A : i32
      %convert_element_type3A = arith.extui %ge3A_162 : i1 to i32
      %cond3A = arith.constant 0 : i32
      %cond3A_163 = arith.cmpi ne, %convert_element_type3A, %cond3A : i32
      scf.if %cond3A_163 {
        %sub3A_259 = arith.constant 32 : i32
        %sub3A_260 = arith.subi %add3A_136, %sub3A_259 : i32
        %dma_wait3A_261 = arith.constant 0 : i32
        %dma_wait3A_262 = arith.constant 0 : i32
        %dma_wait3A_263 = arith.constant 0 : i32
        %dma_wait3A_264 = tpu.memref_slice %arg9[%dma_wait3A_261, %dma_wait3A_262, %dma_wait3A_263] : memref<2x16x1024xf32, #tpu.memory_space<vmem>> -> memref<1x16x1024xf32, #tpu.memory_space<vmem>>
        %dma_wait3A_265 = tpu.memref_squeeze %dma_wait3A_264 : memref<1x16x1024xf32, #tpu.memory_space<vmem>> -> memref<16x1024xf32, #tpu.memory_space<vmem>>
        %dma_wait3A_266 = tpu.memref_reshape %arg5 : memref<2x8192x1024xf32, #tpu.memory_space<hbm>> -> memref<16384x1024xf32, #tpu.memory_space<hbm>>
        %dma_wait3A_267 = arith.constant 0 : i32
        %dma_wait3A_268 = tpu.memref_slice %dma_wait3A_266[%sub3A_260, %dma_wait3A_267] : memref<16384x1024xf32, #tpu.memory_space<hbm>> -> memref<16x1024xf32, #tpu.memory_space<hbm>>
        %dma_wait3A_269 = tpu.memref_reshape %arg5 : memref<2x8192x1024xf32, #tpu.memory_space<hbm>> -> memref<16384x1024xf32, #tpu.memory_space<hbm>>
        %dma_wait3A_270 = arith.constant 0 : i32
        %dma_wait3A_271 = tpu.memref_slice %dma_wait3A_269[%sub3A_260, %dma_wait3A_270] : memref<16384x1024xf32, #tpu.memory_space<hbm>> -> memref<16x1024xf32, #tpu.memory_space<hbm>>
        %dma_wait3A_272 = arith.constant 0 : i32
        %dma_wait3A_273 = arith.constant 0 : i32
        %dma_wait3A_274 = tpu.memref_slice %arg9[%dma_wait3A_261, %dma_wait3A_272, %dma_wait3A_273] : memref<2x16x1024xf32, #tpu.memory_space<vmem>> -> memref<1x16x1024xf32, #tpu.memory_space<vmem>>
        %dma_wait3A_275 = tpu.memref_squeeze %dma_wait3A_274 : memref<1x16x1024xf32, #tpu.memory_space<vmem>> -> memref<16x1024xf32, #tpu.memory_space<vmem>>
        tpu.wait_dma2 semaphore(%arg14 : memref<!tpu.dma_semaphore, #tpu.memory_space<semaphore_mem>>) src(%dma_wait3A_275 : memref<16x1024xf32, #tpu.memory_space<vmem>>) dst(%dma_wait3A_271 : memref<16x1024xf32, #tpu.memory_space<hbm>>)
      } else {
      }
      %scan3A_164 = arith.constant 0 : i32
      %scan3A_165 = arith.constant 0 : i32
      %scan3A_166 = arith.constant 0 : i32
      %scan3A_167 = arith.constant 0 : i32
      %scan3A_168 = arith.constant 16 : i32
      %scan3A_169 = arith.addi %scan3A_167, %scan3A_168 : i32
      %scan3A_170 = arith.constant 1 : i32
      scf.for %scan3A_259 = %scan3A_167 to %scan3A_169 step %scan3A_170  : i32 {
        %mul3A_260 = arith.constant 1 : i32
        %mul3A_261 = arith.muli %scan3A_259, %mul3A_260 : i32
        %add3A_262 = arith.constant 0 : i32
        %add3A_263 = arith.addi %add3A_262, %mul3A_261 : i32
        %get3A = arith.constant 0 : i32
        %get3A_264 = arith.constant 0 : i32
        %get3A_265 = tpu.memref_slice %arg7[%scan3A_164, %get3A, %get3A_264] : memref<2x16x1024xf32, #tpu.memory_space<vmem>> -> memref<1x16x1024xf32, #tpu.memory_space<vmem>>
        %get3A_266 = tpu.memref_squeeze %get3A_265 : memref<1x16x1024xf32, #tpu.memory_space<vmem>> -> memref<16x1024xf32, #tpu.memory_space<vmem>>
        %get3A_267 = arith.index_cast %add3A_263 : i32 to index
        %get3A_268 = arith.constant 0 : index
        %get3A_269 = tpu.vector_load %get3A_266[%get3A_267, %get3A_268] {strides = array<i32>} : memref<16x1024xf32, #tpu.memory_space<vmem>>, vector<1x16xf32>,
        %get3A_270 = vector.shape_cast %get3A_269 : vector<1x16xf32> to vector<16xf32>
        %get3A_271 = arith.constant 0 : i32
        %get3A_272 = arith.constant 0 : i32
        %get3A_273 = tpu.memref_slice %arg8[%scan3A_165, %get3A_271, %get3A_272] : memref<2x16x1024xf32, #tpu.memory_space<vmem>> -> memref<1x16x1024xf32, #tpu.memory_space<vmem>>
        %get3A_274 = tpu.memref_squeeze %get3A_273 : memref<1x16x1024xf32, #tpu.memory_space<vmem>> -> memref<16x1024xf32, #tpu.memory_space<vmem>>
        %get3A_275 = arith.index_cast %add3A_263 : i32 to index
        %get3A_276 = arith.constant 0 : index
        %get3A_277 = tpu.vector_load %get3A_274[%get3A_275, %get3A_276] {strides = array<i32>} : memref<16x1024xf32, #tpu.memory_space<vmem>>, vector<1x16xf32>,
        %get3A_278 = vector.shape_cast %get3A_277 : vector<1x16xf32> to vector<16xf32>
        %add3A_279 = arith.addf %get3A_270, %get3A_278 : vector<16xf32>
        %swap3A = arith.constant 0 : i32
        %swap3A_280 = arith.constant 0 : i32
        %swap3A_281 = tpu.memref_slice %arg9[%scan3A_166, %swap3A, %swap3A_280] : memref<2x16x1024xf32, #tpu.memory_space<vmem>> -> memref<1x16x1024xf32, #tpu.memory_space<vmem>>
        %swap3A_282 = tpu.memref_squeeze %swap3A_281 : memref<1x16x1024xf32, #tpu.memory_space<vmem>> -> memref<16x1024xf32, #tpu.memory_space<vmem>>
        %swap3A_283 = arith.index_cast %add3A_263 : i32 to index
        %swap3A_284 = arith.constant 0 : index
        %swap3A_285 = tpu.vector_load %swap3A_282[%swap3A_283, %swap3A_284] {strides = array<i32>} : memref<16x1024xf32, #tpu.memory_space<vmem>>, vector<1x16xf32>,
        %swap3A_286 = vector.shape_cast %swap3A_285 : vector<1x16xf32> to vector<16xf32>
        %swap3A_287 = vector.shape_cast %add3A_279 : vector<16xf32> to vector<1x16xf32>
        tpu.vector_store %swap3A_282[%swap3A_283, %swap3A_284], %swap3A_287 {strides = array<i32>} : memref<16x1024xf32, #tpu.memory_space<vmem>>, vector<1x16xf32>,
        %get3A_288 = arith.constant 0 : i32
        %get3A_289 = arith.constant 0 : i32
        %get3A_290 = tpu.memref_slice %arg7[%scan3A_164, %get3A_288, %get3A_289] : memref<2x16x1024xf32, #tpu.memory_space<vmem>> -> memref<1x16x1024xf32, #tpu.memory_space<vmem>>
        %get3A_291 = tpu.memref_squeeze %get3A_290 : memref<1x16x1024xf32, #tpu.memory_space<vmem>> -> memref<16x1024xf32, #tpu.memory_space<vmem>>
        %get3A_292 = arith.index_cast %add3A_263 : i32 to index
        %get3A_293 = arith.constant 16 : index
        %get3A_294 = tpu.vector_load %get3A_291[%get3A_292, %get3A_293] {strides = array<i32>} : memref<16x1024xf32, #tpu.memory_space<vmem>>, vector<1x16xf32>,
        %get3A_295 = vector.shape_cast %get3A_294 : vector<1x16xf32> to vector<16xf32>
        %get3A_296 = arith.constant 0 : i32
        %get3A_297 = arith.constant 0 : i32
        %get3A_298 = tpu.memref_slice %arg8[%scan3A_165, %get3A_296, %get3A_297] : memref<2x16x1024xf32, #tpu.memory_space<vmem>> -> memref<1x16x1024xf32, #tpu.memory_space<vmem>>
        %get3A_299 = tpu.memref_squeeze %get3A_298 : memref<1x16x1024xf32, #tpu.memory_space<vmem>> -> memref<16x1024xf32, #tpu.memory_space<vmem>>
        %get3A_300 = arith.index_cast %add3A_263 : i32 to index
        %get3A_301 = arith.constant 16 : index
        %get3A_302 = tpu.vector_load %get3A_299[%get3A_300, %get3A_301] {strides = array<i32>} : memref<16x1024xf32, #tpu.memory_space<vmem>>, vector<1x16xf32>,
        %get3A_303 = vector.shape_cast %get3A_302 : vector<1x16xf32> to vector<16xf32>
        %add3A_304 = arith.addf %get3A_295, %get3A_303 : vector<16xf32>
        %swap3A_305 = arith.constant 0 : i32
        %swap3A_306 = arith.constant 0 : i32
        %swap3A_307 = tpu.memref_slice %arg9[%scan3A_166, %swap3A_305, %swap3A_306] : memref<2x16x1024xf32, #tpu.memory_space<vmem>> -> memref<1x16x1024xf32, #tpu.memory_space<vmem>>
        %swap3A_308 = tpu.memref_squeeze %swap3A_307 : memref<1x16x1024xf32, #tpu.memory_space<vmem>> -> memref<16x1024xf32, #tpu.memory_space<vmem>>
        %swap3A_309 = arith.index_cast %add3A_263 : i32 to index
        %swap3A_310 = arith.constant 16 : index
        %swap3A_311 = tpu.vector_load %swap3A_308[%swap3A_309, %swap3A_310] {strides = array<i32>} : memref<16x1024xf32, #tpu.memory_space<vmem>>, vector<1x16xf32>,
        %swap3A_312 = vector.shape_cast %swap3A_311 : vector<1x16xf32> to vector<16xf32>
        %swap3A_313 = vector.shape_cast %add3A_304 : vector<16xf32> to vector<1x16xf32>
        tpu.vector_store %swap3A_308[%swap3A_309, %swap3A_310], %swap3A_313 {strides = array<i32>} : memref<16x1024xf32, #tpu.memory_space<vmem>>, vector<1x16xf32>,
        %get3A_314 = arith.constant 0 : i32
        %get3A_315 = arith.constant 0 : i32
        %get3A_316 = tpu.memref_slice %arg7[%scan3A_164, %get3A_314, %get3A_315] : memref<2x16x1024xf32, #tpu.memory_space<vmem>> -> memref<1x16x1024xf32, #tpu.memory_space<vmem>>
        %get3A_317 = tpu.memref_squeeze %get3A_316 : memref<1x16x1024xf32, #tpu.memory_space<vmem>> -> memref<16x1024xf32, #tpu.memory_space<vmem>>
        %get3A_318 = arith.index_cast %add3A_263 : i32 to index
        %get3A_319 = arith.constant 32 : index
        %get3A_320 = tpu.vector_load %get3A_317[%get3A_318, %get3A_319] {strides = array<i32>} : memref<16x1024xf32, #tpu.memory_space<vmem>>, vector<1x16xf32>,
        %get3A_321 = vector.shape_cast %get3A_320 : vector<1x16xf32> to vector<16xf32>
        %get3A_322 = arith.constant 0 : i32
        %get3A_323 = arith.constant 0 : i32
        %get3A_324 = tpu.memref_slice %arg8[%scan3A_165, %get3A_322, %get3A_323] : memref<2x16x1024xf32, #tpu.memory_space<vmem>> -> memref<1x16x1024xf32, #tpu.memory_space<vmem>>
        %get3A_325 = tpu.memref_squeeze %get3A_324 : memref<1x16x1024xf32, #tpu.memory_space<vmem>> -> memref<16x1024xf32, #tpu.memory_space<vmem>>
        %get3A_326 = arith.index_cast %add3A_263 : i32 to index
        %get3A_327 = arith.constant 32 : index
        %get3A_328 = tpu.vector_load %get3A_325[%get3A_326, %get3A_327] {strides = array<i32>} : memref<16x1024xf32, #tpu.memory_space<vmem>>, vector<1x16xf32>,
        %get3A_329 = vector.shape_cast %get3A_328 : vector<1x16xf32> to vector<16xf32>
        %add3A_330 = arith.addf %get3A_321, %get3A_329 : vector<16xf32>
        %swap3A_331 = arith.constant 0 : i32
        %swap3A_332 = arith.constant 0 : i32
        %swap3A_333 = tpu.memref_slice %arg9[%scan3A_166, %swap3A_331, %swap3A_332] : memref<2x16x1024xf32, #tpu.memory_space<vmem>> -> memref<1x16x1024xf32, #tpu.memory_space<vmem>>
        %swap3A_334 = tpu.memref_squeeze %swap3A_333 : memref<1x16x1024xf32, #tpu.memory_space<vmem>> -> memref<16x1024xf32, #tpu.memory_space<vmem>>
        %swap3A_335 = arith.index_cast %add3A_263 : i32 to index
        %swap3A_336 = arith.constant 32 : index
        %swap3A_337 = tpu.vector_load %swap3A_334[%swap3A_335, %swap3A_336] {strides = array<i32>} : memref<16x1024xf32, #tpu.memory_space<vmem>>, vector<1x16xf32>,
        %swap3A_338 = vector.shape_cast %swap3A_337 : vector<1x16xf32> to vector<16xf32>
        %swap3A_339 = vector.shape_cast %add3A_330 : vector<16xf32> to vector<1x16xf32>
        tpu.vector_store %swap3A_334[%swap3A_335, %swap3A_336], %swap3A_339 {strides = array<i32>} : memref<16x1024xf32, #tpu.memory_space<vmem>>, vector<1x16xf32>,
        %get3A_340 = arith.constant 0 : i32
        %get3A_341 = arith.constant 0 : i32
        %get3A_342 = tpu.memref_slice %arg7[%scan3A_164, %get3A_340, %get3A_341] : memref<2x16x1024xf32, #tpu.memory_space<vmem>> -> memref<1x16x1024xf32, #tpu.memory_space<vmem>>
        %get3A_343 = tpu.memref_squeeze %get3A_342 : memref<1x16x1024xf32, #tpu.memory_space<vmem>> -> memref<16x1024xf32, #tpu.memory_space<vmem>>
        %get3A_344 = arith.index_cast %add3A_263 : i32 to index
        %get3A_345 = arith.constant 48 : index
        %get3A_346 = tpu.vector_load %get3A_343[%get3A_344, %get3A_345] {strides = array<i32>} : memref<16x1024xf32, #tpu.memory_space<vmem>>, vector<1x16xf32>,
        %get3A_347 = vector.shape_cast %get3A_346 : vector<1x16xf32> to vector<16xf32>
        %get3A_348 = arith.constant 0 : i32
        %get3A_349 = arith.constant 0 : i32
        %get3A_350 = tpu.memref_slice %arg8[%scan3A_165, %get3A_348, %get3A_349] : memref<2x16x1024xf32, #tpu.memory_space<vmem>> -> memref<1x16x1024xf32, #tpu.memory_space<vmem>>
        %get3A_351 = tpu.memref_squeeze %get3A_350 : memref<1x16x1024xf32, #tpu.memory_space<vmem>> -> memref<16x1024xf32, #tpu.memory_space<vmem>>
        %get3A_352 = arith.index_cast %add3A_263 : i32 to index
        %get3A_353 = arith.constant 48 : index
        %get3A_354 = tpu.vector_load %get3A_351[%get3A_352, %get3A_353] {strides = array<i32>} : memref<16x1024xf32, #tpu.memory_space<vmem>>, vector<1x16xf32>,
        %get3A_355 = vector.shape_cast %get3A_354 : vector<1x16xf32> to vector<16xf32>
        %add3A_356 = arith.addf %get3A_347, %get3A_355 : vector<16xf32>
        %swap3A_357 = arith.constant 0 : i32
        %swap3A_358 = arith.constant 0 : i32
        %swap3A_359 = tpu.memref_slice %arg9[%scan3A_166, %swap3A_357, %swap3A_358] : memref<2x16x1024xf32, #tpu.memory_space<vmem>> -> memref<1x16x1024xf32, #tpu.memory_space<vmem>>
        %swap3A_360 = tpu.memref_squeeze %swap3A_359 : memref<1x16x1024xf32, #tpu.memory_space<vmem>> -> memref<16x1024xf32, #tpu.memory_space<vmem>>
        %swap3A_361 = arith.index_cast %add3A_263 : i32 to index
        %swap3A_362 = arith.constant 48 : index
        %swap3A_363 = tpu.vector_load %swap3A_360[%swap3A_361, %swap3A_362] {strides = array<i32>} : memref<16x1024xf32, #tpu.memory_space<vmem>>, vector<1x16xf32>,
        %swap3A_364 = vector.shape_cast %swap3A_363 : vector<1x16xf32> to vector<16xf32>
        %swap3A_365 = vector.shape_cast %add3A_356 : vector<16xf32> to vector<1x16xf32>
        tpu.vector_store %swap3A_360[%swap3A_361, %swap3A_362], %swap3A_365 {strides = array<i32>} : memref<16x1024xf32, #tpu.memory_space<vmem>>, vector<1x16xf32>,
        %get3A_366 = arith.constant 0 : i32
        %get3A_367 = arith.constant 0 : i32
        %get3A_368 = tpu.memref_slice %arg7[%scan3A_164, %get3A_366, %get3A_367] : memref<2x16x1024xf32, #tpu.memory_space<vmem>> -> memref<1x16x1024xf32, #tpu.memory_space<vmem>>
        %get3A_369 = tpu.memref_squeeze %get3A_368 : memref<1x16x1024xf32, #tpu.memory_space<vmem>> -> memref<16x1024xf32, #tpu.memory_space<vmem>>
        %get3A_370 = arith.index_cast %add3A_263 : i32 to index
        %get3A_371 = arith.constant 64 : index
        %get3A_372 = tpu.vector_load %get3A_369[%get3A_370, %get3A_371] {strides = array<i32>} : memref<16x1024xf32, #tpu.memory_space<vmem>>, vector<1x16xf32>,
        %get3A_373 = vector.shape_cast %get3A_372 : vector<1x16xf32> to vector<16xf32>
        %get3A_374 = arith.constant 0 : i32
        %get3A_375 = arith.constant 0 : i32
        %get3A_376 = tpu.memref_slice %arg8[%scan3A_165, %get3A_374, %get3A_375] : memref<2x16x1024xf32, #tpu.memory_space<vmem>> -> memref<1x16x1024xf32, #tpu.memory_space<vmem>>
        %get3A_377 = tpu.memref_squeeze %get3A_376 : memref<1x16x1024xf32, #tpu.memory_space<vmem>> -> memref<16x1024xf32, #tpu.memory_space<vmem>>
        %get3A_378 = arith.index_cast %add3A_263 : i32 to index
        %get3A_379 = arith.constant 64 : index
        %get3A_380 = tpu.vector_load %get3A_377[%get3A_378, %get3A_379] {strides = array<i32>} : memref<16x1024xf32, #tpu.memory_space<vmem>>, vector<1x16xf32>,
        %get3A_381 = vector.shape_cast %get3A_380 : vector<1x16xf32> to vector<16xf32>
        %add3A_382 = arith.addf %get3A_373, %get3A_381 : vector<16xf32>
        %swap3A_383 = arith.constant 0 : i32
        %swap3A_384 = arith.constant 0 : i32
        %swap3A_385 = tpu.memref_slice %arg9[%scan3A_166, %swap3A_383, %swap3A_384] : memref<2x16x1024xf32, #tpu.memory_space<vmem>> -> memref<1x16x1024xf32, #tpu.memory_space<vmem>>
        %swap3A_386 = tpu.memref_squeeze %swap3A_385 : memref<1x16x1024xf32, #tpu.memory_space<vmem>> -> memref<16x1024xf32, #tpu.memory_space<vmem>>
        %swap3A_387 = arith.index_cast %add3A_263 : i32 to index
        %swap3A_388 = arith.constant 64 : index
        %swap3A_389 = tpu.vector_load %swap3A_386[%swap3A_387, %swap3A_388] {strides = array<i32>} : memref<16x1024xf32, #tpu.memory_space<vmem>>, vector<1x16xf32>,
        %swap3A_390 = vector.shape_cast %swap3A_389 : vector<1x16xf32> to vector<16xf32>
        %swap3A_391 = vector.shape_cast %add3A_382 : vector<16xf32> to vector<1x16xf32>
        tpu.vector_store %swap3A_386[%swap3A_387, %swap3A_388], %swap3A_391 {strides = array<i32>} : memref<16x1024xf32, #tpu.memory_space<vmem>>, vector<1x16xf32>,
        %get3A_392 = arith.constant 0 : i32
        %get3A_393 = arith.constant 0 : i32
        %get3A_394 = tpu.memref_slice %arg7[%scan3A_164, %get3A_392, %get3A_393] : memref<2x16x1024xf32, #tpu.memory_space<vmem>> -> memref<1x16x1024xf32, #tpu.memory_space<vmem>>
        %get3A_395 = tpu.memref_squeeze %get3A_394 : memref<1x16x1024xf32, #tpu.memory_space<vmem>> -> memref<16x1024xf32, #tpu.memory_space<vmem>>
        %get3A_396 = arith.index_cast %add3A_263 : i32 to index
        %get3A_397 = arith.constant 80 : index
        %get3A_398 = tpu.vector_load %get3A_395[%get3A_396, %get3A_397] {strides = array<i32>} : memref<16x1024xf32, #tpu.memory_space<vmem>>, vector<1x16xf32>,
        %get3A_399 = vector.shape_cast %get3A_398 : vector<1x16xf32> to vector<16xf32>
        %get3A_400 = arith.constant 0 : i32
        %get3A_401 = arith.constant 0 : i32
        %get3A_402 = tpu.memref_slice %arg8[%scan3A_165, %get3A_400, %get3A_401] : memref<2x16x1024xf32, #tpu.memory_space<vmem>> -> memref<1x16x1024xf32, #tpu.memory_space<vmem>>
        %get3A_403 = tpu.memref_squeeze %get3A_402 : memref<1x16x1024xf32, #tpu.memory_space<vmem>> -> memref<16x1024xf32, #tpu.memory_space<vmem>>
        %get3A_404 = arith.index_cast %add3A_263 : i32 to index
        %get3A_405 = arith.constant 80 : index
        %get3A_406 = tpu.vector_load %get3A_403[%get3A_404, %get3A_405] {strides = array<i32>} : memref<16x1024xf32, #tpu.memory_space<vmem>>, vector<1x16xf32>,
        %get3A_407 = vector.shape_cast %get3A_406 : vector<1x16xf32> to vector<16xf32>
        %add3A_408 = arith.addf %get3A_399, %get3A_407 : vector<16xf32>
        %swap3A_409 = arith.constant 0 : i32
        %swap3A_410 = arith.constant 0 : i32
        %swap3A_411 = tpu.memref_slice %arg9[%scan3A_166, %swap3A_409, %swap3A_410] : memref<2x16x1024xf32, #tpu.memory_space<vmem>> -> memref<1x16x1024xf32, #tpu.memory_space<vmem>>
        %swap3A_412 = tpu.memref_squeeze %swap3A_411 : memref<1x16x1024xf32, #tpu.memory_space<vmem>> -> memref<16x1024xf32, #tpu.memory_space<vmem>>
        %swap3A_413 = arith.index_cast %add3A_263 : i32 to index
        %swap3A_414 = arith.constant 80 : index
        %swap3A_415 = tpu.vector_load %swap3A_412[%swap3A_413, %swap3A_414] {strides = array<i32>} : memref<16x1024xf32, #tpu.memory_space<vmem>>, vector<1x16xf32>,
        %swap3A_416 = vector.shape_cast %swap3A_415 : vector<1x16xf32> to vector<16xf32>
        %swap3A_417 = vector.shape_cast %add3A_408 : vector<16xf32> to vector<1x16xf32>
        tpu.vector_store %swap3A_412[%swap3A_413, %swap3A_414], %swap3A_417 {strides = array<i32>} : memref<16x1024xf32, #tpu.memory_space<vmem>>, vector<1x16xf32>,
        %get3A_418 = arith.constant 0 : i32
        %get3A_419 = arith.constant 0 : i32
        %get3A_420 = tpu.memref_slice %arg7[%scan3A_164, %get3A_418, %get3A_419] : memref<2x16x1024xf32, #tpu.memory_space<vmem>> -> memref<1x16x1024xf32, #tpu.memory_space<vmem>>
        %get3A_421 = tpu.memref_squeeze %get3A_420 : memref<1x16x1024xf32, #tpu.memory_space<vmem>> -> memref<16x1024xf32, #tpu.memory_space<vmem>>
        %get3A_422 = arith.index_cast %add3A_263 : i32 to index
        %get3A_423 = arith.constant 96 : index
        %get3A_424 = tpu.vector_load %get3A_421[%get3A_422, %get3A_423] {strides = array<i32>} : memref<16x1024xf32, #tpu.memory_space<vmem>>, vector<1x16xf32>,
        %get3A_425 = vector.shape_cast %get3A_424 : vector<1x16xf32> to vector<16xf32>
        %get3A_426 = arith.constant 0 : i32
        %get3A_427 = arith.constant 0 : i32
        %get3A_428 = tpu.memref_slice %arg8[%scan3A_165, %get3A_426, %get3A_427] : memref<2x16x1024xf32, #tpu.memory_space<vmem>> -> memref<1x16x1024xf32, #tpu.memory_space<vmem>>
        %get3A_429 = tpu.memref_squeeze %get3A_428 : memref<1x16x1024xf32, #tpu.memory_space<vmem>> -> memref<16x1024xf32, #tpu.memory_space<vmem>>
        %get3A_430 = arith.index_cast %add3A_263 : i32 to index
        %get3A_431 = arith.constant 96 : index
        %get3A_432 = tpu.vector_load %get3A_429[%get3A_430, %get3A_431] {strides = array<i32>} : memref<16x1024xf32, #tpu.memory_space<vmem>>, vector<1x16xf32>,
        %get3A_433 = vector.shape_cast %get3A_432 : vector<1x16xf32> to vector<16xf32>
        %add3A_434 = arith.addf %get3A_425, %get3A_433 : vector<16xf32>
        %swap3A_435 = arith.constant 0 : i32
        %swap3A_436 = arith.constant 0 : i32
        %swap3A_437 = tpu.memref_slice %arg9[%scan3A_166, %swap3A_435, %swap3A_436] : memref<2x16x1024xf32, #tpu.memory_space<vmem>> -> memref<1x16x1024xf32, #tpu.memory_space<vmem>>
        %swap3A_438 = tpu.memref_squeeze %swap3A_437 : memref<1x16x1024xf32, #tpu.memory_space<vmem>> -> memref<16x1024xf32, #tpu.memory_space<vmem>>
        %swap3A_439 = arith.index_cast %add3A_263 : i32 to index
        %swap3A_440 = arith.constant 96 : index
        %swap3A_441 = tpu.vector_load %swap3A_438[%swap3A_439, %swap3A_440] {strides = array<i32>} : memref<16x1024xf32, #tpu.memory_space<vmem>>, vector<1x16xf32>,
        %swap3A_442 = vector.shape_cast %swap3A_441 : vector<1x16xf32> to vector<16xf32>
        %swap3A_443 = vector.shape_cast %add3A_434 : vector<16xf32> to vector<1x16xf32>
        tpu.vector_store %swap3A_438[%swap3A_439, %swap3A_440], %swap3A_443 {strides = array<i32>} : memref<16x1024xf32, #tpu.memory_space<vmem>>, vector<1x16xf32>,
        %get3A_444 = arith.constant 0 : i32
        %get3A_445 = arith.constant 0 : i32
        %get3A_446 = tpu.memref_slice %arg7[%scan3A_164, %get3A_444, %get3A_445] : memref<2x16x1024xf32, #tpu.memory_space<vmem>> -> memref<1x16x1024xf32, #tpu.memory_space<vmem>>
        %get3A_447 = tpu.memref_squeeze %get3A_446 : memref<1x16x1024xf32, #tpu.memory_space<vmem>> -> memref<16x1024xf32, #tpu.memory_space<vmem>>
        %get3A_448 = arith.index_cast %add3A_263 : i32 to index
        %get3A_449 = arith.constant 112 : index
        %get3A_450 = tpu.vector_load %get3A_447[%get3A_448, %get3A_449] {strides = array<i32>} : memref<16x1024xf32, #tpu.memory_space<vmem>>, vector<1x16xf32>,
        %get3A_451 = vector.shape_cast %get3A_450 : vector<1x16xf32> to vector<16xf32>
        %get3A_452 = arith.constant 0 : i32
        %get3A_453 = arith.constant 0 : i32
        %get3A_454 = tpu.memref_slice %arg8[%scan3A_165, %get3A_452, %get3A_453] : memref<2x16x1024xf32, #tpu.memory_space<vmem>> -> memref<1x16x1024xf32, #tpu.memory_space<vmem>>
        %get3A_455 = tpu.memref_squeeze %get3A_454 : memref<1x16x1024xf32, #tpu.memory_space<vmem>> -> memref<16x1024xf32, #tpu.memory_space<vmem>>
        %get3A_456 = arith.index_cast %add3A_263 : i32 to index
        %get3A_457 = arith.constant 112 : index
        %get3A_458 = tpu.vector_load %get3A_455[%get3A_456, %get3A_457] {strides = array<i32>} : memref<16x1024xf32, #tpu.memory_space<vmem>>, vector<1x16xf32>,
        %get3A_459 = vector.shape_cast %get3A_458 : vector<1x16xf32> to vector<16xf32>
        %add3A_460 = arith.addf %get3A_451, %get3A_459 : vector<16xf32>
        %swap3A_461 = arith.constant 0 : i32
        %swap3A_462 = arith.constant 0 : i32
        %swap3A_463 = tpu.memref_slice %arg9[%scan3A_166, %swap3A_461, %swap3A_462] : memref<2x16x1024xf32, #tpu.memory_space<vmem>> -> memref<1x16x1024xf32, #tpu.memory_space<vmem>>
        %swap3A_464 = tpu.memref_squeeze %swap3A_463 : memref<1x16x1024xf32, #tpu.memory_space<vmem>> -> memref<16x1024xf32, #tpu.memory_space<vmem>>
        %swap3A_465 = arith.index_cast %add3A_263 : i32 to index
        %swap3A_466 = arith.constant 112 : index
        %swap3A_467 = tpu.vector_load %swap3A_464[%swap3A_465, %swap3A_466] {strides = array<i32>} : memref<16x1024xf32, #tpu.memory_space<vmem>>, vector<1x16xf32>,
        %swap3A_468 = vector.shape_cast %swap3A_467 : vector<1x16xf32> to vector<16xf32>
        %swap3A_469 = vector.shape_cast %add3A_460 : vector<16xf32> to vector<1x16xf32>
        tpu.vector_store %swap3A_464[%swap3A_465, %swap3A_466], %swap3A_469 {strides = array<i32>} : memref<16x1024xf32, #tpu.memory_space<vmem>>, vector<1x16xf32>,
        %get3A_470 = arith.constant 0 : i32
        %get3A_471 = arith.constant 0 : i32
        %get3A_472 = tpu.memref_slice %arg7[%scan3A_164, %get3A_470, %get3A_471] : memref<2x16x1024xf32, #tpu.memory_space<vmem>> -> memref<1x16x1024xf32, #tpu.memory_space<vmem>>
        %get3A_473 = tpu.memref_squeeze %get3A_472 : memref<1x16x1024xf32, #tpu.memory_space<vmem>> -> memref<16x1024xf32, #tpu.memory_space<vmem>>
        %get3A_474 = arith.index_cast %add3A_263 : i32 to index
        %get3A_475 = arith.constant 128 : index
        %get3A_476 = tpu.vector_load %get3A_473[%get3A_474, %get3A_475] {strides = array<i32>} : memref<16x1024xf32, #tpu.memory_space<vmem>>, vector<1x16xf32>,
        %get3A_477 = vector.shape_cast %get3A_476 : vector<1x16xf32> to vector<16xf32>
        %get3A_478 = arith.constant 0 : i32
        %get3A_479 = arith.constant 0 : i32
        %get3A_480 = tpu.memref_slice %arg8[%scan3A_165, %get3A_478, %get3A_479] : memref<2x16x1024xf32, #tpu.memory_space<vmem>> -> memref<1x16x1024xf32, #tpu.memory_space<vmem>>
        %get3A_481 = tpu.memref_squeeze %get3A_480 : memref<1x16x1024xf32, #tpu.memory_space<vmem>> -> memref<16x1024xf32, #tpu.memory_space<vmem>>
        %get3A_482 = arith.index_cast %add3A_263 : i32 to index
        %get3A_483 = arith.constant 128 : index
        %get3A_484 = tpu.vector_load %get3A_481[%get3A_482, %get3A_483] {strides = array<i32>} : memref<16x1024xf32, #tpu.memory_space<vmem>>, vector<1x16xf32>,
        %get3A_485 = vector.shape_cast %get3A_484 : vector<1x16xf32> to vector<16xf32>
        %add3A_486 = arith.addf %get3A_477, %get3A_485 : vector<16xf32>
        %swap3A_487 = arith.constant 0 : i32
        %swap3A_488 = arith.constant 0 : i32
        %swap3A_489 = tpu.memref_slice %arg9[%scan3A_166, %swap3A_487, %swap3A_488] : memref<2x16x1024xf32, #tpu.memory_space<vmem>> -> memref<1x16x1024xf32, #tpu.memory_space<vmem>>
        %swap3A_490 = tpu.memref_squeeze %swap3A_489 : memref<1x16x1024xf32, #tpu.memory_space<vmem>> -> memref<16x1024xf32, #tpu.memory_space<vmem>>
        %swap3A_491 = arith.index_cast %add3A_263 : i32 to index
        %swap3A_492 = arith.constant 128 : index
        %swap3A_493 = tpu.vector_load %swap3A_490[%swap3A_491, %swap3A_492] {strides = array<i32>} : memref<16x1024xf32, #tpu.memory_space<vmem>>, vector<1x16xf32>,
        %swap3A_494 = vector.shape_cast %swap3A_493 : vector<1x16xf32> to vector<16xf32>
        %swap3A_495 = vector.shape_cast %add3A_486 : vector<16xf32> to vector<1x16xf32>
        tpu.vector_store %swap3A_490[%swap3A_491, %swap3A_492], %swap3A_495 {strides = array<i32>} : memref<16x1024xf32, #tpu.memory_space<vmem>>, vector<1x16xf32>,
        %get3A_496 = arith.constant 0 : i32
        %get3A_497 = arith.constant 0 : i32
        %get3A_498 = tpu.memref_slice %arg7[%scan3A_164, %get3A_496, %get3A_497] : memref<2x16x1024xf32, #tpu.memory_space<vmem>> -> memref<1x16x1024xf32, #tpu.memory_space<vmem>>
        %get3A_499 = tpu.memref_squeeze %get3A_498 : memref<1x16x1024xf32, #tpu.memory_space<vmem>> -> memref<16x1024xf32, #tpu.memory_space<vmem>>
        %get3A_500 = arith.index_cast %add3A_263 : i32 to index
        %get3A_501 = arith.constant 144 : index
        %get3A_502 = tpu.vector_load %get3A_499[%get3A_500, %get3A_501] {strides = array<i32>} : memref<16x1024xf32, #tpu.memory_space<vmem>>, vector<1x16xf32>,
        %get3A_503 = vector.shape_cast %get3A_502 : vector<1x16xf32> to vector<16xf32>
        %get3A_504 = arith.constant 0 : i32
        %get3A_505 = arith.constant 0 : i32
        %get3A_506 = tpu.memref_slice %arg8[%scan3A_165, %get3A_504, %get3A_505] : memref<2x16x1024xf32, #tpu.memory_space<vmem>> -> memref<1x16x1024xf32, #tpu.memory_space<vmem>>
        %get3A_507 = tpu.memref_squeeze %get3A_506 : memref<1x16x1024xf32, #tpu.memory_space<vmem>> -> memref<16x1024xf32, #tpu.memory_space<vmem>>
        %get3A_508 = arith.index_cast %add3A_263 : i32 to index
        %get3A_509 = arith.constant 144 : index
        %get3A_510 = tpu.vector_load %get3A_507[%get3A_508, %get3A_509] {strides = array<i32>} : memref<16x1024xf32, #tpu.memory_space<vmem>>, vector<1x16xf32>,
        %get3A_511 = vector.shape_cast %get3A_510 : vector<1x16xf32> to vector<16xf32>
        %add3A_512 = arith.addf %get3A_503, %get3A_511 : vector<16xf32>
        %swap3A_513 = arith.constant 0 : i32
        %swap3A_514 = arith.constant 0 : i32
        %swap3A_515 = tpu.memref_slice %arg9[%scan3A_166, %swap3A_513, %swap3A_514] : memref<2x16x1024xf32, #tpu.memory_space<vmem>> -> memref<1x16x1024xf32, #tpu.memory_space<vmem>>
        %swap3A_516 = tpu.memref_squeeze %swap3A_515 : memref<1x16x1024xf32, #tpu.memory_space<vmem>> -> memref<16x1024xf32, #tpu.memory_space<vmem>>
        %swap3A_517 = arith.index_cast %add3A_263 : i32 to index
        %swap3A_518 = arith.constant 144 : index
        %swap3A_519 = tpu.vector_load %swap3A_516[%swap3A_517, %swap3A_518] {strides = array<i32>} : memref<16x1024xf32, #tpu.memory_space<vmem>>, vector<1x16xf32>,
        %swap3A_520 = vector.shape_cast %swap3A_519 : vector<1x16xf32> to vector<16xf32>
        %swap3A_521 = vector.shape_cast %add3A_512 : vector<16xf32> to vector<1x16xf32>
        tpu.vector_store %swap3A_516[%swap3A_517, %swap3A_518], %swap3A_521 {strides = array<i32>} : memref<16x1024xf32, #tpu.memory_space<vmem>>, vector<1x16xf32>,
        %get3A_522 = arith.constant 0 : i32
        %get3A_523 = arith.constant 0 : i32
        %get3A_524 = tpu.memref_slice %arg7[%scan3A_164, %get3A_522, %get3A_523] : memref<2x16x1024xf32, #tpu.memory_space<vmem>> -> memref<1x16x1024xf32, #tpu.memory_space<vmem>>
        %get3A_525 = tpu.memref_squeeze %get3A_524 : memref<1x16x1024xf32, #tpu.memory_space<vmem>> -> memref<16x1024xf32, #tpu.memory_space<vmem>>
        %get3A_526 = arith.index_cast %add3A_263 : i32 to index
        %get3A_527 = arith.constant 160 : index
        %get3A_528 = tpu.vector_load %get3A_525[%get3A_526, %get3A_527] {strides = array<i32>} : memref<16x1024xf32, #tpu.memory_space<vmem>>, vector<1x16xf32>,
        %get3A_529 = vector.shape_cast %get3A_528 : vector<1x16xf32> to vector<16xf32>
        %get3A_530 = arith.constant 0 : i32
        %get3A_531 = arith.constant 0 : i32
        %get3A_532 = tpu.memref_slice %arg8[%scan3A_165, %get3A_530, %get3A_531] : memref<2x16x1024xf32, #tpu.memory_space<vmem>> -> memref<1x16x1024xf32, #tpu.memory_space<vmem>>
        %get3A_533 = tpu.memref_squeeze %get3A_532 : memref<1x16x1024xf32, #tpu.memory_space<vmem>> -> memref<16x1024xf32, #tpu.memory_space<vmem>>
        %get3A_534 = arith.index_cast %add3A_263 : i32 to index
        %get3A_535 = arith.constant 160 : index
        %get3A_536 = tpu.vector_load %get3A_533[%get3A_534, %get3A_535] {strides = array<i32>} : memref<16x1024xf32, #tpu.memory_space<vmem>>, vector<1x16xf32>,
        %get3A_537 = vector.shape_cast %get3A_536 : vector<1x16xf32> to vector<16xf32>
        %add3A_538 = arith.addf %get3A_529, %get3A_537 : vector<16xf32>
        %swap3A_539 = arith.constant 0 : i32
        %swap3A_540 = arith.constant 0 : i32
        %swap3A_541 = tpu.memref_slice %arg9[%scan3A_166, %swap3A_539, %swap3A_540] : memref<2x16x1024xf32, #tpu.memory_space<vmem>> -> memref<1x16x1024xf32, #tpu.memory_space<vmem>>
        %swap3A_542 = tpu.memref_squeeze %swap3A_541 : memref<1x16x1024xf32, #tpu.memory_space<vmem>> -> memref<16x1024xf32, #tpu.memory_space<vmem>>
        %swap3A_543 = arith.index_cast %add3A_263 : i32 to index
        %swap3A_544 = arith.constant 160 : index
        %swap3A_545 = tpu.vector_load %swap3A_542[%swap3A_543, %swap3A_544] {strides = array<i32>} : memref<16x1024xf32, #tpu.memory_space<vmem>>, vector<1x16xf32>,
        %swap3A_546 = vector.shape_cast %swap3A_545 : vector<1x16xf32> to vector<16xf32>
        %swap3A_547 = vector.shape_cast %add3A_538 : vector<16xf32> to vector<1x16xf32>
        tpu.vector_store %swap3A_542[%swap3A_543, %swap3A_544], %swap3A_547 {strides = array<i32>} : memref<16x1024xf32, #tpu.memory_space<vmem>>, vector<1x16xf32>,
        %get3A_548 = arith.constant 0 : i32
        %get3A_549 = arith.constant 0 : i32
        %get3A_550 = tpu.memref_slice %arg7[%scan3A_164, %get3A_548, %get3A_549] : memref<2x16x1024xf32, #tpu.memory_space<vmem>> -> memref<1x16x1024xf32, #tpu.memory_space<vmem>>
        %get3A_551 = tpu.memref_squeeze %get3A_550 : memref<1x16x1024xf32, #tpu.memory_space<vmem>> -> memref<16x1024xf32, #tpu.memory_space<vmem>>
        %get3A_552 = arith.index_cast %add3A_263 : i32 to index
        %get3A_553 = arith.constant 176 : index
        %get3A_554 = tpu.vector_load %get3A_551[%get3A_552, %get3A_553] {strides = array<i32>} : memref<16x1024xf32, #tpu.memory_space<vmem>>, vector<1x16xf32>,
        %get3A_555 = vector.shape_cast %get3A_554 : vector<1x16xf32> to vector<16xf32>
        %get3A_556 = arith.constant 0 : i32
        %get3A_557 = arith.constant 0 : i32
        %get3A_558 = tpu.memref_slice %arg8[%scan3A_165, %get3A_556, %get3A_557] : memref<2x16x1024xf32, #tpu.memory_space<vmem>> -> memref<1x16x1024xf32, #tpu.memory_space<vmem>>
        %get3A_559 = tpu.memref_squeeze %get3A_558 : memref<1x16x1024xf32, #tpu.memory_space<vmem>> -> memref<16x1024xf32, #tpu.memory_space<vmem>>
        %get3A_560 = arith.index_cast %add3A_263 : i32 to index
        %get3A_561 = arith.constant 176 : index
        %get3A_562 = tpu.vector_load %get3A_559[%get3A_560, %get3A_561] {strides = array<i32>} : memref<16x1024xf32, #tpu.memory_space<vmem>>, vector<1x16xf32>,
        %get3A_563 = vector.shape_cast %get3A_562 : vector<1x16xf32> to vector<16xf32>
        %add3A_564 = arith.addf %get3A_555, %get3A_563 : vector<16xf32>
        %swap3A_565 = arith.constant 0 : i32
        %swap3A_566 = arith.constant 0 : i32
        %swap3A_567 = tpu.memref_slice %arg9[%scan3A_166, %swap3A_565, %swap3A_566] : memref<2x16x1024xf32, #tpu.memory_space<vmem>> -> memref<1x16x1024xf32, #tpu.memory_space<vmem>>
        %swap3A_568 = tpu.memref_squeeze %swap3A_567 : memref<1x16x1024xf32, #tpu.memory_space<vmem>> -> memref<16x1024xf32, #tpu.memory_space<vmem>>
        %swap3A_569 = arith.index_cast %add3A_263 : i32 to index
        %swap3A_570 = arith.constant 176 : index
        %swap3A_571 = tpu.vector_load %swap3A_568[%swap3A_569, %swap3A_570] {strides = array<i32>} : memref<16x1024xf32, #tpu.memory_space<vmem>>, vector<1x16xf32>,
        %swap3A_572 = vector.shape_cast %swap3A_571 : vector<1x16xf32> to vector<16xf32>
        %swap3A_573 = vector.shape_cast %add3A_564 : vector<16xf32> to vector<1x16xf32>
        tpu.vector_store %swap3A_568[%swap3A_569, %swap3A_570], %swap3A_573 {strides = array<i32>} : memref<16x1024xf32, #tpu.memory_space<vmem>>, vector<1x16xf32>,
        %get3A_574 = arith.constant 0 : i32
        %get3A_575 = arith.constant 0 : i32
        %get3A_576 = tpu.memref_slice %arg7[%scan3A_164, %get3A_574, %get3A_575] : memref<2x16x1024xf32, #tpu.memory_space<vmem>> -> memref<1x16x1024xf32, #tpu.memory_space<vmem>>
        %get3A_577 = tpu.memref_squeeze %get3A_576 : memref<1x16x1024xf32, #tpu.memory_space<vmem>> -> memref<16x1024xf32, #tpu.memory_space<vmem>>
        %get3A_578 = arith.index_cast %add3A_263 : i32 to index
        %get3A_579 = arith.constant 192 : index
        %get3A_580 = tpu.vector_load %get3A_577[%get3A_578, %get3A_579] {strides = array<i32>} : memref<16x1024xf32, #tpu.memory_space<vmem>>, vector<1x16xf32>,
        %get3A_581 = vector.shape_cast %get3A_580 : vector<1x16xf32> to vector<16xf32>
        %get3A_582 = arith.constant 0 : i32
        %get3A_583 = arith.constant 0 : i32
        %get3A_584 = tpu.memref_slice %arg8[%scan3A_165, %get3A_582, %get3A_583] : memref<2x16x1024xf32, #tpu.memory_space<vmem>> -> memref<1x16x1024xf32, #tpu.memory_space<vmem>>
        %get3A_585 = tpu.memref_squeeze %get3A_584 : memref<1x16x1024xf32, #tpu.memory_space<vmem>> -> memref<16x1024xf32, #tpu.memory_space<vmem>>
        %get3A_586 = arith.index_cast %add3A_263 : i32 to index
        %get3A_587 = arith.constant 192 : index
        %get3A_588 = tpu.vector_load %get3A_585[%get3A_586, %get3A_587] {strides = array<i32>} : memref<16x1024xf32, #tpu.memory_space<vmem>>, vector<1x16xf32>,
        %get3A_589 = vector.shape_cast %get3A_588 : vector<1x16xf32> to vector<16xf32>
        %add3A_590 = arith.addf %get3A_581, %get3A_589 : vector<16xf32>
        %swap3A_591 = arith.constant 0 : i32
        %swap3A_592 = arith.constant 0 : i32
        %swap3A_593 = tpu.memref_slice %arg9[%scan3A_166, %swap3A_591, %swap3A_592] : memref<2x16x1024xf32, #tpu.memory_space<vmem>> -> memref<1x16x1024xf32, #tpu.memory_space<vmem>>
        %swap3A_594 = tpu.memref_squeeze %swap3A_593 : memref<1x16x1024xf32, #tpu.memory_space<vmem>> -> memref<16x1024xf32, #tpu.memory_space<vmem>>
        %swap3A_595 = arith.index_cast %add3A_263 : i32 to index
        %swap3A_596 = arith.constant 192 : index
        %swap3A_597 = tpu.vector_load %swap3A_594[%swap3A_595, %swap3A_596] {strides = array<i32>} : memref<16x1024xf32, #tpu.memory_space<vmem>>, vector<1x16xf32>,
        %swap3A_598 = vector.shape_cast %swap3A_597 : vector<1x16xf32> to vector<16xf32>
        %swap3A_599 = vector.shape_cast %add3A_590 : vector<16xf32> to vector<1x16xf32>
        tpu.vector_store %swap3A_594[%swap3A_595, %swap3A_596], %swap3A_599 {strides = array<i32>} : memref<16x1024xf32, #tpu.memory_space<vmem>>, vector<1x16xf32>,
        %get3A_600 = arith.constant 0 : i32
        %get3A_601 = arith.constant 0 : i32
        %get3A_602 = tpu.memref_slice %arg7[%scan3A_164, %get3A_600, %get3A_601] : memref<2x16x1024xf32, #tpu.memory_space<vmem>> -> memref<1x16x1024xf32, #tpu.memory_space<vmem>>
        %get3A_603 = tpu.memref_squeeze %get3A_602 : memref<1x16x1024xf32, #tpu.memory_space<vmem>> -> memref<16x1024xf32, #tpu.memory_space<vmem>>
        %get3A_604 = arith.index_cast %add3A_263 : i32 to index
        %get3A_605 = arith.constant 208 : index
        %get3A_606 = tpu.vector_load %get3A_603[%get3A_604, %get3A_605] {strides = array<i32>} : memref<16x1024xf32, #tpu.memory_space<vmem>>, vector<1x16xf32>,
        %get3A_607 = vector.shape_cast %get3A_606 : vector<1x16xf32> to vector<16xf32>
        %get3A_608 = arith.constant 0 : i32
        %get3A_609 = arith.constant 0 : i32
        %get3A_610 = tpu.memref_slice %arg8[%scan3A_165, %get3A_608, %get3A_609] : memref<2x16x1024xf32, #tpu.memory_space<vmem>> -> memref<1x16x1024xf32, #tpu.memory_space<vmem>>
        %get3A_611 = tpu.memref_squeeze %get3A_610 : memref<1x16x1024xf32, #tpu.memory_space<vmem>> -> memref<16x1024xf32, #tpu.memory_space<vmem>>
        %get3A_612 = arith.index_cast %add3A_263 : i32 to index
        %get3A_613 = arith.constant 208 : index
        %get3A_614 = tpu.vector_load %get3A_611[%get3A_612, %get3A_613] {strides = array<i32>} : memref<16x1024xf32, #tpu.memory_space<vmem>>, vector<1x16xf32>,
        %get3A_615 = vector.shape_cast %get3A_614 : vector<1x16xf32> to vector<16xf32>
        %add3A_616 = arith.addf %get3A_607, %get3A_615 : vector<16xf32>
        %swap3A_617 = arith.constant 0 : i32
        %swap3A_618 = arith.constant 0 : i32
        %swap3A_619 = tpu.memref_slice %arg9[%scan3A_166, %swap3A_617, %swap3A_618] : memref<2x16x1024xf32, #tpu.memory_space<vmem>> -> memref<1x16x1024xf32, #tpu.memory_space<vmem>>
        %swap3A_620 = tpu.memref_squeeze %swap3A_619 : memref<1x16x1024xf32, #tpu.memory_space<vmem>> -> memref<16x1024xf32, #tpu.memory_space<vmem>>
        %swap3A_621 = arith.index_cast %add3A_263 : i32 to index
        %swap3A_622 = arith.constant 208 : index
        %swap3A_623 = tpu.vector_load %swap3A_620[%swap3A_621, %swap3A_622] {strides = array<i32>} : memref<16x1024xf32, #tpu.memory_space<vmem>>, vector<1x16xf32>,
        %swap3A_624 = vector.shape_cast %swap3A_623 : vector<1x16xf32> to vector<16xf32>
        %swap3A_625 = vector.shape_cast %add3A_616 : vector<16xf32> to vector<1x16xf32>
        tpu.vector_store %swap3A_620[%swap3A_621, %swap3A_622], %swap3A_625 {strides = array<i32>} : memref<16x1024xf32, #tpu.memory_space<vmem>>, vector<1x16xf32>,
        %get3A_626 = arith.constant 0 : i32
        %get3A_627 = arith.constant 0 : i32
        %get3A_628 = tpu.memref_slice %arg7[%scan3A_164, %get3A_626, %get3A_627] : memref<2x16x1024xf32, #tpu.memory_space<vmem>> -> memref<1x16x1024xf32, #tpu.memory_space<vmem>>
        %get3A_629 = tpu.memref_squeeze %get3A_628 : memref<1x16x1024xf32, #tpu.memory_space<vmem>> -> memref<16x1024xf32, #tpu.memory_space<vmem>>
        %get3A_630 = arith.index_cast %add3A_263 : i32 to index
        %get3A_631 = arith.constant 224 : index
        %get3A_632 = tpu.vector_load %get3A_629[%get3A_630, %get3A_631] {strides = array<i32>} : memref<16x1024xf32, #tpu.memory_space<vmem>>, vector<1x16xf32>,
        %get3A_633 = vector.shape_cast %get3A_632 : vector<1x16xf32> to vector<16xf32>
        %get3A_634 = arith.constant 0 : i32
        %get3A_635 = arith.constant 0 : i32
        %get3A_636 = tpu.memref_slice %arg8[%scan3A_165, %get3A_634, %get3A_635] : memref<2x16x1024xf32, #tpu.memory_space<vmem>> -> memref<1x16x1024xf32, #tpu.memory_space<vmem>>
        %get3A_637 = tpu.memref_squeeze %get3A_636 : memref<1x16x1024xf32, #tpu.memory_space<vmem>> -> memref<16x1024xf32, #tpu.memory_space<vmem>>
        %get3A_638 = arith.index_cast %add3A_263 : i32 to index
        %get3A_639 = arith.constant 224 : index
        %get3A_640 = tpu.vector_load %get3A_637[%get3A_638, %get3A_639] {strides = array<i32>} : memref<16x1024xf32, #tpu.memory_space<vmem>>, vector<1x16xf32>,
        %get3A_641 = vector.shape_cast %get3A_640 : vector<1x16xf32> to vector<16xf32>
        %add3A_642 = arith.addf %get3A_633, %get3A_641 : vector<16xf32>
        %swap3A_643 = arith.constant 0 : i32
        %swap3A_644 = arith.constant 0 : i32
        %swap3A_645 = tpu.memref_slice %arg9[%scan3A_166, %swap3A_643, %swap3A_644] : memref<2x16x1024xf32, #tpu.memory_space<vmem>> -> memref<1x16x1024xf32, #tpu.memory_space<vmem>>
        %swap3A_646 = tpu.memref_squeeze %swap3A_645 : memref<1x16x1024xf32, #tpu.memory_space<vmem>> -> memref<16x1024xf32, #tpu.memory_space<vmem>>
        %swap3A_647 = arith.index_cast %add3A_263 : i32 to index
        %swap3A_648 = arith.constant 224 : index
        %swap3A_649 = tpu.vector_load %swap3A_646[%swap3A_647, %swap3A_648] {strides = array<i32>} : memref<16x1024xf32, #tpu.memory_space<vmem>>, vector<1x16xf32>,
        %swap3A_650 = vector.shape_cast %swap3A_649 : vector<1x16xf32> to vector<16xf32>
        %swap3A_651 = vector.shape_cast %add3A_642 : vector<16xf32> to vector<1x16xf32>
        tpu.vector_store %swap3A_646[%swap3A_647, %swap3A_648], %swap3A_651 {strides = array<i32>} : memref<16x1024xf32, #tpu.memory_space<vmem>>, vector<1x16xf32>,
        %get3A_652 = arith.constant 0 : i32
        %get3A_653 = arith.constant 0 : i32
        %get3A_654 = tpu.memref_slice %arg7[%scan3A_164, %get3A_652, %get3A_653] : memref<2x16x1024xf32, #tpu.memory_space<vmem>> -> memref<1x16x1024xf32, #tpu.memory_space<vmem>>
        %get3A_655 = tpu.memref_squeeze %get3A_654 : memref<1x16x1024xf32, #tpu.memory_space<vmem>> -> memref<16x1024xf32, #tpu.memory_space<vmem>>
        %get3A_656 = arith.index_cast %add3A_263 : i32 to index
        %get3A_657 = arith.constant 240 : index
        %get3A_658 = tpu.vector_load %get3A_655[%get3A_656, %get3A_657] {strides = array<i32>} : memref<16x1024xf32, #tpu.memory_space<vmem>>, vector<1x16xf32>,
        %get3A_659 = vector.shape_cast %get3A_658 : vector<1x16xf32> to vector<16xf32>
        %get3A_660 = arith.constant 0 : i32
        %get3A_661 = arith.constant 0 : i32
        %get3A_662 = tpu.memref_slice %arg8[%scan3A_165, %get3A_660, %get3A_661] : memref<2x16x1024xf32, #tpu.memory_space<vmem>> -> memref<1x16x1024xf32, #tpu.memory_space<vmem>>
        %get3A_663 = tpu.memref_squeeze %get3A_662 : memref<1x16x1024xf32, #tpu.memory_space<vmem>> -> memref<16x1024xf32, #tpu.memory_space<vmem>>
        %get3A_664 = arith.index_cast %add3A_263 : i32 to index
        %get3A_665 = arith.constant 240 : index
        %get3A_666 = tpu.vector_load %get3A_663[%get3A_664, %get3A_665] {strides = array<i32>} : memref<16x1024xf32, #tpu.memory_space<vmem>>, vector<1x16xf32>,
        %get3A_667 = vector.shape_cast %get3A_666 : vector<1x16xf32> to vector<16xf32>
        %add3A_668 = arith.addf %get3A_659, %get3A_667 : vector<16xf32>
        %swap3A_669 = arith.constant 0 : i32
        %swap3A_670 = arith.constant 0 : i32
        %swap3A_671 = tpu.memref_slice %arg9[%scan3A_166, %swap3A_669, %swap3A_670] : memref<2x16x1024xf32, #tpu.memory_space<vmem>> -> memref<1x16x1024xf32, #tpu.memory_space<vmem>>
        %swap3A_672 = tpu.memref_squeeze %swap3A_671 : memref<1x16x1024xf32, #tpu.memory_space<vmem>> -> memref<16x1024xf32, #tpu.memory_space<vmem>>
        %swap3A_673 = arith.index_cast %add3A_263 : i32 to index
        %swap3A_674 = arith.constant 240 : index
        %swap3A_675 = tpu.vector_load %swap3A_672[%swap3A_673, %swap3A_674] {strides = array<i32>} : memref<16x1024xf32, #tpu.memory_space<vmem>>, vector<1x16xf32>,
        %swap3A_676 = vector.shape_cast %swap3A_675 : vector<1x16xf32> to vector<16xf32>
        %swap3A_677 = vector.shape_cast %add3A_668 : vector<16xf32> to vector<1x16xf32>
        tpu.vector_store %swap3A_672[%swap3A_673, %swap3A_674], %swap3A_677 {strides = array<i32>} : memref<16x1024xf32, #tpu.memory_space<vmem>>, vector<1x16xf32>,
        %get3A_678 = arith.constant 0 : i32
        %get3A_679 = arith.constant 0 : i32
        %get3A_680 = tpu.memref_slice %arg7[%scan3A_164, %get3A_678, %get3A_679] : memref<2x16x1024xf32, #tpu.memory_space<vmem>> -> memref<1x16x1024xf32, #tpu.memory_space<vmem>>
        %get3A_681 = tpu.memref_squeeze %get3A_680 : memref<1x16x1024xf32, #tpu.memory_space<vmem>> -> memref<16x1024xf32, #tpu.memory_space<vmem>>
        %get3A_682 = arith.index_cast %add3A_263 : i32 to index
        %get3A_683 = arith.constant 256 : index
        %get3A_684 = tpu.vector_load %get3A_681[%get3A_682, %get3A_683] {strides = array<i32>} : memref<16x1024xf32, #tpu.memory_space<vmem>>, vector<1x16xf32>,
        %get3A_685 = vector.shape_cast %get3A_684 : vector<1x16xf32> to vector<16xf32>
        %get3A_686 = arith.constant 0 : i32
        %get3A_687 = arith.constant 0 : i32
        %get3A_688 = tpu.memref_slice %arg8[%scan3A_165, %get3A_686, %get3A_687] : memref<2x16x1024xf32, #tpu.memory_space<vmem>> -> memref<1x16x1024xf32, #tpu.memory_space<vmem>>
        %get3A_689 = tpu.memref_squeeze %get3A_688 : memref<1x16x1024xf32, #tpu.memory_space<vmem>> -> memref<16x1024xf32, #tpu.memory_space<vmem>>
        %get3A_690 = arith.index_cast %add3A_263 : i32 to index
        %get3A_691 = arith.constant 256 : index
        %get3A_692 = tpu.vector_load %get3A_689[%get3A_690, %get3A_691] {strides = array<i32>} : memref<16x1024xf32, #tpu.memory_space<vmem>>, vector<1x16xf32>,
        %get3A_693 = vector.shape_cast %get3A_692 : vector<1x16xf32> to vector<16xf32>
        %add3A_694 = arith.addf %get3A_685, %get3A_693 : vector<16xf32>
        %swap3A_695 = arith.constant 0 : i32
        %swap3A_696 = arith.constant 0 : i32
        %swap3A_697 = tpu.memref_slice %arg9[%scan3A_166, %swap3A_695, %swap3A_696] : memref<2x16x1024xf32, #tpu.memory_space<vmem>> -> memref<1x16x1024xf32, #tpu.memory_space<vmem>>
        %swap3A_698 = tpu.memref_squeeze %swap3A_697 : memref<1x16x1024xf32, #tpu.memory_space<vmem>> -> memref<16x1024xf32, #tpu.memory_space<vmem>>
        %swap3A_699 = arith.index_cast %add3A_263 : i32 to index
        %swap3A_700 = arith.constant 256 : index
        %swap3A_701 = tpu.vector_load %swap3A_698[%swap3A_699, %swap3A_700] {strides = array<i32>} : memref<16x1024xf32, #tpu.memory_space<vmem>>, vector<1x16xf32>,
        %swap3A_702 = vector.shape_cast %swap3A_701 : vector<1x16xf32> to vector<16xf32>
        %swap3A_703 = vector.shape_cast %add3A_694 : vector<16xf32> to vector<1x16xf32>
        tpu.vector_store %swap3A_698[%swap3A_699, %swap3A_700], %swap3A_703 {strides = array<i32>} : memref<16x1024xf32, #tpu.memory_space<vmem>>, vector<1x16xf32>,
        %get3A_704 = arith.constant 0 : i32
        %get3A_705 = arith.constant 0 : i32
        %get3A_706 = tpu.memref_slice %arg7[%scan3A_164, %get3A_704, %get3A_705] : memref<2x16x1024xf32, #tpu.memory_space<vmem>> -> memref<1x16x1024xf32, #tpu.memory_space<vmem>>
        %get3A_707 = tpu.memref_squeeze %get3A_706 : memref<1x16x1024xf32, #tpu.memory_space<vmem>> -> memref<16x1024xf32, #tpu.memory_space<vmem>>
        %get3A_708 = arith.index_cast %add3A_263 : i32 to index
        %get3A_709 = arith.constant 272 : index
        %get3A_710 = tpu.vector_load %get3A_707[%get3A_708, %get3A_709] {strides = array<i32>} : memref<16x1024xf32, #tpu.memory_space<vmem>>, vector<1x16xf32>,
        %get3A_711 = vector.shape_cast %get3A_710 : vector<1x16xf32> to vector<16xf32>
        %get3A_712 = arith.constant 0 : i32
        %get3A_713 = arith.constant 0 : i32
        %get3A_714 = tpu.memref_slice %arg8[%scan3A_165, %get3A_712, %get3A_713] : memref<2x16x1024xf32, #tpu.memory_space<vmem>> -> memref<1x16x1024xf32, #tpu.memory_space<vmem>>
        %get3A_715 = tpu.memref_squeeze %get3A_714 : memref<1x16x1024xf32, #tpu.memory_space<vmem>> -> memref<16x1024xf32, #tpu.memory_space<vmem>>
        %get3A_716 = arith.index_cast %add3A_263 : i32 to index
        %get3A_717 = arith.constant 272 : index
        %get3A_718 = tpu.vector_load %get3A_715[%get3A_716, %get3A_717] {strides = array<i32>} : memref<16x1024xf32, #tpu.memory_space<vmem>>, vector<1x16xf32>,
        %get3A_719 = vector.shape_cast %get3A_718 : vector<1x16xf32> to vector<16xf32>
        %add3A_720 = arith.addf %get3A_711, %get3A_719 : vector<16xf32>
        %swap3A_721 = arith.constant 0 : i32
        %swap3A_722 = arith.constant 0 : i32
        %swap3A_723 = tpu.memref_slice %arg9[%scan3A_166, %swap3A_721, %swap3A_722] : memref<2x16x1024xf32, #tpu.memory_space<vmem>> -> memref<1x16x1024xf32, #tpu.memory_space<vmem>>
        %swap3A_724 = tpu.memref_squeeze %swap3A_723 : memref<1x16x1024xf32, #tpu.memory_space<vmem>> -> memref<16x1024xf32, #tpu.memory_space<vmem>>
        %swap3A_725 = arith.index_cast %add3A_263 : i32 to index
        %swap3A_726 = arith.constant 272 : index
        %swap3A_727 = tpu.vector_load %swap3A_724[%swap3A_725, %swap3A_726] {strides = array<i32>} : memref<16x1024xf32, #tpu.memory_space<vmem>>, vector<1x16xf32>,
        %swap3A_728 = vector.shape_cast %swap3A_727 : vector<1x16xf32> to vector<16xf32>
        %swap3A_729 = vector.shape_cast %add3A_720 : vector<16xf32> to vector<1x16xf32>
        tpu.vector_store %swap3A_724[%swap3A_725, %swap3A_726], %swap3A_729 {strides = array<i32>} : memref<16x1024xf32, #tpu.memory_space<vmem>>, vector<1x16xf32>,
        %get3A_730 = arith.constant 0 : i32
        %get3A_731 = arith.constant 0 : i32
        %get3A_732 = tpu.memref_slice %arg7[%scan3A_164, %get3A_730, %get3A_731] : memref<2x16x1024xf32, #tpu.memory_space<vmem>> -> memref<1x16x1024xf32, #tpu.memory_space<vmem>>
        %get3A_733 = tpu.memref_squeeze %get3A_732 : memref<1x16x1024xf32, #tpu.memory_space<vmem>> -> memref<16x1024xf32, #tpu.memory_space<vmem>>
        %get3A_734 = arith.index_cast %add3A_263 : i32 to index
        %get3A_735 = arith.constant 288 : index
        %get3A_736 = tpu.vector_load %get3A_733[%get3A_734, %get3A_735] {strides = array<i32>} : memref<16x1024xf32, #tpu.memory_space<vmem>>, vector<1x16xf32>,
        %get3A_737 = vector.shape_cast %get3A_736 : vector<1x16xf32> to vector<16xf32>
        %get3A_738 = arith.constant 0 : i32
        %get3A_739 = arith.constant 0 : i32
        %get3A_740 = tpu.memref_slice %arg8[%scan3A_165, %get3A_738, %get3A_739] : memref<2x16x1024xf32, #tpu.memory_space<vmem>> -> memref<1x16x1024xf32, #tpu.memory_space<vmem>>
        %get3A_741 = tpu.memref_squeeze %get3A_740 : memref<1x16x1024xf32, #tpu.memory_space<vmem>> -> memref<16x1024xf32, #tpu.memory_space<vmem>>
        %get3A_742 = arith.index_cast %add3A_263 : i32 to index
        %get3A_743 = arith.constant 288 : index
        %get3A_744 = tpu.vector_load %get3A_741[%get3A_742, %get3A_743] {strides = array<i32>} : memref<16x1024xf32, #tpu.memory_space<vmem>>, vector<1x16xf32>,
        %get3A_745 = vector.shape_cast %get3A_744 : vector<1x16xf32> to vector<16xf32>
        %add3A_746 = arith.addf %get3A_737, %get3A_745 : vector<16xf32>
        %swap3A_747 = arith.constant 0 : i32
        %swap3A_748 = arith.constant 0 : i32
        %swap3A_749 = tpu.memref_slice %arg9[%scan3A_166, %swap3A_747, %swap3A_748] : memref<2x16x1024xf32, #tpu.memory_space<vmem>> -> memref<1x16x1024xf32, #tpu.memory_space<vmem>>
        %swap3A_750 = tpu.memref_squeeze %swap3A_749 : memref<1x16x1024xf32, #tpu.memory_space<vmem>> -> memref<16x1024xf32, #tpu.memory_space<vmem>>
        %swap3A_751 = arith.index_cast %add3A_263 : i32 to index
        %swap3A_752 = arith.constant 288 : index
        %swap3A_753 = tpu.vector_load %swap3A_750[%swap3A_751, %swap3A_752] {strides = array<i32>} : memref<16x1024xf32, #tpu.memory_space<vmem>>, vector<1x16xf32>,
        %swap3A_754 = vector.shape_cast %swap3A_753 : vector<1x16xf32> to vector<16xf32>
        %swap3A_755 = vector.shape_cast %add3A_746 : vector<16xf32> to vector<1x16xf32>
        tpu.vector_store %swap3A_750[%swap3A_751, %swap3A_752], %swap3A_755 {strides = array<i32>} : memref<16x1024xf32, #tpu.memory_space<vmem>>, vector<1x16xf32>,
        %get3A_756 = arith.constant 0 : i32
        %get3A_757 = arith.constant 0 : i32
        %get3A_758 = tpu.memref_slice %arg7[%scan3A_164, %get3A_756, %get3A_757] : memref<2x16x1024xf32, #tpu.memory_space<vmem>> -> memref<1x16x1024xf32, #tpu.memory_space<vmem>>
        %get3A_759 = tpu.memref_squeeze %get3A_758 : memref<1x16x1024xf32, #tpu.memory_space<vmem>> -> memref<16x1024xf32, #tpu.memory_space<vmem>>
        %get3A_760 = arith.index_cast %add3A_263 : i32 to index
        %get3A_761 = arith.constant 304 : index
        %get3A_762 = tpu.vector_load %get3A_759[%get3A_760, %get3A_761] {strides = array<i32>} : memref<16x1024xf32, #tpu.memory_space<vmem>>, vector<1x16xf32>,
        %get3A_763 = vector.shape_cast %get3A_762 : vector<1x16xf32> to vector<16xf32>
        %get3A_764 = arith.constant 0 : i32
        %get3A_765 = arith.constant 0 : i32
        %get3A_766 = tpu.memref_slice %arg8[%scan3A_165, %get3A_764, %get3A_765] : memref<2x16x1024xf32, #tpu.memory_space<vmem>> -> memref<1x16x1024xf32, #tpu.memory_space<vmem>>
        %get3A_767 = tpu.memref_squeeze %get3A_766 : memref<1x16x1024xf32, #tpu.memory_space<vmem>> -> memref<16x1024xf32, #tpu.memory_space<vmem>>
        %get3A_768 = arith.index_cast %add3A_263 : i32 to index
        %get3A_769 = arith.constant 304 : index
        %get3A_770 = tpu.vector_load %get3A_767[%get3A_768, %get3A_769] {strides = array<i32>} : memref<16x1024xf32, #tpu.memory_space<vmem>>, vector<1x16xf32>,
        %get3A_771 = vector.shape_cast %get3A_770 : vector<1x16xf32> to vector<16xf32>
        %add3A_772 = arith.addf %get3A_763, %get3A_771 : vector<16xf32>
        %swap3A_773 = arith.constant 0 : i32
        %swap3A_774 = arith.constant 0 : i32
        %swap3A_775 = tpu.memref_slice %arg9[%scan3A_166, %swap3A_773, %swap3A_774] : memref<2x16x1024xf32, #tpu.memory_space<vmem>> -> memref<1x16x1024xf32, #tpu.memory_space<vmem>>
        %swap3A_776 = tpu.memref_squeeze %swap3A_775 : memref<1x16x1024xf32, #tpu.memory_space<vmem>> -> memref<16x1024xf32, #tpu.memory_space<vmem>>
        %swap3A_777 = arith.index_cast %add3A_263 : i32 to index
        %swap3A_778 = arith.constant 304 : index
        %swap3A_779 = tpu.vector_load %swap3A_776[%swap3A_777, %swap3A_778] {strides = array<i32>} : memref<16x1024xf32, #tpu.memory_space<vmem>>, vector<1x16xf32>,
        %swap3A_780 = vector.shape_cast %swap3A_779 : vector<1x16xf32> to vector<16xf32>
        %swap3A_781 = vector.shape_cast %add3A_772 : vector<16xf32> to vector<1x16xf32>
        tpu.vector_store %swap3A_776[%swap3A_777, %swap3A_778], %swap3A_781 {strides = array<i32>} : memref<16x1024xf32, #tpu.memory_space<vmem>>, vector<1x16xf32>,
        %get3A_782 = arith.constant 0 : i32
        %get3A_783 = arith.constant 0 : i32
        %get3A_784 = tpu.memref_slice %arg7[%scan3A_164, %get3A_782, %get3A_783] : memref<2x16x1024xf32, #tpu.memory_space<vmem>> -> memref<1x16x1024xf32, #tpu.memory_space<vmem>>
        %get3A_785 = tpu.memref_squeeze %get3A_784 : memref<1x16x1024xf32, #tpu.memory_space<vmem>> -> memref<16x1024xf32, #tpu.memory_space<vmem>>
        %get3A_786 = arith.index_cast %add3A_263 : i32 to index
        %get3A_787 = arith.constant 320 : index
        %get3A_788 = tpu.vector_load %get3A_785[%get3A_786, %get3A_787] {strides = array<i32>} : memref<16x1024xf32, #tpu.memory_space<vmem>>, vector<1x16xf32>,
        %get3A_789 = vector.shape_cast %get3A_788 : vector<1x16xf32> to vector<16xf32>
        %get3A_790 = arith.constant 0 : i32
        %get3A_791 = arith.constant 0 : i32
        %get3A_792 = tpu.memref_slice %arg8[%scan3A_165, %get3A_790, %get3A_791] : memref<2x16x1024xf32, #tpu.memory_space<vmem>> -> memref<1x16x1024xf32, #tpu.memory_space<vmem>>
        %get3A_793 = tpu.memref_squeeze %get3A_792 : memref<1x16x1024xf32, #tpu.memory_space<vmem>> -> memref<16x1024xf32, #tpu.memory_space<vmem>>
        %get3A_794 = arith.index_cast %add3A_263 : i32 to index
        %get3A_795 = arith.constant 320 : index
        %get3A_796 = tpu.vector_load %get3A_793[%get3A_794, %get3A_795] {strides = array<i32>} : memref<16x1024xf32, #tpu.memory_space<vmem>>, vector<1x16xf32>,
        %get3A_797 = vector.shape_cast %get3A_796 : vector<1x16xf32> to vector<16xf32>
        %add3A_798 = arith.addf %get3A_789, %get3A_797 : vector<16xf32>
        %swap3A_799 = arith.constant 0 : i32
        %swap3A_800 = arith.constant 0 : i32
        %swap3A_801 = tpu.memref_slice %arg9[%scan3A_166, %swap3A_799, %swap3A_800] : memref<2x16x1024xf32, #tpu.memory_space<vmem>> -> memref<1x16x1024xf32, #tpu.memory_space<vmem>>
        %swap3A_802 = tpu.memref_squeeze %swap3A_801 : memref<1x16x1024xf32, #tpu.memory_space<vmem>> -> memref<16x1024xf32, #tpu.memory_space<vmem>>
        %swap3A_803 = arith.index_cast %add3A_263 : i32 to index
        %swap3A_804 = arith.constant 320 : index
        %swap3A_805 = tpu.vector_load %swap3A_802[%swap3A_803, %swap3A_804] {strides = array<i32>} : memref<16x1024xf32, #tpu.memory_space<vmem>>, vector<1x16xf32>,
        %swap3A_806 = vector.shape_cast %swap3A_805 : vector<1x16xf32> to vector<16xf32>
        %swap3A_807 = vector.shape_cast %add3A_798 : vector<16xf32> to vector<1x16xf32>
        tpu.vector_store %swap3A_802[%swap3A_803, %swap3A_804], %swap3A_807 {strides = array<i32>} : memref<16x1024xf32, #tpu.memory_space<vmem>>, vector<1x16xf32>,
        %get3A_808 = arith.constant 0 : i32
        %get3A_809 = arith.constant 0 : i32
        %get3A_810 = tpu.memref_slice %arg7[%scan3A_164, %get3A_808, %get3A_809] : memref<2x16x1024xf32, #tpu.memory_space<vmem>> -> memref<1x16x1024xf32, #tpu.memory_space<vmem>>
        %get3A_811 = tpu.memref_squeeze %get3A_810 : memref<1x16x1024xf32, #tpu.memory_space<vmem>> -> memref<16x1024xf32, #tpu.memory_space<vmem>>
        %get3A_812 = arith.index_cast %add3A_263 : i32 to index
        %get3A_813 = arith.constant 336 : index
        %get3A_814 = tpu.vector_load %get3A_811[%get3A_812, %get3A_813] {strides = array<i32>} : memref<16x1024xf32, #tpu.memory_space<vmem>>, vector<1x16xf32>,
        %get3A_815 = vector.shape_cast %get3A_814 : vector<1x16xf32> to vector<16xf32>
        %get3A_816 = arith.constant 0 : i32
        %get3A_817 = arith.constant 0 : i32
        %get3A_818 = tpu.memref_slice %arg8[%scan3A_165, %get3A_816, %get3A_817] : memref<2x16x1024xf32, #tpu.memory_space<vmem>> -> memref<1x16x1024xf32, #tpu.memory_space<vmem>>
        %get3A_819 = tpu.memref_squeeze %get3A_818 : memref<1x16x1024xf32, #tpu.memory_space<vmem>> -> memref<16x1024xf32, #tpu.memory_space<vmem>>
        %get3A_820 = arith.index_cast %add3A_263 : i32 to index
        %get3A_821 = arith.constant 336 : index
        %get3A_822 = tpu.vector_load %get3A_819[%get3A_820, %get3A_821] {strides = array<i32>} : memref<16x1024xf32, #tpu.memory_space<vmem>>, vector<1x16xf32>,
        %get3A_823 = vector.shape_cast %get3A_822 : vector<1x16xf32> to vector<16xf32>
        %add3A_824 = arith.addf %get3A_815, %get3A_823 : vector<16xf32>
        %swap3A_825 = arith.constant 0 : i32
        %swap3A_826 = arith.constant 0 : i32
        %swap3A_827 = tpu.memref_slice %arg9[%scan3A_166, %swap3A_825, %swap3A_826] : memref<2x16x1024xf32, #tpu.memory_space<vmem>> -> memref<1x16x1024xf32, #tpu.memory_space<vmem>>
        %swap3A_828 = tpu.memref_squeeze %swap3A_827 : memref<1x16x1024xf32, #tpu.memory_space<vmem>> -> memref<16x1024xf32, #tpu.memory_space<vmem>>
        %swap3A_829 = arith.index_cast %add3A_263 : i32 to index
        %swap3A_830 = arith.constant 336 : index
        %swap3A_831 = tpu.vector_load %swap3A_828[%swap3A_829, %swap3A_830] {strides = array<i32>} : memref<16x1024xf32, #tpu.memory_space<vmem>>, vector<1x16xf32>,
        %swap3A_832 = vector.shape_cast %swap3A_831 : vector<1x16xf32> to vector<16xf32>
        %swap3A_833 = vector.shape_cast %add3A_824 : vector<16xf32> to vector<1x16xf32>
        tpu.vector_store %swap3A_828[%swap3A_829, %swap3A_830], %swap3A_833 {strides = array<i32>} : memref<16x1024xf32, #tpu.memory_space<vmem>>, vector<1x16xf32>,
        %get3A_834 = arith.constant 0 : i32
        %get3A_835 = arith.constant 0 : i32
        %get3A_836 = tpu.memref_slice %arg7[%scan3A_164, %get3A_834, %get3A_835] : memref<2x16x1024xf32, #tpu.memory_space<vmem>> -> memref<1x16x1024xf32, #tpu.memory_space<vmem>>
        %get3A_837 = tpu.memref_squeeze %get3A_836 : memref<1x16x1024xf32, #tpu.memory_space<vmem>> -> memref<16x1024xf32, #tpu.memory_space<vmem>>
        %get3A_838 = arith.index_cast %add3A_263 : i32 to index
        %get3A_839 = arith.constant 352 : index
        %get3A_840 = tpu.vector_load %get3A_837[%get3A_838, %get3A_839] {strides = array<i32>} : memref<16x1024xf32, #tpu.memory_space<vmem>>, vector<1x16xf32>,
        %get3A_841 = vector.shape_cast %get3A_840 : vector<1x16xf32> to vector<16xf32>
        %get3A_842 = arith.constant 0 : i32
        %get3A_843 = arith.constant 0 : i32
        %get3A_844 = tpu.memref_slice %arg8[%scan3A_165, %get3A_842, %get3A_843] : memref<2x16x1024xf32, #tpu.memory_space<vmem>> -> memref<1x16x1024xf32, #tpu.memory_space<vmem>>
        %get3A_845 = tpu.memref_squeeze %get3A_844 : memref<1x16x1024xf32, #tpu.memory_space<vmem>> -> memref<16x1024xf32, #tpu.memory_space<vmem>>
        %get3A_846 = arith.index_cast %add3A_263 : i32 to index
        %get3A_847 = arith.constant 352 : index
        %get3A_848 = tpu.vector_load %get3A_845[%get3A_846, %get3A_847] {strides = array<i32>} : memref<16x1024xf32, #tpu.memory_space<vmem>>, vector<1x16xf32>,
        %get3A_849 = vector.shape_cast %get3A_848 : vector<1x16xf32> to vector<16xf32>
        %add3A_850 = arith.addf %get3A_841, %get3A_849 : vector<16xf32>
        %swap3A_851 = arith.constant 0 : i32
        %swap3A_852 = arith.constant 0 : i32
        %swap3A_853 = tpu.memref_slice %arg9[%scan3A_166, %swap3A_851, %swap3A_852] : memref<2x16x1024xf32, #tpu.memory_space<vmem>> -> memref<1x16x1024xf32, #tpu.memory_space<vmem>>
        %swap3A_854 = tpu.memref_squeeze %swap3A_853 : memref<1x16x1024xf32, #tpu.memory_space<vmem>> -> memref<16x1024xf32, #tpu.memory_space<vmem>>
        %swap3A_855 = arith.index_cast %add3A_263 : i32 to index
        %swap3A_856 = arith.constant 352 : index
        %swap3A_857 = tpu.vector_load %swap3A_854[%swap3A_855, %swap3A_856] {strides = array<i32>} : memref<16x1024xf32, #tpu.memory_space<vmem>>, vector<1x16xf32>,
        %swap3A_858 = vector.shape_cast %swap3A_857 : vector<1x16xf32> to vector<16xf32>
        %swap3A_859 = vector.shape_cast %add3A_850 : vector<16xf32> to vector<1x16xf32>
        tpu.vector_store %swap3A_854[%swap3A_855, %swap3A_856], %swap3A_859 {strides = array<i32>} : memref<16x1024xf32, #tpu.memory_space<vmem>>, vector<1x16xf32>,
        %get3A_860 = arith.constant 0 : i32
        %get3A_861 = arith.constant 0 : i32
        %get3A_862 = tpu.memref_slice %arg7[%scan3A_164, %get3A_860, %get3A_861] : memref<2x16x1024xf32, #tpu.memory_space<vmem>> -> memref<1x16x1024xf32, #tpu.memory_space<vmem>>
        %get3A_863 = tpu.memref_squeeze %get3A_862 : memref<1x16x1024xf32, #tpu.memory_space<vmem>> -> memref<16x1024xf32, #tpu.memory_space<vmem>>
        %get3A_864 = arith.index_cast %add3A_263 : i32 to index
        %get3A_865 = arith.constant 368 : index
        %get3A_866 = tpu.vector_load %get3A_863[%get3A_864, %get3A_865] {strides = array<i32>} : memref<16x1024xf32, #tpu.memory_space<vmem>>, vector<1x16xf32>,
        %get3A_867 = vector.shape_cast %get3A_866 : vector<1x16xf32> to vector<16xf32>
        %get3A_868 = arith.constant 0 : i32
        %get3A_869 = arith.constant 0 : i32
        %get3A_870 = tpu.memref_slice %arg8[%scan3A_165, %get3A_868, %get3A_869] : memref<2x16x1024xf32, #tpu.memory_space<vmem>> -> memref<1x16x1024xf32, #tpu.memory_space<vmem>>
        %get3A_871 = tpu.memref_squeeze %get3A_870 : memref<1x16x1024xf32, #tpu.memory_space<vmem>> -> memref<16x1024xf32, #tpu.memory_space<vmem>>
        %get3A_872 = arith.index_cast %add3A_263 : i32 to index
        %get3A_873 = arith.constant 368 : index
        %get3A_874 = tpu.vector_load %get3A_871[%get3A_872, %get3A_873] {strides = array<i32>} : memref<16x1024xf32, #tpu.memory_space<vmem>>, vector<1x16xf32>,
        %get3A_875 = vector.shape_cast %get3A_874 : vector<1x16xf32> to vector<16xf32>
        %add3A_876 = arith.addf %get3A_867, %get3A_875 : vector<16xf32>
        %swap3A_877 = arith.constant 0 : i32
        %swap3A_878 = arith.constant 0 : i32
        %swap3A_879 = tpu.memref_slice %arg9[%scan3A_166, %swap3A_877, %swap3A_878] : memref<2x16x1024xf32, #tpu.memory_space<vmem>> -> memref<1x16x1024xf32, #tpu.memory_space<vmem>>
        %swap3A_880 = tpu.memref_squeeze %swap3A_879 : memref<1x16x1024xf32, #tpu.memory_space<vmem>> -> memref<16x1024xf32, #tpu.memory_space<vmem>>
        %swap3A_881 = arith.index_cast %add3A_263 : i32 to index
        %swap3A_882 = arith.constant 368 : index
        %swap3A_883 = tpu.vector_load %swap3A_880[%swap3A_881, %swap3A_882] {strides = array<i32>} : memref<16x1024xf32, #tpu.memory_space<vmem>>, vector<1x16xf32>,
        %swap3A_884 = vector.shape_cast %swap3A_883 : vector<1x16xf32> to vector<16xf32>
        %swap3A_885 = vector.shape_cast %add3A_876 : vector<16xf32> to vector<1x16xf32>
        tpu.vector_store %swap3A_880[%swap3A_881, %swap3A_882], %swap3A_885 {strides = array<i32>} : memref<16x1024xf32, #tpu.memory_space<vmem>>, vector<1x16xf32>,
        %get3A_886 = arith.constant 0 : i32
        %get3A_887 = arith.constant 0 : i32
        %get3A_888 = tpu.memref_slice %arg7[%scan3A_164, %get3A_886, %get3A_887] : memref<2x16x1024xf32, #tpu.memory_space<vmem>> -> memref<1x16x1024xf32, #tpu.memory_space<vmem>>
        %get3A_889 = tpu.memref_squeeze %get3A_888 : memref<1x16x1024xf32, #tpu.memory_space<vmem>> -> memref<16x1024xf32, #tpu.memory_space<vmem>>
        %get3A_890 = arith.index_cast %add3A_263 : i32 to index
        %get3A_891 = arith.constant 384 : index
        %get3A_892 = tpu.vector_load %get3A_889[%get3A_890, %get3A_891] {strides = array<i32>} : memref<16x1024xf32, #tpu.memory_space<vmem>>, vector<1x16xf32>,
        %get3A_893 = vector.shape_cast %get3A_892 : vector<1x16xf32> to vector<16xf32>
        %get3A_894 = arith.constant 0 : i32
        %get3A_895 = arith.constant 0 : i32
        %get3A_896 = tpu.memref_slice %arg8[%scan3A_165, %get3A_894, %get3A_895] : memref<2x16x1024xf32, #tpu.memory_space<vmem>> -> memref<1x16x1024xf32, #tpu.memory_space<vmem>>
        %get3A_897 = tpu.memref_squeeze %get3A_896 : memref<1x16x1024xf32, #tpu.memory_space<vmem>> -> memref<16x1024xf32, #tpu.memory_space<vmem>>
        %get3A_898 = arith.index_cast %add3A_263 : i32 to index
        %get3A_899 = arith.constant 384 : index
        %get3A_900 = tpu.vector_load %get3A_897[%get3A_898, %get3A_899] {strides = array<i32>} : memref<16x1024xf32, #tpu.memory_space<vmem>>, vector<1x16xf32>,
        %get3A_901 = vector.shape_cast %get3A_900 : vector<1x16xf32> to vector<16xf32>
        %add3A_902 = arith.addf %get3A_893, %get3A_901 : vector<16xf32>
        %swap3A_903 = arith.constant 0 : i32
        %swap3A_904 = arith.constant 0 : i32
        %swap3A_905 = tpu.memref_slice %arg9[%scan3A_166, %swap3A_903, %swap3A_904] : memref<2x16x1024xf32, #tpu.memory_space<vmem>> -> memref<1x16x1024xf32, #tpu.memory_space<vmem>>
        %swap3A_906 = tpu.memref_squeeze %swap3A_905 : memref<1x16x1024xf32, #tpu.memory_space<vmem>> -> memref<16x1024xf32, #tpu.memory_space<vmem>>
        %swap3A_907 = arith.index_cast %add3A_263 : i32 to index
        %swap3A_908 = arith.constant 384 : index
        %swap3A_909 = tpu.vector_load %swap3A_906[%swap3A_907, %swap3A_908] {strides = array<i32>} : memref<16x1024xf32, #tpu.memory_space<vmem>>, vector<1x16xf32>,
        %swap3A_910 = vector.shape_cast %swap3A_909 : vector<1x16xf32> to vector<16xf32>
        %swap3A_911 = vector.shape_cast %add3A_902 : vector<16xf32> to vector<1x16xf32>
        tpu.vector_store %swap3A_906[%swap3A_907, %swap3A_908], %swap3A_911 {strides = array<i32>} : memref<16x1024xf32, #tpu.memory_space<vmem>>, vector<1x16xf32>,
        %get3A_912 = arith.constant 0 : i32
        %get3A_913 = arith.constant 0 : i32
        %get3A_914 = tpu.memref_slice %arg7[%scan3A_164, %get3A_912, %get3A_913] : memref<2x16x1024xf32, #tpu.memory_space<vmem>> -> memref<1x16x1024xf32, #tpu.memory_space<vmem>>
        %get3A_915 = tpu.memref_squeeze %get3A_914 : memref<1x16x1024xf32, #tpu.memory_space<vmem>> -> memref<16x1024xf32, #tpu.memory_space<vmem>>
        %get3A_916 = arith.index_cast %add3A_263 : i32 to index
        %get3A_917 = arith.constant 400 : index
        %get3A_918 = tpu.vector_load %get3A_915[%get3A_916, %get3A_917] {strides = array<i32>} : memref<16x1024xf32, #tpu.memory_space<vmem>>, vector<1x16xf32>,
        %get3A_919 = vector.shape_cast %get3A_918 : vector<1x16xf32> to vector<16xf32>
        %get3A_920 = arith.constant 0 : i32
        %get3A_921 = arith.constant 0 : i32
        %get3A_922 = tpu.memref_slice %arg8[%scan3A_165, %get3A_920, %get3A_921] : memref<2x16x1024xf32, #tpu.memory_space<vmem>> -> memref<1x16x1024xf32, #tpu.memory_space<vmem>>
        %get3A_923 = tpu.memref_squeeze %get3A_922 : memref<1x16x1024xf32, #tpu.memory_space<vmem>> -> memref<16x1024xf32, #tpu.memory_space<vmem>>
        %get3A_924 = arith.index_cast %add3A_263 : i32 to index
        %get3A_925 = arith.constant 400 : index
        %get3A_926 = tpu.vector_load %get3A_923[%get3A_924, %get3A_925] {strides = array<i32>} : memref<16x1024xf32, #tpu.memory_space<vmem>>, vector<1x16xf32>,
        %get3A_927 = vector.shape_cast %get3A_926 : vector<1x16xf32> to vector<16xf32>
        %add3A_928 = arith.addf %get3A_919, %get3A_927 : vector<16xf32>
        %swap3A_929 = arith.constant 0 : i32
        %swap3A_930 = arith.constant 0 : i32
        %swap3A_931 = tpu.memref_slice %arg9[%scan3A_166, %swap3A_929, %swap3A_930] : memref<2x16x1024xf32, #tpu.memory_space<vmem>> -> memref<1x16x1024xf32, #tpu.memory_space<vmem>>
        %swap3A_932 = tpu.memref_squeeze %swap3A_931 : memref<1x16x1024xf32, #tpu.memory_space<vmem>> -> memref<16x1024xf32, #tpu.memory_space<vmem>>
        %swap3A_933 = arith.index_cast %add3A_263 : i32 to index
        %swap3A_934 = arith.constant 400 : index
        %swap3A_935 = tpu.vector_load %swap3A_932[%swap3A_933, %swap3A_934] {strides = array<i32>} : memref<16x1024xf32, #tpu.memory_space<vmem>>, vector<1x16xf32>,
        %swap3A_936 = vector.shape_cast %swap3A_935 : vector<1x16xf32> to vector<16xf32>
        %swap3A_937 = vector.shape_cast %add3A_928 : vector<16xf32> to vector<1x16xf32>
        tpu.vector_store %swap3A_932[%swap3A_933, %swap3A_934], %swap3A_937 {strides = array<i32>} : memref<16x1024xf32, #tpu.memory_space<vmem>>, vector<1x16xf32>,
        %get3A_938 = arith.constant 0 : i32
        %get3A_939 = arith.constant 0 : i32
        %get3A_940 = tpu.memref_slice %arg7[%scan3A_164, %get3A_938, %get3A_939] : memref<2x16x1024xf32, #tpu.memory_space<vmem>> -> memref<1x16x1024xf32, #tpu.memory_space<vmem>>
        %get3A_941 = tpu.memref_squeeze %get3A_940 : memref<1x16x1024xf32, #tpu.memory_space<vmem>> -> memref<16x1024xf32, #tpu.memory_space<vmem>>
        %get3A_942 = arith.index_cast %add3A_263 : i32 to index
        %get3A_943 = arith.constant 416 : index
        %get3A_944 = tpu.vector_load %get3A_941[%get3A_942, %get3A_943] {strides = array<i32>} : memref<16x1024xf32, #tpu.memory_space<vmem>>, vector<1x16xf32>,
        %get3A_945 = vector.shape_cast %get3A_944 : vector<1x16xf32> to vector<16xf32>
        %get3A_946 = arith.constant 0 : i32
        %get3A_947 = arith.constant 0 : i32
        %get3A_948 = tpu.memref_slice %arg8[%scan3A_165, %get3A_946, %get3A_947] : memref<2x16x1024xf32, #tpu.memory_space<vmem>> -> memref<1x16x1024xf32, #tpu.memory_space<vmem>>
        %get3A_949 = tpu.memref_squeeze %get3A_948 : memref<1x16x1024xf32, #tpu.memory_space<vmem>> -> memref<16x1024xf32, #tpu.memory_space<vmem>>
        %get3A_950 = arith.index_cast %add3A_263 : i32 to index
        %get3A_951 = arith.constant 416 : index
        %get3A_952 = tpu.vector_load %get3A_949[%get3A_950, %get3A_951] {strides = array<i32>} : memref<16x1024xf32, #tpu.memory_space<vmem>>, vector<1x16xf32>,
        %get3A_953 = vector.shape_cast %get3A_952 : vector<1x16xf32> to vector<16xf32>
        %add3A_954 = arith.addf %get3A_945, %get3A_953 : vector<16xf32>
        %swap3A_955 = arith.constant 0 : i32
        %swap3A_956 = arith.constant 0 : i32
        %swap3A_957 = tpu.memref_slice %arg9[%scan3A_166, %swap3A_955, %swap3A_956] : memref<2x16x1024xf32, #tpu.memory_space<vmem>> -> memref<1x16x1024xf32, #tpu.memory_space<vmem>>
        %swap3A_958 = tpu.memref_squeeze %swap3A_957 : memref<1x16x1024xf32, #tpu.memory_space<vmem>> -> memref<16x1024xf32, #tpu.memory_space<vmem>>
        %swap3A_959 = arith.index_cast %add3A_263 : i32 to index
        %swap3A_960 = arith.constant 416 : index
        %swap3A_961 = tpu.vector_load %swap3A_958[%swap3A_959, %swap3A_960] {strides = array<i32>} : memref<16x1024xf32, #tpu.memory_space<vmem>>, vector<1x16xf32>,
        %swap3A_962 = vector.shape_cast %swap3A_961 : vector<1x16xf32> to vector<16xf32>
        %swap3A_963 = vector.shape_cast %add3A_954 : vector<16xf32> to vector<1x16xf32>
        tpu.vector_store %swap3A_958[%swap3A_959, %swap3A_960], %swap3A_963 {strides = array<i32>} : memref<16x1024xf32, #tpu.memory_space<vmem>>, vector<1x16xf32>,
        %get3A_964 = arith.constant 0 : i32
        %get3A_965 = arith.constant 0 : i32
        %get3A_966 = tpu.memref_slice %arg7[%scan3A_164, %get3A_964, %get3A_965] : memref<2x16x1024xf32, #tpu.memory_space<vmem>> -> memref<1x16x1024xf32, #tpu.memory_space<vmem>>
        %get3A_967 = tpu.memref_squeeze %get3A_966 : memref<1x16x1024xf32, #tpu.memory_space<vmem>> -> memref<16x1024xf32, #tpu.memory_space<vmem>>
        %get3A_968 = arith.index_cast %add3A_263 : i32 to index
        %get3A_969 = arith.constant 432 : index
        %get3A_970 = tpu.vector_load %get3A_967[%get3A_968, %get3A_969] {strides = array<i32>} : memref<16x1024xf32, #tpu.memory_space<vmem>>, vector<1x16xf32>,
        %get3A_971 = vector.shape_cast %get3A_970 : vector<1x16xf32> to vector<16xf32>
        %get3A_972 = arith.constant 0 : i32
        %get3A_973 = arith.constant 0 : i32
        %get3A_974 = tpu.memref_slice %arg8[%scan3A_165, %get3A_972, %get3A_973] : memref<2x16x1024xf32, #tpu.memory_space<vmem>> -> memref<1x16x1024xf32, #tpu.memory_space<vmem>>
        %get3A_975 = tpu.memref_squeeze %get3A_974 : memref<1x16x1024xf32, #tpu.memory_space<vmem>> -> memref<16x1024xf32, #tpu.memory_space<vmem>>
        %get3A_976 = arith.index_cast %add3A_263 : i32 to index
        %get3A_977 = arith.constant 432 : index
        %get3A_978 = tpu.vector_load %get3A_975[%get3A_976, %get3A_977] {strides = array<i32>} : memref<16x1024xf32, #tpu.memory_space<vmem>>, vector<1x16xf32>,
        %get3A_979 = vector.shape_cast %get3A_978 : vector<1x16xf32> to vector<16xf32>
        %add3A_980 = arith.addf %get3A_971, %get3A_979 : vector<16xf32>
        %swap3A_981 = arith.constant 0 : i32
        %swap3A_982 = arith.constant 0 : i32
        %swap3A_983 = tpu.memref_slice %arg9[%scan3A_166, %swap3A_981, %swap3A_982] : memref<2x16x1024xf32, #tpu.memory_space<vmem>> -> memref<1x16x1024xf32, #tpu.memory_space<vmem>>
        %swap3A_984 = tpu.memref_squeeze %swap3A_983 : memref<1x16x1024xf32, #tpu.memory_space<vmem>> -> memref<16x1024xf32, #tpu.memory_space<vmem>>
        %swap3A_985 = arith.index_cast %add3A_263 : i32 to index
        %swap3A_986 = arith.constant 432 : index
        %swap3A_987 = tpu.vector_load %swap3A_984[%swap3A_985, %swap3A_986] {strides = array<i32>} : memref<16x1024xf32, #tpu.memory_space<vmem>>, vector<1x16xf32>,
        %swap3A_988 = vector.shape_cast %swap3A_987 : vector<1x16xf32> to vector<16xf32>
        %swap3A_989 = vector.shape_cast %add3A_980 : vector<16xf32> to vector<1x16xf32>
        tpu.vector_store %swap3A_984[%swap3A_985, %swap3A_986], %swap3A_989 {strides = array<i32>} : memref<16x1024xf32, #tpu.memory_space<vmem>>, vector<1x16xf32>,
        %get3A_990 = arith.constant 0 : i32
        %get3A_991 = arith.constant 0 : i32
        %get3A_992 = tpu.memref_slice %arg7[%scan3A_164, %get3A_990, %get3A_991] : memref<2x16x1024xf32, #tpu.memory_space<vmem>> -> memref<1x16x1024xf32, #tpu.memory_space<vmem>>
        %get3A_993 = tpu.memref_squeeze %get3A_992 : memref<1x16x1024xf32, #tpu.memory_space<vmem>> -> memref<16x1024xf32, #tpu.memory_space<vmem>>
        %get3A_994 = arith.index_cast %add3A_263 : i32 to index
        %get3A_995 = arith.constant 448 : index
        %get3A_996 = tpu.vector_load %get3A_993[%get3A_994, %get3A_995] {strides = array<i32>} : memref<16x1024xf32, #tpu.memory_space<vmem>>, vector<1x16xf32>,
        %get3A_997 = vector.shape_cast %get3A_996 : vector<1x16xf32> to vector<16xf32>
        %get3A_998 = arith.constant 0 : i32
        %get3A_999 = arith.constant 0 : i32
        %get3A_1000 = tpu.memref_slice %arg8[%scan3A_165, %get3A_998, %get3A_999] : memref<2x16x1024xf32, #tpu.memory_space<vmem>> -> memref<1x16x1024xf32, #tpu.memory_space<vmem>>
        %get3A_1001 = tpu.memref_squeeze %get3A_1000 : memref<1x16x1024xf32, #tpu.memory_space<vmem>> -> memref<16x1024xf32, #tpu.memory_space<vmem>>
        %get3A_1002 = arith.index_cast %add3A_263 : i32 to index
        %get3A_1003 = arith.constant 448 : index
        %get3A_1004 = tpu.vector_load %get3A_1001[%get3A_1002, %get3A_1003] {strides = array<i32>} : memref<16x1024xf32, #tpu.memory_space<vmem>>, vector<1x16xf32>,
        %get3A_1005 = vector.shape_cast %get3A_1004 : vector<1x16xf32> to vector<16xf32>
        %add3A_1006 = arith.addf %get3A_997, %get3A_1005 : vector<16xf32>
        %swap3A_1007 = arith.constant 0 : i32
        %swap3A_1008 = arith.constant 0 : i32
        %swap3A_1009 = tpu.memref_slice %arg9[%scan3A_166, %swap3A_1007, %swap3A_1008] : memref<2x16x1024xf32, #tpu.memory_space<vmem>> -> memref<1x16x1024xf32, #tpu.memory_space<vmem>>
        %swap3A_1010 = tpu.memref_squeeze %swap3A_1009 : memref<1x16x1024xf32, #tpu.memory_space<vmem>> -> memref<16x1024xf32, #tpu.memory_space<vmem>>
        %swap3A_1011 = arith.index_cast %add3A_263 : i32 to index
        %swap3A_1012 = arith.constant 448 : index
        %swap3A_1013 = tpu.vector_load %swap3A_1010[%swap3A_1011, %swap3A_1012] {strides = array<i32>} : memref<16x1024xf32, #tpu.memory_space<vmem>>, vector<1x16xf32>,
        %swap3A_1014 = vector.shape_cast %swap3A_1013 : vector<1x16xf32> to vector<16xf32>
        %swap3A_1015 = vector.shape_cast %add3A_1006 : vector<16xf32> to vector<1x16xf32>
        tpu.vector_store %swap3A_1010[%swap3A_1011, %swap3A_1012], %swap3A_1015 {strides = array<i32>} : memref<16x1024xf32, #tpu.memory_space<vmem>>, vector<1x16xf32>,
        %get3A_1016 = arith.constant 0 : i32
        %get3A_1017 = arith.constant 0 : i32
        %get3A_1018 = tpu.memref_slice %arg7[%scan3A_164, %get3A_1016, %get3A_1017] : memref<2x16x1024xf32, #tpu.memory_space<vmem>> -> memref<1x16x1024xf32, #tpu.memory_space<vmem>>
        %get3A_1019 = tpu.memref_squeeze %get3A_1018 : memref<1x16x1024xf32, #tpu.memory_space<vmem>> -> memref<16x1024xf32, #tpu.memory_space<vmem>>
        %get3A_1020 = arith.index_cast %add3A_263 : i32 to index
        %get3A_1021 = arith.constant 464 : index
        %get3A_1022 = tpu.vector_load %get3A_1019[%get3A_1020, %get3A_1021] {strides = array<i32>} : memref<16x1024xf32, #tpu.memory_space<vmem>>, vector<1x16xf32>,
        %get3A_1023 = vector.shape_cast %get3A_1022 : vector<1x16xf32> to vector<16xf32>
        %get3A_1024 = arith.constant 0 : i32
        %get3A_1025 = arith.constant 0 : i32
        %get3A_1026 = tpu.memref_slice %arg8[%scan3A_165, %get3A_1024, %get3A_1025] : memref<2x16x1024xf32, #tpu.memory_space<vmem>> -> memref<1x16x1024xf32, #tpu.memory_space<vmem>>
        %get3A_1027 = tpu.memref_squeeze %get3A_1026 : memref<1x16x1024xf32, #tpu.memory_space<vmem>> -> memref<16x1024xf32, #tpu.memory_space<vmem>>
        %get3A_1028 = arith.index_cast %add3A_263 : i32 to index
        %get3A_1029 = arith.constant 464 : index
        %get3A_1030 = tpu.vector_load %get3A_1027[%get3A_1028, %get3A_1029] {strides = array<i32>} : memref<16x1024xf32, #tpu.memory_space<vmem>>, vector<1x16xf32>,
        %get3A_1031 = vector.shape_cast %get3A_1030 : vector<1x16xf32> to vector<16xf32>
        %add3A_1032 = arith.addf %get3A_1023, %get3A_1031 : vector<16xf32>
        %swap3A_1033 = arith.constant 0 : i32
        %swap3A_1034 = arith.constant 0 : i32
        %swap3A_1035 = tpu.memref_slice %arg9[%scan3A_166, %swap3A_1033, %swap3A_1034] : memref<2x16x1024xf32, #tpu.memory_space<vmem>> -> memref<1x16x1024xf32, #tpu.memory_space<vmem>>
        %swap3A_1036 = tpu.memref_squeeze %swap3A_1035 : memref<1x16x1024xf32, #tpu.memory_space<vmem>> -> memref<16x1024xf32, #tpu.memory_space<vmem>>
        %swap3A_1037 = arith.index_cast %add3A_263 : i32 to index
        %swap3A_1038 = arith.constant 464 : index
        %swap3A_1039 = tpu.vector_load %swap3A_1036[%swap3A_1037, %swap3A_1038] {strides = array<i32>} : memref<16x1024xf32, #tpu.memory_space<vmem>>, vector<1x16xf32>,
        %swap3A_1040 = vector.shape_cast %swap3A_1039 : vector<1x16xf32> to vector<16xf32>
        %swap3A_1041 = vector.shape_cast %add3A_1032 : vector<16xf32> to vector<1x16xf32>
        tpu.vector_store %swap3A_1036[%swap3A_1037, %swap3A_1038], %swap3A_1041 {strides = array<i32>} : memref<16x1024xf32, #tpu.memory_space<vmem>>, vector<1x16xf32>,
        %get3A_1042 = arith.constant 0 : i32
        %get3A_1043 = arith.constant 0 : i32
        %get3A_1044 = tpu.memref_slice %arg7[%scan3A_164, %get3A_1042, %get3A_1043] : memref<2x16x1024xf32, #tpu.memory_space<vmem>> -> memref<1x16x1024xf32, #tpu.memory_space<vmem>>
        %get3A_1045 = tpu.memref_squeeze %get3A_1044 : memref<1x16x1024xf32, #tpu.memory_space<vmem>> -> memref<16x1024xf32, #tpu.memory_space<vmem>>
        %get3A_1046 = arith.index_cast %add3A_263 : i32 to index
        %get3A_1047 = arith.constant 480 : index
        %get3A_1048 = tpu.vector_load %get3A_1045[%get3A_1046, %get3A_1047] {strides = array<i32>} : memref<16x1024xf32, #tpu.memory_space<vmem>>, vector<1x16xf32>,
        %get3A_1049 = vector.shape_cast %get3A_1048 : vector<1x16xf32> to vector<16xf32>
        %get3A_1050 = arith.constant 0 : i32
        %get3A_1051 = arith.constant 0 : i32
        %get3A_1052 = tpu.memref_slice %arg8[%scan3A_165, %get3A_1050, %get3A_1051] : memref<2x16x1024xf32, #tpu.memory_space<vmem>> -> memref<1x16x1024xf32, #tpu.memory_space<vmem>>
        %get3A_1053 = tpu.memref_squeeze %get3A_1052 : memref<1x16x1024xf32, #tpu.memory_space<vmem>> -> memref<16x1024xf32, #tpu.memory_space<vmem>>
        %get3A_1054 = arith.index_cast %add3A_263 : i32 to index
        %get3A_1055 = arith.constant 480 : index
        %get3A_1056 = tpu.vector_load %get3A_1053[%get3A_1054, %get3A_1055] {strides = array<i32>} : memref<16x1024xf32, #tpu.memory_space<vmem>>, vector<1x16xf32>,
        %get3A_1057 = vector.shape_cast %get3A_1056 : vector<1x16xf32> to vector<16xf32>
        %add3A_1058 = arith.addf %get3A_1049, %get3A_1057 : vector<16xf32>
        %swap3A_1059 = arith.constant 0 : i32
        %swap3A_1060 = arith.constant 0 : i32
        %swap3A_1061 = tpu.memref_slice %arg9[%scan3A_166, %swap3A_1059, %swap3A_1060] : memref<2x16x1024xf32, #tpu.memory_space<vmem>> -> memref<1x16x1024xf32, #tpu.memory_space<vmem>>
        %swap3A_1062 = tpu.memref_squeeze %swap3A_1061 : memref<1x16x1024xf32, #tpu.memory_space<vmem>> -> memref<16x1024xf32, #tpu.memory_space<vmem>>
        %swap3A_1063 = arith.index_cast %add3A_263 : i32 to index
        %swap3A_1064 = arith.constant 480 : index
        %swap3A_1065 = tpu.vector_load %swap3A_1062[%swap3A_1063, %swap3A_1064] {strides = array<i32>} : memref<16x1024xf32, #tpu.memory_space<vmem>>, vector<1x16xf32>,
        %swap3A_1066 = vector.shape_cast %swap3A_1065 : vector<1x16xf32> to vector<16xf32>
        %swap3A_1067 = vector.shape_cast %add3A_1058 : vector<16xf32> to vector<1x16xf32>
        tpu.vector_store %swap3A_1062[%swap3A_1063, %swap3A_1064], %swap3A_1067 {strides = array<i32>} : memref<16x1024xf32, #tpu.memory_space<vmem>>, vector<1x16xf32>,
        %get3A_1068 = arith.constant 0 : i32
        %get3A_1069 = arith.constant 0 : i32
        %get3A_1070 = tpu.memref_slice %arg7[%scan3A_164, %get3A_1068, %get3A_1069] : memref<2x16x1024xf32, #tpu.memory_space<vmem>> -> memref<1x16x1024xf32, #tpu.memory_space<vmem>>
        %get3A_1071 = tpu.memref_squeeze %get3A_1070 : memref<1x16x1024xf32, #tpu.memory_space<vmem>> -> memref<16x1024xf32, #tpu.memory_space<vmem>>
        %get3A_1072 = arith.index_cast %add3A_263 : i32 to index
        %get3A_1073 = arith.constant 496 : index
        %get3A_1074 = tpu.vector_load %get3A_1071[%get3A_1072, %get3A_1073] {strides = array<i32>} : memref<16x1024xf32, #tpu.memory_space<vmem>>, vector<1x16xf32>,
        %get3A_1075 = vector.shape_cast %get3A_1074 : vector<1x16xf32> to vector<16xf32>
        %get3A_1076 = arith.constant 0 : i32
        %get3A_1077 = arith.constant 0 : i32
        %get3A_1078 = tpu.memref_slice %arg8[%scan3A_165, %get3A_1076, %get3A_1077] : memref<2x16x1024xf32, #tpu.memory_space<vmem>> -> memref<1x16x1024xf32, #tpu.memory_space<vmem>>
        %get3A_1079 = tpu.memref_squeeze %get3A_1078 : memref<1x16x1024xf32, #tpu.memory_space<vmem>> -> memref<16x1024xf32, #tpu.memory_space<vmem>>
        %get3A_1080 = arith.index_cast %add3A_263 : i32 to index
        %get3A_1081 = arith.constant 496 : index
        %get3A_1082 = tpu.vector_load %get3A_1079[%get3A_1080, %get3A_1081] {strides = array<i32>} : memref<16x1024xf32, #tpu.memory_space<vmem>>, vector<1x16xf32>,
        %get3A_1083 = vector.shape_cast %get3A_1082 : vector<1x16xf32> to vector<16xf32>
        %add3A_1084 = arith.addf %get3A_1075, %get3A_1083 : vector<16xf32>
        %swap3A_1085 = arith.constant 0 : i32
        %swap3A_1086 = arith.constant 0 : i32
        %swap3A_1087 = tpu.memref_slice %arg9[%scan3A_166, %swap3A_1085, %swap3A_1086] : memref<2x16x1024xf32, #tpu.memory_space<vmem>> -> memref<1x16x1024xf32, #tpu.memory_space<vmem>>
        %swap3A_1088 = tpu.memref_squeeze %swap3A_1087 : memref<1x16x1024xf32, #tpu.memory_space<vmem>> -> memref<16x1024xf32, #tpu.memory_space<vmem>>
        %swap3A_1089 = arith.index_cast %add3A_263 : i32 to index
        %swap3A_1090 = arith.constant 496 : index
        %swap3A_1091 = tpu.vector_load %swap3A_1088[%swap3A_1089, %swap3A_1090] {strides = array<i32>} : memref<16x1024xf32, #tpu.memory_space<vmem>>, vector<1x16xf32>,
        %swap3A_1092 = vector.shape_cast %swap3A_1091 : vector<1x16xf32> to vector<16xf32>
        %swap3A_1093 = vector.shape_cast %add3A_1084 : vector<16xf32> to vector<1x16xf32>
        tpu.vector_store %swap3A_1088[%swap3A_1089, %swap3A_1090], %swap3A_1093 {strides = array<i32>} : memref<16x1024xf32, #tpu.memory_space<vmem>>, vector<1x16xf32>,
        %get3A_1094 = arith.constant 0 : i32
        %get3A_1095 = arith.constant 0 : i32
        %get3A_1096 = tpu.memref_slice %arg7[%scan3A_164, %get3A_1094, %get3A_1095] : memref<2x16x1024xf32, #tpu.memory_space<vmem>> -> memref<1x16x1024xf32, #tpu.memory_space<vmem>>
        %get3A_1097 = tpu.memref_squeeze %get3A_1096 : memref<1x16x1024xf32, #tpu.memory_space<vmem>> -> memref<16x1024xf32, #tpu.memory_space<vmem>>
        %get3A_1098 = arith.index_cast %add3A_263 : i32 to index
        %get3A_1099 = arith.constant 512 : index
        %get3A_1100 = tpu.vector_load %get3A_1097[%get3A_1098, %get3A_1099] {strides = array<i32>} : memref<16x1024xf32, #tpu.memory_space<vmem>>, vector<1x16xf32>,
        %get3A_1101 = vector.shape_cast %get3A_1100 : vector<1x16xf32> to vector<16xf32>
        %get3A_1102 = arith.constant 0 : i32
        %get3A_1103 = arith.constant 0 : i32
        %get3A_1104 = tpu.memref_slice %arg8[%scan3A_165, %get3A_1102, %get3A_1103] : memref<2x16x1024xf32, #tpu.memory_space<vmem>> -> memref<1x16x1024xf32, #tpu.memory_space<vmem>>
        %get3A_1105 = tpu.memref_squeeze %get3A_1104 : memref<1x16x1024xf32, #tpu.memory_space<vmem>> -> memref<16x1024xf32, #tpu.memory_space<vmem>>
        %get3A_1106 = arith.index_cast %add3A_263 : i32 to index
        %get3A_1107 = arith.constant 512 : index
        %get3A_1108 = tpu.vector_load %get3A_1105[%get3A_1106, %get3A_1107] {strides = array<i32>} : memref<16x1024xf32, #tpu.memory_space<vmem>>, vector<1x16xf32>,
        %get3A_1109 = vector.shape_cast %get3A_1108 : vector<1x16xf32> to vector<16xf32>
        %add3A_1110 = arith.addf %get3A_1101, %get3A_1109 : vector<16xf32>
        %swap3A_1111 = arith.constant 0 : i32
        %swap3A_1112 = arith.constant 0 : i32
        %swap3A_1113 = tpu.memref_slice %arg9[%scan3A_166, %swap3A_1111, %swap3A_1112] : memref<2x16x1024xf32, #tpu.memory_space<vmem>> -> memref<1x16x1024xf32, #tpu.memory_space<vmem>>
        %swap3A_1114 = tpu.memref_squeeze %swap3A_1113 : memref<1x16x1024xf32, #tpu.memory_space<vmem>> -> memref<16x1024xf32, #tpu.memory_space<vmem>>
        %swap3A_1115 = arith.index_cast %add3A_263 : i32 to index
        %swap3A_1116 = arith.constant 512 : index
        %swap3A_1117 = tpu.vector_load %swap3A_1114[%swap3A_1115, %swap3A_1116] {strides = array<i32>} : memref<16x1024xf32, #tpu.memory_space<vmem>>, vector<1x16xf32>,
        %swap3A_1118 = vector.shape_cast %swap3A_1117 : vector<1x16xf32> to vector<16xf32>
        %swap3A_1119 = vector.shape_cast %add3A_1110 : vector<16xf32> to vector<1x16xf32>
        tpu.vector_store %swap3A_1114[%swap3A_1115, %swap3A_1116], %swap3A_1119 {strides = array<i32>} : memref<16x1024xf32, #tpu.memory_space<vmem>>, vector<1x16xf32>,
        %get3A_1120 = arith.constant 0 : i32
        %get3A_1121 = arith.constant 0 : i32
        %get3A_1122 = tpu.memref_slice %arg7[%scan3A_164, %get3A_1120, %get3A_1121] : memref<2x16x1024xf32, #tpu.memory_space<vmem>> -> memref<1x16x1024xf32, #tpu.memory_space<vmem>>
        %get3A_1123 = tpu.memref_squeeze %get3A_1122 : memref<1x16x1024xf32, #tpu.memory_space<vmem>> -> memref<16x1024xf32, #tpu.memory_space<vmem>>
        %get3A_1124 = arith.index_cast %add3A_263 : i32 to index
        %get3A_1125 = arith.constant 528 : index
        %get3A_1126 = tpu.vector_load %get3A_1123[%get3A_1124, %get3A_1125] {strides = array<i32>} : memref<16x1024xf32, #tpu.memory_space<vmem>>, vector<1x16xf32>,
        %get3A_1127 = vector.shape_cast %get3A_1126 : vector<1x16xf32> to vector<16xf32>
        %get3A_1128 = arith.constant 0 : i32
        %get3A_1129 = arith.constant 0 : i32
        %get3A_1130 = tpu.memref_slice %arg8[%scan3A_165, %get3A_1128, %get3A_1129] : memref<2x16x1024xf32, #tpu.memory_space<vmem>> -> memref<1x16x1024xf32, #tpu.memory_space<vmem>>
        %get3A_1131 = tpu.memref_squeeze %get3A_1130 : memref<1x16x1024xf32, #tpu.memory_space<vmem>> -> memref<16x1024xf32, #tpu.memory_space<vmem>>
        %get3A_1132 = arith.index_cast %add3A_263 : i32 to index
        %get3A_1133 = arith.constant 528 : index
        %get3A_1134 = tpu.vector_load %get3A_1131[%get3A_1132, %get3A_1133] {strides = array<i32>} : memref<16x1024xf32, #tpu.memory_space<vmem>>, vector<1x16xf32>,
        %get3A_1135 = vector.shape_cast %get3A_1134 : vector<1x16xf32> to vector<16xf32>
        %add3A_1136 = arith.addf %get3A_1127, %get3A_1135 : vector<16xf32>
        %swap3A_1137 = arith.constant 0 : i32
        %swap3A_1138 = arith.constant 0 : i32
        %swap3A_1139 = tpu.memref_slice %arg9[%scan3A_166, %swap3A_1137, %swap3A_1138] : memref<2x16x1024xf32, #tpu.memory_space<vmem>> -> memref<1x16x1024xf32, #tpu.memory_space<vmem>>
        %swap3A_1140 = tpu.memref_squeeze %swap3A_1139 : memref<1x16x1024xf32, #tpu.memory_space<vmem>> -> memref<16x1024xf32, #tpu.memory_space<vmem>>
        %swap3A_1141 = arith.index_cast %add3A_263 : i32 to index
        %swap3A_1142 = arith.constant 528 : index
        %swap3A_1143 = tpu.vector_load %swap3A_1140[%swap3A_1141, %swap3A_1142] {strides = array<i32>} : memref<16x1024xf32, #tpu.memory_space<vmem>>, vector<1x16xf32>,
        %swap3A_1144 = vector.shape_cast %swap3A_1143 : vector<1x16xf32> to vector<16xf32>
        %swap3A_1145 = vector.shape_cast %add3A_1136 : vector<16xf32> to vector<1x16xf32>
        tpu.vector_store %swap3A_1140[%swap3A_1141, %swap3A_1142], %swap3A_1145 {strides = array<i32>} : memref<16x1024xf32, #tpu.memory_space<vmem>>, vector<1x16xf32>,
        %get3A_1146 = arith.constant 0 : i32
        %get3A_1147 = arith.constant 0 : i32
        %get3A_1148 = tpu.memref_slice %arg7[%scan3A_164, %get3A_1146, %get3A_1147] : memref<2x16x1024xf32, #tpu.memory_space<vmem>> -> memref<1x16x1024xf32, #tpu.memory_space<vmem>>
        %get3A_1149 = tpu.memref_squeeze %get3A_1148 : memref<1x16x1024xf32, #tpu.memory_space<vmem>> -> memref<16x1024xf32, #tpu.memory_space<vmem>>
        %get3A_1150 = arith.index_cast %add3A_263 : i32 to index
        %get3A_1151 = arith.constant 544 : index
        %get3A_1152 = tpu.vector_load %get3A_1149[%get3A_1150, %get3A_1151] {strides = array<i32>} : memref<16x1024xf32, #tpu.memory_space<vmem>>, vector<1x16xf32>,
        %get3A_1153 = vector.shape_cast %get3A_1152 : vector<1x16xf32> to vector<16xf32>
        %get3A_1154 = arith.constant 0 : i32
        %get3A_1155 = arith.constant 0 : i32
        %get3A_1156 = tpu.memref_slice %arg8[%scan3A_165, %get3A_1154, %get3A_1155] : memref<2x16x1024xf32, #tpu.memory_space<vmem>> -> memref<1x16x1024xf32, #tpu.memory_space<vmem>>
        %get3A_1157 = tpu.memref_squeeze %get3A_1156 : memref<1x16x1024xf32, #tpu.memory_space<vmem>> -> memref<16x1024xf32, #tpu.memory_space<vmem>>
        %get3A_1158 = arith.index_cast %add3A_263 : i32 to index
        %get3A_1159 = arith.constant 544 : index
        %get3A_1160 = tpu.vector_load %get3A_1157[%get3A_1158, %get3A_1159] {strides = array<i32>} : memref<16x1024xf32, #tpu.memory_space<vmem>>, vector<1x16xf32>,
        %get3A_1161 = vector.shape_cast %get3A_1160 : vector<1x16xf32> to vector<16xf32>
        %add3A_1162 = arith.addf %get3A_1153, %get3A_1161 : vector<16xf32>
        %swap3A_1163 = arith.constant 0 : i32
        %swap3A_1164 = arith.constant 0 : i32
        %swap3A_1165 = tpu.memref_slice %arg9[%scan3A_166, %swap3A_1163, %swap3A_1164] : memref<2x16x1024xf32, #tpu.memory_space<vmem>> -> memref<1x16x1024xf32, #tpu.memory_space<vmem>>
        %swap3A_1166 = tpu.memref_squeeze %swap3A_1165 : memref<1x16x1024xf32, #tpu.memory_space<vmem>> -> memref<16x1024xf32, #tpu.memory_space<vmem>>
        %swap3A_1167 = arith.index_cast %add3A_263 : i32 to index
        %swap3A_1168 = arith.constant 544 : index
        %swap3A_1169 = tpu.vector_load %swap3A_1166[%swap3A_1167, %swap3A_1168] {strides = array<i32>} : memref<16x1024xf32, #tpu.memory_space<vmem>>, vector<1x16xf32>,
        %swap3A_1170 = vector.shape_cast %swap3A_1169 : vector<1x16xf32> to vector<16xf32>
        %swap3A_1171 = vector.shape_cast %add3A_1162 : vector<16xf32> to vector<1x16xf32>
        tpu.vector_store %swap3A_1166[%swap3A_1167, %swap3A_1168], %swap3A_1171 {strides = array<i32>} : memref<16x1024xf32, #tpu.memory_space<vmem>>, vector<1x16xf32>,
        %get3A_1172 = arith.constant 0 : i32
        %get3A_1173 = arith.constant 0 : i32
        %get3A_1174 = tpu.memref_slice %arg7[%scan3A_164, %get3A_1172, %get3A_1173] : memref<2x16x1024xf32, #tpu.memory_space<vmem>> -> memref<1x16x1024xf32, #tpu.memory_space<vmem>>
        %get3A_1175 = tpu.memref_squeeze %get3A_1174 : memref<1x16x1024xf32, #tpu.memory_space<vmem>> -> memref<16x1024xf32, #tpu.memory_space<vmem>>
        %get3A_1176 = arith.index_cast %add3A_263 : i32 to index
        %get3A_1177 = arith.constant 560 : index
        %get3A_1178 = tpu.vector_load %get3A_1175[%get3A_1176, %get3A_1177] {strides = array<i32>} : memref<16x1024xf32, #tpu.memory_space<vmem>>, vector<1x16xf32>,
        %get3A_1179 = vector.shape_cast %get3A_1178 : vector<1x16xf32> to vector<16xf32>
        %get3A_1180 = arith.constant 0 : i32
        %get3A_1181 = arith.constant 0 : i32
        %get3A_1182 = tpu.memref_slice %arg8[%scan3A_165, %get3A_1180, %get3A_1181] : memref<2x16x1024xf32, #tpu.memory_space<vmem>> -> memref<1x16x1024xf32, #tpu.memory_space<vmem>>
        %get3A_1183 = tpu.memref_squeeze %get3A_1182 : memref<1x16x1024xf32, #tpu.memory_space<vmem>> -> memref<16x1024xf32, #tpu.memory_space<vmem>>
        %get3A_1184 = arith.index_cast %add3A_263 : i32 to index
        %get3A_1185 = arith.constant 560 : index
        %get3A_1186 = tpu.vector_load %get3A_1183[%get3A_1184, %get3A_1185] {strides = array<i32>} : memref<16x1024xf32, #tpu.memory_space<vmem>>, vector<1x16xf32>,
        %get3A_1187 = vector.shape_cast %get3A_1186 : vector<1x16xf32> to vector<16xf32>
        %add3A_1188 = arith.addf %get3A_1179, %get3A_1187 : vector<16xf32>
        %swap3A_1189 = arith.constant 0 : i32
        %swap3A_1190 = arith.constant 0 : i32
        %swap3A_1191 = tpu.memref_slice %arg9[%scan3A_166, %swap3A_1189, %swap3A_1190] : memref<2x16x1024xf32, #tpu.memory_space<vmem>> -> memref<1x16x1024xf32, #tpu.memory_space<vmem>>
        %swap3A_1192 = tpu.memref_squeeze %swap3A_1191 : memref<1x16x1024xf32, #tpu.memory_space<vmem>> -> memref<16x1024xf32, #tpu.memory_space<vmem>>
        %swap3A_1193 = arith.index_cast %add3A_263 : i32 to index
        %swap3A_1194 = arith.constant 560 : index
        %swap3A_1195 = tpu.vector_load %swap3A_1192[%swap3A_1193, %swap3A_1194] {strides = array<i32>} : memref<16x1024xf32, #tpu.memory_space<vmem>>, vector<1x16xf32>,
        %swap3A_1196 = vector.shape_cast %swap3A_1195 : vector<1x16xf32> to vector<16xf32>
        %swap3A_1197 = vector.shape_cast %add3A_1188 : vector<16xf32> to vector<1x16xf32>
        tpu.vector_store %swap3A_1192[%swap3A_1193, %swap3A_1194], %swap3A_1197 {strides = array<i32>} : memref<16x1024xf32, #tpu.memory_space<vmem>>, vector<1x16xf32>,
        %get3A_1198 = arith.constant 0 : i32
        %get3A_1199 = arith.constant 0 : i32
        %get3A_1200 = tpu.memref_slice %arg7[%scan3A_164, %get3A_1198, %get3A_1199] : memref<2x16x1024xf32, #tpu.memory_space<vmem>> -> memref<1x16x1024xf32, #tpu.memory_space<vmem>>
        %get3A_1201 = tpu.memref_squeeze %get3A_1200 : memref<1x16x1024xf32, #tpu.memory_space<vmem>> -> memref<16x1024xf32, #tpu.memory_space<vmem>>
        %get3A_1202 = arith.index_cast %add3A_263 : i32 to index
        %get3A_1203 = arith.constant 576 : index
        %get3A_1204 = tpu.vector_load %get3A_1201[%get3A_1202, %get3A_1203] {strides = array<i32>} : memref<16x1024xf32, #tpu.memory_space<vmem>>, vector<1x16xf32>,
        %get3A_1205 = vector.shape_cast %get3A_1204 : vector<1x16xf32> to vector<16xf32>
        %get3A_1206 = arith.constant 0 : i32
        %get3A_1207 = arith.constant 0 : i32
        %get3A_1208 = tpu.memref_slice %arg8[%scan3A_165, %get3A_1206, %get3A_1207] : memref<2x16x1024xf32, #tpu.memory_space<vmem>> -> memref<1x16x1024xf32, #tpu.memory_space<vmem>>
        %get3A_1209 = tpu.memref_squeeze %get3A_1208 : memref<1x16x1024xf32, #tpu.memory_space<vmem>> -> memref<16x1024xf32, #tpu.memory_space<vmem>>
        %get3A_1210 = arith.index_cast %add3A_263 : i32 to index
        %get3A_1211 = arith.constant 576 : index
        %get3A_1212 = tpu.vector_load %get3A_1209[%get3A_1210, %get3A_1211] {strides = array<i32>} : memref<16x1024xf32, #tpu.memory_space<vmem>>, vector<1x16xf32>,
        %get3A_1213 = vector.shape_cast %get3A_1212 : vector<1x16xf32> to vector<16xf32>
        %add3A_1214 = arith.addf %get3A_1205, %get3A_1213 : vector<16xf32>
        %swap3A_1215 = arith.constant 0 : i32
        %swap3A_1216 = arith.constant 0 : i32
        %swap3A_1217 = tpu.memref_slice %arg9[%scan3A_166, %swap3A_1215, %swap3A_1216] : memref<2x16x1024xf32, #tpu.memory_space<vmem>> -> memref<1x16x1024xf32, #tpu.memory_space<vmem>>
        %swap3A_1218 = tpu.memref_squeeze %swap3A_1217 : memref<1x16x1024xf32, #tpu.memory_space<vmem>> -> memref<16x1024xf32, #tpu.memory_space<vmem>>
        %swap3A_1219 = arith.index_cast %add3A_263 : i32 to index
        %swap3A_1220 = arith.constant 576 : index
        %swap3A_1221 = tpu.vector_load %swap3A_1218[%swap3A_1219, %swap3A_1220] {strides = array<i32>} : memref<16x1024xf32, #tpu.memory_space<vmem>>, vector<1x16xf32>,
        %swap3A_1222 = vector.shape_cast %swap3A_1221 : vector<1x16xf32> to vector<16xf32>
        %swap3A_1223 = vector.shape_cast %add3A_1214 : vector<16xf32> to vector<1x16xf32>
        tpu.vector_store %swap3A_1218[%swap3A_1219, %swap3A_1220], %swap3A_1223 {strides = array<i32>} : memref<16x1024xf32, #tpu.memory_space<vmem>>, vector<1x16xf32>,
        %get3A_1224 = arith.constant 0 : i32
        %get3A_1225 = arith.constant 0 : i32
        %get3A_1226 = tpu.memref_slice %arg7[%scan3A_164, %get3A_1224, %get3A_1225] : memref<2x16x1024xf32, #tpu.memory_space<vmem>> -> memref<1x16x1024xf32, #tpu.memory_space<vmem>>
        %get3A_1227 = tpu.memref_squeeze %get3A_1226 : memref<1x16x1024xf32, #tpu.memory_space<vmem>> -> memref<16x1024xf32, #tpu.memory_space<vmem>>
        %get3A_1228 = arith.index_cast %add3A_263 : i32 to index
        %get3A_1229 = arith.constant 592 : index
        %get3A_1230 = tpu.vector_load %get3A_1227[%get3A_1228, %get3A_1229] {strides = array<i32>} : memref<16x1024xf32, #tpu.memory_space<vmem>>, vector<1x16xf32>,
        %get3A_1231 = vector.shape_cast %get3A_1230 : vector<1x16xf32> to vector<16xf32>
        %get3A_1232 = arith.constant 0 : i32
        %get3A_1233 = arith.constant 0 : i32
        %get3A_1234 = tpu.memref_slice %arg8[%scan3A_165, %get3A_1232, %get3A_1233] : memref<2x16x1024xf32, #tpu.memory_space<vmem>> -> memref<1x16x1024xf32, #tpu.memory_space<vmem>>
        %get3A_1235 = tpu.memref_squeeze %get3A_1234 : memref<1x16x1024xf32, #tpu.memory_space<vmem>> -> memref<16x1024xf32, #tpu.memory_space<vmem>>
        %get3A_1236 = arith.index_cast %add3A_263 : i32 to index
        %get3A_1237 = arith.constant 592 : index
        %get3A_1238 = tpu.vector_load %get3A_1235[%get3A_1236, %get3A_1237] {strides = array<i32>} : memref<16x1024xf32, #tpu.memory_space<vmem>>, vector<1x16xf32>,
        %get3A_1239 = vector.shape_cast %get3A_1238 : vector<1x16xf32> to vector<16xf32>
        %add3A_1240 = arith.addf %get3A_1231, %get3A_1239 : vector<16xf32>
        %swap3A_1241 = arith.constant 0 : i32
        %swap3A_1242 = arith.constant 0 : i32
        %swap3A_1243 = tpu.memref_slice %arg9[%scan3A_166, %swap3A_1241, %swap3A_1242] : memref<2x16x1024xf32, #tpu.memory_space<vmem>> -> memref<1x16x1024xf32, #tpu.memory_space<vmem>>
        %swap3A_1244 = tpu.memref_squeeze %swap3A_1243 : memref<1x16x1024xf32, #tpu.memory_space<vmem>> -> memref<16x1024xf32, #tpu.memory_space<vmem>>
        %swap3A_1245 = arith.index_cast %add3A_263 : i32 to index
        %swap3A_1246 = arith.constant 592 : index
        %swap3A_1247 = tpu.vector_load %swap3A_1244[%swap3A_1245, %swap3A_1246] {strides = array<i32>} : memref<16x1024xf32, #tpu.memory_space<vmem>>, vector<1x16xf32>,
        %swap3A_1248 = vector.shape_cast %swap3A_1247 : vector<1x16xf32> to vector<16xf32>
        %swap3A_1249 = vector.shape_cast %add3A_1240 : vector<16xf32> to vector<1x16xf32>
        tpu.vector_store %swap3A_1244[%swap3A_1245, %swap3A_1246], %swap3A_1249 {strides = array<i32>} : memref<16x1024xf32, #tpu.memory_space<vmem>>, vector<1x16xf32>,
        %get3A_1250 = arith.constant 0 : i32
        %get3A_1251 = arith.constant 0 : i32
        %get3A_1252 = tpu.memref_slice %arg7[%scan3A_164, %get3A_1250, %get3A_1251] : memref<2x16x1024xf32, #tpu.memory_space<vmem>> -> memref<1x16x1024xf32, #tpu.memory_space<vmem>>
        %get3A_1253 = tpu.memref_squeeze %get3A_1252 : memref<1x16x1024xf32, #tpu.memory_space<vmem>> -> memref<16x1024xf32, #tpu.memory_space<vmem>>
        %get3A_1254 = arith.index_cast %add3A_263 : i32 to index
        %get3A_1255 = arith.constant 608 : index
        %get3A_1256 = tpu.vector_load %get3A_1253[%get3A_1254, %get3A_1255] {strides = array<i32>} : memref<16x1024xf32, #tpu.memory_space<vmem>>, vector<1x16xf32>,
        %get3A_1257 = vector.shape_cast %get3A_1256 : vector<1x16xf32> to vector<16xf32>
        %get3A_1258 = arith.constant 0 : i32
        %get3A_1259 = arith.constant 0 : i32
        %get3A_1260 = tpu.memref_slice %arg8[%scan3A_165, %get3A_1258, %get3A_1259] : memref<2x16x1024xf32, #tpu.memory_space<vmem>> -> memref<1x16x1024xf32, #tpu.memory_space<vmem>>
        %get3A_1261 = tpu.memref_squeeze %get3A_1260 : memref<1x16x1024xf32, #tpu.memory_space<vmem>> -> memref<16x1024xf32, #tpu.memory_space<vmem>>
        %get3A_1262 = arith.index_cast %add3A_263 : i32 to index
        %get3A_1263 = arith.constant 608 : index
        %get3A_1264 = tpu.vector_load %get3A_1261[%get3A_1262, %get3A_1263] {strides = array<i32>} : memref<16x1024xf32, #tpu.memory_space<vmem>>, vector<1x16xf32>,
        %get3A_1265 = vector.shape_cast %get3A_1264 : vector<1x16xf32> to vector<16xf32>
        %add3A_1266 = arith.addf %get3A_1257, %get3A_1265 : vector<16xf32>
        %swap3A_1267 = arith.constant 0 : i32
        %swap3A_1268 = arith.constant 0 : i32
        %swap3A_1269 = tpu.memref_slice %arg9[%scan3A_166, %swap3A_1267, %swap3A_1268] : memref<2x16x1024xf32, #tpu.memory_space<vmem>> -> memref<1x16x1024xf32, #tpu.memory_space<vmem>>
        %swap3A_1270 = tpu.memref_squeeze %swap3A_1269 : memref<1x16x1024xf32, #tpu.memory_space<vmem>> -> memref<16x1024xf32, #tpu.memory_space<vmem>>
        %swap3A_1271 = arith.index_cast %add3A_263 : i32 to index
        %swap3A_1272 = arith.constant 608 : index
        %swap3A_1273 = tpu.vector_load %swap3A_1270[%swap3A_1271, %swap3A_1272] {strides = array<i32>} : memref<16x1024xf32, #tpu.memory_space<vmem>>, vector<1x16xf32>,
        %swap3A_1274 = vector.shape_cast %swap3A_1273 : vector<1x16xf32> to vector<16xf32>
        %swap3A_1275 = vector.shape_cast %add3A_1266 : vector<16xf32> to vector<1x16xf32>
        tpu.vector_store %swap3A_1270[%swap3A_1271, %swap3A_1272], %swap3A_1275 {strides = array<i32>} : memref<16x1024xf32, #tpu.memory_space<vmem>>, vector<1x16xf32>,
        %get3A_1276 = arith.constant 0 : i32
        %get3A_1277 = arith.constant 0 : i32
        %get3A_1278 = tpu.memref_slice %arg7[%scan3A_164, %get3A_1276, %get3A_1277] : memref<2x16x1024xf32, #tpu.memory_space<vmem>> -> memref<1x16x1024xf32, #tpu.memory_space<vmem>>
        %get3A_1279 = tpu.memref_squeeze %get3A_1278 : memref<1x16x1024xf32, #tpu.memory_space<vmem>> -> memref<16x1024xf32, #tpu.memory_space<vmem>>
        %get3A_1280 = arith.index_cast %add3A_263 : i32 to index
        %get3A_1281 = arith.constant 624 : index
        %get3A_1282 = tpu.vector_load %get3A_1279[%get3A_1280, %get3A_1281] {strides = array<i32>} : memref<16x1024xf32, #tpu.memory_space<vmem>>, vector<1x16xf32>,
        %get3A_1283 = vector.shape_cast %get3A_1282 : vector<1x16xf32> to vector<16xf32>
        %get3A_1284 = arith.constant 0 : i32
        %get3A_1285 = arith.constant 0 : i32
        %get3A_1286 = tpu.memref_slice %arg8[%scan3A_165, %get3A_1284, %get3A_1285] : memref<2x16x1024xf32, #tpu.memory_space<vmem>> -> memref<1x16x1024xf32, #tpu.memory_space<vmem>>
        %get3A_1287 = tpu.memref_squeeze %get3A_1286 : memref<1x16x1024xf32, #tpu.memory_space<vmem>> -> memref<16x1024xf32, #tpu.memory_space<vmem>>
        %get3A_1288 = arith.index_cast %add3A_263 : i32 to index
        %get3A_1289 = arith.constant 624 : index
        %get3A_1290 = tpu.vector_load %get3A_1287[%get3A_1288, %get3A_1289] {strides = array<i32>} : memref<16x1024xf32, #tpu.memory_space<vmem>>, vector<1x16xf32>,
        %get3A_1291 = vector.shape_cast %get3A_1290 : vector<1x16xf32> to vector<16xf32>
        %add3A_1292 = arith.addf %get3A_1283, %get3A_1291 : vector<16xf32>
        %swap3A_1293 = arith.constant 0 : i32
        %swap3A_1294 = arith.constant 0 : i32
        %swap3A_1295 = tpu.memref_slice %arg9[%scan3A_166, %swap3A_1293, %swap3A_1294] : memref<2x16x1024xf32, #tpu.memory_space<vmem>> -> memref<1x16x1024xf32, #tpu.memory_space<vmem>>
        %swap3A_1296 = tpu.memref_squeeze %swap3A_1295 : memref<1x16x1024xf32, #tpu.memory_space<vmem>> -> memref<16x1024xf32, #tpu.memory_space<vmem>>
        %swap3A_1297 = arith.index_cast %add3A_263 : i32 to index
        %swap3A_1298 = arith.constant 624 : index
        %swap3A_1299 = tpu.vector_load %swap3A_1296[%swap3A_1297, %swap3A_1298] {strides = array<i32>} : memref<16x1024xf32, #tpu.memory_space<vmem>>, vector<1x16xf32>,
        %swap3A_1300 = vector.shape_cast %swap3A_1299 : vector<1x16xf32> to vector<16xf32>
        %swap3A_1301 = vector.shape_cast %add3A_1292 : vector<16xf32> to vector<1x16xf32>
        tpu.vector_store %swap3A_1296[%swap3A_1297, %swap3A_1298], %swap3A_1301 {strides = array<i32>} : memref<16x1024xf32, #tpu.memory_space<vmem>>, vector<1x16xf32>,
        %get3A_1302 = arith.constant 0 : i32
        %get3A_1303 = arith.constant 0 : i32
        %get3A_1304 = tpu.memref_slice %arg7[%scan3A_164, %get3A_1302, %get3A_1303] : memref<2x16x1024xf32, #tpu.memory_space<vmem>> -> memref<1x16x1024xf32, #tpu.memory_space<vmem>>
        %get3A_1305 = tpu.memref_squeeze %get3A_1304 : memref<1x16x1024xf32, #tpu.memory_space<vmem>> -> memref<16x1024xf32, #tpu.memory_space<vmem>>
        %get3A_1306 = arith.index_cast %add3A_263 : i32 to index
        %get3A_1307 = arith.constant 640 : index
        %get3A_1308 = tpu.vector_load %get3A_1305[%get3A_1306, %get3A_1307] {strides = array<i32>} : memref<16x1024xf32, #tpu.memory_space<vmem>>, vector<1x16xf32>,
        %get3A_1309 = vector.shape_cast %get3A_1308 : vector<1x16xf32> to vector<16xf32>
        %get3A_1310 = arith.constant 0 : i32
        %get3A_1311 = arith.constant 0 : i32
        %get3A_1312 = tpu.memref_slice %arg8[%scan3A_165, %get3A_1310, %get3A_1311] : memref<2x16x1024xf32, #tpu.memory_space<vmem>> -> memref<1x16x1024xf32, #tpu.memory_space<vmem>>
        %get3A_1313 = tpu.memref_squeeze %get3A_1312 : memref<1x16x1024xf32, #tpu.memory_space<vmem>> -> memref<16x1024xf32, #tpu.memory_space<vmem>>
        %get3A_1314 = arith.index_cast %add3A_263 : i32 to index
        %get3A_1315 = arith.constant 640 : index
        %get3A_1316 = tpu.vector_load %get3A_1313[%get3A_1314, %get3A_1315] {strides = array<i32>} : memref<16x1024xf32, #tpu.memory_space<vmem>>, vector<1x16xf32>,
        %get3A_1317 = vector.shape_cast %get3A_1316 : vector<1x16xf32> to vector<16xf32>
        %add3A_1318 = arith.addf %get3A_1309, %get3A_1317 : vector<16xf32>
        %swap3A_1319 = arith.constant 0 : i32
        %swap3A_1320 = arith.constant 0 : i32
        %swap3A_1321 = tpu.memref_slice %arg9[%scan3A_166, %swap3A_1319, %swap3A_1320] : memref<2x16x1024xf32, #tpu.memory_space<vmem>> -> memref<1x16x1024xf32, #tpu.memory_space<vmem>>
        %swap3A_1322 = tpu.memref_squeeze %swap3A_1321 : memref<1x16x1024xf32, #tpu.memory_space<vmem>> -> memref<16x1024xf32, #tpu.memory_space<vmem>>
        %swap3A_1323 = arith.index_cast %add3A_263 : i32 to index
        %swap3A_1324 = arith.constant 640 : index
        %swap3A_1325 = tpu.vector_load %swap3A_1322[%swap3A_1323, %swap3A_1324] {strides = array<i32>} : memref<16x1024xf32, #tpu.memory_space<vmem>>, vector<1x16xf32>,
        %swap3A_1326 = vector.shape_cast %swap3A_1325 : vector<1x16xf32> to vector<16xf32>
        %swap3A_1327 = vector.shape_cast %add3A_1318 : vector<16xf32> to vector<1x16xf32>
        tpu.vector_store %swap3A_1322[%swap3A_1323, %swap3A_1324], %swap3A_1327 {strides = array<i32>} : memref<16x1024xf32, #tpu.memory_space<vmem>>, vector<1x16xf32>,
        %get3A_1328 = arith.constant 0 : i32
        %get3A_1329 = arith.constant 0 : i32
        %get3A_1330 = tpu.memref_slice %arg7[%scan3A_164, %get3A_1328, %get3A_1329] : memref<2x16x1024xf32, #tpu.memory_space<vmem>> -> memref<1x16x1024xf32, #tpu.memory_space<vmem>>
        %get3A_1331 = tpu.memref_squeeze %get3A_1330 : memref<1x16x1024xf32, #tpu.memory_space<vmem>> -> memref<16x1024xf32, #tpu.memory_space<vmem>>
        %get3A_1332 = arith.index_cast %add3A_263 : i32 to index
        %get3A_1333 = arith.constant 656 : index
        %get3A_1334 = tpu.vector_load %get3A_1331[%get3A_1332, %get3A_1333] {strides = array<i32>} : memref<16x1024xf32, #tpu.memory_space<vmem>>, vector<1x16xf32>,
        %get3A_1335 = vector.shape_cast %get3A_1334 : vector<1x16xf32> to vector<16xf32>
        %get3A_1336 = arith.constant 0 : i32
        %get3A_1337 = arith.constant 0 : i32
        %get3A_1338 = tpu.memref_slice %arg8[%scan3A_165, %get3A_1336, %get3A_1337] : memref<2x16x1024xf32, #tpu.memory_space<vmem>> -> memref<1x16x1024xf32, #tpu.memory_space<vmem>>
        %get3A_1339 = tpu.memref_squeeze %get3A_1338 : memref<1x16x1024xf32, #tpu.memory_space<vmem>> -> memref<16x1024xf32, #tpu.memory_space<vmem>>
        %get3A_1340 = arith.index_cast %add3A_263 : i32 to index
        %get3A_1341 = arith.constant 656 : index
        %get3A_1342 = tpu.vector_load %get3A_1339[%get3A_1340, %get3A_1341] {strides = array<i32>} : memref<16x1024xf32, #tpu.memory_space<vmem>>, vector<1x16xf32>,
        %get3A_1343 = vector.shape_cast %get3A_1342 : vector<1x16xf32> to vector<16xf32>
        %add3A_1344 = arith.addf %get3A_1335, %get3A_1343 : vector<16xf32>
        %swap3A_1345 = arith.constant 0 : i32
        %swap3A_1346 = arith.constant 0 : i32
        %swap3A_1347 = tpu.memref_slice %arg9[%scan3A_166, %swap3A_1345, %swap3A_1346] : memref<2x16x1024xf32, #tpu.memory_space<vmem>> -> memref<1x16x1024xf32, #tpu.memory_space<vmem>>
        %swap3A_1348 = tpu.memref_squeeze %swap3A_1347 : memref<1x16x1024xf32, #tpu.memory_space<vmem>> -> memref<16x1024xf32, #tpu.memory_space<vmem>>
        %swap3A_1349 = arith.index_cast %add3A_263 : i32 to index
        %swap3A_1350 = arith.constant 656 : index
        %swap3A_1351 = tpu.vector_load %swap3A_1348[%swap3A_1349, %swap3A_1350] {strides = array<i32>} : memref<16x1024xf32, #tpu.memory_space<vmem>>, vector<1x16xf32>,
        %swap3A_1352 = vector.shape_cast %swap3A_1351 : vector<1x16xf32> to vector<16xf32>
        %swap3A_1353 = vector.shape_cast %add3A_1344 : vector<16xf32> to vector<1x16xf32>
        tpu.vector_store %swap3A_1348[%swap3A_1349, %swap3A_1350], %swap3A_1353 {strides = array<i32>} : memref<16x1024xf32, #tpu.memory_space<vmem>>, vector<1x16xf32>,
        %get3A_1354 = arith.constant 0 : i32
        %get3A_1355 = arith.constant 0 : i32
        %get3A_1356 = tpu.memref_slice %arg7[%scan3A_164, %get3A_1354, %get3A_1355] : memref<2x16x1024xf32, #tpu.memory_space<vmem>> -> memref<1x16x1024xf32, #tpu.memory_space<vmem>>
        %get3A_1357 = tpu.memref_squeeze %get3A_1356 : memref<1x16x1024xf32, #tpu.memory_space<vmem>> -> memref<16x1024xf32, #tpu.memory_space<vmem>>
        %get3A_1358 = arith.index_cast %add3A_263 : i32 to index
        %get3A_1359 = arith.constant 672 : index
        %get3A_1360 = tpu.vector_load %get3A_1357[%get3A_1358, %get3A_1359] {strides = array<i32>} : memref<16x1024xf32, #tpu.memory_space<vmem>>, vector<1x16xf32>,
        %get3A_1361 = vector.shape_cast %get3A_1360 : vector<1x16xf32> to vector<16xf32>
        %get3A_1362 = arith.constant 0 : i32
        %get3A_1363 = arith.constant 0 : i32
        %get3A_1364 = tpu.memref_slice %arg8[%scan3A_165, %get3A_1362, %get3A_1363] : memref<2x16x1024xf32, #tpu.memory_space<vmem>> -> memref<1x16x1024xf32, #tpu.memory_space<vmem>>
        %get3A_1365 = tpu.memref_squeeze %get3A_1364 : memref<1x16x1024xf32, #tpu.memory_space<vmem>> -> memref<16x1024xf32, #tpu.memory_space<vmem>>
        %get3A_1366 = arith.index_cast %add3A_263 : i32 to index
        %get3A_1367 = arith.constant 672 : index
        %get3A_1368 = tpu.vector_load %get3A_1365[%get3A_1366, %get3A_1367] {strides = array<i32>} : memref<16x1024xf32, #tpu.memory_space<vmem>>, vector<1x16xf32>,
        %get3A_1369 = vector.shape_cast %get3A_1368 : vector<1x16xf32> to vector<16xf32>
        %add3A_1370 = arith.addf %get3A_1361, %get3A_1369 : vector<16xf32>
        %swap3A_1371 = arith.constant 0 : i32
        %swap3A_1372 = arith.constant 0 : i32
        %swap3A_1373 = tpu.memref_slice %arg9[%scan3A_166, %swap3A_1371, %swap3A_1372] : memref<2x16x1024xf32, #tpu.memory_space<vmem>> -> memref<1x16x1024xf32, #tpu.memory_space<vmem>>
        %swap3A_1374 = tpu.memref_squeeze %swap3A_1373 : memref<1x16x1024xf32, #tpu.memory_space<vmem>> -> memref<16x1024xf32, #tpu.memory_space<vmem>>
        %swap3A_1375 = arith.index_cast %add3A_263 : i32 to index
        %swap3A_1376 = arith.constant 672 : index
        %swap3A_1377 = tpu.vector_load %swap3A_1374[%swap3A_1375, %swap3A_1376] {strides = array<i32>} : memref<16x1024xf32, #tpu.memory_space<vmem>>, vector<1x16xf32>,
        %swap3A_1378 = vector.shape_cast %swap3A_1377 : vector<1x16xf32> to vector<16xf32>
        %swap3A_1379 = vector.shape_cast %add3A_1370 : vector<16xf32> to vector<1x16xf32>
        tpu.vector_store %swap3A_1374[%swap3A_1375, %swap3A_1376], %swap3A_1379 {strides = array<i32>} : memref<16x1024xf32, #tpu.memory_space<vmem>>, vector<1x16xf32>,
        %get3A_1380 = arith.constant 0 : i32
        %get3A_1381 = arith.constant 0 : i32
        %get3A_1382 = tpu.memref_slice %arg7[%scan3A_164, %get3A_1380, %get3A_1381] : memref<2x16x1024xf32, #tpu.memory_space<vmem>> -> memref<1x16x1024xf32, #tpu.memory_space<vmem>>
        %get3A_1383 = tpu.memref_squeeze %get3A_1382 : memref<1x16x1024xf32, #tpu.memory_space<vmem>> -> memref<16x1024xf32, #tpu.memory_space<vmem>>
        %get3A_1384 = arith.index_cast %add3A_263 : i32 to index
        %get3A_1385 = arith.constant 688 : index
        %get3A_1386 = tpu.vector_load %get3A_1383[%get3A_1384, %get3A_1385] {strides = array<i32>} : memref<16x1024xf32, #tpu.memory_space<vmem>>, vector<1x16xf32>,
        %get3A_1387 = vector.shape_cast %get3A_1386 : vector<1x16xf32> to vector<16xf32>
        %get3A_1388 = arith.constant 0 : i32
        %get3A_1389 = arith.constant 0 : i32
        %get3A_1390 = tpu.memref_slice %arg8[%scan3A_165, %get3A_1388, %get3A_1389] : memref<2x16x1024xf32, #tpu.memory_space<vmem>> -> memref<1x16x1024xf32, #tpu.memory_space<vmem>>
        %get3A_1391 = tpu.memref_squeeze %get3A_1390 : memref<1x16x1024xf32, #tpu.memory_space<vmem>> -> memref<16x1024xf32, #tpu.memory_space<vmem>>
        %get3A_1392 = arith.index_cast %add3A_263 : i32 to index
        %get3A_1393 = arith.constant 688 : index
        %get3A_1394 = tpu.vector_load %get3A_1391[%get3A_1392, %get3A_1393] {strides = array<i32>} : memref<16x1024xf32, #tpu.memory_space<vmem>>, vector<1x16xf32>,
        %get3A_1395 = vector.shape_cast %get3A_1394 : vector<1x16xf32> to vector<16xf32>
        %add3A_1396 = arith.addf %get3A_1387, %get3A_1395 : vector<16xf32>
        %swap3A_1397 = arith.constant 0 : i32
        %swap3A_1398 = arith.constant 0 : i32
        %swap3A_1399 = tpu.memref_slice %arg9[%scan3A_166, %swap3A_1397, %swap3A_1398] : memref<2x16x1024xf32, #tpu.memory_space<vmem>> -> memref<1x16x1024xf32, #tpu.memory_space<vmem>>
        %swap3A_1400 = tpu.memref_squeeze %swap3A_1399 : memref<1x16x1024xf32, #tpu.memory_space<vmem>> -> memref<16x1024xf32, #tpu.memory_space<vmem>>
        %swap3A_1401 = arith.index_cast %add3A_263 : i32 to index
        %swap3A_1402 = arith.constant 688 : index
        %swap3A_1403 = tpu.vector_load %swap3A_1400[%swap3A_1401, %swap3A_1402] {strides = array<i32>} : memref<16x1024xf32, #tpu.memory_space<vmem>>, vector<1x16xf32>,
        %swap3A_1404 = vector.shape_cast %swap3A_1403 : vector<1x16xf32> to vector<16xf32>
        %swap3A_1405 = vector.shape_cast %add3A_1396 : vector<16xf32> to vector<1x16xf32>
        tpu.vector_store %swap3A_1400[%swap3A_1401, %swap3A_1402], %swap3A_1405 {strides = array<i32>} : memref<16x1024xf32, #tpu.memory_space<vmem>>, vector<1x16xf32>,
        %get3A_1406 = arith.constant 0 : i32
        %get3A_1407 = arith.constant 0 : i32
        %get3A_1408 = tpu.memref_slice %arg7[%scan3A_164, %get3A_1406, %get3A_1407] : memref<2x16x1024xf32, #tpu.memory_space<vmem>> -> memref<1x16x1024xf32, #tpu.memory_space<vmem>>
        %get3A_1409 = tpu.memref_squeeze %get3A_1408 : memref<1x16x1024xf32, #tpu.memory_space<vmem>> -> memref<16x1024xf32, #tpu.memory_space<vmem>>
        %get3A_1410 = arith.index_cast %add3A_263 : i32 to index
        %get3A_1411 = arith.constant 704 : index
        %get3A_1412 = tpu.vector_load %get3A_1409[%get3A_1410, %get3A_1411] {strides = array<i32>} : memref<16x1024xf32, #tpu.memory_space<vmem>>, vector<1x16xf32>,
        %get3A_1413 = vector.shape_cast %get3A_1412 : vector<1x16xf32> to vector<16xf32>
        %get3A_1414 = arith.constant 0 : i32
        %get3A_1415 = arith.constant 0 : i32
        %get3A_1416 = tpu.memref_slice %arg8[%scan3A_165, %get3A_1414, %get3A_1415] : memref<2x16x1024xf32, #tpu.memory_space<vmem>> -> memref<1x16x1024xf32, #tpu.memory_space<vmem>>
        %get3A_1417 = tpu.memref_squeeze %get3A_1416 : memref<1x16x1024xf32, #tpu.memory_space<vmem>> -> memref<16x1024xf32, #tpu.memory_space<vmem>>
        %get3A_1418 = arith.index_cast %add3A_263 : i32 to index
        %get3A_1419 = arith.constant 704 : index
        %get3A_1420 = tpu.vector_load %get3A_1417[%get3A_1418, %get3A_1419] {strides = array<i32>} : memref<16x1024xf32, #tpu.memory_space<vmem>>, vector<1x16xf32>,
        %get3A_1421 = vector.shape_cast %get3A_1420 : vector<1x16xf32> to vector<16xf32>
        %add3A_1422 = arith.addf %get3A_1413, %get3A_1421 : vector<16xf32>
        %swap3A_1423 = arith.constant 0 : i32
        %swap3A_1424 = arith.constant 0 : i32
        %swap3A_1425 = tpu.memref_slice %arg9[%scan3A_166, %swap3A_1423, %swap3A_1424] : memref<2x16x1024xf32, #tpu.memory_space<vmem>> -> memref<1x16x1024xf32, #tpu.memory_space<vmem>>
        %swap3A_1426 = tpu.memref_squeeze %swap3A_1425 : memref<1x16x1024xf32, #tpu.memory_space<vmem>> -> memref<16x1024xf32, #tpu.memory_space<vmem>>
        %swap3A_1427 = arith.index_cast %add3A_263 : i32 to index
        %swap3A_1428 = arith.constant 704 : index
        %swap3A_1429 = tpu.vector_load %swap3A_1426[%swap3A_1427, %swap3A_1428] {strides = array<i32>} : memref<16x1024xf32, #tpu.memory_space<vmem>>, vector<1x16xf32>,
        %swap3A_1430 = vector.shape_cast %swap3A_1429 : vector<1x16xf32> to vector<16xf32>
        %swap3A_1431 = vector.shape_cast %add3A_1422 : vector<16xf32> to vector<1x16xf32>
        tpu.vector_store %swap3A_1426[%swap3A_1427, %swap3A_1428], %swap3A_1431 {strides = array<i32>} : memref<16x1024xf32, #tpu.memory_space<vmem>>, vector<1x16xf32>,
        %get3A_1432 = arith.constant 0 : i32
        %get3A_1433 = arith.constant 0 : i32
        %get3A_1434 = tpu.memref_slice %arg7[%scan3A_164, %get3A_1432, %get3A_1433] : memref<2x16x1024xf32, #tpu.memory_space<vmem>> -> memref<1x16x1024xf32, #tpu.memory_space<vmem>>
        %get3A_1435 = tpu.memref_squeeze %get3A_1434 : memref<1x16x1024xf32, #tpu.memory_space<vmem>> -> memref<16x1024xf32, #tpu.memory_space<vmem>>
        %get3A_1436 = arith.index_cast %add3A_263 : i32 to index
        %get3A_1437 = arith.constant 720 : index
        %get3A_1438 = tpu.vector_load %get3A_1435[%get3A_1436, %get3A_1437] {strides = array<i32>} : memref<16x1024xf32, #tpu.memory_space<vmem>>, vector<1x16xf32>,
        %get3A_1439 = vector.shape_cast %get3A_1438 : vector<1x16xf32> to vector<16xf32>
        %get3A_1440 = arith.constant 0 : i32
        %get3A_1441 = arith.constant 0 : i32
        %get3A_1442 = tpu.memref_slice %arg8[%scan3A_165, %get3A_1440, %get3A_1441] : memref<2x16x1024xf32, #tpu.memory_space<vmem>> -> memref<1x16x1024xf32, #tpu.memory_space<vmem>>
        %get3A_1443 = tpu.memref_squeeze %get3A_1442 : memref<1x16x1024xf32, #tpu.memory_space<vmem>> -> memref<16x1024xf32, #tpu.memory_space<vmem>>
        %get3A_1444 = arith.index_cast %add3A_263 : i32 to index
        %get3A_1445 = arith.constant 720 : index
        %get3A_1446 = tpu.vector_load %get3A_1443[%get3A_1444, %get3A_1445] {strides = array<i32>} : memref<16x1024xf32, #tpu.memory_space<vmem>>, vector<1x16xf32>,
        %get3A_1447 = vector.shape_cast %get3A_1446 : vector<1x16xf32> to vector<16xf32>
        %add3A_1448 = arith.addf %get3A_1439, %get3A_1447 : vector<16xf32>
        %swap3A_1449 = arith.constant 0 : i32
        %swap3A_1450 = arith.constant 0 : i32
        %swap3A_1451 = tpu.memref_slice %arg9[%scan3A_166, %swap3A_1449, %swap3A_1450] : memref<2x16x1024xf32, #tpu.memory_space<vmem>> -> memref<1x16x1024xf32, #tpu.memory_space<vmem>>
        %swap3A_1452 = tpu.memref_squeeze %swap3A_1451 : memref<1x16x1024xf32, #tpu.memory_space<vmem>> -> memref<16x1024xf32, #tpu.memory_space<vmem>>
        %swap3A_1453 = arith.index_cast %add3A_263 : i32 to index
        %swap3A_1454 = arith.constant 720 : index
        %swap3A_1455 = tpu.vector_load %swap3A_1452[%swap3A_1453, %swap3A_1454] {strides = array<i32>} : memref<16x1024xf32, #tpu.memory_space<vmem>>, vector<1x16xf32>,
        %swap3A_1456 = vector.shape_cast %swap3A_1455 : vector<1x16xf32> to vector<16xf32>
        %swap3A_1457 = vector.shape_cast %add3A_1448 : vector<16xf32> to vector<1x16xf32>
        tpu.vector_store %swap3A_1452[%swap3A_1453, %swap3A_1454], %swap3A_1457 {strides = array<i32>} : memref<16x1024xf32, #tpu.memory_space<vmem>>, vector<1x16xf32>,
        %get3A_1458 = arith.constant 0 : i32
        %get3A_1459 = arith.constant 0 : i32
        %get3A_1460 = tpu.memref_slice %arg7[%scan3A_164, %get3A_1458, %get3A_1459] : memref<2x16x1024xf32, #tpu.memory_space<vmem>> -> memref<1x16x1024xf32, #tpu.memory_space<vmem>>
        %get3A_1461 = tpu.memref_squeeze %get3A_1460 : memref<1x16x1024xf32, #tpu.memory_space<vmem>> -> memref<16x1024xf32, #tpu.memory_space<vmem>>
        %get3A_1462 = arith.index_cast %add3A_263 : i32 to index
        %get3A_1463 = arith.constant 736 : index
        %get3A_1464 = tpu.vector_load %get3A_1461[%get3A_1462, %get3A_1463] {strides = array<i32>} : memref<16x1024xf32, #tpu.memory_space<vmem>>, vector<1x16xf32>,
        %get3A_1465 = vector.shape_cast %get3A_1464 : vector<1x16xf32> to vector<16xf32>
        %get3A_1466 = arith.constant 0 : i32
        %get3A_1467 = arith.constant 0 : i32
        %get3A_1468 = tpu.memref_slice %arg8[%scan3A_165, %get3A_1466, %get3A_1467] : memref<2x16x1024xf32, #tpu.memory_space<vmem>> -> memref<1x16x1024xf32, #tpu.memory_space<vmem>>
        %get3A_1469 = tpu.memref_squeeze %get3A_1468 : memref<1x16x1024xf32, #tpu.memory_space<vmem>> -> memref<16x1024xf32, #tpu.memory_space<vmem>>
        %get3A_1470 = arith.index_cast %add3A_263 : i32 to index
        %get3A_1471 = arith.constant 736 : index
        %get3A_1472 = tpu.vector_load %get3A_1469[%get3A_1470, %get3A_1471] {strides = array<i32>} : memref<16x1024xf32, #tpu.memory_space<vmem>>, vector<1x16xf32>,
        %get3A_1473 = vector.shape_cast %get3A_1472 : vector<1x16xf32> to vector<16xf32>
        %add3A_1474 = arith.addf %get3A_1465, %get3A_1473 : vector<16xf32>
        %swap3A_1475 = arith.constant 0 : i32
        %swap3A_1476 = arith.constant 0 : i32
        %swap3A_1477 = tpu.memref_slice %arg9[%scan3A_166, %swap3A_1475, %swap3A_1476] : memref<2x16x1024xf32, #tpu.memory_space<vmem>> -> memref<1x16x1024xf32, #tpu.memory_space<vmem>>
        %swap3A_1478 = tpu.memref_squeeze %swap3A_1477 : memref<1x16x1024xf32, #tpu.memory_space<vmem>> -> memref<16x1024xf32, #tpu.memory_space<vmem>>
        %swap3A_1479 = arith.index_cast %add3A_263 : i32 to index
        %swap3A_1480 = arith.constant 736 : index
        %swap3A_1481 = tpu.vector_load %swap3A_1478[%swap3A_1479, %swap3A_1480] {strides = array<i32>} : memref<16x1024xf32, #tpu.memory_space<vmem>>, vector<1x16xf32>,
        %swap3A_1482 = vector.shape_cast %swap3A_1481 : vector<1x16xf32> to vector<16xf32>
        %swap3A_1483 = vector.shape_cast %add3A_1474 : vector<16xf32> to vector<1x16xf32>
        tpu.vector_store %swap3A_1478[%swap3A_1479, %swap3A_1480], %swap3A_1483 {strides = array<i32>} : memref<16x1024xf32, #tpu.memory_space<vmem>>, vector<1x16xf32>,
        %get3A_1484 = arith.constant 0 : i32
        %get3A_1485 = arith.constant 0 : i32
        %get3A_1486 = tpu.memref_slice %arg7[%scan3A_164, %get3A_1484, %get3A_1485] : memref<2x16x1024xf32, #tpu.memory_space<vmem>> -> memref<1x16x1024xf32, #tpu.memory_space<vmem>>
        %get3A_1487 = tpu.memref_squeeze %get3A_1486 : memref<1x16x1024xf32, #tpu.memory_space<vmem>> -> memref<16x1024xf32, #tpu.memory_space<vmem>>
        %get3A_1488 = arith.index_cast %add3A_263 : i32 to index
        %get3A_1489 = arith.constant 752 : index
        %get3A_1490 = tpu.vector_load %get3A_1487[%get3A_1488, %get3A_1489] {strides = array<i32>} : memref<16x1024xf32, #tpu.memory_space<vmem>>, vector<1x16xf32>,
        %get3A_1491 = vector.shape_cast %get3A_1490 : vector<1x16xf32> to vector<16xf32>
        %get3A_1492 = arith.constant 0 : i32
        %get3A_1493 = arith.constant 0 : i32
        %get3A_1494 = tpu.memref_slice %arg8[%scan3A_165, %get3A_1492, %get3A_1493] : memref<2x16x1024xf32, #tpu.memory_space<vmem>> -> memref<1x16x1024xf32, #tpu.memory_space<vmem>>
        %get3A_1495 = tpu.memref_squeeze %get3A_1494 : memref<1x16x1024xf32, #tpu.memory_space<vmem>> -> memref<16x1024xf32, #tpu.memory_space<vmem>>
        %get3A_1496 = arith.index_cast %add3A_263 : i32 to index
        %get3A_1497 = arith.constant 752 : index
        %get3A_1498 = tpu.vector_load %get3A_1495[%get3A_1496, %get3A_1497] {strides = array<i32>} : memref<16x1024xf32, #tpu.memory_space<vmem>>, vector<1x16xf32>,
        %get3A_1499 = vector.shape_cast %get3A_1498 : vector<1x16xf32> to vector<16xf32>
        %add3A_1500 = arith.addf %get3A_1491, %get3A_1499 : vector<16xf32>
        %swap3A_1501 = arith.constant 0 : i32
        %swap3A_1502 = arith.constant 0 : i32
        %swap3A_1503 = tpu.memref_slice %arg9[%scan3A_166, %swap3A_1501, %swap3A_1502] : memref<2x16x1024xf32, #tpu.memory_space<vmem>> -> memref<1x16x1024xf32, #tpu.memory_space<vmem>>
        %swap3A_1504 = tpu.memref_squeeze %swap3A_1503 : memref<1x16x1024xf32, #tpu.memory_space<vmem>> -> memref<16x1024xf32, #tpu.memory_space<vmem>>
        %swap3A_1505 = arith.index_cast %add3A_263 : i32 to index
        %swap3A_1506 = arith.constant 752 : index
        %swap3A_1507 = tpu.vector_load %swap3A_1504[%swap3A_1505, %swap3A_1506] {strides = array<i32>} : memref<16x1024xf32, #tpu.memory_space<vmem>>, vector<1x16xf32>,
        %swap3A_1508 = vector.shape_cast %swap3A_1507 : vector<1x16xf32> to vector<16xf32>
        %swap3A_1509 = vector.shape_cast %add3A_1500 : vector<16xf32> to vector<1x16xf32>
        tpu.vector_store %swap3A_1504[%swap3A_1505, %swap3A_1506], %swap3A_1509 {strides = array<i32>} : memref<16x1024xf32, #tpu.memory_space<vmem>>, vector<1x16xf32>,
        %get3A_1510 = arith.constant 0 : i32
        %get3A_1511 = arith.constant 0 : i32
        %get3A_1512 = tpu.memref_slice %arg7[%scan3A_164, %get3A_1510, %get3A_1511] : memref<2x16x1024xf32, #tpu.memory_space<vmem>> -> memref<1x16x1024xf32, #tpu.memory_space<vmem>>
        %get3A_1513 = tpu.memref_squeeze %get3A_1512 : memref<1x16x1024xf32, #tpu.memory_space<vmem>> -> memref<16x1024xf32, #tpu.memory_space<vmem>>
        %get3A_1514 = arith.index_cast %add3A_263 : i32 to index
        %get3A_1515 = arith.constant 768 : index
        %get3A_1516 = tpu.vector_load %get3A_1513[%get3A_1514, %get3A_1515] {strides = array<i32>} : memref<16x1024xf32, #tpu.memory_space<vmem>>, vector<1x16xf32>,
        %get3A_1517 = vector.shape_cast %get3A_1516 : vector<1x16xf32> to vector<16xf32>
        %get3A_1518 = arith.constant 0 : i32
        %get3A_1519 = arith.constant 0 : i32
        %get3A_1520 = tpu.memref_slice %arg8[%scan3A_165, %get3A_1518, %get3A_1519] : memref<2x16x1024xf32, #tpu.memory_space<vmem>> -> memref<1x16x1024xf32, #tpu.memory_space<vmem>>
        %get3A_1521 = tpu.memref_squeeze %get3A_1520 : memref<1x16x1024xf32, #tpu.memory_space<vmem>> -> memref<16x1024xf32, #tpu.memory_space<vmem>>
        %get3A_1522 = arith.index_cast %add3A_263 : i32 to index
        %get3A_1523 = arith.constant 768 : index
        %get3A_1524 = tpu.vector_load %get3A_1521[%get3A_1522, %get3A_1523] {strides = array<i32>} : memref<16x1024xf32, #tpu.memory_space<vmem>>, vector<1x16xf32>,
        %get3A_1525 = vector.shape_cast %get3A_1524 : vector<1x16xf32> to vector<16xf32>
        %add3A_1526 = arith.addf %get3A_1517, %get3A_1525 : vector<16xf32>
        %swap3A_1527 = arith.constant 0 : i32
        %swap3A_1528 = arith.constant 0 : i32
        %swap3A_1529 = tpu.memref_slice %arg9[%scan3A_166, %swap3A_1527, %swap3A_1528] : memref<2x16x1024xf32, #tpu.memory_space<vmem>> -> memref<1x16x1024xf32, #tpu.memory_space<vmem>>
        %swap3A_1530 = tpu.memref_squeeze %swap3A_1529 : memref<1x16x1024xf32, #tpu.memory_space<vmem>> -> memref<16x1024xf32, #tpu.memory_space<vmem>>
        %swap3A_1531 = arith.index_cast %add3A_263 : i32 to index
        %swap3A_1532 = arith.constant 768 : index
        %swap3A_1533 = tpu.vector_load %swap3A_1530[%swap3A_1531, %swap3A_1532] {strides = array<i32>} : memref<16x1024xf32, #tpu.memory_space<vmem>>, vector<1x16xf32>,
        %swap3A_1534 = vector.shape_cast %swap3A_1533 : vector<1x16xf32> to vector<16xf32>
        %swap3A_1535 = vector.shape_cast %add3A_1526 : vector<16xf32> to vector<1x16xf32>
        tpu.vector_store %swap3A_1530[%swap3A_1531, %swap3A_1532], %swap3A_1535 {strides = array<i32>} : memref<16x1024xf32, #tpu.memory_space<vmem>>, vector<1x16xf32>,
        %get3A_1536 = arith.constant 0 : i32
        %get3A_1537 = arith.constant 0 : i32
        %get3A_1538 = tpu.memref_slice %arg7[%scan3A_164, %get3A_1536, %get3A_1537] : memref<2x16x1024xf32, #tpu.memory_space<vmem>> -> memref<1x16x1024xf32, #tpu.memory_space<vmem>>
        %get3A_1539 = tpu.memref_squeeze %get3A_1538 : memref<1x16x1024xf32, #tpu.memory_space<vmem>> -> memref<16x1024xf32, #tpu.memory_space<vmem>>
        %get3A_1540 = arith.index_cast %add3A_263 : i32 to index
        %get3A_1541 = arith.constant 784 : index
        %get3A_1542 = tpu.vector_load %get3A_1539[%get3A_1540, %get3A_1541] {strides = array<i32>} : memref<16x1024xf32, #tpu.memory_space<vmem>>, vector<1x16xf32>,
        %get3A_1543 = vector.shape_cast %get3A_1542 : vector<1x16xf32> to vector<16xf32>
        %get3A_1544 = arith.constant 0 : i32
        %get3A_1545 = arith.constant 0 : i32
        %get3A_1546 = tpu.memref_slice %arg8[%scan3A_165, %get3A_1544, %get3A_1545] : memref<2x16x1024xf32, #tpu.memory_space<vmem>> -> memref<1x16x1024xf32, #tpu.memory_space<vmem>>
        %get3A_1547 = tpu.memref_squeeze %get3A_1546 : memref<1x16x1024xf32, #tpu.memory_space<vmem>> -> memref<16x1024xf32, #tpu.memory_space<vmem>>
        %get3A_1548 = arith.index_cast %add3A_263 : i32 to index
        %get3A_1549 = arith.constant 784 : index
        %get3A_1550 = tpu.vector_load %get3A_1547[%get3A_1548, %get3A_1549] {strides = array<i32>} : memref<16x1024xf32, #tpu.memory_space<vmem>>, vector<1x16xf32>,
        %get3A_1551 = vector.shape_cast %get3A_1550 : vector<1x16xf32> to vector<16xf32>
        %add3A_1552 = arith.addf %get3A_1543, %get3A_1551 : vector<16xf32>
        %swap3A_1553 = arith.constant 0 : i32
        %swap3A_1554 = arith.constant 0 : i32
        %swap3A_1555 = tpu.memref_slice %arg9[%scan3A_166, %swap3A_1553, %swap3A_1554] : memref<2x16x1024xf32, #tpu.memory_space<vmem>> -> memref<1x16x1024xf32, #tpu.memory_space<vmem>>
        %swap3A_1556 = tpu.memref_squeeze %swap3A_1555 : memref<1x16x1024xf32, #tpu.memory_space<vmem>> -> memref<16x1024xf32, #tpu.memory_space<vmem>>
        %swap3A_1557 = arith.index_cast %add3A_263 : i32 to index
        %swap3A_1558 = arith.constant 784 : index
        %swap3A_1559 = tpu.vector_load %swap3A_1556[%swap3A_1557, %swap3A_1558] {strides = array<i32>} : memref<16x1024xf32, #tpu.memory_space<vmem>>, vector<1x16xf32>,
        %swap3A_1560 = vector.shape_cast %swap3A_1559 : vector<1x16xf32> to vector<16xf32>
        %swap3A_1561 = vector.shape_cast %add3A_1552 : vector<16xf32> to vector<1x16xf32>
        tpu.vector_store %swap3A_1556[%swap3A_1557, %swap3A_1558], %swap3A_1561 {strides = array<i32>} : memref<16x1024xf32, #tpu.memory_space<vmem>>, vector<1x16xf32>,
        %get3A_1562 = arith.constant 0 : i32
        %get3A_1563 = arith.constant 0 : i32
        %get3A_1564 = tpu.memref_slice %arg7[%scan3A_164, %get3A_1562, %get3A_1563] : memref<2x16x1024xf32, #tpu.memory_space<vmem>> -> memref<1x16x1024xf32, #tpu.memory_space<vmem>>
        %get3A_1565 = tpu.memref_squeeze %get3A_1564 : memref<1x16x1024xf32, #tpu.memory_space<vmem>> -> memref<16x1024xf32, #tpu.memory_space<vmem>>
        %get3A_1566 = arith.index_cast %add3A_263 : i32 to index
        %get3A_1567 = arith.constant 800 : index
        %get3A_1568 = tpu.vector_load %get3A_1565[%get3A_1566, %get3A_1567] {strides = array<i32>} : memref<16x1024xf32, #tpu.memory_space<vmem>>, vector<1x16xf32>,
        %get3A_1569 = vector.shape_cast %get3A_1568 : vector<1x16xf32> to vector<16xf32>
        %get3A_1570 = arith.constant 0 : i32
        %get3A_1571 = arith.constant 0 : i32
        %get3A_1572 = tpu.memref_slice %arg8[%scan3A_165, %get3A_1570, %get3A_1571] : memref<2x16x1024xf32, #tpu.memory_space<vmem>> -> memref<1x16x1024xf32, #tpu.memory_space<vmem>>
        %get3A_1573 = tpu.memref_squeeze %get3A_1572 : memref<1x16x1024xf32, #tpu.memory_space<vmem>> -> memref<16x1024xf32, #tpu.memory_space<vmem>>
        %get3A_1574 = arith.index_cast %add3A_263 : i32 to index
        %get3A_1575 = arith.constant 800 : index
        %get3A_1576 = tpu.vector_load %get3A_1573[%get3A_1574, %get3A_1575] {strides = array<i32>} : memref<16x1024xf32, #tpu.memory_space<vmem>>, vector<1x16xf32>,
        %get3A_1577 = vector.shape_cast %get3A_1576 : vector<1x16xf32> to vector<16xf32>
        %add3A_1578 = arith.addf %get3A_1569, %get3A_1577 : vector<16xf32>
        %swap3A_1579 = arith.constant 0 : i32
        %swap3A_1580 = arith.constant 0 : i32
        %swap3A_1581 = tpu.memref_slice %arg9[%scan3A_166, %swap3A_1579, %swap3A_1580] : memref<2x16x1024xf32, #tpu.memory_space<vmem>> -> memref<1x16x1024xf32, #tpu.memory_space<vmem>>
        %swap3A_1582 = tpu.memref_squeeze %swap3A_1581 : memref<1x16x1024xf32, #tpu.memory_space<vmem>> -> memref<16x1024xf32, #tpu.memory_space<vmem>>
        %swap3A_1583 = arith.index_cast %add3A_263 : i32 to index
        %swap3A_1584 = arith.constant 800 : index
        %swap3A_1585 = tpu.vector_load %swap3A_1582[%swap3A_1583, %swap3A_1584] {strides = array<i32>} : memref<16x1024xf32, #tpu.memory_space<vmem>>, vector<1x16xf32>,
        %swap3A_1586 = vector.shape_cast %swap3A_1585 : vector<1x16xf32> to vector<16xf32>
        %swap3A_1587 = vector.shape_cast %add3A_1578 : vector<16xf32> to vector<1x16xf32>
        tpu.vector_store %swap3A_1582[%swap3A_1583, %swap3A_1584], %swap3A_1587 {strides = array<i32>} : memref<16x1024xf32, #tpu.memory_space<vmem>>, vector<1x16xf32>,
        %get3A_1588 = arith.constant 0 : i32
        %get3A_1589 = arith.constant 0 : i32
        %get3A_1590 = tpu.memref_slice %arg7[%scan3A_164, %get3A_1588, %get3A_1589] : memref<2x16x1024xf32, #tpu.memory_space<vmem>> -> memref<1x16x1024xf32, #tpu.memory_space<vmem>>
        %get3A_1591 = tpu.memref_squeeze %get3A_1590 : memref<1x16x1024xf32, #tpu.memory_space<vmem>> -> memref<16x1024xf32, #tpu.memory_space<vmem>>
        %get3A_1592 = arith.index_cast %add3A_263 : i32 to index
        %get3A_1593 = arith.constant 816 : index
        %get3A_1594 = tpu.vector_load %get3A_1591[%get3A_1592, %get3A_1593] {strides = array<i32>} : memref<16x1024xf32, #tpu.memory_space<vmem>>, vector<1x16xf32>,
        %get3A_1595 = vector.shape_cast %get3A_1594 : vector<1x16xf32> to vector<16xf32>
        %get3A_1596 = arith.constant 0 : i32
        %get3A_1597 = arith.constant 0 : i32
        %get3A_1598 = tpu.memref_slice %arg8[%scan3A_165, %get3A_1596, %get3A_1597] : memref<2x16x1024xf32, #tpu.memory_space<vmem>> -> memref<1x16x1024xf32, #tpu.memory_space<vmem>>
        %get3A_1599 = tpu.memref_squeeze %get3A_1598 : memref<1x16x1024xf32, #tpu.memory_space<vmem>> -> memref<16x1024xf32, #tpu.memory_space<vmem>>
        %get3A_1600 = arith.index_cast %add3A_263 : i32 to index
        %get3A_1601 = arith.constant 816 : index
        %get3A_1602 = tpu.vector_load %get3A_1599[%get3A_1600, %get3A_1601] {strides = array<i32>} : memref<16x1024xf32, #tpu.memory_space<vmem>>, vector<1x16xf32>,
        %get3A_1603 = vector.shape_cast %get3A_1602 : vector<1x16xf32> to vector<16xf32>
        %add3A_1604 = arith.addf %get3A_1595, %get3A_1603 : vector<16xf32>
        %swap3A_1605 = arith.constant 0 : i32
        %swap3A_1606 = arith.constant 0 : i32
        %swap3A_1607 = tpu.memref_slice %arg9[%scan3A_166, %swap3A_1605, %swap3A_1606] : memref<2x16x1024xf32, #tpu.memory_space<vmem>> -> memref<1x16x1024xf32, #tpu.memory_space<vmem>>
        %swap3A_1608 = tpu.memref_squeeze %swap3A_1607 : memref<1x16x1024xf32, #tpu.memory_space<vmem>> -> memref<16x1024xf32, #tpu.memory_space<vmem>>
        %swap3A_1609 = arith.index_cast %add3A_263 : i32 to index
        %swap3A_1610 = arith.constant 816 : index
        %swap3A_1611 = tpu.vector_load %swap3A_1608[%swap3A_1609, %swap3A_1610] {strides = array<i32>} : memref<16x1024xf32, #tpu.memory_space<vmem>>, vector<1x16xf32>,
        %swap3A_1612 = vector.shape_cast %swap3A_1611 : vector<1x16xf32> to vector<16xf32>
        %swap3A_1613 = vector.shape_cast %add3A_1604 : vector<16xf32> to vector<1x16xf32>
        tpu.vector_store %swap3A_1608[%swap3A_1609, %swap3A_1610], %swap3A_1613 {strides = array<i32>} : memref<16x1024xf32, #tpu.memory_space<vmem>>, vector<1x16xf32>,
        %get3A_1614 = arith.constant 0 : i32
        %get3A_1615 = arith.constant 0 : i32
        %get3A_1616 = tpu.memref_slice %arg7[%scan3A_164, %get3A_1614, %get3A_1615] : memref<2x16x1024xf32, #tpu.memory_space<vmem>> -> memref<1x16x1024xf32, #tpu.memory_space<vmem>>
        %get3A_1617 = tpu.memref_squeeze %get3A_1616 : memref<1x16x1024xf32, #tpu.memory_space<vmem>> -> memref<16x1024xf32, #tpu.memory_space<vmem>>
        %get3A_1618 = arith.index_cast %add3A_263 : i32 to index
        %get3A_1619 = arith.constant 832 : index
        %get3A_1620 = tpu.vector_load %get3A_1617[%get3A_1618, %get3A_1619] {strides = array<i32>} : memref<16x1024xf32, #tpu.memory_space<vmem>>, vector<1x16xf32>,
        %get3A_1621 = vector.shape_cast %get3A_1620 : vector<1x16xf32> to vector<16xf32>
        %get3A_1622 = arith.constant 0 : i32
        %get3A_1623 = arith.constant 0 : i32
        %get3A_1624 = tpu.memref_slice %arg8[%scan3A_165, %get3A_1622, %get3A_1623] : memref<2x16x1024xf32, #tpu.memory_space<vmem>> -> memref<1x16x1024xf32, #tpu.memory_space<vmem>>
        %get3A_1625 = tpu.memref_squeeze %get3A_1624 : memref<1x16x1024xf32, #tpu.memory_space<vmem>> -> memref<16x1024xf32, #tpu.memory_space<vmem>>
        %get3A_1626 = arith.index_cast %add3A_263 : i32 to index
        %get3A_1627 = arith.constant 832 : index
        %get3A_1628 = tpu.vector_load %get3A_1625[%get3A_1626, %get3A_1627] {strides = array<i32>} : memref<16x1024xf32, #tpu.memory_space<vmem>>, vector<1x16xf32>,
        %get3A_1629 = vector.shape_cast %get3A_1628 : vector<1x16xf32> to vector<16xf32>
        %add3A_1630 = arith.addf %get3A_1621, %get3A_1629 : vector<16xf32>
        %swap3A_1631 = arith.constant 0 : i32
        %swap3A_1632 = arith.constant 0 : i32
        %swap3A_1633 = tpu.memref_slice %arg9[%scan3A_166, %swap3A_1631, %swap3A_1632] : memref<2x16x1024xf32, #tpu.memory_space<vmem>> -> memref<1x16x1024xf32, #tpu.memory_space<vmem>>
        %swap3A_1634 = tpu.memref_squeeze %swap3A_1633 : memref<1x16x1024xf32, #tpu.memory_space<vmem>> -> memref<16x1024xf32, #tpu.memory_space<vmem>>
        %swap3A_1635 = arith.index_cast %add3A_263 : i32 to index
        %swap3A_1636 = arith.constant 832 : index
        %swap3A_1637 = tpu.vector_load %swap3A_1634[%swap3A_1635, %swap3A_1636] {strides = array<i32>} : memref<16x1024xf32, #tpu.memory_space<vmem>>, vector<1x16xf32>,
        %swap3A_1638 = vector.shape_cast %swap3A_1637 : vector<1x16xf32> to vector<16xf32>
        %swap3A_1639 = vector.shape_cast %add3A_1630 : vector<16xf32> to vector<1x16xf32>
        tpu.vector_store %swap3A_1634[%swap3A_1635, %swap3A_1636], %swap3A_1639 {strides = array<i32>} : memref<16x1024xf32, #tpu.memory_space<vmem>>, vector<1x16xf32>,
        %get3A_1640 = arith.constant 0 : i32
        %get3A_1641 = arith.constant 0 : i32
        %get3A_1642 = tpu.memref_slice %arg7[%scan3A_164, %get3A_1640, %get3A_1641] : memref<2x16x1024xf32, #tpu.memory_space<vmem>> -> memref<1x16x1024xf32, #tpu.memory_space<vmem>>
        %get3A_1643 = tpu.memref_squeeze %get3A_1642 : memref<1x16x1024xf32, #tpu.memory_space<vmem>> -> memref<16x1024xf32, #tpu.memory_space<vmem>>
        %get3A_1644 = arith.index_cast %add3A_263 : i32 to index
        %get3A_1645 = arith.constant 848 : index
        %get3A_1646 = tpu.vector_load %get3A_1643[%get3A_1644, %get3A_1645] {strides = array<i32>} : memref<16x1024xf32, #tpu.memory_space<vmem>>, vector<1x16xf32>,
        %get3A_1647 = vector.shape_cast %get3A_1646 : vector<1x16xf32> to vector<16xf32>
        %get3A_1648 = arith.constant 0 : i32
        %get3A_1649 = arith.constant 0 : i32
        %get3A_1650 = tpu.memref_slice %arg8[%scan3A_165, %get3A_1648, %get3A_1649] : memref<2x16x1024xf32, #tpu.memory_space<vmem>> -> memref<1x16x1024xf32, #tpu.memory_space<vmem>>
        %get3A_1651 = tpu.memref_squeeze %get3A_1650 : memref<1x16x1024xf32, #tpu.memory_space<vmem>> -> memref<16x1024xf32, #tpu.memory_space<vmem>>
        %get3A_1652 = arith.index_cast %add3A_263 : i32 to index
        %get3A_1653 = arith.constant 848 : index
        %get3A_1654 = tpu.vector_load %get3A_1651[%get3A_1652, %get3A_1653] {strides = array<i32>} : memref<16x1024xf32, #tpu.memory_space<vmem>>, vector<1x16xf32>,
        %get3A_1655 = vector.shape_cast %get3A_1654 : vector<1x16xf32> to vector<16xf32>
        %add3A_1656 = arith.addf %get3A_1647, %get3A_1655 : vector<16xf32>
        %swap3A_1657 = arith.constant 0 : i32
        %swap3A_1658 = arith.constant 0 : i32
        %swap3A_1659 = tpu.memref_slice %arg9[%scan3A_166, %swap3A_1657, %swap3A_1658] : memref<2x16x1024xf32, #tpu.memory_space<vmem>> -> memref<1x16x1024xf32, #tpu.memory_space<vmem>>
        %swap3A_1660 = tpu.memref_squeeze %swap3A_1659 : memref<1x16x1024xf32, #tpu.memory_space<vmem>> -> memref<16x1024xf32, #tpu.memory_space<vmem>>
        %swap3A_1661 = arith.index_cast %add3A_263 : i32 to index
        %swap3A_1662 = arith.constant 848 : index
        %swap3A_1663 = tpu.vector_load %swap3A_1660[%swap3A_1661, %swap3A_1662] {strides = array<i32>} : memref<16x1024xf32, #tpu.memory_space<vmem>>, vector<1x16xf32>,
        %swap3A_1664 = vector.shape_cast %swap3A_1663 : vector<1x16xf32> to vector<16xf32>
        %swap3A_1665 = vector.shape_cast %add3A_1656 : vector<16xf32> to vector<1x16xf32>
        tpu.vector_store %swap3A_1660[%swap3A_1661, %swap3A_1662], %swap3A_1665 {strides = array<i32>} : memref<16x1024xf32, #tpu.memory_space<vmem>>, vector<1x16xf32>,
        %get3A_1666 = arith.constant 0 : i32
        %get3A_1667 = arith.constant 0 : i32
        %get3A_1668 = tpu.memref_slice %arg7[%scan3A_164, %get3A_1666, %get3A_1667] : memref<2x16x1024xf32, #tpu.memory_space<vmem>> -> memref<1x16x1024xf32, #tpu.memory_space<vmem>>
        %get3A_1669 = tpu.memref_squeeze %get3A_1668 : memref<1x16x1024xf32, #tpu.memory_space<vmem>> -> memref<16x1024xf32, #tpu.memory_space<vmem>>
        %get3A_1670 = arith.index_cast %add3A_263 : i32 to index
        %get3A_1671 = arith.constant 864 : index
        %get3A_1672 = tpu.vector_load %get3A_1669[%get3A_1670, %get3A_1671] {strides = array<i32>} : memref<16x1024xf32, #tpu.memory_space<vmem>>, vector<1x16xf32>,
        %get3A_1673 = vector.shape_cast %get3A_1672 : vector<1x16xf32> to vector<16xf32>
        %get3A_1674 = arith.constant 0 : i32
        %get3A_1675 = arith.constant 0 : i32
        %get3A_1676 = tpu.memref_slice %arg8[%scan3A_165, %get3A_1674, %get3A_1675] : memref<2x16x1024xf32, #tpu.memory_space<vmem>> -> memref<1x16x1024xf32, #tpu.memory_space<vmem>>
        %get3A_1677 = tpu.memref_squeeze %get3A_1676 : memref<1x16x1024xf32, #tpu.memory_space<vmem>> -> memref<16x1024xf32, #tpu.memory_space<vmem>>
        %get3A_1678 = arith.index_cast %add3A_263 : i32 to index
        %get3A_1679 = arith.constant 864 : index
        %get3A_1680 = tpu.vector_load %get3A_1677[%get3A_1678, %get3A_1679] {strides = array<i32>} : memref<16x1024xf32, #tpu.memory_space<vmem>>, vector<1x16xf32>,
        %get3A_1681 = vector.shape_cast %get3A_1680 : vector<1x16xf32> to vector<16xf32>
        %add3A_1682 = arith.addf %get3A_1673, %get3A_1681 : vector<16xf32>
        %swap3A_1683 = arith.constant 0 : i32
        %swap3A_1684 = arith.constant 0 : i32
        %swap3A_1685 = tpu.memref_slice %arg9[%scan3A_166, %swap3A_1683, %swap3A_1684] : memref<2x16x1024xf32, #tpu.memory_space<vmem>> -> memref<1x16x1024xf32, #tpu.memory_space<vmem>>
        %swap3A_1686 = tpu.memref_squeeze %swap3A_1685 : memref<1x16x1024xf32, #tpu.memory_space<vmem>> -> memref<16x1024xf32, #tpu.memory_space<vmem>>
        %swap3A_1687 = arith.index_cast %add3A_263 : i32 to index
        %swap3A_1688 = arith.constant 864 : index
        %swap3A_1689 = tpu.vector_load %swap3A_1686[%swap3A_1687, %swap3A_1688] {strides = array<i32>} : memref<16x1024xf32, #tpu.memory_space<vmem>>, vector<1x16xf32>,
        %swap3A_1690 = vector.shape_cast %swap3A_1689 : vector<1x16xf32> to vector<16xf32>
        %swap3A_1691 = vector.shape_cast %add3A_1682 : vector<16xf32> to vector<1x16xf32>
        tpu.vector_store %swap3A_1686[%swap3A_1687, %swap3A_1688], %swap3A_1691 {strides = array<i32>} : memref<16x1024xf32, #tpu.memory_space<vmem>>, vector<1x16xf32>,
        %get3A_1692 = arith.constant 0 : i32
        %get3A_1693 = arith.constant 0 : i32
        %get3A_1694 = tpu.memref_slice %arg7[%scan3A_164, %get3A_1692, %get3A_1693] : memref<2x16x1024xf32, #tpu.memory_space<vmem>> -> memref<1x16x1024xf32, #tpu.memory_space<vmem>>
        %get3A_1695 = tpu.memref_squeeze %get3A_1694 : memref<1x16x1024xf32, #tpu.memory_space<vmem>> -> memref<16x1024xf32, #tpu.memory_space<vmem>>
        %get3A_1696 = arith.index_cast %add3A_263 : i32 to index
        %get3A_1697 = arith.constant 880 : index
        %get3A_1698 = tpu.vector_load %get3A_1695[%get3A_1696, %get3A_1697] {strides = array<i32>} : memref<16x1024xf32, #tpu.memory_space<vmem>>, vector<1x16xf32>,
        %get3A_1699 = vector.shape_cast %get3A_1698 : vector<1x16xf32> to vector<16xf32>
        %get3A_1700 = arith.constant 0 : i32
        %get3A_1701 = arith.constant 0 : i32
        %get3A_1702 = tpu.memref_slice %arg8[%scan3A_165, %get3A_1700, %get3A_1701] : memref<2x16x1024xf32, #tpu.memory_space<vmem>> -> memref<1x16x1024xf32, #tpu.memory_space<vmem>>
        %get3A_1703 = tpu.memref_squeeze %get3A_1702 : memref<1x16x1024xf32, #tpu.memory_space<vmem>> -> memref<16x1024xf32, #tpu.memory_space<vmem>>
        %get3A_1704 = arith.index_cast %add3A_263 : i32 to index
        %get3A_1705 = arith.constant 880 : index
        %get3A_1706 = tpu.vector_load %get3A_1703[%get3A_1704, %get3A_1705] {strides = array<i32>} : memref<16x1024xf32, #tpu.memory_space<vmem>>, vector<1x16xf32>,
        %get3A_1707 = vector.shape_cast %get3A_1706 : vector<1x16xf32> to vector<16xf32>
        %add3A_1708 = arith.addf %get3A_1699, %get3A_1707 : vector<16xf32>
        %swap3A_1709 = arith.constant 0 : i32
        %swap3A_1710 = arith.constant 0 : i32
        %swap3A_1711 = tpu.memref_slice %arg9[%scan3A_166, %swap3A_1709, %swap3A_1710] : memref<2x16x1024xf32, #tpu.memory_space<vmem>> -> memref<1x16x1024xf32, #tpu.memory_space<vmem>>
        %swap3A_1712 = tpu.memref_squeeze %swap3A_1711 : memref<1x16x1024xf32, #tpu.memory_space<vmem>> -> memref<16x1024xf32, #tpu.memory_space<vmem>>
        %swap3A_1713 = arith.index_cast %add3A_263 : i32 to index
        %swap3A_1714 = arith.constant 880 : index
        %swap3A_1715 = tpu.vector_load %swap3A_1712[%swap3A_1713, %swap3A_1714] {strides = array<i32>} : memref<16x1024xf32, #tpu.memory_space<vmem>>, vector<1x16xf32>,
        %swap3A_1716 = vector.shape_cast %swap3A_1715 : vector<1x16xf32> to vector<16xf32>
        %swap3A_1717 = vector.shape_cast %add3A_1708 : vector<16xf32> to vector<1x16xf32>
        tpu.vector_store %swap3A_1712[%swap3A_1713, %swap3A_1714], %swap3A_1717 {strides = array<i32>} : memref<16x1024xf32, #tpu.memory_space<vmem>>, vector<1x16xf32>,
        %get3A_1718 = arith.constant 0 : i32
        %get3A_1719 = arith.constant 0 : i32
        %get3A_1720 = tpu.memref_slice %arg7[%scan3A_164, %get3A_1718, %get3A_1719] : memref<2x16x1024xf32, #tpu.memory_space<vmem>> -> memref<1x16x1024xf32, #tpu.memory_space<vmem>>
        %get3A_1721 = tpu.memref_squeeze %get3A_1720 : memref<1x16x1024xf32, #tpu.memory_space<vmem>> -> memref<16x1024xf32, #tpu.memory_space<vmem>>
        %get3A_1722 = arith.index_cast %add3A_263 : i32 to index
        %get3A_1723 = arith.constant 896 : index
        %get3A_1724 = tpu.vector_load %get3A_1721[%get3A_1722, %get3A_1723] {strides = array<i32>} : memref<16x1024xf32, #tpu.memory_space<vmem>>, vector<1x16xf32>,
        %get3A_1725 = vector.shape_cast %get3A_1724 : vector<1x16xf32> to vector<16xf32>
        %get3A_1726 = arith.constant 0 : i32
        %get3A_1727 = arith.constant 0 : i32
        %get3A_1728 = tpu.memref_slice %arg8[%scan3A_165, %get3A_1726, %get3A_1727] : memref<2x16x1024xf32, #tpu.memory_space<vmem>> -> memref<1x16x1024xf32, #tpu.memory_space<vmem>>
        %get3A_1729 = tpu.memref_squeeze %get3A_1728 : memref<1x16x1024xf32, #tpu.memory_space<vmem>> -> memref<16x1024xf32, #tpu.memory_space<vmem>>
        %get3A_1730 = arith.index_cast %add3A_263 : i32 to index
        %get3A_1731 = arith.constant 896 : index
        %get3A_1732 = tpu.vector_load %get3A_1729[%get3A_1730, %get3A_1731] {strides = array<i32>} : memref<16x1024xf32, #tpu.memory_space<vmem>>, vector<1x16xf32>,
        %get3A_1733 = vector.shape_cast %get3A_1732 : vector<1x16xf32> to vector<16xf32>
        %add3A_1734 = arith.addf %get3A_1725, %get3A_1733 : vector<16xf32>
        %swap3A_1735 = arith.constant 0 : i32
        %swap3A_1736 = arith.constant 0 : i32
        %swap3A_1737 = tpu.memref_slice %arg9[%scan3A_166, %swap3A_1735, %swap3A_1736] : memref<2x16x1024xf32, #tpu.memory_space<vmem>> -> memref<1x16x1024xf32, #tpu.memory_space<vmem>>
        %swap3A_1738 = tpu.memref_squeeze %swap3A_1737 : memref<1x16x1024xf32, #tpu.memory_space<vmem>> -> memref<16x1024xf32, #tpu.memory_space<vmem>>
        %swap3A_1739 = arith.index_cast %add3A_263 : i32 to index
        %swap3A_1740 = arith.constant 896 : index
        %swap3A_1741 = tpu.vector_load %swap3A_1738[%swap3A_1739, %swap3A_1740] {strides = array<i32>} : memref<16x1024xf32, #tpu.memory_space<vmem>>, vector<1x16xf32>,
        %swap3A_1742 = vector.shape_cast %swap3A_1741 : vector<1x16xf32> to vector<16xf32>
        %swap3A_1743 = vector.shape_cast %add3A_1734 : vector<16xf32> to vector<1x16xf32>
        tpu.vector_store %swap3A_1738[%swap3A_1739, %swap3A_1740], %swap3A_1743 {strides = array<i32>} : memref<16x1024xf32, #tpu.memory_space<vmem>>, vector<1x16xf32>,
        %get3A_1744 = arith.constant 0 : i32
        %get3A_1745 = arith.constant 0 : i32
        %get3A_1746 = tpu.memref_slice %arg7[%scan3A_164, %get3A_1744, %get3A_1745] : memref<2x16x1024xf32, #tpu.memory_space<vmem>> -> memref<1x16x1024xf32, #tpu.memory_space<vmem>>
        %get3A_1747 = tpu.memref_squeeze %get3A_1746 : memref<1x16x1024xf32, #tpu.memory_space<vmem>> -> memref<16x1024xf32, #tpu.memory_space<vmem>>
        %get3A_1748 = arith.index_cast %add3A_263 : i32 to index
        %get3A_1749 = arith.constant 912 : index
        %get3A_1750 = tpu.vector_load %get3A_1747[%get3A_1748, %get3A_1749] {strides = array<i32>} : memref<16x1024xf32, #tpu.memory_space<vmem>>, vector<1x16xf32>,
        %get3A_1751 = vector.shape_cast %get3A_1750 : vector<1x16xf32> to vector<16xf32>
        %get3A_1752 = arith.constant 0 : i32
        %get3A_1753 = arith.constant 0 : i32
        %get3A_1754 = tpu.memref_slice %arg8[%scan3A_165, %get3A_1752, %get3A_1753] : memref<2x16x1024xf32, #tpu.memory_space<vmem>> -> memref<1x16x1024xf32, #tpu.memory_space<vmem>>
        %get3A_1755 = tpu.memref_squeeze %get3A_1754 : memref<1x16x1024xf32, #tpu.memory_space<vmem>> -> memref<16x1024xf32, #tpu.memory_space<vmem>>
        %get3A_1756 = arith.index_cast %add3A_263 : i32 to index
        %get3A_1757 = arith.constant 912 : index
        %get3A_1758 = tpu.vector_load %get3A_1755[%get3A_1756, %get3A_1757] {strides = array<i32>} : memref<16x1024xf32, #tpu.memory_space<vmem>>, vector<1x16xf32>,
        %get3A_1759 = vector.shape_cast %get3A_1758 : vector<1x16xf32> to vector<16xf32>
        %add3A_1760 = arith.addf %get3A_1751, %get3A_1759 : vector<16xf32>
        %swap3A_1761 = arith.constant 0 : i32
        %swap3A_1762 = arith.constant 0 : i32
        %swap3A_1763 = tpu.memref_slice %arg9[%scan3A_166, %swap3A_1761, %swap3A_1762] : memref<2x16x1024xf32, #tpu.memory_space<vmem>> -> memref<1x16x1024xf32, #tpu.memory_space<vmem>>
        %swap3A_1764 = tpu.memref_squeeze %swap3A_1763 : memref<1x16x1024xf32, #tpu.memory_space<vmem>> -> memref<16x1024xf32, #tpu.memory_space<vmem>>
        %swap3A_1765 = arith.index_cast %add3A_263 : i32 to index
        %swap3A_1766 = arith.constant 912 : index
        %swap3A_1767 = tpu.vector_load %swap3A_1764[%swap3A_1765, %swap3A_1766] {strides = array<i32>} : memref<16x1024xf32, #tpu.memory_space<vmem>>, vector<1x16xf32>,
        %swap3A_1768 = vector.shape_cast %swap3A_1767 : vector<1x16xf32> to vector<16xf32>
        %swap3A_1769 = vector.shape_cast %add3A_1760 : vector<16xf32> to vector<1x16xf32>
        tpu.vector_store %swap3A_1764[%swap3A_1765, %swap3A_1766], %swap3A_1769 {strides = array<i32>} : memref<16x1024xf32, #tpu.memory_space<vmem>>, vector<1x16xf32>,
        %get3A_1770 = arith.constant 0 : i32
        %get3A_1771 = arith.constant 0 : i32
        %get3A_1772 = tpu.memref_slice %arg7[%scan3A_164, %get3A_1770, %get3A_1771] : memref<2x16x1024xf32, #tpu.memory_space<vmem>> -> memref<1x16x1024xf32, #tpu.memory_space<vmem>>
        %get3A_1773 = tpu.memref_squeeze %get3A_1772 : memref<1x16x1024xf32, #tpu.memory_space<vmem>> -> memref<16x1024xf32, #tpu.memory_space<vmem>>
        %get3A_1774 = arith.index_cast %add3A_263 : i32 to index
        %get3A_1775 = arith.constant 928 : index
        %get3A_1776 = tpu.vector_load %get3A_1773[%get3A_1774, %get3A_1775] {strides = array<i32>} : memref<16x1024xf32, #tpu.memory_space<vmem>>, vector<1x16xf32>,
        %get3A_1777 = vector.shape_cast %get3A_1776 : vector<1x16xf32> to vector<16xf32>
        %get3A_1778 = arith.constant 0 : i32
        %get3A_1779 = arith.constant 0 : i32
        %get3A_1780 = tpu.memref_slice %arg8[%scan3A_165, %get3A_1778, %get3A_1779] : memref<2x16x1024xf32, #tpu.memory_space<vmem>> -> memref<1x16x1024xf32, #tpu.memory_space<vmem>>
        %get3A_1781 = tpu.memref_squeeze %get3A_1780 : memref<1x16x1024xf32, #tpu.memory_space<vmem>> -> memref<16x1024xf32, #tpu.memory_space<vmem>>
        %get3A_1782 = arith.index_cast %add3A_263 : i32 to index
        %get3A_1783 = arith.constant 928 : index
        %get3A_1784 = tpu.vector_load %get3A_1781[%get3A_1782, %get3A_1783] {strides = array<i32>} : memref<16x1024xf32, #tpu.memory_space<vmem>>, vector<1x16xf32>,
        %get3A_1785 = vector.shape_cast %get3A_1784 : vector<1x16xf32> to vector<16xf32>
        %add3A_1786 = arith.addf %get3A_1777, %get3A_1785 : vector<16xf32>
        %swap3A_1787 = arith.constant 0 : i32
        %swap3A_1788 = arith.constant 0 : i32
        %swap3A_1789 = tpu.memref_slice %arg9[%scan3A_166, %swap3A_1787, %swap3A_1788] : memref<2x16x1024xf32, #tpu.memory_space<vmem>> -> memref<1x16x1024xf32, #tpu.memory_space<vmem>>
        %swap3A_1790 = tpu.memref_squeeze %swap3A_1789 : memref<1x16x1024xf32, #tpu.memory_space<vmem>> -> memref<16x1024xf32, #tpu.memory_space<vmem>>
        %swap3A_1791 = arith.index_cast %add3A_263 : i32 to index
        %swap3A_1792 = arith.constant 928 : index
        %swap3A_1793 = tpu.vector_load %swap3A_1790[%swap3A_1791, %swap3A_1792] {strides = array<i32>} : memref<16x1024xf32, #tpu.memory_space<vmem>>, vector<1x16xf32>,
        %swap3A_1794 = vector.shape_cast %swap3A_1793 : vector<1x16xf32> to vector<16xf32>
        %swap3A_1795 = vector.shape_cast %add3A_1786 : vector<16xf32> to vector<1x16xf32>
        tpu.vector_store %swap3A_1790[%swap3A_1791, %swap3A_1792], %swap3A_1795 {strides = array<i32>} : memref<16x1024xf32, #tpu.memory_space<vmem>>, vector<1x16xf32>,
        %get3A_1796 = arith.constant 0 : i32
        %get3A_1797 = arith.constant 0 : i32
        %get3A_1798 = tpu.memref_slice %arg7[%scan3A_164, %get3A_1796, %get3A_1797] : memref<2x16x1024xf32, #tpu.memory_space<vmem>> -> memref<1x16x1024xf32, #tpu.memory_space<vmem>>
        %get3A_1799 = tpu.memref_squeeze %get3A_1798 : memref<1x16x1024xf32, #tpu.memory_space<vmem>> -> memref<16x1024xf32, #tpu.memory_space<vmem>>
        %get3A_1800 = arith.index_cast %add3A_263 : i32 to index
        %get3A_1801 = arith.constant 944 : index
        %get3A_1802 = tpu.vector_load %get3A_1799[%get3A_1800, %get3A_1801] {strides = array<i32>} : memref<16x1024xf32, #tpu.memory_space<vmem>>, vector<1x16xf32>,
        %get3A_1803 = vector.shape_cast %get3A_1802 : vector<1x16xf32> to vector<16xf32>
        %get3A_1804 = arith.constant 0 : i32
        %get3A_1805 = arith.constant 0 : i32
        %get3A_1806 = tpu.memref_slice %arg8[%scan3A_165, %get3A_1804, %get3A_1805] : memref<2x16x1024xf32, #tpu.memory_space<vmem>> -> memref<1x16x1024xf32, #tpu.memory_space<vmem>>
        %get3A_1807 = tpu.memref_squeeze %get3A_1806 : memref<1x16x1024xf32, #tpu.memory_space<vmem>> -> memref<16x1024xf32, #tpu.memory_space<vmem>>
        %get3A_1808 = arith.index_cast %add3A_263 : i32 to index
        %get3A_1809 = arith.constant 944 : index
        %get3A_1810 = tpu.vector_load %get3A_1807[%get3A_1808, %get3A_1809] {strides = array<i32>} : memref<16x1024xf32, #tpu.memory_space<vmem>>, vector<1x16xf32>,
        %get3A_1811 = vector.shape_cast %get3A_1810 : vector<1x16xf32> to vector<16xf32>
        %add3A_1812 = arith.addf %get3A_1803, %get3A_1811 : vector<16xf32>
        %swap3A_1813 = arith.constant 0 : i32
        %swap3A_1814 = arith.constant 0 : i32
        %swap3A_1815 = tpu.memref_slice %arg9[%scan3A_166, %swap3A_1813, %swap3A_1814] : memref<2x16x1024xf32, #tpu.memory_space<vmem>> -> memref<1x16x1024xf32, #tpu.memory_space<vmem>>
        %swap3A_1816 = tpu.memref_squeeze %swap3A_1815 : memref<1x16x1024xf32, #tpu.memory_space<vmem>> -> memref<16x1024xf32, #tpu.memory_space<vmem>>
        %swap3A_1817 = arith.index_cast %add3A_263 : i32 to index
        %swap3A_1818 = arith.constant 944 : index
        %swap3A_1819 = tpu.vector_load %swap3A_1816[%swap3A_1817, %swap3A_1818] {strides = array<i32>} : memref<16x1024xf32, #tpu.memory_space<vmem>>, vector<1x16xf32>,
        %swap3A_1820 = vector.shape_cast %swap3A_1819 : vector<1x16xf32> to vector<16xf32>
        %swap3A_1821 = vector.shape_cast %add3A_1812 : vector<16xf32> to vector<1x16xf32>
        tpu.vector_store %swap3A_1816[%swap3A_1817, %swap3A_1818], %swap3A_1821 {strides = array<i32>} : memref<16x1024xf32, #tpu.memory_space<vmem>>, vector<1x16xf32>,
        %get3A_1822 = arith.constant 0 : i32
        %get3A_1823 = arith.constant 0 : i32
        %get3A_1824 = tpu.memref_slice %arg7[%scan3A_164, %get3A_1822, %get3A_1823] : memref<2x16x1024xf32, #tpu.memory_space<vmem>> -> memref<1x16x1024xf32, #tpu.memory_space<vmem>>
        %get3A_1825 = tpu.memref_squeeze %get3A_1824 : memref<1x16x1024xf32, #tpu.memory_space<vmem>> -> memref<16x1024xf32, #tpu.memory_space<vmem>>
        %get3A_1826 = arith.index_cast %add3A_263 : i32 to index
        %get3A_1827 = arith.constant 960 : index
        %get3A_1828 = tpu.vector_load %get3A_1825[%get3A_1826, %get3A_1827] {strides = array<i32>} : memref<16x1024xf32, #tpu.memory_space<vmem>>, vector<1x16xf32>,
        %get3A_1829 = vector.shape_cast %get3A_1828 : vector<1x16xf32> to vector<16xf32>
        %get3A_1830 = arith.constant 0 : i32
        %get3A_1831 = arith.constant 0 : i32
        %get3A_1832 = tpu.memref_slice %arg8[%scan3A_165, %get3A_1830, %get3A_1831] : memref<2x16x1024xf32, #tpu.memory_space<vmem>> -> memref<1x16x1024xf32, #tpu.memory_space<vmem>>
        %get3A_1833 = tpu.memref_squeeze %get3A_1832 : memref<1x16x1024xf32, #tpu.memory_space<vmem>> -> memref<16x1024xf32, #tpu.memory_space<vmem>>
        %get3A_1834 = arith.index_cast %add3A_263 : i32 to index
        %get3A_1835 = arith.constant 960 : index
        %get3A_1836 = tpu.vector_load %get3A_1833[%get3A_1834, %get3A_1835] {strides = array<i32>} : memref<16x1024xf32, #tpu.memory_space<vmem>>, vector<1x16xf32>,
        %get3A_1837 = vector.shape_cast %get3A_1836 : vector<1x16xf32> to vector<16xf32>
        %add3A_1838 = arith.addf %get3A_1829, %get3A_1837 : vector<16xf32>
        %swap3A_1839 = arith.constant 0 : i32
        %swap3A_1840 = arith.constant 0 : i32
        %swap3A_1841 = tpu.memref_slice %arg9[%scan3A_166, %swap3A_1839, %swap3A_1840] : memref<2x16x1024xf32, #tpu.memory_space<vmem>> -> memref<1x16x1024xf32, #tpu.memory_space<vmem>>
        %swap3A_1842 = tpu.memref_squeeze %swap3A_1841 : memref<1x16x1024xf32, #tpu.memory_space<vmem>> -> memref<16x1024xf32, #tpu.memory_space<vmem>>
        %swap3A_1843 = arith.index_cast %add3A_263 : i32 to index
        %swap3A_1844 = arith.constant 960 : index
        %swap3A_1845 = tpu.vector_load %swap3A_1842[%swap3A_1843, %swap3A_1844] {strides = array<i32>} : memref<16x1024xf32, #tpu.memory_space<vmem>>, vector<1x16xf32>,
        %swap3A_1846 = vector.shape_cast %swap3A_1845 : vector<1x16xf32> to vector<16xf32>
        %swap3A_1847 = vector.shape_cast %add3A_1838 : vector<16xf32> to vector<1x16xf32>
        tpu.vector_store %swap3A_1842[%swap3A_1843, %swap3A_1844], %swap3A_1847 {strides = array<i32>} : memref<16x1024xf32, #tpu.memory_space<vmem>>, vector<1x16xf32>,
        %get3A_1848 = arith.constant 0 : i32
        %get3A_1849 = arith.constant 0 : i32
        %get3A_1850 = tpu.memref_slice %arg7[%scan3A_164, %get3A_1848, %get3A_1849] : memref<2x16x1024xf32, #tpu.memory_space<vmem>> -> memref<1x16x1024xf32, #tpu.memory_space<vmem>>
        %get3A_1851 = tpu.memref_squeeze %get3A_1850 : memref<1x16x1024xf32, #tpu.memory_space<vmem>> -> memref<16x1024xf32, #tpu.memory_space<vmem>>
        %get3A_1852 = arith.index_cast %add3A_263 : i32 to index
        %get3A_1853 = arith.constant 976 : index
        %get3A_1854 = tpu.vector_load %get3A_1851[%get3A_1852, %get3A_1853] {strides = array<i32>} : memref<16x1024xf32, #tpu.memory_space<vmem>>, vector<1x16xf32>,
        %get3A_1855 = vector.shape_cast %get3A_1854 : vector<1x16xf32> to vector<16xf32>
        %get3A_1856 = arith.constant 0 : i32
        %get3A_1857 = arith.constant 0 : i32
        %get3A_1858 = tpu.memref_slice %arg8[%scan3A_165, %get3A_1856, %get3A_1857] : memref<2x16x1024xf32, #tpu.memory_space<vmem>> -> memref<1x16x1024xf32, #tpu.memory_space<vmem>>
        %get3A_1859 = tpu.memref_squeeze %get3A_1858 : memref<1x16x1024xf32, #tpu.memory_space<vmem>> -> memref<16x1024xf32, #tpu.memory_space<vmem>>
        %get3A_1860 = arith.index_cast %add3A_263 : i32 to index
        %get3A_1861 = arith.constant 976 : index
        %get3A_1862 = tpu.vector_load %get3A_1859[%get3A_1860, %get3A_1861] {strides = array<i32>} : memref<16x1024xf32, #tpu.memory_space<vmem>>, vector<1x16xf32>,
        %get3A_1863 = vector.shape_cast %get3A_1862 : vector<1x16xf32> to vector<16xf32>
        %add3A_1864 = arith.addf %get3A_1855, %get3A_1863 : vector<16xf32>
        %swap3A_1865 = arith.constant 0 : i32
        %swap3A_1866 = arith.constant 0 : i32
        %swap3A_1867 = tpu.memref_slice %arg9[%scan3A_166, %swap3A_1865, %swap3A_1866] : memref<2x16x1024xf32, #tpu.memory_space<vmem>> -> memref<1x16x1024xf32, #tpu.memory_space<vmem>>
        %swap3A_1868 = tpu.memref_squeeze %swap3A_1867 : memref<1x16x1024xf32, #tpu.memory_space<vmem>> -> memref<16x1024xf32, #tpu.memory_space<vmem>>
        %swap3A_1869 = arith.index_cast %add3A_263 : i32 to index
        %swap3A_1870 = arith.constant 976 : index
        %swap3A_1871 = tpu.vector_load %swap3A_1868[%swap3A_1869, %swap3A_1870] {strides = array<i32>} : memref<16x1024xf32, #tpu.memory_space<vmem>>, vector<1x16xf32>,
        %swap3A_1872 = vector.shape_cast %swap3A_1871 : vector<1x16xf32> to vector<16xf32>
        %swap3A_1873 = vector.shape_cast %add3A_1864 : vector<16xf32> to vector<1x16xf32>
        tpu.vector_store %swap3A_1868[%swap3A_1869, %swap3A_1870], %swap3A_1873 {strides = array<i32>} : memref<16x1024xf32, #tpu.memory_space<vmem>>, vector<1x16xf32>,
        %get3A_1874 = arith.constant 0 : i32
        %get3A_1875 = arith.constant 0 : i32
        %get3A_1876 = tpu.memref_slice %arg7[%scan3A_164, %get3A_1874, %get3A_1875] : memref<2x16x1024xf32, #tpu.memory_space<vmem>> -> memref<1x16x1024xf32, #tpu.memory_space<vmem>>
        %get3A_1877 = tpu.memref_squeeze %get3A_1876 : memref<1x16x1024xf32, #tpu.memory_space<vmem>> -> memref<16x1024xf32, #tpu.memory_space<vmem>>
        %get3A_1878 = arith.index_cast %add3A_263 : i32 to index
        %get3A_1879 = arith.constant 992 : index
        %get3A_1880 = tpu.vector_load %get3A_1877[%get3A_1878, %get3A_1879] {strides = array<i32>} : memref<16x1024xf32, #tpu.memory_space<vmem>>, vector<1x16xf32>,
        %get3A_1881 = vector.shape_cast %get3A_1880 : vector<1x16xf32> to vector<16xf32>
        %get3A_1882 = arith.constant 0 : i32
        %get3A_1883 = arith.constant 0 : i32
        %get3A_1884 = tpu.memref_slice %arg8[%scan3A_165, %get3A_1882, %get3A_1883] : memref<2x16x1024xf32, #tpu.memory_space<vmem>> -> memref<1x16x1024xf32, #tpu.memory_space<vmem>>
        %get3A_1885 = tpu.memref_squeeze %get3A_1884 : memref<1x16x1024xf32, #tpu.memory_space<vmem>> -> memref<16x1024xf32, #tpu.memory_space<vmem>>
        %get3A_1886 = arith.index_cast %add3A_263 : i32 to index
        %get3A_1887 = arith.constant 992 : index
        %get3A_1888 = tpu.vector_load %get3A_1885[%get3A_1886, %get3A_1887] {strides = array<i32>} : memref<16x1024xf32, #tpu.memory_space<vmem>>, vector<1x16xf32>,
        %get3A_1889 = vector.shape_cast %get3A_1888 : vector<1x16xf32> to vector<16xf32>
        %add3A_1890 = arith.addf %get3A_1881, %get3A_1889 : vector<16xf32>
        %swap3A_1891 = arith.constant 0 : i32
        %swap3A_1892 = arith.constant 0 : i32
        %swap3A_1893 = tpu.memref_slice %arg9[%scan3A_166, %swap3A_1891, %swap3A_1892] : memref<2x16x1024xf32, #tpu.memory_space<vmem>> -> memref<1x16x1024xf32, #tpu.memory_space<vmem>>
        %swap3A_1894 = tpu.memref_squeeze %swap3A_1893 : memref<1x16x1024xf32, #tpu.memory_space<vmem>> -> memref<16x1024xf32, #tpu.memory_space<vmem>>
        %swap3A_1895 = arith.index_cast %add3A_263 : i32 to index
        %swap3A_1896 = arith.constant 992 : index
        %swap3A_1897 = tpu.vector_load %swap3A_1894[%swap3A_1895, %swap3A_1896] {strides = array<i32>} : memref<16x1024xf32, #tpu.memory_space<vmem>>, vector<1x16xf32>,
        %swap3A_1898 = vector.shape_cast %swap3A_1897 : vector<1x16xf32> to vector<16xf32>
        %swap3A_1899 = vector.shape_cast %add3A_1890 : vector<16xf32> to vector<1x16xf32>
        tpu.vector_store %swap3A_1894[%swap3A_1895, %swap3A_1896], %swap3A_1899 {strides = array<i32>} : memref<16x1024xf32, #tpu.memory_space<vmem>>, vector<1x16xf32>,
        %get3A_1900 = arith.constant 0 : i32
        %get3A_1901 = arith.constant 0 : i32
        %get3A_1902 = tpu.memref_slice %arg7[%scan3A_164, %get3A_1900, %get3A_1901] : memref<2x16x1024xf32, #tpu.memory_space<vmem>> -> memref<1x16x1024xf32, #tpu.memory_space<vmem>>
        %get3A_1903 = tpu.memref_squeeze %get3A_1902 : memref<1x16x1024xf32, #tpu.memory_space<vmem>> -> memref<16x1024xf32, #tpu.memory_space<vmem>>
        %get3A_1904 = arith.index_cast %add3A_263 : i32 to index
        %get3A_1905 = arith.constant 1008 : index
        %get3A_1906 = tpu.vector_load %get3A_1903[%get3A_1904, %get3A_1905] {strides = array<i32>} : memref<16x1024xf32, #tpu.memory_space<vmem>>, vector<1x16xf32>,
        %get3A_1907 = vector.shape_cast %get3A_1906 : vector<1x16xf32> to vector<16xf32>
        %get3A_1908 = arith.constant 0 : i32
        %get3A_1909 = arith.constant 0 : i32
        %get3A_1910 = tpu.memref_slice %arg8[%scan3A_165, %get3A_1908, %get3A_1909] : memref<2x16x1024xf32, #tpu.memory_space<vmem>> -> memref<1x16x1024xf32, #tpu.memory_space<vmem>>
        %get3A_1911 = tpu.memref_squeeze %get3A_1910 : memref<1x16x1024xf32, #tpu.memory_space<vmem>> -> memref<16x1024xf32, #tpu.memory_space<vmem>>
        %get3A_1912 = arith.index_cast %add3A_263 : i32 to index
        %get3A_1913 = arith.constant 1008 : index
        %get3A_1914 = tpu.vector_load %get3A_1911[%get3A_1912, %get3A_1913] {strides = array<i32>} : memref<16x1024xf32, #tpu.memory_space<vmem>>, vector<1x16xf32>,
        %get3A_1915 = vector.shape_cast %get3A_1914 : vector<1x16xf32> to vector<16xf32>
        %add3A_1916 = arith.addf %get3A_1907, %get3A_1915 : vector<16xf32>
        %swap3A_1917 = arith.constant 0 : i32
        %swap3A_1918 = arith.constant 0 : i32
        %swap3A_1919 = tpu.memref_slice %arg9[%scan3A_166, %swap3A_1917, %swap3A_1918] : memref<2x16x1024xf32, #tpu.memory_space<vmem>> -> memref<1x16x1024xf32, #tpu.memory_space<vmem>>
        %swap3A_1920 = tpu.memref_squeeze %swap3A_1919 : memref<1x16x1024xf32, #tpu.memory_space<vmem>> -> memref<16x1024xf32, #tpu.memory_space<vmem>>
        %swap3A_1921 = arith.index_cast %add3A_263 : i32 to index
        %swap3A_1922 = arith.constant 1008 : index
        %swap3A_1923 = tpu.vector_load %swap3A_1920[%swap3A_1921, %swap3A_1922] {strides = array<i32>} : memref<16x1024xf32, #tpu.memory_space<vmem>>, vector<1x16xf32>,
        %swap3A_1924 = vector.shape_cast %swap3A_1923 : vector<1x16xf32> to vector<16xf32>
        %swap3A_1925 = vector.shape_cast %add3A_1916 : vector<16xf32> to vector<1x16xf32>
        tpu.vector_store %swap3A_1920[%swap3A_1921, %swap3A_1922], %swap3A_1925 {strides = array<i32>} : memref<16x1024xf32, #tpu.memory_space<vmem>>, vector<1x16xf32>,
      }
      %scan3A_171 = arith.constant 16 : i32
      %dma_start3A_172 = arith.constant 0 : i32
      %dma_start3A_173 = arith.constant 0 : i32
      %dma_start3A_174 = arith.constant 0 : i32
      %dma_start3A_175 = tpu.memref_slice %arg9[%dma_start3A_172, %dma_start3A_173, %dma_start3A_174] : memref<2x16x1024xf32, #tpu.memory_space<vmem>> -> memref<1x16x1024xf32, #tpu.memory_space<vmem>>
      %dma_start3A_176 = tpu.memref_squeeze %dma_start3A_175 : memref<1x16x1024xf32, #tpu.memory_space<vmem>> -> memref<16x1024xf32, #tpu.memory_space<vmem>>
      %dma_start3A_177 = tpu.memref_reshape %arg5 : memref<2x8192x1024xf32, #tpu.memory_space<hbm>> -> memref<16384x1024xf32, #tpu.memory_space<hbm>>
      %dma_start3A_178 = arith.constant 0 : i32
      %dma_start3A_179 = tpu.memref_slice %dma_start3A_177[%add3A_136, %dma_start3A_178] : memref<16384x1024xf32, #tpu.memory_space<hbm>> -> memref<16x1024xf32, #tpu.memory_space<hbm>>
      %dma_start3A_180 = tpu.memref_reshape %arg5 : memref<2x8192x1024xf32, #tpu.memory_space<hbm>> -> memref<16384x1024xf32, #tpu.memory_space<hbm>>
      %dma_start3A_181 = arith.constant 0 : i32
      %dma_start3A_182 = tpu.memref_slice %dma_start3A_180[%add3A_136, %dma_start3A_181] : memref<16384x1024xf32, #tpu.memory_space<hbm>> -> memref<16x1024xf32, #tpu.memory_space<hbm>>
      %dma_start3A_183 = arith.constant 0 : i32
      %dma_start3A_184 = arith.constant 0 : i32
      %dma_start3A_185 = tpu.memref_slice %arg9[%dma_start3A_172, %dma_start3A_183, %dma_start3A_184] : memref<2x16x1024xf32, #tpu.memory_space<vmem>> -> memref<1x16x1024xf32, #tpu.memory_space<vmem>>
      %dma_start3A_186 = tpu.memref_squeeze %dma_start3A_185 : memref<1x16x1024xf32, #tpu.memory_space<vmem>> -> memref<16x1024xf32, #tpu.memory_space<vmem>>
      tpu.enqueue_dma source(%dma_start3A_186 : memref<16x1024xf32, #tpu.memory_space<vmem>>) target(%dma_start3A_182 : memref<16x1024xf32, #tpu.memory_space<hbm>>) target_semaphore(%arg14 : memref<!tpu.dma_semaphore, #tpu.memory_space<semaphore_mem>>)
      %add3A_187 = arith.constant 2 : i32
      %add3A_188 = arith.addi %add3A_131, %add3A_187 : i32
      %lt3A_189 = arith.constant 32 : i32
      %lt3A_190 = arith.cmpi slt, %add3A_188, %lt3A_189 : i32
      %convert_element_type3A_191 = arith.extui %lt3A_190 : i1 to i32
      %cond3A_192 = arith.constant 0 : i32
      %cond3A_193 = arith.cmpi ne, %convert_element_type3A_191, %cond3A_192 : i32
      scf.if %cond3A_193 {
        %add3A_259 = arith.constant 32 : i32
        %add3A_260 = arith.addi %mul3A_135, %add3A_259 : i32
        %dma_start3A_261 = arith.constant 0 : i32
        %dma_start3A_262 = arith.constant 0 : i32
        %dma_start3A_263 = arith.constant 0 : i32
        %dma_start3A_264 = tpu.memref_slice %arg7[%dma_start3A_261, %dma_start3A_262, %dma_start3A_263] : memref<2x16x1024xf32, #tpu.memory_space<vmem>> -> memref<1x16x1024xf32, #tpu.memory_space<vmem>>
        %dma_start3A_265 = tpu.memref_squeeze %dma_start3A_264 : memref<1x16x1024xf32, #tpu.memory_space<vmem>> -> memref<16x1024xf32, #tpu.memory_space<vmem>>
        %dma_start3A_266 = tpu.memref_slice %arg6[%add3A_260] : memref<512xi32, #tpu.memory_space<vmem>> -> memref<16xi32, #tpu.memory_space<vmem>>
        %dma_start3A_267 = tpu.memref_reshape %arg4 : memref<8192x1x1024xf32, #tpu.memory_space<hbm>> -> memref<8192x1024xf32, #tpu.memory_space<hbm>>
        %dma_start3A_268 = arith.constant 0 : i32
        %dma_start3A_269 = arith.constant 0 : i32
        %dma_start3A_270 = tpu.memref_slice %dma_start3A_267[%dma_start3A_268, %dma_start3A_269] : memref<8192x1024xf32, #tpu.memory_space<hbm>> -> memref<8192x1024xf32, #tpu.memory_space<hbm>>
        tpu.enqueue_indirect_dma source(%dma_start3A_270 : memref<8192x1024xf32, #tpu.memory_space<hbm>>) target(%dma_start3A_265 : memref<16x1024xf32, #tpu.memory_space<vmem>>) offsets(%dma_start3A_266 : memref<16xi32, #tpu.memory_space<vmem>>) semaphore(%arg10 : memref<!tpu.dma_semaphore, #tpu.memory_space<semaphore_mem>>)
        %add3A_271 = arith.addi %mul3A_2, %add3A_260 : i32
        %dma_start3A_272 = arith.constant 0 : i32
        %dma_start3A_273 = arith.constant 0 : i32
        %dma_start3A_274 = arith.constant 0 : i32
        %dma_start3A_275 = tpu.memref_slice %arg8[%dma_start3A_272, %dma_start3A_273, %dma_start3A_274] : memref<2x16x1024xf32, #tpu.memory_space<vmem>> -> memref<1x16x1024xf32, #tpu.memory_space<vmem>>
        %dma_start3A_276 = tpu.memref_squeeze %dma_start3A_275 : memref<1x16x1024xf32, #tpu.memory_space<vmem>> -> memref<16x1024xf32, #tpu.memory_space<vmem>>
        %dma_start3A_277 = tpu.memref_reshape %arg2 : memref<2x8192x1024xf32, #tpu.memory_space<hbm>> -> memref<16384x1024xf32, #tpu.memory_space<hbm>>
        %dma_start3A_278 = arith.constant 0 : i32
        %dma_start3A_279 = tpu.memref_slice %dma_start3A_277[%add3A_271, %dma_start3A_278] : memref<16384x1024xf32, #tpu.memory_space<hbm>> -> memref<16x1024xf32, #tpu.memory_space<hbm>>
        %dma_start3A_280 = arith.constant 0 : i32
        %dma_start3A_281 = arith.constant 0 : i32
        %dma_start3A_282 = tpu.memref_slice %arg8[%dma_start3A_272, %dma_start3A_280, %dma_start3A_281] : memref<2x16x1024xf32, #tpu.memory_space<vmem>> -> memref<1x16x1024xf32, #tpu.memory_space<vmem>>
        %dma_start3A_283 = tpu.memref_squeeze %dma_start3A_282 : memref<1x16x1024xf32, #tpu.memory_space<vmem>> -> memref<16x1024xf32, #tpu.memory_space<vmem>>
        %dma_start3A_284 = tpu.memref_reshape %arg2 : memref<2x8192x1024xf32, #tpu.memory_space<hbm>> -> memref<16384x1024xf32, #tpu.memory_space<hbm>>
        %dma_start3A_285 = arith.constant 0 : i32
        %dma_start3A_286 = tpu.memref_slice %dma_start3A_284[%add3A_271, %dma_start3A_285] : memref<16384x1024xf32, #tpu.memory_space<hbm>> -> memref<16x1024xf32, #tpu.memory_space<hbm>>
        tpu.enqueue_dma source(%dma_start3A_286 : memref<16x1024xf32, #tpu.memory_space<hbm>>) target(%dma_start3A_283 : memref<16x1024xf32, #tpu.memory_space<vmem>>) target_semaphore(%arg12 : memref<!tpu.dma_semaphore, #tpu.memory_space<semaphore_mem>>)
      } else {
      }
      %add3A_194 = arith.constant 1 : i32
      %add3A_195 = arith.addi %add3A_131, %add3A_194 : i32
      %mul3A_196 = arith.constant 16 : i32
      %mul3A_197 = arith.muli %add3A_195, %mul3A_196 : i32
      %add3A_198 = arith.addi %mul3A_2, %mul3A_197 : i32
      %dma_wait3A_199 = arith.constant 1 : i32
      %dma_wait3A_200 = arith.constant 0 : i32
      %dma_wait3A_201 = arith.constant 0 : i32
      %dma_wait3A_202 = tpu.memref_slice %arg7[%dma_wait3A_199, %dma_wait3A_200, %dma_wait3A_201] : memref<2x16x1024xf32, #tpu.memory_space<vmem>> -> memref<1x16x1024xf32, #tpu.memory_space<vmem>>
      %dma_wait3A_203 = tpu.memref_squeeze %dma_wait3A_202 : memref<1x16x1024xf32, #tpu.memory_space<vmem>> -> memref<16x1024xf32, #tpu.memory_space<vmem>>
      %dma_wait3A_204 = tpu.memref_slice %arg6[%mul3A_197] : memref<512xi32, #tpu.memory_space<vmem>> -> memref<16xi32, #tpu.memory_space<vmem>>
      %dma_wait3A_205 = tpu.memref_reshape %arg4 : memref<8192x1x1024xf32, #tpu.memory_space<hbm>> -> memref<8192x1024xf32, #tpu.memory_space<hbm>>
      %dma_wait3A_206 = arith.constant 0 : i32
      %dma_wait3A_207 = arith.constant 0 : i32
      %dma_wait3A_208 = tpu.memref_slice %dma_wait3A_205[%dma_wait3A_206, %dma_wait3A_207] : memref<8192x1024xf32, #tpu.memory_space<hbm>> -> memref<8192x1024xf32, #tpu.memory_space<hbm>>
      tpu.wait_indirect_dma semaphore(%arg11 : memref<!tpu.dma_semaphore, #tpu.memory_space<semaphore_mem>>) src(%dma_wait3A_208 : memref<8192x1024xf32, #tpu.memory_space<hbm>>) dst(%dma_wait3A_203 : memref<16x1024xf32, #tpu.memory_space<vmem>>)
      %dma_wait3A_209 = arith.constant 1 : i32
      %dma_wait3A_210 = arith.constant 0 : i32
      %dma_wait3A_211 = arith.constant 0 : i32
      %dma_wait3A_212 = tpu.memref_slice %arg8[%dma_wait3A_209, %dma_wait3A_210, %dma_wait3A_211] : memref<2x16x1024xf32, #tpu.memory_space<vmem>> -> memref<1x16x1024xf32, #tpu.memory_space<vmem>>
      %dma_wait3A_213 = tpu.memref_squeeze %dma_wait3A_212 : memref<1x16x1024xf32, #tpu.memory_space<vmem>> -> memref<16x1024xf32, #tpu.memory_space<vmem>>
      %dma_wait3A_214 = tpu.memref_reshape %arg2 : memref<2x8192x1024xf32, #tpu.memory_space<hbm>> -> memref<16384x1024xf32, #tpu.memory_space<hbm>>
      %dma_wait3A_215 = arith.constant 0 : i32
      %dma_wait3A_216 = tpu.memref_slice %dma_wait3A_214[%add3A_198, %dma_wait3A_215] : memref<16384x1024xf32, #tpu.memory_space<hbm>> -> memref<16x1024xf32, #tpu.memory_space<hbm>>
      %dma_wait3A_217 = arith.constant 0 : i32
      %dma_wait3A_218 = arith.constant 0 : i32
      %dma_wait3A_219 = tpu.memref_slice %arg8[%dma_wait3A_209, %dma_wait3A_217, %dma_wait3A_218] : memref<2x16x1024xf32, #tpu.memory_space<vmem>> -> memref<1x16x1024xf32, #tpu.memory_space<vmem>>
      %dma_wait3A_220 = tpu.memref_squeeze %dma_wait3A_219 : memref<1x16x1024xf32, #tpu.memory_space<vmem>> -> memref<16x1024xf32, #tpu.memory_space<vmem>>
      %dma_wait3A_221 = tpu.memref_reshape %arg2 : memref<2x8192x1024xf32, #tpu.memory_space<hbm>> -> memref<16384x1024xf32, #tpu.memory_space<hbm>>
      %dma_wait3A_222 = arith.constant 0 : i32
      %dma_wait3A_223 = tpu.memref_slice %dma_wait3A_221[%add3A_198, %dma_wait3A_222] : memref<16384x1024xf32, #tpu.memory_space<hbm>> -> memref<16x1024xf32, #tpu.memory_space<hbm>>
      tpu.wait_dma2 semaphore(%arg13 : memref<!tpu.dma_semaphore, #tpu.memory_space<semaphore_mem>>) src(%dma_wait3A_223 : memref<16x1024xf32, #tpu.memory_space<hbm>>) dst(%dma_wait3A_220 : memref<16x1024xf32, #tpu.memory_space<vmem>>)
      %ge3A_224 = arith.constant 2 : i32
      %ge3A_225 = arith.cmpi sge, %add3A_131, %ge3A_224 : i32
      %convert_element_type3A_226 = arith.extui %ge3A_225 : i1 to i32
      %cond3A_227 = arith.constant 0 : i32
      %cond3A_228 = arith.cmpi ne, %convert_element_type3A_226, %cond3A_227 : i32
      scf.if %cond3A_228 {
        %sub3A_259 = arith.constant 32 : i32
        %sub3A_260 = arith.subi %add3A_198, %sub3A_259 : i32
        %dma_wait3A_261 = arith.constant 1 : i32
        %dma_wait3A_262 = arith.constant 0 : i32
        %dma_wait3A_263 = arith.constant 0 : i32
        %dma_wait3A_264 = tpu.memref_slice %arg9[%dma_wait3A_261, %dma_wait3A_262, %dma_wait3A_263] : memref<2x16x1024xf32, #tpu.memory_space<vmem>> -> memref<1x16x1024xf32, #tpu.memory_space<vmem>>
        %dma_wait3A_265 = tpu.memref_squeeze %dma_wait3A_264 : memref<1x16x1024xf32, #tpu.memory_space<vmem>> -> memref<16x1024xf32, #tpu.memory_space<vmem>>
        %dma_wait3A_266 = tpu.memref_reshape %arg5 : memref<2x8192x1024xf32, #tpu.memory_space<hbm>> -> memref<16384x1024xf32, #tpu.memory_space<hbm>>
        %dma_wait3A_267 = arith.constant 0 : i32
        %dma_wait3A_268 = tpu.memref_slice %dma_wait3A_266[%sub3A_260, %dma_wait3A_267] : memref<16384x1024xf32, #tpu.memory_space<hbm>> -> memref<16x1024xf32, #tpu.memory_space<hbm>>
        %dma_wait3A_269 = tpu.memref_reshape %arg5 : memref<2x8192x1024xf32, #tpu.memory_space<hbm>> -> memref<16384x1024xf32, #tpu.memory_space<hbm>>
        %dma_wait3A_270 = arith.constant 0 : i32
        %dma_wait3A_271 = tpu.memref_slice %dma_wait3A_269[%sub3A_260, %dma_wait3A_270] : memref<16384x1024xf32, #tpu.memory_space<hbm>> -> memref<16x1024xf32, #tpu.memory_space<hbm>>
        %dma_wait3A_272 = arith.constant 0 : i32
        %dma_wait3A_273 = arith.constant 0 : i32
        %dma_wait3A_274 = tpu.memref_slice %arg9[%dma_wait3A_261, %dma_wait3A_272, %dma_wait3A_273] : memref<2x16x1024xf32, #tpu.memory_space<vmem>> -> memref<1x16x1024xf32, #tpu.memory_space<vmem>>
        %dma_wait3A_275 = tpu.memref_squeeze %dma_wait3A_274 : memref<1x16x1024xf32, #tpu.memory_space<vmem>> -> memref<16x1024xf32, #tpu.memory_space<vmem>>
        tpu.wait_dma2 semaphore(%arg15 : memref<!tpu.dma_semaphore, #tpu.memory_space<semaphore_mem>>) src(%dma_wait3A_275 : memref<16x1024xf32, #tpu.memory_space<vmem>>) dst(%dma_wait3A_271 : memref<16x1024xf32, #tpu.memory_space<hbm>>)
      } else {
      }
      %scan3A_229 = arith.constant 1 : i32
      %scan3A_230 = arith.constant 1 : i32
      %scan3A_231 = arith.constant 1 : i32
      %scan3A_232 = arith.constant 0 : i32
      %scan3A_233 = arith.constant 16 : i32
      %scan3A_234 = arith.addi %scan3A_232, %scan3A_233 : i32
      %scan3A_235 = arith.constant 1 : i32
      scf.for %scan3A_259 = %scan3A_232 to %scan3A_234 step %scan3A_235  : i32 {
        %mul3A_260 = arith.constant 1 : i32
        %mul3A_261 = arith.muli %scan3A_259, %mul3A_260 : i32
        %add3A_262 = arith.constant 0 : i32
        %add3A_263 = arith.addi %add3A_262, %mul3A_261 : i32
        %get3A = arith.constant 0 : i32
        %get3A_264 = arith.constant 0 : i32
        %get3A_265 = tpu.memref_slice %arg7[%scan3A_229, %get3A, %get3A_264] : memref<2x16x1024xf32, #tpu.memory_space<vmem>> -> memref<1x16x1024xf32, #tpu.memory_space<vmem>>
        %get3A_266 = tpu.memref_squeeze %get3A_265 : memref<1x16x1024xf32, #tpu.memory_space<vmem>> -> memref<16x1024xf32, #tpu.memory_space<vmem>>
        %get3A_267 = arith.index_cast %add3A_263 : i32 to index
        %get3A_268 = arith.constant 0 : index
        %get3A_269 = tpu.vector_load %get3A_266[%get3A_267, %get3A_268] {strides = array<i32>} : memref<16x1024xf32, #tpu.memory_space<vmem>>, vector<1x16xf32>,
        %get3A_270 = vector.shape_cast %get3A_269 : vector<1x16xf32> to vector<16xf32>
        %get3A_271 = arith.constant 0 : i32
        %get3A_272 = arith.constant 0 : i32
        %get3A_273 = tpu.memref_slice %arg8[%scan3A_230, %get3A_271, %get3A_272] : memref<2x16x1024xf32, #tpu.memory_space<vmem>> -> memref<1x16x1024xf32, #tpu.memory_space<vmem>>
        %get3A_274 = tpu.memref_squeeze %get3A_273 : memref<1x16x1024xf32, #tpu.memory_space<vmem>> -> memref<16x1024xf32, #tpu.memory_space<vmem>>
        %get3A_275 = arith.index_cast %add3A_263 : i32 to index
        %get3A_276 = arith.constant 0 : index
        %get3A_277 = tpu.vector_load %get3A_274[%get3A_275, %get3A_276] {strides = array<i32>} : memref<16x1024xf32, #tpu.memory_space<vmem>>, vector<1x16xf32>,
        %get3A_278 = vector.shape_cast %get3A_277 : vector<1x16xf32> to vector<16xf32>
        %add3A_279 = arith.addf %get3A_270, %get3A_278 : vector<16xf32>
        %swap3A = arith.constant 0 : i32
        %swap3A_280 = arith.constant 0 : i32
        %swap3A_281 = tpu.memref_slice %arg9[%scan3A_231, %swap3A, %swap3A_280] : memref<2x16x1024xf32, #tpu.memory_space<vmem>> -> memref<1x16x1024xf32, #tpu.memory_space<vmem>>
        %swap3A_282 = tpu.memref_squeeze %swap3A_281 : memref<1x16x1024xf32, #tpu.memory_space<vmem>> -> memref<16x1024xf32, #tpu.memory_space<vmem>>
        %swap3A_283 = arith.index_cast %add3A_263 : i32 to index
        %swap3A_284 = arith.constant 0 : index
        %swap3A_285 = tpu.vector_load %swap3A_282[%swap3A_283, %swap3A_284] {strides = array<i32>} : memref<16x1024xf32, #tpu.memory_space<vmem>>, vector<1x16xf32>,
        %swap3A_286 = vector.shape_cast %swap3A_285 : vector<1x16xf32> to vector<16xf32>
        %swap3A_287 = vector.shape_cast %add3A_279 : vector<16xf32> to vector<1x16xf32>
        tpu.vector_store %swap3A_282[%swap3A_283, %swap3A_284], %swap3A_287 {strides = array<i32>} : memref<16x1024xf32, #tpu.memory_space<vmem>>, vector<1x16xf32>,
        %get3A_288 = arith.constant 0 : i32
        %get3A_289 = arith.constant 0 : i32
        %get3A_290 = tpu.memref_slice %arg7[%scan3A_229, %get3A_288, %get3A_289] : memref<2x16x1024xf32, #tpu.memory_space<vmem>> -> memref<1x16x1024xf32, #tpu.memory_space<vmem>>
        %get3A_291 = tpu.memref_squeeze %get3A_290 : memref<1x16x1024xf32, #tpu.memory_space<vmem>> -> memref<16x1024xf32, #tpu.memory_space<vmem>>
        %get3A_292 = arith.index_cast %add3A_263 : i32 to index
        %get3A_293 = arith.constant 16 : index
        %get3A_294 = tpu.vector_load %get3A_291[%get3A_292, %get3A_293] {strides = array<i32>} : memref<16x1024xf32, #tpu.memory_space<vmem>>, vector<1x16xf32>,
        %get3A_295 = vector.shape_cast %get3A_294 : vector<1x16xf32> to vector<16xf32>
        %get3A_296 = arith.constant 0 : i32
        %get3A_297 = arith.constant 0 : i32
        %get3A_298 = tpu.memref_slice %arg8[%scan3A_230, %get3A_296, %get3A_297] : memref<2x16x1024xf32, #tpu.memory_space<vmem>> -> memref<1x16x1024xf32, #tpu.memory_space<vmem>>
        %get3A_299 = tpu.memref_squeeze %get3A_298 : memref<1x16x1024xf32, #tpu.memory_space<vmem>> -> memref<16x1024xf32, #tpu.memory_space<vmem>>
        %get3A_300 = arith.index_cast %add3A_263 : i32 to index
        %get3A_301 = arith.constant 16 : index
        %get3A_302 = tpu.vector_load %get3A_299[%get3A_300, %get3A_301] {strides = array<i32>} : memref<16x1024xf32, #tpu.memory_space<vmem>>, vector<1x16xf32>,
        %get3A_303 = vector.shape_cast %get3A_302 : vector<1x16xf32> to vector<16xf32>
        %add3A_304 = arith.addf %get3A_295, %get3A_303 : vector<16xf32>
        %swap3A_305 = arith.constant 0 : i32
        %swap3A_306 = arith.constant 0 : i32
        %swap3A_307 = tpu.memref_slice %arg9[%scan3A_231, %swap3A_305, %swap3A_306] : memref<2x16x1024xf32, #tpu.memory_space<vmem>> -> memref<1x16x1024xf32, #tpu.memory_space<vmem>>
        %swap3A_308 = tpu.memref_squeeze %swap3A_307 : memref<1x16x1024xf32, #tpu.memory_space<vmem>> -> memref<16x1024xf32, #tpu.memory_space<vmem>>
        %swap3A_309 = arith.index_cast %add3A_263 : i32 to index
        %swap3A_310 = arith.constant 16 : index
        %swap3A_311 = tpu.vector_load %swap3A_308[%swap3A_309, %swap3A_310] {strides = array<i32>} : memref<16x1024xf32, #tpu.memory_space<vmem>>, vector<1x16xf32>,
        %swap3A_312 = vector.shape_cast %swap3A_311 : vector<1x16xf32> to vector<16xf32>
        %swap3A_313 = vector.shape_cast %add3A_304 : vector<16xf32> to vector<1x16xf32>
        tpu.vector_store %swap3A_308[%swap3A_309, %swap3A_310], %swap3A_313 {strides = array<i32>} : memref<16x1024xf32, #tpu.memory_space<vmem>>, vector<1x16xf32>,
        %get3A_314 = arith.constant 0 : i32
        %get3A_315 = arith.constant 0 : i32
        %get3A_316 = tpu.memref_slice %arg7[%scan3A_229, %get3A_314, %get3A_315] : memref<2x16x1024xf32, #tpu.memory_space<vmem>> -> memref<1x16x1024xf32, #tpu.memory_space<vmem>>
        %get3A_317 = tpu.memref_squeeze %get3A_316 : memref<1x16x1024xf32, #tpu.memory_space<vmem>> -> memref<16x1024xf32, #tpu.memory_space<vmem>>
        %get3A_318 = arith.index_cast %add3A_263 : i32 to index
        %get3A_319 = arith.constant 32 : index
        %get3A_320 = tpu.vector_load %get3A_317[%get3A_318, %get3A_319] {strides = array<i32>} : memref<16x1024xf32, #tpu.memory_space<vmem>>, vector<1x16xf32>,
        %get3A_321 = vector.shape_cast %get3A_320 : vector<1x16xf32> to vector<16xf32>
        %get3A_322 = arith.constant 0 : i32
        %get3A_323 = arith.constant 0 : i32
        %get3A_324 = tpu.memref_slice %arg8[%scan3A_230, %get3A_322, %get3A_323] : memref<2x16x1024xf32, #tpu.memory_space<vmem>> -> memref<1x16x1024xf32, #tpu.memory_space<vmem>>
        %get3A_325 = tpu.memref_squeeze %get3A_324 : memref<1x16x1024xf32, #tpu.memory_space<vmem>> -> memref<16x1024xf32, #tpu.memory_space<vmem>>
        %get3A_326 = arith.index_cast %add3A_263 : i32 to index
        %get3A_327 = arith.constant 32 : index
        %get3A_328 = tpu.vector_load %get3A_325[%get3A_326, %get3A_327] {strides = array<i32>} : memref<16x1024xf32, #tpu.memory_space<vmem>>, vector<1x16xf32>,
        %get3A_329 = vector.shape_cast %get3A_328 : vector<1x16xf32> to vector<16xf32>
        %add3A_330 = arith.addf %get3A_321, %get3A_329 : vector<16xf32>
        %swap3A_331 = arith.constant 0 : i32
        %swap3A_332 = arith.constant 0 : i32
        %swap3A_333 = tpu.memref_slice %arg9[%scan3A_231, %swap3A_331, %swap3A_332] : memref<2x16x1024xf32, #tpu.memory_space<vmem>> -> memref<1x16x1024xf32, #tpu.memory_space<vmem>>
        %swap3A_334 = tpu.memref_squeeze %swap3A_333 : memref<1x16x1024xf32, #tpu.memory_space<vmem>> -> memref<16x1024xf32, #tpu.memory_space<vmem>>
        %swap3A_335 = arith.index_cast %add3A_263 : i32 to index
        %swap3A_336 = arith.constant 32 : index
        %swap3A_337 = tpu.vector_load %swap3A_334[%swap3A_335, %swap3A_336] {strides = array<i32>} : memref<16x1024xf32, #tpu.memory_space<vmem>>, vector<1x16xf32>,
        %swap3A_338 = vector.shape_cast %swap3A_337 : vector<1x16xf32> to vector<16xf32>
        %swap3A_339 = vector.shape_cast %add3A_330 : vector<16xf32> to vector<1x16xf32>
        tpu.vector_store %swap3A_334[%swap3A_335, %swap3A_336], %swap3A_339 {strides = array<i32>} : memref<16x1024xf32, #tpu.memory_space<vmem>>, vector<1x16xf32>,
        %get3A_340 = arith.constant 0 : i32
        %get3A_341 = arith.constant 0 : i32
        %get3A_342 = tpu.memref_slice %arg7[%scan3A_229, %get3A_340, %get3A_341] : memref<2x16x1024xf32, #tpu.memory_space<vmem>> -> memref<1x16x1024xf32, #tpu.memory_space<vmem>>
        %get3A_343 = tpu.memref_squeeze %get3A_342 : memref<1x16x1024xf32, #tpu.memory_space<vmem>> -> memref<16x1024xf32, #tpu.memory_space<vmem>>
        %get3A_344 = arith.index_cast %add3A_263 : i32 to index
        %get3A_345 = arith.constant 48 : index
        %get3A_346 = tpu.vector_load %get3A_343[%get3A_344, %get3A_345] {strides = array<i32>} : memref<16x1024xf32, #tpu.memory_space<vmem>>, vector<1x16xf32>,
        %get3A_347 = vector.shape_cast %get3A_346 : vector<1x16xf32> to vector<16xf32>
        %get3A_348 = arith.constant 0 : i32
        %get3A_349 = arith.constant 0 : i32
        %get3A_350 = tpu.memref_slice %arg8[%scan3A_230, %get3A_348, %get3A_349] : memref<2x16x1024xf32, #tpu.memory_space<vmem>> -> memref<1x16x1024xf32, #tpu.memory_space<vmem>>
        %get3A_351 = tpu.memref_squeeze %get3A_350 : memref<1x16x1024xf32, #tpu.memory_space<vmem>> -> memref<16x1024xf32, #tpu.memory_space<vmem>>
        %get3A_352 = arith.index_cast %add3A_263 : i32 to index
        %get3A_353 = arith.constant 48 : index
        %get3A_354 = tpu.vector_load %get3A_351[%get3A_352, %get3A_353] {strides = array<i32>} : memref<16x1024xf32, #tpu.memory_space<vmem>>, vector<1x16xf32>,
        %get3A_355 = vector.shape_cast %get3A_354 : vector<1x16xf32> to vector<16xf32>
        %add3A_356 = arith.addf %get3A_347, %get3A_355 : vector<16xf32>
        %swap3A_357 = arith.constant 0 : i32
        %swap3A_358 = arith.constant 0 : i32
        %swap3A_359 = tpu.memref_slice %arg9[%scan3A_231, %swap3A_357, %swap3A_358] : memref<2x16x1024xf32, #tpu.memory_space<vmem>> -> memref<1x16x1024xf32, #tpu.memory_space<vmem>>
        %swap3A_360 = tpu.memref_squeeze %swap3A_359 : memref<1x16x1024xf32, #tpu.memory_space<vmem>> -> memref<16x1024xf32, #tpu.memory_space<vmem>>
        %swap3A_361 = arith.index_cast %add3A_263 : i32 to index
        %swap3A_362 = arith.constant 48 : index
        %swap3A_363 = tpu.vector_load %swap3A_360[%swap3A_361, %swap3A_362] {strides = array<i32>} : memref<16x1024xf32, #tpu.memory_space<vmem>>, vector<1x16xf32>,
        %swap3A_364 = vector.shape_cast %swap3A_363 : vector<1x16xf32> to vector<16xf32>
        %swap3A_365 = vector.shape_cast %add3A_356 : vector<16xf32> to vector<1x16xf32>
        tpu.vector_store %swap3A_360[%swap3A_361, %swap3A_362], %swap3A_365 {strides = array<i32>} : memref<16x1024xf32, #tpu.memory_space<vmem>>, vector<1x16xf32>,
        %get3A_366 = arith.constant 0 : i32
        %get3A_367 = arith.constant 0 : i32
        %get3A_368 = tpu.memref_slice %arg7[%scan3A_229, %get3A_366, %get3A_367] : memref<2x16x1024xf32, #tpu.memory_space<vmem>> -> memref<1x16x1024xf32, #tpu.memory_space<vmem>>
        %get3A_369 = tpu.memref_squeeze %get3A_368 : memref<1x16x1024xf32, #tpu.memory_space<vmem>> -> memref<16x1024xf32, #tpu.memory_space<vmem>>
        %get3A_370 = arith.index_cast %add3A_263 : i32 to index
        %get3A_371 = arith.constant 64 : index
        %get3A_372 = tpu.vector_load %get3A_369[%get3A_370, %get3A_371] {strides = array<i32>} : memref<16x1024xf32, #tpu.memory_space<vmem>>, vector<1x16xf32>,
        %get3A_373 = vector.shape_cast %get3A_372 : vector<1x16xf32> to vector<16xf32>
        %get3A_374 = arith.constant 0 : i32
        %get3A_375 = arith.constant 0 : i32
        %get3A_376 = tpu.memref_slice %arg8[%scan3A_230, %get3A_374, %get3A_375] : memref<2x16x1024xf32, #tpu.memory_space<vmem>> -> memref<1x16x1024xf32, #tpu.memory_space<vmem>>
        %get3A_377 = tpu.memref_squeeze %get3A_376 : memref<1x16x1024xf32, #tpu.memory_space<vmem>> -> memref<16x1024xf32, #tpu.memory_space<vmem>>
        %get3A_378 = arith.index_cast %add3A_263 : i32 to index
        %get3A_379 = arith.constant 64 : index
        %get3A_380 = tpu.vector_load %get3A_377[%get3A_378, %get3A_379] {strides = array<i32>} : memref<16x1024xf32, #tpu.memory_space<vmem>>, vector<1x16xf32>,
        %get3A_381 = vector.shape_cast %get3A_380 : vector<1x16xf32> to vector<16xf32>
        %add3A_382 = arith.addf %get3A_373, %get3A_381 : vector<16xf32>
        %swap3A_383 = arith.constant 0 : i32
        %swap3A_384 = arith.constant 0 : i32
        %swap3A_385 = tpu.memref_slice %arg9[%scan3A_231, %swap3A_383, %swap3A_384] : memref<2x16x1024xf32, #tpu.memory_space<vmem>> -> memref<1x16x1024xf32, #tpu.memory_space<vmem>>
        %swap3A_386 = tpu.memref_squeeze %swap3A_385 : memref<1x16x1024xf32, #tpu.memory_space<vmem>> -> memref<16x1024xf32, #tpu.memory_space<vmem>>
        %swap3A_387 = arith.index_cast %add3A_263 : i32 to index
        %swap3A_388 = arith.constant 64 : index
        %swap3A_389 = tpu.vector_load %swap3A_386[%swap3A_387, %swap3A_388] {strides = array<i32>} : memref<16x1024xf32, #tpu.memory_space<vmem>>, vector<1x16xf32>,
        %swap3A_390 = vector.shape_cast %swap3A_389 : vector<1x16xf32> to vector<16xf32>
        %swap3A_391 = vector.shape_cast %add3A_382 : vector<16xf32> to vector<1x16xf32>
        tpu.vector_store %swap3A_386[%swap3A_387, %swap3A_388], %swap3A_391 {strides = array<i32>} : memref<16x1024xf32, #tpu.memory_space<vmem>>, vector<1x16xf32>,
        %get3A_392 = arith.constant 0 : i32
        %get3A_393 = arith.constant 0 : i32
        %get3A_394 = tpu.memref_slice %arg7[%scan3A_229, %get3A_392, %get3A_393] : memref<2x16x1024xf32, #tpu.memory_space<vmem>> -> memref<1x16x1024xf32, #tpu.memory_space<vmem>>
        %get3A_395 = tpu.memref_squeeze %get3A_394 : memref<1x16x1024xf32, #tpu.memory_space<vmem>> -> memref<16x1024xf32, #tpu.memory_space<vmem>>
        %get3A_396 = arith.index_cast %add3A_263 : i32 to index
        %get3A_397 = arith.constant 80 : index
        %get3A_398 = tpu.vector_load %get3A_395[%get3A_396, %get3A_397] {strides = array<i32>} : memref<16x1024xf32, #tpu.memory_space<vmem>>, vector<1x16xf32>,
        %get3A_399 = vector.shape_cast %get3A_398 : vector<1x16xf32> to vector<16xf32>
        %get3A_400 = arith.constant 0 : i32
        %get3A_401 = arith.constant 0 : i32
        %get3A_402 = tpu.memref_slice %arg8[%scan3A_230, %get3A_400, %get3A_401] : memref<2x16x1024xf32, #tpu.memory_space<vmem>> -> memref<1x16x1024xf32, #tpu.memory_space<vmem>>
        %get3A_403 = tpu.memref_squeeze %get3A_402 : memref<1x16x1024xf32, #tpu.memory_space<vmem>> -> memref<16x1024xf32, #tpu.memory_space<vmem>>
        %get3A_404 = arith.index_cast %add3A_263 : i32 to index
        %get3A_405 = arith.constant 80 : index
        %get3A_406 = tpu.vector_load %get3A_403[%get3A_404, %get3A_405] {strides = array<i32>} : memref<16x1024xf32, #tpu.memory_space<vmem>>, vector<1x16xf32>,
        %get3A_407 = vector.shape_cast %get3A_406 : vector<1x16xf32> to vector<16xf32>
        %add3A_408 = arith.addf %get3A_399, %get3A_407 : vector<16xf32>
        %swap3A_409 = arith.constant 0 : i32
        %swap3A_410 = arith.constant 0 : i32
        %swap3A_411 = tpu.memref_slice %arg9[%scan3A_231, %swap3A_409, %swap3A_410] : memref<2x16x1024xf32, #tpu.memory_space<vmem>> -> memref<1x16x1024xf32, #tpu.memory_space<vmem>>
        %swap3A_412 = tpu.memref_squeeze %swap3A_411 : memref<1x16x1024xf32, #tpu.memory_space<vmem>> -> memref<16x1024xf32, #tpu.memory_space<vmem>>
        %swap3A_413 = arith.index_cast %add3A_263 : i32 to index
        %swap3A_414 = arith.constant 80 : index
        %swap3A_415 = tpu.vector_load %swap3A_412[%swap3A_413, %swap3A_414] {strides = array<i32>} : memref<16x1024xf32, #tpu.memory_space<vmem>>, vector<1x16xf32>,
        %swap3A_416 = vector.shape_cast %swap3A_415 : vector<1x16xf32> to vector<16xf32>
        %swap3A_417 = vector.shape_cast %add3A_408 : vector<16xf32> to vector<1x16xf32>
        tpu.vector_store %swap3A_412[%swap3A_413, %swap3A_414], %swap3A_417 {strides = array<i32>} : memref<16x1024xf32, #tpu.memory_space<vmem>>, vector<1x16xf32>,
        %get3A_418 = arith.constant 0 : i32
        %get3A_419 = arith.constant 0 : i32
        %get3A_420 = tpu.memref_slice %arg7[%scan3A_229, %get3A_418, %get3A_419] : memref<2x16x1024xf32, #tpu.memory_space<vmem>> -> memref<1x16x1024xf32, #tpu.memory_space<vmem>>
        %get3A_421 = tpu.memref_squeeze %get3A_420 : memref<1x16x1024xf32, #tpu.memory_space<vmem>> -> memref<16x1024xf32, #tpu.memory_space<vmem>>
        %get3A_422 = arith.index_cast %add3A_263 : i32 to index
        %get3A_423 = arith.constant 96 : index
        %get3A_424 = tpu.vector_load %get3A_421[%get3A_422, %get3A_423] {strides = array<i32>} : memref<16x1024xf32, #tpu.memory_space<vmem>>, vector<1x16xf32>,
        %get3A_425 = vector.shape_cast %get3A_424 : vector<1x16xf32> to vector<16xf32>
        %get3A_426 = arith.constant 0 : i32
        %get3A_427 = arith.constant 0 : i32
        %get3A_428 = tpu.memref_slice %arg8[%scan3A_230, %get3A_426, %get3A_427] : memref<2x16x1024xf32, #tpu.memory_space<vmem>> -> memref<1x16x1024xf32, #tpu.memory_space<vmem>>
        %get3A_429 = tpu.memref_squeeze %get3A_428 : memref<1x16x1024xf32, #tpu.memory_space<vmem>> -> memref<16x1024xf32, #tpu.memory_space<vmem>>
        %get3A_430 = arith.index_cast %add3A_263 : i32 to index
        %get3A_431 = arith.constant 96 : index
        %get3A_432 = tpu.vector_load %get3A_429[%get3A_430, %get3A_431] {strides = array<i32>} : memref<16x1024xf32, #tpu.memory_space<vmem>>, vector<1x16xf32>,
        %get3A_433 = vector.shape_cast %get3A_432 : vector<1x16xf32> to vector<16xf32>
        %add3A_434 = arith.addf %get3A_425, %get3A_433 : vector<16xf32>
        %swap3A_435 = arith.constant 0 : i32
        %swap3A_436 = arith.constant 0 : i32
        %swap3A_437 = tpu.memref_slice %arg9[%scan3A_231, %swap3A_435, %swap3A_436] : memref<2x16x1024xf32, #tpu.memory_space<vmem>> -> memref<1x16x1024xf32, #tpu.memory_space<vmem>>
        %swap3A_438 = tpu.memref_squeeze %swap3A_437 : memref<1x16x1024xf32, #tpu.memory_space<vmem>> -> memref<16x1024xf32, #tpu.memory_space<vmem>>
        %swap3A_439 = arith.index_cast %add3A_263 : i32 to index
        %swap3A_440 = arith.constant 96 : index
        %swap3A_441 = tpu.vector_load %swap3A_438[%swap3A_439, %swap3A_440] {strides = array<i32>} : memref<16x1024xf32, #tpu.memory_space<vmem>>, vector<1x16xf32>,
        %swap3A_442 = vector.shape_cast %swap3A_441 : vector<1x16xf32> to vector<16xf32>
        %swap3A_443 = vector.shape_cast %add3A_434 : vector<16xf32> to vector<1x16xf32>
        tpu.vector_store %swap3A_438[%swap3A_439, %swap3A_440], %swap3A_443 {strides = array<i32>} : memref<16x1024xf32, #tpu.memory_space<vmem>>, vector<1x16xf32>,
        %get3A_444 = arith.constant 0 : i32
        %get3A_445 = arith.constant 0 : i32
        %get3A_446 = tpu.memref_slice %arg7[%scan3A_229, %get3A_444, %get3A_445] : memref<2x16x1024xf32, #tpu.memory_space<vmem>> -> memref<1x16x1024xf32, #tpu.memory_space<vmem>>
        %get3A_447 = tpu.memref_squeeze %get3A_446 : memref<1x16x1024xf32, #tpu.memory_space<vmem>> -> memref<16x1024xf32, #tpu.memory_space<vmem>>
        %get3A_448 = arith.index_cast %add3A_263 : i32 to index
        %get3A_449 = arith.constant 112 : index
        %get3A_450 = tpu.vector_load %get3A_447[%get3A_448, %get3A_449] {strides = array<i32>} : memref<16x1024xf32, #tpu.memory_space<vmem>>, vector<1x16xf32>,
        %get3A_451 = vector.shape_cast %get3A_450 : vector<1x16xf32> to vector<16xf32>
        %get3A_452 = arith.constant 0 : i32
        %get3A_453 = arith.constant 0 : i32
        %get3A_454 = tpu.memref_slice %arg8[%scan3A_230, %get3A_452, %get3A_453] : memref<2x16x1024xf32, #tpu.memory_space<vmem>> -> memref<1x16x1024xf32, #tpu.memory_space<vmem>>
        %get3A_455 = tpu.memref_squeeze %get3A_454 : memref<1x16x1024xf32, #tpu.memory_space<vmem>> -> memref<16x1024xf32, #tpu.memory_space<vmem>>
        %get3A_456 = arith.index_cast %add3A_263 : i32 to index
        %get3A_457 = arith.constant 112 : index
        %get3A_458 = tpu.vector_load %get3A_455[%get3A_456, %get3A_457] {strides = array<i32>} : memref<16x1024xf32, #tpu.memory_space<vmem>>, vector<1x16xf32>,
        %get3A_459 = vector.shape_cast %get3A_458 : vector<1x16xf32> to vector<16xf32>
        %add3A_460 = arith.addf %get3A_451, %get3A_459 : vector<16xf32>
        %swap3A_461 = arith.constant 0 : i32
        %swap3A_462 = arith.constant 0 : i32
        %swap3A_463 = tpu.memref_slice %arg9[%scan3A_231, %swap3A_461, %swap3A_462] : memref<2x16x1024xf32, #tpu.memory_space<vmem>> -> memref<1x16x1024xf32, #tpu.memory_space<vmem>>
        %swap3A_464 = tpu.memref_squeeze %swap3A_463 : memref<1x16x1024xf32, #tpu.memory_space<vmem>> -> memref<16x1024xf32, #tpu.memory_space<vmem>>
        %swap3A_465 = arith.index_cast %add3A_263 : i32 to index
        %swap3A_466 = arith.constant 112 : index
        %swap3A_467 = tpu.vector_load %swap3A_464[%swap3A_465, %swap3A_466] {strides = array<i32>} : memref<16x1024xf32, #tpu.memory_space<vmem>>, vector<1x16xf32>,
        %swap3A_468 = vector.shape_cast %swap3A_467 : vector<1x16xf32> to vector<16xf32>
        %swap3A_469 = vector.shape_cast %add3A_460 : vector<16xf32> to vector<1x16xf32>
        tpu.vector_store %swap3A_464[%swap3A_465, %swap3A_466], %swap3A_469 {strides = array<i32>} : memref<16x1024xf32, #tpu.memory_space<vmem>>, vector<1x16xf32>,
        %get3A_470 = arith.constant 0 : i32
        %get3A_471 = arith.constant 0 : i32
        %get3A_472 = tpu.memref_slice %arg7[%scan3A_229, %get3A_470, %get3A_471] : memref<2x16x1024xf32, #tpu.memory_space<vmem>> -> memref<1x16x1024xf32, #tpu.memory_space<vmem>>
        %get3A_473 = tpu.memref_squeeze %get3A_472 : memref<1x16x1024xf32, #tpu.memory_space<vmem>> -> memref<16x1024xf32, #tpu.memory_space<vmem>>
        %get3A_474 = arith.index_cast %add3A_263 : i32 to index
        %get3A_475 = arith.constant 128 : index
        %get3A_476 = tpu.vector_load %get3A_473[%get3A_474, %get3A_475] {strides = array<i32>} : memref<16x1024xf32, #tpu.memory_space<vmem>>, vector<1x16xf32>,
        %get3A_477 = vector.shape_cast %get3A_476 : vector<1x16xf32> to vector<16xf32>
        %get3A_478 = arith.constant 0 : i32
        %get3A_479 = arith.constant 0 : i32
        %get3A_480 = tpu.memref_slice %arg8[%scan3A_230, %get3A_478, %get3A_479] : memref<2x16x1024xf32, #tpu.memory_space<vmem>> -> memref<1x16x1024xf32, #tpu.memory_space<vmem>>
        %get3A_481 = tpu.memref_squeeze %get3A_480 : memref<1x16x1024xf32, #tpu.memory_space<vmem>> -> memref<16x1024xf32, #tpu.memory_space<vmem>>
        %get3A_482 = arith.index_cast %add3A_263 : i32 to index
        %get3A_483 = arith.constant 128 : index
        %get3A_484 = tpu.vector_load %get3A_481[%get3A_482, %get3A_483] {strides = array<i32>} : memref<16x1024xf32, #tpu.memory_space<vmem>>, vector<1x16xf32>,
        %get3A_485 = vector.shape_cast %get3A_484 : vector<1x16xf32> to vector<16xf32>
        %add3A_486 = arith.addf %get3A_477, %get3A_485 : vector<16xf32>
        %swap3A_487 = arith.constant 0 : i32
        %swap3A_488 = arith.constant 0 : i32
        %swap3A_489 = tpu.memref_slice %arg9[%scan3A_231, %swap3A_487, %swap3A_488] : memref<2x16x1024xf32, #tpu.memory_space<vmem>> -> memref<1x16x1024xf32, #tpu.memory_space<vmem>>
        %swap3A_490 = tpu.memref_squeeze %swap3A_489 : memref<1x16x1024xf32, #tpu.memory_space<vmem>> -> memref<16x1024xf32, #tpu.memory_space<vmem>>
        %swap3A_491 = arith.index_cast %add3A_263 : i32 to index
        %swap3A_492 = arith.constant 128 : index
        %swap3A_493 = tpu.vector_load %swap3A_490[%swap3A_491, %swap3A_492] {strides = array<i32>} : memref<16x1024xf32, #tpu.memory_space<vmem>>, vector<1x16xf32>,
        %swap3A_494 = vector.shape_cast %swap3A_493 : vector<1x16xf32> to vector<16xf32>
        %swap3A_495 = vector.shape_cast %add3A_486 : vector<16xf32> to vector<1x16xf32>
        tpu.vector_store %swap3A_490[%swap3A_491, %swap3A_492], %swap3A_495 {strides = array<i32>} : memref<16x1024xf32, #tpu.memory_space<vmem>>, vector<1x16xf32>,
        %get3A_496 = arith.constant 0 : i32
        %get3A_497 = arith.constant 0 : i32
        %get3A_498 = tpu.memref_slice %arg7[%scan3A_229, %get3A_496, %get3A_497] : memref<2x16x1024xf32, #tpu.memory_space<vmem>> -> memref<1x16x1024xf32, #tpu.memory_space<vmem>>
        %get3A_499 = tpu.memref_squeeze %get3A_498 : memref<1x16x1024xf32, #tpu.memory_space<vmem>> -> memref<16x1024xf32, #tpu.memory_space<vmem>>
        %get3A_500 = arith.index_cast %add3A_263 : i32 to index
        %get3A_501 = arith.constant 144 : index
        %get3A_502 = tpu.vector_load %get3A_499[%get3A_500, %get3A_501] {strides = array<i32>} : memref<16x1024xf32, #tpu.memory_space<vmem>>, vector<1x16xf32>,
        %get3A_503 = vector.shape_cast %get3A_502 : vector<1x16xf32> to vector<16xf32>
        %get3A_504 = arith.constant 0 : i32
        %get3A_505 = arith.constant 0 : i32
        %get3A_506 = tpu.memref_slice %arg8[%scan3A_230, %get3A_504, %get3A_505] : memref<2x16x1024xf32, #tpu.memory_space<vmem>> -> memref<1x16x1024xf32, #tpu.memory_space<vmem>>
        %get3A_507 = tpu.memref_squeeze %get3A_506 : memref<1x16x1024xf32, #tpu.memory_space<vmem>> -> memref<16x1024xf32, #tpu.memory_space<vmem>>
        %get3A_508 = arith.index_cast %add3A_263 : i32 to index
        %get3A_509 = arith.constant 144 : index
        %get3A_510 = tpu.vector_load %get3A_507[%get3A_508, %get3A_509] {strides = array<i32>} : memref<16x1024xf32, #tpu.memory_space<vmem>>, vector<1x16xf32>,
        %get3A_511 = vector.shape_cast %get3A_510 : vector<1x16xf32> to vector<16xf32>
        %add3A_512 = arith.addf %get3A_503, %get3A_511 : vector<16xf32>
        %swap3A_513 = arith.constant 0 : i32
        %swap3A_514 = arith.constant 0 : i32
        %swap3A_515 = tpu.memref_slice %arg9[%scan3A_231, %swap3A_513, %swap3A_514] : memref<2x16x1024xf32, #tpu.memory_space<vmem>> -> memref<1x16x1024xf32, #tpu.memory_space<vmem>>
        %swap3A_516 = tpu.memref_squeeze %swap3A_515 : memref<1x16x1024xf32, #tpu.memory_space<vmem>> -> memref<16x1024xf32, #tpu.memory_space<vmem>>
        %swap3A_517 = arith.index_cast %add3A_263 : i32 to index
        %swap3A_518 = arith.constant 144 : index
        %swap3A_519 = tpu.vector_load %swap3A_516[%swap3A_517, %swap3A_518] {strides = array<i32>} : memref<16x1024xf32, #tpu.memory_space<vmem>>, vector<1x16xf32>,
        %swap3A_520 = vector.shape_cast %swap3A_519 : vector<1x16xf32> to vector<16xf32>
        %swap3A_521 = vector.shape_cast %add3A_512 : vector<16xf32> to vector<1x16xf32>
        tpu.vector_store %swap3A_516[%swap3A_517, %swap3A_518], %swap3A_521 {strides = array<i32>} : memref<16x1024xf32, #tpu.memory_space<vmem>>, vector<1x16xf32>,
        %get3A_522 = arith.constant 0 : i32
        %get3A_523 = arith.constant 0 : i32
        %get3A_524 = tpu.memref_slice %arg7[%scan3A_229, %get3A_522, %get3A_523] : memref<2x16x1024xf32, #tpu.memory_space<vmem>> -> memref<1x16x1024xf32, #tpu.memory_space<vmem>>
        %get3A_525 = tpu.memref_squeeze %get3A_524 : memref<1x16x1024xf32, #tpu.memory_space<vmem>> -> memref<16x1024xf32, #tpu.memory_space<vmem>>
        %get3A_526 = arith.index_cast %add3A_263 : i32 to index
        %get3A_527 = arith.constant 160 : index
        %get3A_528 = tpu.vector_load %get3A_525[%get3A_526, %get3A_527] {strides = array<i32>} : memref<16x1024xf32, #tpu.memory_space<vmem>>, vector<1x16xf32>,
        %get3A_529 = vector.shape_cast %get3A_528 : vector<1x16xf32> to vector<16xf32>
        %get3A_530 = arith.constant 0 : i32
        %get3A_531 = arith.constant 0 : i32
        %get3A_532 = tpu.memref_slice %arg8[%scan3A_230, %get3A_530, %get3A_531] : memref<2x16x1024xf32, #tpu.memory_space<vmem>> -> memref<1x16x1024xf32, #tpu.memory_space<vmem>>
        %get3A_533 = tpu.memref_squeeze %get3A_532 : memref<1x16x1024xf32, #tpu.memory_space<vmem>> -> memref<16x1024xf32, #tpu.memory_space<vmem>>
        %get3A_534 = arith.index_cast %add3A_263 : i32 to index
        %get3A_535 = arith.constant 160 : index
        %get3A_536 = tpu.vector_load %get3A_533[%get3A_534, %get3A_535] {strides = array<i32>} : memref<16x1024xf32, #tpu.memory_space<vmem>>, vector<1x16xf32>,
        %get3A_537 = vector.shape_cast %get3A_536 : vector<1x16xf32> to vector<16xf32>
        %add3A_538 = arith.addf %get3A_529, %get3A_537 : vector<16xf32>
        %swap3A_539 = arith.constant 0 : i32
        %swap3A_540 = arith.constant 0 : i32
        %swap3A_541 = tpu.memref_slice %arg9[%scan3A_231, %swap3A_539, %swap3A_540] : memref<2x16x1024xf32, #tpu.memory_space<vmem>> -> memref<1x16x1024xf32, #tpu.memory_space<vmem>>
        %swap3A_542 = tpu.memref_squeeze %swap3A_541 : memref<1x16x1024xf32, #tpu.memory_space<vmem>> -> memref<16x1024xf32, #tpu.memory_space<vmem>>
        %swap3A_543 = arith.index_cast %add3A_263 : i32 to index
        %swap3A_544 = arith.constant 160 : index
        %swap3A_545 = tpu.vector_load %swap3A_542[%swap3A_543, %swap3A_544] {strides = array<i32>} : memref<16x1024xf32, #tpu.memory_space<vmem>>, vector<1x16xf32>,
        %swap3A_546 = vector.shape_cast %swap3A_545 : vector<1x16xf32> to vector<16xf32>
        %swap3A_547 = vector.shape_cast %add3A_538 : vector<16xf32> to vector<1x16xf32>
        tpu.vector_store %swap3A_542[%swap3A_543, %swap3A_544], %swap3A_547 {strides = array<i32>} : memref<16x1024xf32, #tpu.memory_space<vmem>>, vector<1x16xf32>,
        %get3A_548 = arith.constant 0 : i32
        %get3A_549 = arith.constant 0 : i32
        %get3A_550 = tpu.memref_slice %arg7[%scan3A_229, %get3A_548, %get3A_549] : memref<2x16x1024xf32, #tpu.memory_space<vmem>> -> memref<1x16x1024xf32, #tpu.memory_space<vmem>>
        %get3A_551 = tpu.memref_squeeze %get3A_550 : memref<1x16x1024xf32, #tpu.memory_space<vmem>> -> memref<16x1024xf32, #tpu.memory_space<vmem>>
        %get3A_552 = arith.index_cast %add3A_263 : i32 to index
        %get3A_553 = arith.constant 176 : index
        %get3A_554 = tpu.vector_load %get3A_551[%get3A_552, %get3A_553] {strides = array<i32>} : memref<16x1024xf32, #tpu.memory_space<vmem>>, vector<1x16xf32>,
        %get3A_555 = vector.shape_cast %get3A_554 : vector<1x16xf32> to vector<16xf32>
        %get3A_556 = arith.constant 0 : i32
        %get3A_557 = arith.constant 0 : i32
        %get3A_558 = tpu.memref_slice %arg8[%scan3A_230, %get3A_556, %get3A_557] : memref<2x16x1024xf32, #tpu.memory_space<vmem>> -> memref<1x16x1024xf32, #tpu.memory_space<vmem>>
        %get3A_559 = tpu.memref_squeeze %get3A_558 : memref<1x16x1024xf32, #tpu.memory_space<vmem>> -> memref<16x1024xf32, #tpu.memory_space<vmem>>
        %get3A_560 = arith.index_cast %add3A_263 : i32 to index
        %get3A_561 = arith.constant 176 : index
        %get3A_562 = tpu.vector_load %get3A_559[%get3A_560, %get3A_561] {strides = array<i32>} : memref<16x1024xf32, #tpu.memory_space<vmem>>, vector<1x16xf32>,
        %get3A_563 = vector.shape_cast %get3A_562 : vector<1x16xf32> to vector<16xf32>
        %add3A_564 = arith.addf %get3A_555, %get3A_563 : vector<16xf32>
        %swap3A_565 = arith.constant 0 : i32
        %swap3A_566 = arith.constant 0 : i32
        %swap3A_567 = tpu.memref_slice %arg9[%scan3A_231, %swap3A_565, %swap3A_566] : memref<2x16x1024xf32, #tpu.memory_space<vmem>> -> memref<1x16x1024xf32, #tpu.memory_space<vmem>>
        %swap3A_568 = tpu.memref_squeeze %swap3A_567 : memref<1x16x1024xf32, #tpu.memory_space<vmem>> -> memref<16x1024xf32, #tpu.memory_space<vmem>>
        %swap3A_569 = arith.index_cast %add3A_263 : i32 to index
        %swap3A_570 = arith.constant 176 : index
        %swap3A_571 = tpu.vector_load %swap3A_568[%swap3A_569, %swap3A_570] {strides = array<i32>} : memref<16x1024xf32, #tpu.memory_space<vmem>>, vector<1x16xf32>,
        %swap3A_572 = vector.shape_cast %swap3A_571 : vector<1x16xf32> to vector<16xf32>
        %swap3A_573 = vector.shape_cast %add3A_564 : vector<16xf32> to vector<1x16xf32>
        tpu.vector_store %swap3A_568[%swap3A_569, %swap3A_570], %swap3A_573 {strides = array<i32>} : memref<16x1024xf32, #tpu.memory_space<vmem>>, vector<1x16xf32>,
        %get3A_574 = arith.constant 0 : i32
        %get3A_575 = arith.constant 0 : i32
        %get3A_576 = tpu.memref_slice %arg7[%scan3A_229, %get3A_574, %get3A_575] : memref<2x16x1024xf32, #tpu.memory_space<vmem>> -> memref<1x16x1024xf32, #tpu.memory_space<vmem>>
        %get3A_577 = tpu.memref_squeeze %get3A_576 : memref<1x16x1024xf32, #tpu.memory_space<vmem>> -> memref<16x1024xf32, #tpu.memory_space<vmem>>
        %get3A_578 = arith.index_cast %add3A_263 : i32 to index
        %get3A_579 = arith.constant 192 : index
        %get3A_580 = tpu.vector_load %get3A_577[%get3A_578, %get3A_579] {strides = array<i32>} : memref<16x1024xf32, #tpu.memory_space<vmem>>, vector<1x16xf32>,
        %get3A_581 = vector.shape_cast %get3A_580 : vector<1x16xf32> to vector<16xf32>
        %get3A_582 = arith.constant 0 : i32
        %get3A_583 = arith.constant 0 : i32
        %get3A_584 = tpu.memref_slice %arg8[%scan3A_230, %get3A_582, %get3A_583] : memref<2x16x1024xf32, #tpu.memory_space<vmem>> -> memref<1x16x1024xf32, #tpu.memory_space<vmem>>
        %get3A_585 = tpu.memref_squeeze %get3A_584 : memref<1x16x1024xf32, #tpu.memory_space<vmem>> -> memref<16x1024xf32, #tpu.memory_space<vmem>>
        %get3A_586 = arith.index_cast %add3A_263 : i32 to index
        %get3A_587 = arith.constant 192 : index
        %get3A_588 = tpu.vector_load %get3A_585[%get3A_586, %get3A_587] {strides = array<i32>} : memref<16x1024xf32, #tpu.memory_space<vmem>>, vector<1x16xf32>,
        %get3A_589 = vector.shape_cast %get3A_588 : vector<1x16xf32> to vector<16xf32>
        %add3A_590 = arith.addf %get3A_581, %get3A_589 : vector<16xf32>
        %swap3A_591 = arith.constant 0 : i32
        %swap3A_592 = arith.constant 0 : i32
        %swap3A_593 = tpu.memref_slice %arg9[%scan3A_231, %swap3A_591, %swap3A_592] : memref<2x16x1024xf32, #tpu.memory_space<vmem>> -> memref<1x16x1024xf32, #tpu.memory_space<vmem>>
        %swap3A_594 = tpu.memref_squeeze %swap3A_593 : memref<1x16x1024xf32, #tpu.memory_space<vmem>> -> memref<16x1024xf32, #tpu.memory_space<vmem>>
        %swap3A_595 = arith.index_cast %add3A_263 : i32 to index
        %swap3A_596 = arith.constant 192 : index
        %swap3A_597 = tpu.vector_load %swap3A_594[%swap3A_595, %swap3A_596] {strides = array<i32>} : memref<16x1024xf32, #tpu.memory_space<vmem>>, vector<1x16xf32>,
        %swap3A_598 = vector.shape_cast %swap3A_597 : vector<1x16xf32> to vector<16xf32>
        %swap3A_599 = vector.shape_cast %add3A_590 : vector<16xf32> to vector<1x16xf32>
        tpu.vector_store %swap3A_594[%swap3A_595, %swap3A_596], %swap3A_599 {strides = array<i32>} : memref<16x1024xf32, #tpu.memory_space<vmem>>, vector<1x16xf32>,
        %get3A_600 = arith.constant 0 : i32
        %get3A_601 = arith.constant 0 : i32
        %get3A_602 = tpu.memref_slice %arg7[%scan3A_229, %get3A_600, %get3A_601] : memref<2x16x1024xf32, #tpu.memory_space<vmem>> -> memref<1x16x1024xf32, #tpu.memory_space<vmem>>
        %get3A_603 = tpu.memref_squeeze %get3A_602 : memref<1x16x1024xf32, #tpu.memory_space<vmem>> -> memref<16x1024xf32, #tpu.memory_space<vmem>>
        %get3A_604 = arith.index_cast %add3A_263 : i32 to index
        %get3A_605 = arith.constant 208 : index
        %get3A_606 = tpu.vector_load %get3A_603[%get3A_604, %get3A_605] {strides = array<i32>} : memref<16x1024xf32, #tpu.memory_space<vmem>>, vector<1x16xf32>,
        %get3A_607 = vector.shape_cast %get3A_606 : vector<1x16xf32> to vector<16xf32>
        %get3A_608 = arith.constant 0 : i32
        %get3A_609 = arith.constant 0 : i32
        %get3A_610 = tpu.memref_slice %arg8[%scan3A_230, %get3A_608, %get3A_609] : memref<2x16x1024xf32, #tpu.memory_space<vmem>> -> memref<1x16x1024xf32, #tpu.memory_space<vmem>>
        %get3A_611 = tpu.memref_squeeze %get3A_610 : memref<1x16x1024xf32, #tpu.memory_space<vmem>> -> memref<16x1024xf32, #tpu.memory_space<vmem>>
        %get3A_612 = arith.index_cast %add3A_263 : i32 to index
        %get3A_613 = arith.constant 208 : index
        %get3A_614 = tpu.vector_load %get3A_611[%get3A_612, %get3A_613] {strides = array<i32>} : memref<16x1024xf32, #tpu.memory_space<vmem>>, vector<1x16xf32>,
        %get3A_615 = vector.shape_cast %get3A_614 : vector<1x16xf32> to vector<16xf32>
        %add3A_616 = arith.addf %get3A_607, %get3A_615 : vector<16xf32>
        %swap3A_617 = arith.constant 0 : i32
        %swap3A_618 = arith.constant 0 : i32
        %swap3A_619 = tpu.memref_slice %arg9[%scan3A_231, %swap3A_617, %swap3A_618] : memref<2x16x1024xf32, #tpu.memory_space<vmem>> -> memref<1x16x1024xf32, #tpu.memory_space<vmem>>
        %swap3A_620 = tpu.memref_squeeze %swap3A_619 : memref<1x16x1024xf32, #tpu.memory_space<vmem>> -> memref<16x1024xf32, #tpu.memory_space<vmem>>
        %swap3A_621 = arith.index_cast %add3A_263 : i32 to index
        %swap3A_622 = arith.constant 208 : index
        %swap3A_623 = tpu.vector_load %swap3A_620[%swap3A_621, %swap3A_622] {strides = array<i32>} : memref<16x1024xf32, #tpu.memory_space<vmem>>, vector<1x16xf32>,
        %swap3A_624 = vector.shape_cast %swap3A_623 : vector<1x16xf32> to vector<16xf32>
        %swap3A_625 = vector.shape_cast %add3A_616 : vector<16xf32> to vector<1x16xf32>
        tpu.vector_store %swap3A_620[%swap3A_621, %swap3A_622], %swap3A_625 {strides = array<i32>} : memref<16x1024xf32, #tpu.memory_space<vmem>>, vector<1x16xf32>,
        %get3A_626 = arith.constant 0 : i32
        %get3A_627 = arith.constant 0 : i32
        %get3A_628 = tpu.memref_slice %arg7[%scan3A_229, %get3A_626, %get3A_627] : memref<2x16x1024xf32, #tpu.memory_space<vmem>> -> memref<1x16x1024xf32, #tpu.memory_space<vmem>>
        %get3A_629 = tpu.memref_squeeze %get3A_628 : memref<1x16x1024xf32, #tpu.memory_space<vmem>> -> memref<16x1024xf32, #tpu.memory_space<vmem>>
        %get3A_630 = arith.index_cast %add3A_263 : i32 to index
        %get3A_631 = arith.constant 224 : index
        %get3A_632 = tpu.vector_load %get3A_629[%get3A_630, %get3A_631] {strides = array<i32>} : memref<16x1024xf32, #tpu.memory_space<vmem>>, vector<1x16xf32>,
        %get3A_633 = vector.shape_cast %get3A_632 : vector<1x16xf32> to vector<16xf32>
        %get3A_634 = arith.constant 0 : i32
        %get3A_635 = arith.constant 0 : i32
        %get3A_636 = tpu.memref_slice %arg8[%scan3A_230, %get3A_634, %get3A_635] : memref<2x16x1024xf32, #tpu.memory_space<vmem>> -> memref<1x16x1024xf32, #tpu.memory_space<vmem>>
        %get3A_637 = tpu.memref_squeeze %get3A_636 : memref<1x16x1024xf32, #tpu.memory_space<vmem>> -> memref<16x1024xf32, #tpu.memory_space<vmem>>
        %get3A_638 = arith.index_cast %add3A_263 : i32 to index
        %get3A_639 = arith.constant 224 : index
        %get3A_640 = tpu.vector_load %get3A_637[%get3A_638, %get3A_639] {strides = array<i32>} : memref<16x1024xf32, #tpu.memory_space<vmem>>, vector<1x16xf32>,
        %get3A_641 = vector.shape_cast %get3A_640 : vector<1x16xf32> to vector<16xf32>
        %add3A_642 = arith.addf %get3A_633, %get3A_641 : vector<16xf32>
        %swap3A_643 = arith.constant 0 : i32
        %swap3A_644 = arith.constant 0 : i32
        %swap3A_645 = tpu.memref_slice %arg9[%scan3A_231, %swap3A_643, %swap3A_644] : memref<2x16x1024xf32, #tpu.memory_space<vmem>> -> memref<1x16x1024xf32, #tpu.memory_space<vmem>>
        %swap3A_646 = tpu.memref_squeeze %swap3A_645 : memref<1x16x1024xf32, #tpu.memory_space<vmem>> -> memref<16x1024xf32, #tpu.memory_space<vmem>>
        %swap3A_647 = arith.index_cast %add3A_263 : i32 to index
        %swap3A_648 = arith.constant 224 : index
        %swap3A_649 = tpu.vector_load %swap3A_646[%swap3A_647, %swap3A_648] {strides = array<i32>} : memref<16x1024xf32, #tpu.memory_space<vmem>>, vector<1x16xf32>,
        %swap3A_650 = vector.shape_cast %swap3A_649 : vector<1x16xf32> to vector<16xf32>
        %swap3A_651 = vector.shape_cast %add3A_642 : vector<16xf32> to vector<1x16xf32>
        tpu.vector_store %swap3A_646[%swap3A_647, %swap3A_648], %swap3A_651 {strides = array<i32>} : memref<16x1024xf32, #tpu.memory_space<vmem>>, vector<1x16xf32>,
        %get3A_652 = arith.constant 0 : i32
        %get3A_653 = arith.constant 0 : i32
        %get3A_654 = tpu.memref_slice %arg7[%scan3A_229, %get3A_652, %get3A_653] : memref<2x16x1024xf32, #tpu.memory_space<vmem>> -> memref<1x16x1024xf32, #tpu.memory_space<vmem>>
        %get3A_655 = tpu.memref_squeeze %get3A_654 : memref<1x16x1024xf32, #tpu.memory_space<vmem>> -> memref<16x1024xf32, #tpu.memory_space<vmem>>
        %get3A_656 = arith.index_cast %add3A_263 : i32 to index
        %get3A_657 = arith.constant 240 : index
        %get3A_658 = tpu.vector_load %get3A_655[%get3A_656, %get3A_657] {strides = array<i32>} : memref<16x1024xf32, #tpu.memory_space<vmem>>, vector<1x16xf32>,
        %get3A_659 = vector.shape_cast %get3A_658 : vector<1x16xf32> to vector<16xf32>
        %get3A_660 = arith.constant 0 : i32
        %get3A_661 = arith.constant 0 : i32
        %get3A_662 = tpu.memref_slice %arg8[%scan3A_230, %get3A_660, %get3A_661] : memref<2x16x1024xf32, #tpu.memory_space<vmem>> -> memref<1x16x1024xf32, #tpu.memory_space<vmem>>
        %get3A_663 = tpu.memref_squeeze %get3A_662 : memref<1x16x1024xf32, #tpu.memory_space<vmem>> -> memref<16x1024xf32, #tpu.memory_space<vmem>>
        %get3A_664 = arith.index_cast %add3A_263 : i32 to index
        %get3A_665 = arith.constant 240 : index
        %get3A_666 = tpu.vector_load %get3A_663[%get3A_664, %get3A_665] {strides = array<i32>} : memref<16x1024xf32, #tpu.memory_space<vmem>>, vector<1x16xf32>,
        %get3A_667 = vector.shape_cast %get3A_666 : vector<1x16xf32> to vector<16xf32>
        %add3A_668 = arith.addf %get3A_659, %get3A_667 : vector<16xf32>
        %swap3A_669 = arith.constant 0 : i32
        %swap3A_670 = arith.constant 0 : i32
        %swap3A_671 = tpu.memref_slice %arg9[%scan3A_231, %swap3A_669, %swap3A_670] : memref<2x16x1024xf32, #tpu.memory_space<vmem>> -> memref<1x16x1024xf32, #tpu.memory_space<vmem>>
        %swap3A_672 = tpu.memref_squeeze %swap3A_671 : memref<1x16x1024xf32, #tpu.memory_space<vmem>> -> memref<16x1024xf32, #tpu.memory_space<vmem>>
        %swap3A_673 = arith.index_cast %add3A_263 : i32 to index
        %swap3A_674 = arith.constant 240 : index
        %swap3A_675 = tpu.vector_load %swap3A_672[%swap3A_673, %swap3A_674] {strides = array<i32>} : memref<16x1024xf32, #tpu.memory_space<vmem>>, vector<1x16xf32>,
        %swap3A_676 = vector.shape_cast %swap3A_675 : vector<1x16xf32> to vector<16xf32>
        %swap3A_677 = vector.shape_cast %add3A_668 : vector<16xf32> to vector<1x16xf32>
        tpu.vector_store %swap3A_672[%swap3A_673, %swap3A_674], %swap3A_677 {strides = array<i32>} : memref<16x1024xf32, #tpu.memory_space<vmem>>, vector<1x16xf32>,
        %get3A_678 = arith.constant 0 : i32
        %get3A_679 = arith.constant 0 : i32
        %get3A_680 = tpu.memref_slice %arg7[%scan3A_229, %get3A_678, %get3A_679] : memref<2x16x1024xf32, #tpu.memory_space<vmem>> -> memref<1x16x1024xf32, #tpu.memory_space<vmem>>
        %get3A_681 = tpu.memref_squeeze %get3A_680 : memref<1x16x1024xf32, #tpu.memory_space<vmem>> -> memref<16x1024xf32, #tpu.memory_space<vmem>>
        %get3A_682 = arith.index_cast %add3A_263 : i32 to index
        %get3A_683 = arith.constant 256 : index
        %get3A_684 = tpu.vector_load %get3A_681[%get3A_682, %get3A_683] {strides = array<i32>} : memref<16x1024xf32, #tpu.memory_space<vmem>>, vector<1x16xf32>,
        %get3A_685 = vector.shape_cast %get3A_684 : vector<1x16xf32> to vector<16xf32>
        %get3A_686 = arith.constant 0 : i32
        %get3A_687 = arith.constant 0 : i32
        %get3A_688 = tpu.memref_slice %arg8[%scan3A_230, %get3A_686, %get3A_687] : memref<2x16x1024xf32, #tpu.memory_space<vmem>> -> memref<1x16x1024xf32, #tpu.memory_space<vmem>>
        %get3A_689 = tpu.memref_squeeze %get3A_688 : memref<1x16x1024xf32, #tpu.memory_space<vmem>> -> memref<16x1024xf32, #tpu.memory_space<vmem>>
        %get3A_690 = arith.index_cast %add3A_263 : i32 to index
        %get3A_691 = arith.constant 256 : index
        %get3A_692 = tpu.vector_load %get3A_689[%get3A_690, %get3A_691] {strides = array<i32>} : memref<16x1024xf32, #tpu.memory_space<vmem>>, vector<1x16xf32>,
        %get3A_693 = vector.shape_cast %get3A_692 : vector<1x16xf32> to vector<16xf32>
        %add3A_694 = arith.addf %get3A_685, %get3A_693 : vector<16xf32>
        %swap3A_695 = arith.constant 0 : i32
        %swap3A_696 = arith.constant 0 : i32
        %swap3A_697 = tpu.memref_slice %arg9[%scan3A_231, %swap3A_695, %swap3A_696] : memref<2x16x1024xf32, #tpu.memory_space<vmem>> -> memref<1x16x1024xf32, #tpu.memory_space<vmem>>
        %swap3A_698 = tpu.memref_squeeze %swap3A_697 : memref<1x16x1024xf32, #tpu.memory_space<vmem>> -> memref<16x1024xf32, #tpu.memory_space<vmem>>
        %swap3A_699 = arith.index_cast %add3A_263 : i32 to index
        %swap3A_700 = arith.constant 256 : index
        %swap3A_701 = tpu.vector_load %swap3A_698[%swap3A_699, %swap3A_700] {strides = array<i32>} : memref<16x1024xf32, #tpu.memory_space<vmem>>, vector<1x16xf32>,
        %swap3A_702 = vector.shape_cast %swap3A_701 : vector<1x16xf32> to vector<16xf32>
        %swap3A_703 = vector.shape_cast %add3A_694 : vector<16xf32> to vector<1x16xf32>
        tpu.vector_store %swap3A_698[%swap3A_699, %swap3A_700], %swap3A_703 {strides = array<i32>} : memref<16x1024xf32, #tpu.memory_space<vmem>>, vector<1x16xf32>,
        %get3A_704 = arith.constant 0 : i32
        %get3A_705 = arith.constant 0 : i32
        %get3A_706 = tpu.memref_slice %arg7[%scan3A_229, %get3A_704, %get3A_705] : memref<2x16x1024xf32, #tpu.memory_space<vmem>> -> memref<1x16x1024xf32, #tpu.memory_space<vmem>>
        %get3A_707 = tpu.memref_squeeze %get3A_706 : memref<1x16x1024xf32, #tpu.memory_space<vmem>> -> memref<16x1024xf32, #tpu.memory_space<vmem>>
        %get3A_708 = arith.index_cast %add3A_263 : i32 to index
        %get3A_709 = arith.constant 272 : index
        %get3A_710 = tpu.vector_load %get3A_707[%get3A_708, %get3A_709] {strides = array<i32>} : memref<16x1024xf32, #tpu.memory_space<vmem>>, vector<1x16xf32>,
        %get3A_711 = vector.shape_cast %get3A_710 : vector<1x16xf32> to vector<16xf32>
        %get3A_712 = arith.constant 0 : i32
        %get3A_713 = arith.constant 0 : i32
        %get3A_714 = tpu.memref_slice %arg8[%scan3A_230, %get3A_712, %get3A_713] : memref<2x16x1024xf32, #tpu.memory_space<vmem>> -> memref<1x16x1024xf32, #tpu.memory_space<vmem>>
        %get3A_715 = tpu.memref_squeeze %get3A_714 : memref<1x16x1024xf32, #tpu.memory_space<vmem>> -> memref<16x1024xf32, #tpu.memory_space<vmem>>
        %get3A_716 = arith.index_cast %add3A_263 : i32 to index
        %get3A_717 = arith.constant 272 : index
        %get3A_718 = tpu.vector_load %get3A_715[%get3A_716, %get3A_717] {strides = array<i32>} : memref<16x1024xf32, #tpu.memory_space<vmem>>, vector<1x16xf32>,
        %get3A_719 = vector.shape_cast %get3A_718 : vector<1x16xf32> to vector<16xf32>
        %add3A_720 = arith.addf %get3A_711, %get3A_719 : vector<16xf32>
        %swap3A_721 = arith.constant 0 : i32
        %swap3A_722 = arith.constant 0 : i32
        %swap3A_723 = tpu.memref_slice %arg9[%scan3A_231, %swap3A_721, %swap3A_722] : memref<2x16x1024xf32, #tpu.memory_space<vmem>> -> memref<1x16x1024xf32, #tpu.memory_space<vmem>>
        %swap3A_724 = tpu.memref_squeeze %swap3A_723 : memref<1x16x1024xf32, #tpu.memory_space<vmem>> -> memref<16x1024xf32, #tpu.memory_space<vmem>>
        %swap3A_725 = arith.index_cast %add3A_263 : i32 to index
        %swap3A_726 = arith.constant 272 : index
        %swap3A_727 = tpu.vector_load %swap3A_724[%swap3A_725, %swap3A_726] {strides = array<i32>} : memref<16x1024xf32, #tpu.memory_space<vmem>>, vector<1x16xf32>,
        %swap3A_728 = vector.shape_cast %swap3A_727 : vector<1x16xf32> to vector<16xf32>
        %swap3A_729 = vector.shape_cast %add3A_720 : vector<16xf32> to vector<1x16xf32>
        tpu.vector_store %swap3A_724[%swap3A_725, %swap3A_726], %swap3A_729 {strides = array<i32>} : memref<16x1024xf32, #tpu.memory_space<vmem>>, vector<1x16xf32>,
        %get3A_730 = arith.constant 0 : i32
        %get3A_731 = arith.constant 0 : i32
        %get3A_732 = tpu.memref_slice %arg7[%scan3A_229, %get3A_730, %get3A_731] : memref<2x16x1024xf32, #tpu.memory_space<vmem>> -> memref<1x16x1024xf32, #tpu.memory_space<vmem>>
        %get3A_733 = tpu.memref_squeeze %get3A_732 : memref<1x16x1024xf32, #tpu.memory_space<vmem>> -> memref<16x1024xf32, #tpu.memory_space<vmem>>
        %get3A_734 = arith.index_cast %add3A_263 : i32 to index
        %get3A_735 = arith.constant 288 : index
        %get3A_736 = tpu.vector_load %get3A_733[%get3A_734, %get3A_735] {strides = array<i32>} : memref<16x1024xf32, #tpu.memory_space<vmem>>, vector<1x16xf32>,
        %get3A_737 = vector.shape_cast %get3A_736 : vector<1x16xf32> to vector<16xf32>
        %get3A_738 = arith.constant 0 : i32
        %get3A_739 = arith.constant 0 : i32
        %get3A_740 = tpu.memref_slice %arg8[%scan3A_230, %get3A_738, %get3A_739] : memref<2x16x1024xf32, #tpu.memory_space<vmem>> -> memref<1x16x1024xf32, #tpu.memory_space<vmem>>
        %get3A_741 = tpu.memref_squeeze %get3A_740 : memref<1x16x1024xf32, #tpu.memory_space<vmem>> -> memref<16x1024xf32, #tpu.memory_space<vmem>>
        %get3A_742 = arith.index_cast %add3A_263 : i32 to index
        %get3A_743 = arith.constant 288 : index
        %get3A_744 = tpu.vector_load %get3A_741[%get3A_742, %get3A_743] {strides = array<i32>} : memref<16x1024xf32, #tpu.memory_space<vmem>>, vector<1x16xf32>,
        %get3A_745 = vector.shape_cast %get3A_744 : vector<1x16xf32> to vector<16xf32>
        %add3A_746 = arith.addf %get3A_737, %get3A_745 : vector<16xf32>
        %swap3A_747 = arith.constant 0 : i32
        %swap3A_748 = arith.constant 0 : i32
        %swap3A_749 = tpu.memref_slice %arg9[%scan3A_231, %swap3A_747, %swap3A_748] : memref<2x16x1024xf32, #tpu.memory_space<vmem>> -> memref<1x16x1024xf32, #tpu.memory_space<vmem>>
        %swap3A_750 = tpu.memref_squeeze %swap3A_749 : memref<1x16x1024xf32, #tpu.memory_space<vmem>> -> memref<16x1024xf32, #tpu.memory_space<vmem>>
        %swap3A_751 = arith.index_cast %add3A_263 : i32 to index
        %swap3A_752 = arith.constant 288 : index
        %swap3A_753 = tpu.vector_load %swap3A_750[%swap3A_751, %swap3A_752] {strides = array<i32>} : memref<16x1024xf32, #tpu.memory_space<vmem>>, vector<1x16xf32>,
        %swap3A_754 = vector.shape_cast %swap3A_753 : vector<1x16xf32> to vector<16xf32>
        %swap3A_755 = vector.shape_cast %add3A_746 : vector<16xf32> to vector<1x16xf32>
        tpu.vector_store %swap3A_750[%swap3A_751, %swap3A_752], %swap3A_755 {strides = array<i32>} : memref<16x1024xf32, #tpu.memory_space<vmem>>, vector<1x16xf32>,
        %get3A_756 = arith.constant 0 : i32
        %get3A_757 = arith.constant 0 : i32
        %get3A_758 = tpu.memref_slice %arg7[%scan3A_229, %get3A_756, %get3A_757] : memref<2x16x1024xf32, #tpu.memory_space<vmem>> -> memref<1x16x1024xf32, #tpu.memory_space<vmem>>
        %get3A_759 = tpu.memref_squeeze %get3A_758 : memref<1x16x1024xf32, #tpu.memory_space<vmem>> -> memref<16x1024xf32, #tpu.memory_space<vmem>>
        %get3A_760 = arith.index_cast %add3A_263 : i32 to index
        %get3A_761 = arith.constant 304 : index
        %get3A_762 = tpu.vector_load %get3A_759[%get3A_760, %get3A_761] {strides = array<i32>} : memref<16x1024xf32, #tpu.memory_space<vmem>>, vector<1x16xf32>,
        %get3A_763 = vector.shape_cast %get3A_762 : vector<1x16xf32> to vector<16xf32>
        %get3A_764 = arith.constant 0 : i32
        %get3A_765 = arith.constant 0 : i32
        %get3A_766 = tpu.memref_slice %arg8[%scan3A_230, %get3A_764, %get3A_765] : memref<2x16x1024xf32, #tpu.memory_space<vmem>> -> memref<1x16x1024xf32, #tpu.memory_space<vmem>>
        %get3A_767 = tpu.memref_squeeze %get3A_766 : memref<1x16x1024xf32, #tpu.memory_space<vmem>> -> memref<16x1024xf32, #tpu.memory_space<vmem>>
        %get3A_768 = arith.index_cast %add3A_263 : i32 to index
        %get3A_769 = arith.constant 304 : index
        %get3A_770 = tpu.vector_load %get3A_767[%get3A_768, %get3A_769] {strides = array<i32>} : memref<16x1024xf32, #tpu.memory_space<vmem>>, vector<1x16xf32>,
        %get3A_771 = vector.shape_cast %get3A_770 : vector<1x16xf32> to vector<16xf32>
        %add3A_772 = arith.addf %get3A_763, %get3A_771 : vector<16xf32>
        %swap3A_773 = arith.constant 0 : i32
        %swap3A_774 = arith.constant 0 : i32
        %swap3A_775 = tpu.memref_slice %arg9[%scan3A_231, %swap3A_773, %swap3A_774] : memref<2x16x1024xf32, #tpu.memory_space<vmem>> -> memref<1x16x1024xf32, #tpu.memory_space<vmem>>
        %swap3A_776 = tpu.memref_squeeze %swap3A_775 : memref<1x16x1024xf32, #tpu.memory_space<vmem>> -> memref<16x1024xf32, #tpu.memory_space<vmem>>
        %swap3A_777 = arith.index_cast %add3A_263 : i32 to index
        %swap3A_778 = arith.constant 304 : index
        %swap3A_779 = tpu.vector_load %swap3A_776[%swap3A_777, %swap3A_778] {strides = array<i32>} : memref<16x1024xf32, #tpu.memory_space<vmem>>, vector<1x16xf32>,
        %swap3A_780 = vector.shape_cast %swap3A_779 : vector<1x16xf32> to vector<16xf32>
        %swap3A_781 = vector.shape_cast %add3A_772 : vector<16xf32> to vector<1x16xf32>
        tpu.vector_store %swap3A_776[%swap3A_777, %swap3A_778], %swap3A_781 {strides = array<i32>} : memref<16x1024xf32, #tpu.memory_space<vmem>>, vector<1x16xf32>,
        %get3A_782 = arith.constant 0 : i32
        %get3A_783 = arith.constant 0 : i32
        %get3A_784 = tpu.memref_slice %arg7[%scan3A_229, %get3A_782, %get3A_783] : memref<2x16x1024xf32, #tpu.memory_space<vmem>> -> memref<1x16x1024xf32, #tpu.memory_space<vmem>>
        %get3A_785 = tpu.memref_squeeze %get3A_784 : memref<1x16x1024xf32, #tpu.memory_space<vmem>> -> memref<16x1024xf32, #tpu.memory_space<vmem>>
        %get3A_786 = arith.index_cast %add3A_263 : i32 to index
        %get3A_787 = arith.constant 320 : index
        %get3A_788 = tpu.vector_load %get3A_785[%get3A_786, %get3A_787] {strides = array<i32>} : memref<16x1024xf32, #tpu.memory_space<vmem>>, vector<1x16xf32>,
        %get3A_789 = vector.shape_cast %get3A_788 : vector<1x16xf32> to vector<16xf32>
        %get3A_790 = arith.constant 0 : i32
        %get3A_791 = arith.constant 0 : i32
        %get3A_792 = tpu.memref_slice %arg8[%scan3A_230, %get3A_790, %get3A_791] : memref<2x16x1024xf32, #tpu.memory_space<vmem>> -> memref<1x16x1024xf32, #tpu.memory_space<vmem>>
        %get3A_793 = tpu.memref_squeeze %get3A_792 : memref<1x16x1024xf32, #tpu.memory_space<vmem>> -> memref<16x1024xf32, #tpu.memory_space<vmem>>
        %get3A_794 = arith.index_cast %add3A_263 : i32 to index
        %get3A_795 = arith.constant 320 : index
        %get3A_796 = tpu.vector_load %get3A_793[%get3A_794, %get3A_795] {strides = array<i32>} : memref<16x1024xf32, #tpu.memory_space<vmem>>, vector<1x16xf32>,
        %get3A_797 = vector.shape_cast %get3A_796 : vector<1x16xf32> to vector<16xf32>
        %add3A_798 = arith.addf %get3A_789, %get3A_797 : vector<16xf32>
        %swap3A_799 = arith.constant 0 : i32
        %swap3A_800 = arith.constant 0 : i32
        %swap3A_801 = tpu.memref_slice %arg9[%scan3A_231, %swap3A_799, %swap3A_800] : memref<2x16x1024xf32, #tpu.memory_space<vmem>> -> memref<1x16x1024xf32, #tpu.memory_space<vmem>>
        %swap3A_802 = tpu.memref_squeeze %swap3A_801 : memref<1x16x1024xf32, #tpu.memory_space<vmem>> -> memref<16x1024xf32, #tpu.memory_space<vmem>>
        %swap3A_803 = arith.index_cast %add3A_263 : i32 to index
        %swap3A_804 = arith.constant 320 : index
        %swap3A_805 = tpu.vector_load %swap3A_802[%swap3A_803, %swap3A_804] {strides = array<i32>} : memref<16x1024xf32, #tpu.memory_space<vmem>>, vector<1x16xf32>,
        %swap3A_806 = vector.shape_cast %swap3A_805 : vector<1x16xf32> to vector<16xf32>
        %swap3A_807 = vector.shape_cast %add3A_798 : vector<16xf32> to vector<1x16xf32>
        tpu.vector_store %swap3A_802[%swap3A_803, %swap3A_804], %swap3A_807 {strides = array<i32>} : memref<16x1024xf32, #tpu.memory_space<vmem>>, vector<1x16xf32>,
        %get3A_808 = arith.constant 0 : i32
        %get3A_809 = arith.constant 0 : i32
        %get3A_810 = tpu.memref_slice %arg7[%scan3A_229, %get3A_808, %get3A_809] : memref<2x16x1024xf32, #tpu.memory_space<vmem>> -> memref<1x16x1024xf32, #tpu.memory_space<vmem>>
        %get3A_811 = tpu.memref_squeeze %get3A_810 : memref<1x16x1024xf32, #tpu.memory_space<vmem>> -> memref<16x1024xf32, #tpu.memory_space<vmem>>
        %get3A_812 = arith.index_cast %add3A_263 : i32 to index
        %get3A_813 = arith.constant 336 : index
        %get3A_814 = tpu.vector_load %get3A_811[%get3A_812, %get3A_813] {strides = array<i32>} : memref<16x1024xf32, #tpu.memory_space<vmem>>, vector<1x16xf32>,
        %get3A_815 = vector.shape_cast %get3A_814 : vector<1x16xf32> to vector<16xf32>
        %get3A_816 = arith.constant 0 : i32
        %get3A_817 = arith.constant 0 : i32
        %get3A_818 = tpu.memref_slice %arg8[%scan3A_230, %get3A_816, %get3A_817] : memref<2x16x1024xf32, #tpu.memory_space<vmem>> -> memref<1x16x1024xf32, #tpu.memory_space<vmem>>
        %get3A_819 = tpu.memref_squeeze %get3A_818 : memref<1x16x1024xf32, #tpu.memory_space<vmem>> -> memref<16x1024xf32, #tpu.memory_space<vmem>>
        %get3A_820 = arith.index_cast %add3A_263 : i32 to index
        %get3A_821 = arith.constant 336 : index
        %get3A_822 = tpu.vector_load %get3A_819[%get3A_820, %get3A_821] {strides = array<i32>} : memref<16x1024xf32, #tpu.memory_space<vmem>>, vector<1x16xf32>,
        %get3A_823 = vector.shape_cast %get3A_822 : vector<1x16xf32> to vector<16xf32>
        %add3A_824 = arith.addf %get3A_815, %get3A_823 : vector<16xf32>
        %swap3A_825 = arith.constant 0 : i32
        %swap3A_826 = arith.constant 0 : i32
        %swap3A_827 = tpu.memref_slice %arg9[%scan3A_231, %swap3A_825, %swap3A_826] : memref<2x16x1024xf32, #tpu.memory_space<vmem>> -> memref<1x16x1024xf32, #tpu.memory_space<vmem>>
        %swap3A_828 = tpu.memref_squeeze %swap3A_827 : memref<1x16x1024xf32, #tpu.memory_space<vmem>> -> memref<16x1024xf32, #tpu.memory_space<vmem>>
        %swap3A_829 = arith.index_cast %add3A_263 : i32 to index
        %swap3A_830 = arith.constant 336 : index
        %swap3A_831 = tpu.vector_load %swap3A_828[%swap3A_829, %swap3A_830] {strides = array<i32>} : memref<16x1024xf32, #tpu.memory_space<vmem>>, vector<1x16xf32>,
        %swap3A_832 = vector.shape_cast %swap3A_831 : vector<1x16xf32> to vector<16xf32>
        %swap3A_833 = vector.shape_cast %add3A_824 : vector<16xf32> to vector<1x16xf32>
        tpu.vector_store %swap3A_828[%swap3A_829, %swap3A_830], %swap3A_833 {strides = array<i32>} : memref<16x1024xf32, #tpu.memory_space<vmem>>, vector<1x16xf32>,
        %get3A_834 = arith.constant 0 : i32
        %get3A_835 = arith.constant 0 : i32
        %get3A_836 = tpu.memref_slice %arg7[%scan3A_229, %get3A_834, %get3A_835] : memref<2x16x1024xf32, #tpu.memory_space<vmem>> -> memref<1x16x1024xf32, #tpu.memory_space<vmem>>
        %get3A_837 = tpu.memref_squeeze %get3A_836 : memref<1x16x1024xf32, #tpu.memory_space<vmem>> -> memref<16x1024xf32, #tpu.memory_space<vmem>>
        %get3A_838 = arith.index_cast %add3A_263 : i32 to index
        %get3A_839 = arith.constant 352 : index
        %get3A_840 = tpu.vector_load %get3A_837[%get3A_838, %get3A_839] {strides = array<i32>} : memref<16x1024xf32, #tpu.memory_space<vmem>>, vector<1x16xf32>,
        %get3A_841 = vector.shape_cast %get3A_840 : vector<1x16xf32> to vector<16xf32>
        %get3A_842 = arith.constant 0 : i32
        %get3A_843 = arith.constant 0 : i32
        %get3A_844 = tpu.memref_slice %arg8[%scan3A_230, %get3A_842, %get3A_843] : memref<2x16x1024xf32, #tpu.memory_space<vmem>> -> memref<1x16x1024xf32, #tpu.memory_space<vmem>>
        %get3A_845 = tpu.memref_squeeze %get3A_844 : memref<1x16x1024xf32, #tpu.memory_space<vmem>> -> memref<16x1024xf32, #tpu.memory_space<vmem>>
        %get3A_846 = arith.index_cast %add3A_263 : i32 to index
        %get3A_847 = arith.constant 352 : index
        %get3A_848 = tpu.vector_load %get3A_845[%get3A_846, %get3A_847] {strides = array<i32>} : memref<16x1024xf32, #tpu.memory_space<vmem>>, vector<1x16xf32>,
        %get3A_849 = vector.shape_cast %get3A_848 : vector<1x16xf32> to vector<16xf32>
        %add3A_850 = arith.addf %get3A_841, %get3A_849 : vector<16xf32>
        %swap3A_851 = arith.constant 0 : i32
        %swap3A_852 = arith.constant 0 : i32
        %swap3A_853 = tpu.memref_slice %arg9[%scan3A_231, %swap3A_851, %swap3A_852] : memref<2x16x1024xf32, #tpu.memory_space<vmem>> -> memref<1x16x1024xf32, #tpu.memory_space<vmem>>
        %swap3A_854 = tpu.memref_squeeze %swap3A_853 : memref<1x16x1024xf32, #tpu.memory_space<vmem>> -> memref<16x1024xf32, #tpu.memory_space<vmem>>
        %swap3A_855 = arith.index_cast %add3A_263 : i32 to index
        %swap3A_856 = arith.constant 352 : index
        %swap3A_857 = tpu.vector_load %swap3A_854[%swap3A_855, %swap3A_856] {strides = array<i32>} : memref<16x1024xf32, #tpu.memory_space<vmem>>, vector<1x16xf32>,
        %swap3A_858 = vector.shape_cast %swap3A_857 : vector<1x16xf32> to vector<16xf32>
        %swap3A_859 = vector.shape_cast %add3A_850 : vector<16xf32> to vector<1x16xf32>
        tpu.vector_store %swap3A_854[%swap3A_855, %swap3A_856], %swap3A_859 {strides = array<i32>} : memref<16x1024xf32, #tpu.memory_space<vmem>>, vector<1x16xf32>,
        %get3A_860 = arith.constant 0 : i32
        %get3A_861 = arith.constant 0 : i32
        %get3A_862 = tpu.memref_slice %arg7[%scan3A_229, %get3A_860, %get3A_861] : memref<2x16x1024xf32, #tpu.memory_space<vmem>> -> memref<1x16x1024xf32, #tpu.memory_space<vmem>>
        %get3A_863 = tpu.memref_squeeze %get3A_862 : memref<1x16x1024xf32, #tpu.memory_space<vmem>> -> memref<16x1024xf32, #tpu.memory_space<vmem>>
        %get3A_864 = arith.index_cast %add3A_263 : i32 to index
        %get3A_865 = arith.constant 368 : index
        %get3A_866 = tpu.vector_load %get3A_863[%get3A_864, %get3A_865] {strides = array<i32>} : memref<16x1024xf32, #tpu.memory_space<vmem>>, vector<1x16xf32>,
        %get3A_867 = vector.shape_cast %get3A_866 : vector<1x16xf32> to vector<16xf32>
        %get3A_868 = arith.constant 0 : i32
        %get3A_869 = arith.constant 0 : i32
        %get3A_870 = tpu.memref_slice %arg8[%scan3A_230, %get3A_868, %get3A_869] : memref<2x16x1024xf32, #tpu.memory_space<vmem>> -> memref<1x16x1024xf32, #tpu.memory_space<vmem>>
        %get3A_871 = tpu.memref_squeeze %get3A_870 : memref<1x16x1024xf32, #tpu.memory_space<vmem>> -> memref<16x1024xf32, #tpu.memory_space<vmem>>
        %get3A_872 = arith.index_cast %add3A_263 : i32 to index
        %get3A_873 = arith.constant 368 : index
        %get3A_874 = tpu.vector_load %get3A_871[%get3A_872, %get3A_873] {strides = array<i32>} : memref<16x1024xf32, #tpu.memory_space<vmem>>, vector<1x16xf32>,
        %get3A_875 = vector.shape_cast %get3A_874 : vector<1x16xf32> to vector<16xf32>
        %add3A_876 = arith.addf %get3A_867, %get3A_875 : vector<16xf32>
        %swap3A_877 = arith.constant 0 : i32
        %swap3A_878 = arith.constant 0 : i32
        %swap3A_879 = tpu.memref_slice %arg9[%scan3A_231, %swap3A_877, %swap3A_878] : memref<2x16x1024xf32, #tpu.memory_space<vmem>> -> memref<1x16x1024xf32, #tpu.memory_space<vmem>>
        %swap3A_880 = tpu.memref_squeeze %swap3A_879 : memref<1x16x1024xf32, #tpu.memory_space<vmem>> -> memref<16x1024xf32, #tpu.memory_space<vmem>>
        %swap3A_881 = arith.index_cast %add3A_263 : i32 to index
        %swap3A_882 = arith.constant 368 : index
        %swap3A_883 = tpu.vector_load %swap3A_880[%swap3A_881, %swap3A_882] {strides = array<i32>} : memref<16x1024xf32, #tpu.memory_space<vmem>>, vector<1x16xf32>,
        %swap3A_884 = vector.shape_cast %swap3A_883 : vector<1x16xf32> to vector<16xf32>
        %swap3A_885 = vector.shape_cast %add3A_876 : vector<16xf32> to vector<1x16xf32>
        tpu.vector_store %swap3A_880[%swap3A_881, %swap3A_882], %swap3A_885 {strides = array<i32>} : memref<16x1024xf32, #tpu.memory_space<vmem>>, vector<1x16xf32>,
        %get3A_886 = arith.constant 0 : i32
        %get3A_887 = arith.constant 0 : i32
        %get3A_888 = tpu.memref_slice %arg7[%scan3A_229, %get3A_886, %get3A_887] : memref<2x16x1024xf32, #tpu.memory_space<vmem>> -> memref<1x16x1024xf32, #tpu.memory_space<vmem>>
        %get3A_889 = tpu.memref_squeeze %get3A_888 : memref<1x16x1024xf32, #tpu.memory_space<vmem>> -> memref<16x1024xf32, #tpu.memory_space<vmem>>
        %get3A_890 = arith.index_cast %add3A_263 : i32 to index
        %get3A_891 = arith.constant 384 : index
        %get3A_892 = tpu.vector_load %get3A_889[%get3A_890, %get3A_891] {strides = array<i32>} : memref<16x1024xf32, #tpu.memory_space<vmem>>, vector<1x16xf32>,
        %get3A_893 = vector.shape_cast %get3A_892 : vector<1x16xf32> to vector<16xf32>
        %get3A_894 = arith.constant 0 : i32
        %get3A_895 = arith.constant 0 : i32
        %get3A_896 = tpu.memref_slice %arg8[%scan3A_230, %get3A_894, %get3A_895] : memref<2x16x1024xf32, #tpu.memory_space<vmem>> -> memref<1x16x1024xf32, #tpu.memory_space<vmem>>
        %get3A_897 = tpu.memref_squeeze %get3A_896 : memref<1x16x1024xf32, #tpu.memory_space<vmem>> -> memref<16x1024xf32, #tpu.memory_space<vmem>>
        %get3A_898 = arith.index_cast %add3A_263 : i32 to index
        %get3A_899 = arith.constant 384 : index
        %get3A_900 = tpu.vector_load %get3A_897[%get3A_898, %get3A_899] {strides = array<i32>} : memref<16x1024xf32, #tpu.memory_space<vmem>>, vector<1x16xf32>,
        %get3A_901 = vector.shape_cast %get3A_900 : vector<1x16xf32> to vector<16xf32>
        %add3A_902 = arith.addf %get3A_893, %get3A_901 : vector<16xf32>
        %swap3A_903 = arith.constant 0 : i32
        %swap3A_904 = arith.constant 0 : i32
        %swap3A_905 = tpu.memref_slice %arg9[%scan3A_231, %swap3A_903, %swap3A_904] : memref<2x16x1024xf32, #tpu.memory_space<vmem>> -> memref<1x16x1024xf32, #tpu.memory_space<vmem>>
        %swap3A_906 = tpu.memref_squeeze %swap3A_905 : memref<1x16x1024xf32, #tpu.memory_space<vmem>> -> memref<16x1024xf32, #tpu.memory_space<vmem>>
        %swap3A_907 = arith.index_cast %add3A_263 : i32 to index
        %swap3A_908 = arith.constant 384 : index
        %swap3A_909 = tpu.vector_load %swap3A_906[%swap3A_907, %swap3A_908] {strides = array<i32>} : memref<16x1024xf32, #tpu.memory_space<vmem>>, vector<1x16xf32>,
        %swap3A_910 = vector.shape_cast %swap3A_909 : vector<1x16xf32> to vector<16xf32>
        %swap3A_911 = vector.shape_cast %add3A_902 : vector<16xf32> to vector<1x16xf32>
        tpu.vector_store %swap3A_906[%swap3A_907, %swap3A_908], %swap3A_911 {strides = array<i32>} : memref<16x1024xf32, #tpu.memory_space<vmem>>, vector<1x16xf32>,
        %get3A_912 = arith.constant 0 : i32
        %get3A_913 = arith.constant 0 : i32
        %get3A_914 = tpu.memref_slice %arg7[%scan3A_229, %get3A_912, %get3A_913] : memref<2x16x1024xf32, #tpu.memory_space<vmem>> -> memref<1x16x1024xf32, #tpu.memory_space<vmem>>
        %get3A_915 = tpu.memref_squeeze %get3A_914 : memref<1x16x1024xf32, #tpu.memory_space<vmem>> -> memref<16x1024xf32, #tpu.memory_space<vmem>>
        %get3A_916 = arith.index_cast %add3A_263 : i32 to index
        %get3A_917 = arith.constant 400 : index
        %get3A_918 = tpu.vector_load %get3A_915[%get3A_916, %get3A_917] {strides = array<i32>} : memref<16x1024xf32, #tpu.memory_space<vmem>>, vector<1x16xf32>,
        %get3A_919 = vector.shape_cast %get3A_918 : vector<1x16xf32> to vector<16xf32>
        %get3A_920 = arith.constant 0 : i32
        %get3A_921 = arith.constant 0 : i32
        %get3A_922 = tpu.memref_slice %arg8[%scan3A_230, %get3A_920, %get3A_921] : memref<2x16x1024xf32, #tpu.memory_space<vmem>> -> memref<1x16x1024xf32, #tpu.memory_space<vmem>>
        %get3A_923 = tpu.memref_squeeze %get3A_922 : memref<1x16x1024xf32, #tpu.memory_space<vmem>> -> memref<16x1024xf32, #tpu.memory_space<vmem>>
        %get3A_924 = arith.index_cast %add3A_263 : i32 to index
        %get3A_925 = arith.constant 400 : index
        %get3A_926 = tpu.vector_load %get3A_923[%get3A_924, %get3A_925] {strides = array<i32>} : memref<16x1024xf32, #tpu.memory_space<vmem>>, vector<1x16xf32>,
        %get3A_927 = vector.shape_cast %get3A_926 : vector<1x16xf32> to vector<16xf32>
        %add3A_928 = arith.addf %get3A_919, %get3A_927 : vector<16xf32>
        %swap3A_929 = arith.constant 0 : i32
        %swap3A_930 = arith.constant 0 : i32
        %swap3A_931 = tpu.memref_slice %arg9[%scan3A_231, %swap3A_929, %swap3A_930] : memref<2x16x1024xf32, #tpu.memory_space<vmem>> -> memref<1x16x1024xf32, #tpu.memory_space<vmem>>
        %swap3A_932 = tpu.memref_squeeze %swap3A_931 : memref<1x16x1024xf32, #tpu.memory_space<vmem>> -> memref<16x1024xf32, #tpu.memory_space<vmem>>
        %swap3A_933 = arith.index_cast %add3A_263 : i32 to index
        %swap3A_934 = arith.constant 400 : index
        %swap3A_935 = tpu.vector_load %swap3A_932[%swap3A_933, %swap3A_934] {strides = array<i32>} : memref<16x1024xf32, #tpu.memory_space<vmem>>, vector<1x16xf32>,
        %swap3A_936 = vector.shape_cast %swap3A_935 : vector<1x16xf32> to vector<16xf32>
        %swap3A_937 = vector.shape_cast %add3A_928 : vector<16xf32> to vector<1x16xf32>
        tpu.vector_store %swap3A_932[%swap3A_933, %swap3A_934], %swap3A_937 {strides = array<i32>} : memref<16x1024xf32, #tpu.memory_space<vmem>>, vector<1x16xf32>,
        %get3A_938 = arith.constant 0 : i32
        %get3A_939 = arith.constant 0 : i32
        %get3A_940 = tpu.memref_slice %arg7[%scan3A_229, %get3A_938, %get3A_939] : memref<2x16x1024xf32, #tpu.memory_space<vmem>> -> memref<1x16x1024xf32, #tpu.memory_space<vmem>>
        %get3A_941 = tpu.memref_squeeze %get3A_940 : memref<1x16x1024xf32, #tpu.memory_space<vmem>> -> memref<16x1024xf32, #tpu.memory_space<vmem>>
        %get3A_942 = arith.index_cast %add3A_263 : i32 to index
        %get3A_943 = arith.constant 416 : index
        %get3A_944 = tpu.vector_load %get3A_941[%get3A_942, %get3A_943] {strides = array<i32>} : memref<16x1024xf32, #tpu.memory_space<vmem>>, vector<1x16xf32>,
        %get3A_945 = vector.shape_cast %get3A_944 : vector<1x16xf32> to vector<16xf32>
        %get3A_946 = arith.constant 0 : i32
        %get3A_947 = arith.constant 0 : i32
        %get3A_948 = tpu.memref_slice %arg8[%scan3A_230, %get3A_946, %get3A_947] : memref<2x16x1024xf32, #tpu.memory_space<vmem>> -> memref<1x16x1024xf32, #tpu.memory_space<vmem>>
        %get3A_949 = tpu.memref_squeeze %get3A_948 : memref<1x16x1024xf32, #tpu.memory_space<vmem>> -> memref<16x1024xf32, #tpu.memory_space<vmem>>
        %get3A_950 = arith.index_cast %add3A_263 : i32 to index
        %get3A_951 = arith.constant 416 : index
        %get3A_952 = tpu.vector_load %get3A_949[%get3A_950, %get3A_951] {strides = array<i32>} : memref<16x1024xf32, #tpu.memory_space<vmem>>, vector<1x16xf32>,
        %get3A_953 = vector.shape_cast %get3A_952 : vector<1x16xf32> to vector<16xf32>
        %add3A_954 = arith.addf %get3A_945, %get3A_953 : vector<16xf32>
        %swap3A_955 = arith.constant 0 : i32
        %swap3A_956 = arith.constant 0 : i32
        %swap3A_957 = tpu.memref_slice %arg9[%scan3A_231, %swap3A_955, %swap3A_956] : memref<2x16x1024xf32, #tpu.memory_space<vmem>> -> memref<1x16x1024xf32, #tpu.memory_space<vmem>>
        %swap3A_958 = tpu.memref_squeeze %swap3A_957 : memref<1x16x1024xf32, #tpu.memory_space<vmem>> -> memref<16x1024xf32, #tpu.memory_space<vmem>>
        %swap3A_959 = arith.index_cast %add3A_263 : i32 to index
        %swap3A_960 = arith.constant 416 : index
        %swap3A_961 = tpu.vector_load %swap3A_958[%swap3A_959, %swap3A_960] {strides = array<i32>} : memref<16x1024xf32, #tpu.memory_space<vmem>>, vector<1x16xf32>,
        %swap3A_962 = vector.shape_cast %swap3A_961 : vector<1x16xf32> to vector<16xf32>
        %swap3A_963 = vector.shape_cast %add3A_954 : vector<16xf32> to vector<1x16xf32>
        tpu.vector_store %swap3A_958[%swap3A_959, %swap3A_960], %swap3A_963 {strides = array<i32>} : memref<16x1024xf32, #tpu.memory_space<vmem>>, vector<1x16xf32>,
        %get3A_964 = arith.constant 0 : i32
        %get3A_965 = arith.constant 0 : i32
        %get3A_966 = tpu.memref_slice %arg7[%scan3A_229, %get3A_964, %get3A_965] : memref<2x16x1024xf32, #tpu.memory_space<vmem>> -> memref<1x16x1024xf32, #tpu.memory_space<vmem>>
        %get3A_967 = tpu.memref_squeeze %get3A_966 : memref<1x16x1024xf32, #tpu.memory_space<vmem>> -> memref<16x1024xf32, #tpu.memory_space<vmem>>
        %get3A_968 = arith.index_cast %add3A_263 : i32 to index
        %get3A_969 = arith.constant 432 : index
        %get3A_970 = tpu.vector_load %get3A_967[%get3A_968, %get3A_969] {strides = array<i32>} : memref<16x1024xf32, #tpu.memory_space<vmem>>, vector<1x16xf32>,
        %get3A_971 = vector.shape_cast %get3A_970 : vector<1x16xf32> to vector<16xf32>
        %get3A_972 = arith.constant 0 : i32
        %get3A_973 = arith.constant 0 : i32
        %get3A_974 = tpu.memref_slice %arg8[%scan3A_230, %get3A_972, %get3A_973] : memref<2x16x1024xf32, #tpu.memory_space<vmem>> -> memref<1x16x1024xf32, #tpu.memory_space<vmem>>
        %get3A_975 = tpu.memref_squeeze %get3A_974 : memref<1x16x1024xf32, #tpu.memory_space<vmem>> -> memref<16x1024xf32, #tpu.memory_space<vmem>>
        %get3A_976 = arith.index_cast %add3A_263 : i32 to index
        %get3A_977 = arith.constant 432 : index
        %get3A_978 = tpu.vector_load %get3A_975[%get3A_976, %get3A_977] {strides = array<i32>} : memref<16x1024xf32, #tpu.memory_space<vmem>>, vector<1x16xf32>,
        %get3A_979 = vector.shape_cast %get3A_978 : vector<1x16xf32> to vector<16xf32>
        %add3A_980 = arith.addf %get3A_971, %get3A_979 : vector<16xf32>
        %swap3A_981 = arith.constant 0 : i32
        %swap3A_982 = arith.constant 0 : i32
        %swap3A_983 = tpu.memref_slice %arg9[%scan3A_231, %swap3A_981, %swap3A_982] : memref<2x16x1024xf32, #tpu.memory_space<vmem>> -> memref<1x16x1024xf32, #tpu.memory_space<vmem>>
        %swap3A_984 = tpu.memref_squeeze %swap3A_983 : memref<1x16x1024xf32, #tpu.memory_space<vmem>> -> memref<16x1024xf32, #tpu.memory_space<vmem>>
        %swap3A_985 = arith.index_cast %add3A_263 : i32 to index
        %swap3A_986 = arith.constant 432 : index
        %swap3A_987 = tpu.vector_load %swap3A_984[%swap3A_985, %swap3A_986] {strides = array<i32>} : memref<16x1024xf32, #tpu.memory_space<vmem>>, vector<1x16xf32>,
        %swap3A_988 = vector.shape_cast %swap3A_987 : vector<1x16xf32> to vector<16xf32>
        %swap3A_989 = vector.shape_cast %add3A_980 : vector<16xf32> to vector<1x16xf32>
        tpu.vector_store %swap3A_984[%swap3A_985, %swap3A_986], %swap3A_989 {strides = array<i32>} : memref<16x1024xf32, #tpu.memory_space<vmem>>, vector<1x16xf32>,
        %get3A_990 = arith.constant 0 : i32
        %get3A_991 = arith.constant 0 : i32
        %get3A_992 = tpu.memref_slice %arg7[%scan3A_229, %get3A_990, %get3A_991] : memref<2x16x1024xf32, #tpu.memory_space<vmem>> -> memref<1x16x1024xf32, #tpu.memory_space<vmem>>
        %get3A_993 = tpu.memref_squeeze %get3A_992 : memref<1x16x1024xf32, #tpu.memory_space<vmem>> -> memref<16x1024xf32, #tpu.memory_space<vmem>>
        %get3A_994 = arith.index_cast %add3A_263 : i32 to index
        %get3A_995 = arith.constant 448 : index
        %get3A_996 = tpu.vector_load %get3A_993[%get3A_994, %get3A_995] {strides = array<i32>} : memref<16x1024xf32, #tpu.memory_space<vmem>>, vector<1x16xf32>,
        %get3A_997 = vector.shape_cast %get3A_996 : vector<1x16xf32> to vector<16xf32>
        %get3A_998 = arith.constant 0 : i32
        %get3A_999 = arith.constant 0 : i32
        %get3A_1000 = tpu.memref_slice %arg8[%scan3A_230, %get3A_998, %get3A_999] : memref<2x16x1024xf32, #tpu.memory_space<vmem>> -> memref<1x16x1024xf32, #tpu.memory_space<vmem>>
        %get3A_1001 = tpu.memref_squeeze %get3A_1000 : memref<1x16x1024xf32, #tpu.memory_space<vmem>> -> memref<16x1024xf32, #tpu.memory_space<vmem>>
        %get3A_1002 = arith.index_cast %add3A_263 : i32 to index
        %get3A_1003 = arith.constant 448 : index
        %get3A_1004 = tpu.vector_load %get3A_1001[%get3A_1002, %get3A_1003] {strides = array<i32>} : memref<16x1024xf32, #tpu.memory_space<vmem>>, vector<1x16xf32>,
        %get3A_1005 = vector.shape_cast %get3A_1004 : vector<1x16xf32> to vector<16xf32>
        %add3A_1006 = arith.addf %get3A_997, %get3A_1005 : vector<16xf32>
        %swap3A_1007 = arith.constant 0 : i32
        %swap3A_1008 = arith.constant 0 : i32
        %swap3A_1009 = tpu.memref_slice %arg9[%scan3A_231, %swap3A_1007, %swap3A_1008] : memref<2x16x1024xf32, #tpu.memory_space<vmem>> -> memref<1x16x1024xf32, #tpu.memory_space<vmem>>
        %swap3A_1010 = tpu.memref_squeeze %swap3A_1009 : memref<1x16x1024xf32, #tpu.memory_space<vmem>> -> memref<16x1024xf32, #tpu.memory_space<vmem>>
        %swap3A_1011 = arith.index_cast %add3A_263 : i32 to index
        %swap3A_1012 = arith.constant 448 : index
        %swap3A_1013 = tpu.vector_load %swap3A_1010[%swap3A_1011, %swap3A_1012] {strides = array<i32>} : memref<16x1024xf32, #tpu.memory_space<vmem>>, vector<1x16xf32>,
        %swap3A_1014 = vector.shape_cast %swap3A_1013 : vector<1x16xf32> to vector<16xf32>
        %swap3A_1015 = vector.shape_cast %add3A_1006 : vector<16xf32> to vector<1x16xf32>
        tpu.vector_store %swap3A_1010[%swap3A_1011, %swap3A_1012], %swap3A_1015 {strides = array<i32>} : memref<16x1024xf32, #tpu.memory_space<vmem>>, vector<1x16xf32>,
        %get3A_1016 = arith.constant 0 : i32
        %get3A_1017 = arith.constant 0 : i32
        %get3A_1018 = tpu.memref_slice %arg7[%scan3A_229, %get3A_1016, %get3A_1017] : memref<2x16x1024xf32, #tpu.memory_space<vmem>> -> memref<1x16x1024xf32, #tpu.memory_space<vmem>>
        %get3A_1019 = tpu.memref_squeeze %get3A_1018 : memref<1x16x1024xf32, #tpu.memory_space<vmem>> -> memref<16x1024xf32, #tpu.memory_space<vmem>>
        %get3A_1020 = arith.index_cast %add3A_263 : i32 to index
        %get3A_1021 = arith.constant 464 : index
        %get3A_1022 = tpu.vector_load %get3A_1019[%get3A_1020, %get3A_1021] {strides = array<i32>} : memref<16x1024xf32, #tpu.memory_space<vmem>>, vector<1x16xf32>,
        %get3A_1023 = vector.shape_cast %get3A_1022 : vector<1x16xf32> to vector<16xf32>
        %get3A_1024 = arith.constant 0 : i32
        %get3A_1025 = arith.constant 0 : i32
        %get3A_1026 = tpu.memref_slice %arg8[%scan3A_230, %get3A_1024, %get3A_1025] : memref<2x16x1024xf32, #tpu.memory_space<vmem>> -> memref<1x16x1024xf32, #tpu.memory_space<vmem>>
        %get3A_1027 = tpu.memref_squeeze %get3A_1026 : memref<1x16x1024xf32, #tpu.memory_space<vmem>> -> memref<16x1024xf32, #tpu.memory_space<vmem>>
        %get3A_1028 = arith.index_cast %add3A_263 : i32 to index
        %get3A_1029 = arith.constant 464 : index
        %get3A_1030 = tpu.vector_load %get3A_1027[%get3A_1028, %get3A_1029] {strides = array<i32>} : memref<16x1024xf32, #tpu.memory_space<vmem>>, vector<1x16xf32>,
        %get3A_1031 = vector.shape_cast %get3A_1030 : vector<1x16xf32> to vector<16xf32>
        %add3A_1032 = arith.addf %get3A_1023, %get3A_1031 : vector<16xf32>
        %swap3A_1033 = arith.constant 0 : i32
        %swap3A_1034 = arith.constant 0 : i32
        %swap3A_1035 = tpu.memref_slice %arg9[%scan3A_231, %swap3A_1033, %swap3A_1034] : memref<2x16x1024xf32, #tpu.memory_space<vmem>> -> memref<1x16x1024xf32, #tpu.memory_space<vmem>>
        %swap3A_1036 = tpu.memref_squeeze %swap3A_1035 : memref<1x16x1024xf32, #tpu.memory_space<vmem>> -> memref<16x1024xf32, #tpu.memory_space<vmem>>
        %swap3A_1037 = arith.index_cast %add3A_263 : i32 to index
        %swap3A_1038 = arith.constant 464 : index
        %swap3A_1039 = tpu.vector_load %swap3A_1036[%swap3A_1037, %swap3A_1038] {strides = array<i32>} : memref<16x1024xf32, #tpu.memory_space<vmem>>, vector<1x16xf32>,
        %swap3A_1040 = vector.shape_cast %swap3A_1039 : vector<1x16xf32> to vector<16xf32>
        %swap3A_1041 = vector.shape_cast %add3A_1032 : vector<16xf32> to vector<1x16xf32>
        tpu.vector_store %swap3A_1036[%swap3A_1037, %swap3A_1038], %swap3A_1041 {strides = array<i32>} : memref<16x1024xf32, #tpu.memory_space<vmem>>, vector<1x16xf32>,
        %get3A_1042 = arith.constant 0 : i32
        %get3A_1043 = arith.constant 0 : i32
        %get3A_1044 = tpu.memref_slice %arg7[%scan3A_229, %get3A_1042, %get3A_1043] : memref<2x16x1024xf32, #tpu.memory_space<vmem>> -> memref<1x16x1024xf32, #tpu.memory_space<vmem>>
        %get3A_1045 = tpu.memref_squeeze %get3A_1044 : memref<1x16x1024xf32, #tpu.memory_space<vmem>> -> memref<16x1024xf32, #tpu.memory_space<vmem>>
        %get3A_1046 = arith.index_cast %add3A_263 : i32 to index
        %get3A_1047 = arith.constant 480 : index
        %get3A_1048 = tpu.vector_load %get3A_1045[%get3A_1046, %get3A_1047] {strides = array<i32>} : memref<16x1024xf32, #tpu.memory_space<vmem>>, vector<1x16xf32>,
        %get3A_1049 = vector.shape_cast %get3A_1048 : vector<1x16xf32> to vector<16xf32>
        %get3A_1050 = arith.constant 0 : i32
        %get3A_1051 = arith.constant 0 : i32
        %get3A_1052 = tpu.memref_slice %arg8[%scan3A_230, %get3A_1050, %get3A_1051] : memref<2x16x1024xf32, #tpu.memory_space<vmem>> -> memref<1x16x1024xf32, #tpu.memory_space<vmem>>
        %get3A_1053 = tpu.memref_squeeze %get3A_1052 : memref<1x16x1024xf32, #tpu.memory_space<vmem>> -> memref<16x1024xf32, #tpu.memory_space<vmem>>
        %get3A_1054 = arith.index_cast %add3A_263 : i32 to index
        %get3A_1055 = arith.constant 480 : index
        %get3A_1056 = tpu.vector_load %get3A_1053[%get3A_1054, %get3A_1055] {strides = array<i32>} : memref<16x1024xf32, #tpu.memory_space<vmem>>, vector<1x16xf32>,
        %get3A_1057 = vector.shape_cast %get3A_1056 : vector<1x16xf32> to vector<16xf32>
        %add3A_1058 = arith.addf %get3A_1049, %get3A_1057 : vector<16xf32>
        %swap3A_1059 = arith.constant 0 : i32
        %swap3A_1060 = arith.constant 0 : i32
        %swap3A_1061 = tpu.memref_slice %arg9[%scan3A_231, %swap3A_1059, %swap3A_1060] : memref<2x16x1024xf32, #tpu.memory_space<vmem>> -> memref<1x16x1024xf32, #tpu.memory_space<vmem>>
        %swap3A_1062 = tpu.memref_squeeze %swap3A_1061 : memref<1x16x1024xf32, #tpu.memory_space<vmem>> -> memref<16x1024xf32, #tpu.memory_space<vmem>>
        %swap3A_1063 = arith.index_cast %add3A_263 : i32 to index
        %swap3A_1064 = arith.constant 480 : index
        %swap3A_1065 = tpu.vector_load %swap3A_1062[%swap3A_1063, %swap3A_1064] {strides = array<i32>} : memref<16x1024xf32, #tpu.memory_space<vmem>>, vector<1x16xf32>,
        %swap3A_1066 = vector.shape_cast %swap3A_1065 : vector<1x16xf32> to vector<16xf32>
        %swap3A_1067 = vector.shape_cast %add3A_1058 : vector<16xf32> to vector<1x16xf32>
        tpu.vector_store %swap3A_1062[%swap3A_1063, %swap3A_1064], %swap3A_1067 {strides = array<i32>} : memref<16x1024xf32, #tpu.memory_space<vmem>>, vector<1x16xf32>,
        %get3A_1068 = arith.constant 0 : i32
        %get3A_1069 = arith.constant 0 : i32
        %get3A_1070 = tpu.memref_slice %arg7[%scan3A_229, %get3A_1068, %get3A_1069] : memref<2x16x1024xf32, #tpu.memory_space<vmem>> -> memref<1x16x1024xf32, #tpu.memory_space<vmem>>
        %get3A_1071 = tpu.memref_squeeze %get3A_1070 : memref<1x16x1024xf32, #tpu.memory_space<vmem>> -> memref<16x1024xf32, #tpu.memory_space<vmem>>
        %get3A_1072 = arith.index_cast %add3A_263 : i32 to index
        %get3A_1073 = arith.constant 496 : index
        %get3A_1074 = tpu.vector_load %get3A_1071[%get3A_1072, %get3A_1073] {strides = array<i32>} : memref<16x1024xf32, #tpu.memory_space<vmem>>, vector<1x16xf32>,
        %get3A_1075 = vector.shape_cast %get3A_1074 : vector<1x16xf32> to vector<16xf32>
        %get3A_1076 = arith.constant 0 : i32
        %get3A_1077 = arith.constant 0 : i32
        %get3A_1078 = tpu.memref_slice %arg8[%scan3A_230, %get3A_1076, %get3A_1077] : memref<2x16x1024xf32, #tpu.memory_space<vmem>> -> memref<1x16x1024xf32, #tpu.memory_space<vmem>>
        %get3A_1079 = tpu.memref_squeeze %get3A_1078 : memref<1x16x1024xf32, #tpu.memory_space<vmem>> -> memref<16x1024xf32, #tpu.memory_space<vmem>>
        %get3A_1080 = arith.index_cast %add3A_263 : i32 to index
        %get3A_1081 = arith.constant 496 : index
        %get3A_1082 = tpu.vector_load %get3A_1079[%get3A_1080, %get3A_1081] {strides = array<i32>} : memref<16x1024xf32, #tpu.memory_space<vmem>>, vector<1x16xf32>,
        %get3A_1083 = vector.shape_cast %get3A_1082 : vector<1x16xf32> to vector<16xf32>
        %add3A_1084 = arith.addf %get3A_1075, %get3A_1083 : vector<16xf32>
        %swap3A_1085 = arith.constant 0 : i32
        %swap3A_1086 = arith.constant 0 : i32
        %swap3A_1087 = tpu.memref_slice %arg9[%scan3A_231, %swap3A_1085, %swap3A_1086] : memref<2x16x1024xf32, #tpu.memory_space<vmem>> -> memref<1x16x1024xf32, #tpu.memory_space<vmem>>
        %swap3A_1088 = tpu.memref_squeeze %swap3A_1087 : memref<1x16x1024xf32, #tpu.memory_space<vmem>> -> memref<16x1024xf32, #tpu.memory_space<vmem>>
        %swap3A_1089 = arith.index_cast %add3A_263 : i32 to index
        %swap3A_1090 = arith.constant 496 : index
        %swap3A_1091 = tpu.vector_load %swap3A_1088[%swap3A_1089, %swap3A_1090] {strides = array<i32>} : memref<16x1024xf32, #tpu.memory_space<vmem>>, vector<1x16xf32>,
        %swap3A_1092 = vector.shape_cast %swap3A_1091 : vector<1x16xf32> to vector<16xf32>
        %swap3A_1093 = vector.shape_cast %add3A_1084 : vector<16xf32> to vector<1x16xf32>
        tpu.vector_store %swap3A_1088[%swap3A_1089, %swap3A_1090], %swap3A_1093 {strides = array<i32>} : memref<16x1024xf32, #tpu.memory_space<vmem>>, vector<1x16xf32>,
        %get3A_1094 = arith.constant 0 : i32
        %get3A_1095 = arith.constant 0 : i32
        %get3A_1096 = tpu.memref_slice %arg7[%scan3A_229, %get3A_1094, %get3A_1095] : memref<2x16x1024xf32, #tpu.memory_space<vmem>> -> memref<1x16x1024xf32, #tpu.memory_space<vmem>>
        %get3A_1097 = tpu.memref_squeeze %get3A_1096 : memref<1x16x1024xf32, #tpu.memory_space<vmem>> -> memref<16x1024xf32, #tpu.memory_space<vmem>>
        %get3A_1098 = arith.index_cast %add3A_263 : i32 to index
        %get3A_1099 = arith.constant 512 : index
        %get3A_1100 = tpu.vector_load %get3A_1097[%get3A_1098, %get3A_1099] {strides = array<i32>} : memref<16x1024xf32, #tpu.memory_space<vmem>>, vector<1x16xf32>,
        %get3A_1101 = vector.shape_cast %get3A_1100 : vector<1x16xf32> to vector<16xf32>
        %get3A_1102 = arith.constant 0 : i32
        %get3A_1103 = arith.constant 0 : i32
        %get3A_1104 = tpu.memref_slice %arg8[%scan3A_230, %get3A_1102, %get3A_1103] : memref<2x16x1024xf32, #tpu.memory_space<vmem>> -> memref<1x16x1024xf32, #tpu.memory_space<vmem>>
        %get3A_1105 = tpu.memref_squeeze %get3A_1104 : memref<1x16x1024xf32, #tpu.memory_space<vmem>> -> memref<16x1024xf32, #tpu.memory_space<vmem>>
        %get3A_1106 = arith.index_cast %add3A_263 : i32 to index
        %get3A_1107 = arith.constant 512 : index
        %get3A_1108 = tpu.vector_load %get3A_1105[%get3A_1106, %get3A_1107] {strides = array<i32>} : memref<16x1024xf32, #tpu.memory_space<vmem>>, vector<1x16xf32>,
        %get3A_1109 = vector.shape_cast %get3A_1108 : vector<1x16xf32> to vector<16xf32>
        %add3A_1110 = arith.addf %get3A_1101, %get3A_1109 : vector<16xf32>
        %swap3A_1111 = arith.constant 0 : i32
        %swap3A_1112 = arith.constant 0 : i32
        %swap3A_1113 = tpu.memref_slice %arg9[%scan3A_231, %swap3A_1111, %swap3A_1112] : memref<2x16x1024xf32, #tpu.memory_space<vmem>> -> memref<1x16x1024xf32, #tpu.memory_space<vmem>>
        %swap3A_1114 = tpu.memref_squeeze %swap3A_1113 : memref<1x16x1024xf32, #tpu.memory_space<vmem>> -> memref<16x1024xf32, #tpu.memory_space<vmem>>
        %swap3A_1115 = arith.index_cast %add3A_263 : i32 to index
        %swap3A_1116 = arith.constant 512 : index
        %swap3A_1117 = tpu.vector_load %swap3A_1114[%swap3A_1115, %swap3A_1116] {strides = array<i32>} : memref<16x1024xf32, #tpu.memory_space<vmem>>, vector<1x16xf32>,
        %swap3A_1118 = vector.shape_cast %swap3A_1117 : vector<1x16xf32> to vector<16xf32>
        %swap3A_1119 = vector.shape_cast %add3A_1110 : vector<16xf32> to vector<1x16xf32>
        tpu.vector_store %swap3A_1114[%swap3A_1115, %swap3A_1116], %swap3A_1119 {strides = array<i32>} : memref<16x1024xf32, #tpu.memory_space<vmem>>, vector<1x16xf32>,
        %get3A_1120 = arith.constant 0 : i32
        %get3A_1121 = arith.constant 0 : i32
        %get3A_1122 = tpu.memref_slice %arg7[%scan3A_229, %get3A_1120, %get3A_1121] : memref<2x16x1024xf32, #tpu.memory_space<vmem>> -> memref<1x16x1024xf32, #tpu.memory_space<vmem>>
        %get3A_1123 = tpu.memref_squeeze %get3A_1122 : memref<1x16x1024xf32, #tpu.memory_space<vmem>> -> memref<16x1024xf32, #tpu.memory_space<vmem>>
        %get3A_1124 = arith.index_cast %add3A_263 : i32 to index
        %get3A_1125 = arith.constant 528 : index
        %get3A_1126 = tpu.vector_load %get3A_1123[%get3A_1124, %get3A_1125] {strides = array<i32>} : memref<16x1024xf32, #tpu.memory_space<vmem>>, vector<1x16xf32>,
        %get3A_1127 = vector.shape_cast %get3A_1126 : vector<1x16xf32> to vector<16xf32>
        %get3A_1128 = arith.constant 0 : i32
        %get3A_1129 = arith.constant 0 : i32
        %get3A_1130 = tpu.memref_slice %arg8[%scan3A_230, %get3A_1128, %get3A_1129] : memref<2x16x1024xf32, #tpu.memory_space<vmem>> -> memref<1x16x1024xf32, #tpu.memory_space<vmem>>
        %get3A_1131 = tpu.memref_squeeze %get3A_1130 : memref<1x16x1024xf32, #tpu.memory_space<vmem>> -> memref<16x1024xf32, #tpu.memory_space<vmem>>
        %get3A_1132 = arith.index_cast %add3A_263 : i32 to index
        %get3A_1133 = arith.constant 528 : index
        %get3A_1134 = tpu.vector_load %get3A_1131[%get3A_1132, %get3A_1133] {strides = array<i32>} : memref<16x1024xf32, #tpu.memory_space<vmem>>, vector<1x16xf32>,
        %get3A_1135 = vector.shape_cast %get3A_1134 : vector<1x16xf32> to vector<16xf32>
        %add3A_1136 = arith.addf %get3A_1127, %get3A_1135 : vector<16xf32>
        %swap3A_1137 = arith.constant 0 : i32
        %swap3A_1138 = arith.constant 0 : i32
        %swap3A_1139 = tpu.memref_slice %arg9[%scan3A_231, %swap3A_1137, %swap3A_1138] : memref<2x16x1024xf32, #tpu.memory_space<vmem>> -> memref<1x16x1024xf32, #tpu.memory_space<vmem>>
        %swap3A_1140 = tpu.memref_squeeze %swap3A_1139 : memref<1x16x1024xf32, #tpu.memory_space<vmem>> -> memref<16x1024xf32, #tpu.memory_space<vmem>>
        %swap3A_1141 = arith.index_cast %add3A_263 : i32 to index
        %swap3A_1142 = arith.constant 528 : index
        %swap3A_1143 = tpu.vector_load %swap3A_1140[%swap3A_1141, %swap3A_1142] {strides = array<i32>} : memref<16x1024xf32, #tpu.memory_space<vmem>>, vector<1x16xf32>,
        %swap3A_1144 = vector.shape_cast %swap3A_1143 : vector<1x16xf32> to vector<16xf32>
        %swap3A_1145 = vector.shape_cast %add3A_1136 : vector<16xf32> to vector<1x16xf32>
        tpu.vector_store %swap3A_1140[%swap3A_1141, %swap3A_1142], %swap3A_1145 {strides = array<i32>} : memref<16x1024xf32, #tpu.memory_space<vmem>>, vector<1x16xf32>,
        %get3A_1146 = arith.constant 0 : i32
        %get3A_1147 = arith.constant 0 : i32
        %get3A_1148 = tpu.memref_slice %arg7[%scan3A_229, %get3A_1146, %get3A_1147] : memref<2x16x1024xf32, #tpu.memory_space<vmem>> -> memref<1x16x1024xf32, #tpu.memory_space<vmem>>
        %get3A_1149 = tpu.memref_squeeze %get3A_1148 : memref<1x16x1024xf32, #tpu.memory_space<vmem>> -> memref<16x1024xf32, #tpu.memory_space<vmem>>
        %get3A_1150 = arith.index_cast %add3A_263 : i32 to index
        %get3A_1151 = arith.constant 544 : index
        %get3A_1152 = tpu.vector_load %get3A_1149[%get3A_1150, %get3A_1151] {strides = array<i32>} : memref<16x1024xf32, #tpu.memory_space<vmem>>, vector<1x16xf32>,
        %get3A_1153 = vector.shape_cast %get3A_1152 : vector<1x16xf32> to vector<16xf32>
        %get3A_1154 = arith.constant 0 : i32
        %get3A_1155 = arith.constant 0 : i32
        %get3A_1156 = tpu.memref_slice %arg8[%scan3A_230, %get3A_1154, %get3A_1155] : memref<2x16x1024xf32, #tpu.memory_space<vmem>> -> memref<1x16x1024xf32, #tpu.memory_space<vmem>>
        %get3A_1157 = tpu.memref_squeeze %get3A_1156 : memref<1x16x1024xf32, #tpu.memory_space<vmem>> -> memref<16x1024xf32, #tpu.memory_space<vmem>>
        %get3A_1158 = arith.index_cast %add3A_263 : i32 to index
        %get3A_1159 = arith.constant 544 : index
        %get3A_1160 = tpu.vector_load %get3A_1157[%get3A_1158, %get3A_1159] {strides = array<i32>} : memref<16x1024xf32, #tpu.memory_space<vmem>>, vector<1x16xf32>,
        %get3A_1161 = vector.shape_cast %get3A_1160 : vector<1x16xf32> to vector<16xf32>
        %add3A_1162 = arith.addf %get3A_1153, %get3A_1161 : vector<16xf32>
        %swap3A_1163 = arith.constant 0 : i32
        %swap3A_1164 = arith.constant 0 : i32
        %swap3A_1165 = tpu.memref_slice %arg9[%scan3A_231, %swap3A_1163, %swap3A_1164] : memref<2x16x1024xf32, #tpu.memory_space<vmem>> -> memref<1x16x1024xf32, #tpu.memory_space<vmem>>
        %swap3A_1166 = tpu.memref_squeeze %swap3A_1165 : memref<1x16x1024xf32, #tpu.memory_space<vmem>> -> memref<16x1024xf32, #tpu.memory_space<vmem>>
        %swap3A_1167 = arith.index_cast %add3A_263 : i32 to index
        %swap3A_1168 = arith.constant 544 : index
        %swap3A_1169 = tpu.vector_load %swap3A_1166[%swap3A_1167, %swap3A_1168] {strides = array<i32>} : memref<16x1024xf32, #tpu.memory_space<vmem>>, vector<1x16xf32>,
        %swap3A_1170 = vector.shape_cast %swap3A_1169 : vector<1x16xf32> to vector<16xf32>
        %swap3A_1171 = vector.shape_cast %add3A_1162 : vector<16xf32> to vector<1x16xf32>
        tpu.vector_store %swap3A_1166[%swap3A_1167, %swap3A_1168], %swap3A_1171 {strides = array<i32>} : memref<16x1024xf32, #tpu.memory_space<vmem>>, vector<1x16xf32>,
        %get3A_1172 = arith.constant 0 : i32
        %get3A_1173 = arith.constant 0 : i32
        %get3A_1174 = tpu.memref_slice %arg7[%scan3A_229, %get3A_1172, %get3A_1173] : memref<2x16x1024xf32, #tpu.memory_space<vmem>> -> memref<1x16x1024xf32, #tpu.memory_space<vmem>>
        %get3A_1175 = tpu.memref_squeeze %get3A_1174 : memref<1x16x1024xf32, #tpu.memory_space<vmem>> -> memref<16x1024xf32, #tpu.memory_space<vmem>>
        %get3A_1176 = arith.index_cast %add3A_263 : i32 to index
        %get3A_1177 = arith.constant 560 : index
        %get3A_1178 = tpu.vector_load %get3A_1175[%get3A_1176, %get3A_1177] {strides = array<i32>} : memref<16x1024xf32, #tpu.memory_space<vmem>>, vector<1x16xf32>,
        %get3A_1179 = vector.shape_cast %get3A_1178 : vector<1x16xf32> to vector<16xf32>
        %get3A_1180 = arith.constant 0 : i32
        %get3A_1181 = arith.constant 0 : i32
        %get3A_1182 = tpu.memref_slice %arg8[%scan3A_230, %get3A_1180, %get3A_1181] : memref<2x16x1024xf32, #tpu.memory_space<vmem>> -> memref<1x16x1024xf32, #tpu.memory_space<vmem>>
        %get3A_1183 = tpu.memref_squeeze %get3A_1182 : memref<1x16x1024xf32, #tpu.memory_space<vmem>> -> memref<16x1024xf32, #tpu.memory_space<vmem>>
        %get3A_1184 = arith.index_cast %add3A_263 : i32 to index
        %get3A_1185 = arith.constant 560 : index
        %get3A_1186 = tpu.vector_load %get3A_1183[%get3A_1184, %get3A_1185] {strides = array<i32>} : memref<16x1024xf32, #tpu.memory_space<vmem>>, vector<1x16xf32>,
        %get3A_1187 = vector.shape_cast %get3A_1186 : vector<1x16xf32> to vector<16xf32>
        %add3A_1188 = arith.addf %get3A_1179, %get3A_1187 : vector<16xf32>
        %swap3A_1189 = arith.constant 0 : i32
        %swap3A_1190 = arith.constant 0 : i32
        %swap3A_1191 = tpu.memref_slice %arg9[%scan3A_231, %swap3A_1189, %swap3A_1190] : memref<2x16x1024xf32, #tpu.memory_space<vmem>> -> memref<1x16x1024xf32, #tpu.memory_space<vmem>>
        %swap3A_1192 = tpu.memref_squeeze %swap3A_1191 : memref<1x16x1024xf32, #tpu.memory_space<vmem>> -> memref<16x1024xf32, #tpu.memory_space<vmem>>
        %swap3A_1193 = arith.index_cast %add3A_263 : i32 to index
        %swap3A_1194 = arith.constant 560 : index
        %swap3A_1195 = tpu.vector_load %swap3A_1192[%swap3A_1193, %swap3A_1194] {strides = array<i32>} : memref<16x1024xf32, #tpu.memory_space<vmem>>, vector<1x16xf32>,
        %swap3A_1196 = vector.shape_cast %swap3A_1195 : vector<1x16xf32> to vector<16xf32>
        %swap3A_1197 = vector.shape_cast %add3A_1188 : vector<16xf32> to vector<1x16xf32>
        tpu.vector_store %swap3A_1192[%swap3A_1193, %swap3A_1194], %swap3A_1197 {strides = array<i32>} : memref<16x1024xf32, #tpu.memory_space<vmem>>, vector<1x16xf32>,
        %get3A_1198 = arith.constant 0 : i32
        %get3A_1199 = arith.constant 0 : i32
        %get3A_1200 = tpu.memref_slice %arg7[%scan3A_229, %get3A_1198, %get3A_1199] : memref<2x16x1024xf32, #tpu.memory_space<vmem>> -> memref<1x16x1024xf32, #tpu.memory_space<vmem>>
        %get3A_1201 = tpu.memref_squeeze %get3A_1200 : memref<1x16x1024xf32, #tpu.memory_space<vmem>> -> memref<16x1024xf32, #tpu.memory_space<vmem>>
        %get3A_1202 = arith.index_cast %add3A_263 : i32 to index
        %get3A_1203 = arith.constant 576 : index
        %get3A_1204 = tpu.vector_load %get3A_1201[%get3A_1202, %get3A_1203] {strides = array<i32>} : memref<16x1024xf32, #tpu.memory_space<vmem>>, vector<1x16xf32>,
        %get3A_1205 = vector.shape_cast %get3A_1204 : vector<1x16xf32> to vector<16xf32>
        %get3A_1206 = arith.constant 0 : i32
        %get3A_1207 = arith.constant 0 : i32
        %get3A_1208 = tpu.memref_slice %arg8[%scan3A_230, %get3A_1206, %get3A_1207] : memref<2x16x1024xf32, #tpu.memory_space<vmem>> -> memref<1x16x1024xf32, #tpu.memory_space<vmem>>
        %get3A_1209 = tpu.memref_squeeze %get3A_1208 : memref<1x16x1024xf32, #tpu.memory_space<vmem>> -> memref<16x1024xf32, #tpu.memory_space<vmem>>
        %get3A_1210 = arith.index_cast %add3A_263 : i32 to index
        %get3A_1211 = arith.constant 576 : index
        %get3A_1212 = tpu.vector_load %get3A_1209[%get3A_1210, %get3A_1211] {strides = array<i32>} : memref<16x1024xf32, #tpu.memory_space<vmem>>, vector<1x16xf32>,
        %get3A_1213 = vector.shape_cast %get3A_1212 : vector<1x16xf32> to vector<16xf32>
        %add3A_1214 = arith.addf %get3A_1205, %get3A_1213 : vector<16xf32>
        %swap3A_1215 = arith.constant 0 : i32
        %swap3A_1216 = arith.constant 0 : i32
        %swap3A_1217 = tpu.memref_slice %arg9[%scan3A_231, %swap3A_1215, %swap3A_1216] : memref<2x16x1024xf32, #tpu.memory_space<vmem>> -> memref<1x16x1024xf32, #tpu.memory_space<vmem>>
        %swap3A_1218 = tpu.memref_squeeze %swap3A_1217 : memref<1x16x1024xf32, #tpu.memory_space<vmem>> -> memref<16x1024xf32, #tpu.memory_space<vmem>>
        %swap3A_1219 = arith.index_cast %add3A_263 : i32 to index
        %swap3A_1220 = arith.constant 576 : index
        %swap3A_1221 = tpu.vector_load %swap3A_1218[%swap3A_1219, %swap3A_1220] {strides = array<i32>} : memref<16x1024xf32, #tpu.memory_space<vmem>>, vector<1x16xf32>,
        %swap3A_1222 = vector.shape_cast %swap3A_1221 : vector<1x16xf32> to vector<16xf32>
        %swap3A_1223 = vector.shape_cast %add3A_1214 : vector<16xf32> to vector<1x16xf32>
        tpu.vector_store %swap3A_1218[%swap3A_1219, %swap3A_1220], %swap3A_1223 {strides = array<i32>} : memref<16x1024xf32, #tpu.memory_space<vmem>>, vector<1x16xf32>,
        %get3A_1224 = arith.constant 0 : i32
        %get3A_1225 = arith.constant 0 : i32
        %get3A_1226 = tpu.memref_slice %arg7[%scan3A_229, %get3A_1224, %get3A_1225] : memref<2x16x1024xf32, #tpu.memory_space<vmem>> -> memref<1x16x1024xf32, #tpu.memory_space<vmem>>
        %get3A_1227 = tpu.memref_squeeze %get3A_1226 : memref<1x16x1024xf32, #tpu.memory_space<vmem>> -> memref<16x1024xf32, #tpu.memory_space<vmem>>
        %get3A_1228 = arith.index_cast %add3A_263 : i32 to index
        %get3A_1229 = arith.constant 592 : index
        %get3A_1230 = tpu.vector_load %get3A_1227[%get3A_1228, %get3A_1229] {strides = array<i32>} : memref<16x1024xf32, #tpu.memory_space<vmem>>, vector<1x16xf32>,
        %get3A_1231 = vector.shape_cast %get3A_1230 : vector<1x16xf32> to vector<16xf32>
        %get3A_1232 = arith.constant 0 : i32
        %get3A_1233 = arith.constant 0 : i32
        %get3A_1234 = tpu.memref_slice %arg8[%scan3A_230, %get3A_1232, %get3A_1233] : memref<2x16x1024xf32, #tpu.memory_space<vmem>> -> memref<1x16x1024xf32, #tpu.memory_space<vmem>>
        %get3A_1235 = tpu.memref_squeeze %get3A_1234 : memref<1x16x1024xf32, #tpu.memory_space<vmem>> -> memref<16x1024xf32, #tpu.memory_space<vmem>>
        %get3A_1236 = arith.index_cast %add3A_263 : i32 to index
        %get3A_1237 = arith.constant 592 : index
        %get3A_1238 = tpu.vector_load %get3A_1235[%get3A_1236, %get3A_1237] {strides = array<i32>} : memref<16x1024xf32, #tpu.memory_space<vmem>>, vector<1x16xf32>,
        %get3A_1239 = vector.shape_cast %get3A_1238 : vector<1x16xf32> to vector<16xf32>
        %add3A_1240 = arith.addf %get3A_1231, %get3A_1239 : vector<16xf32>
        %swap3A_1241 = arith.constant 0 : i32
        %swap3A_1242 = arith.constant 0 : i32
        %swap3A_1243 = tpu.memref_slice %arg9[%scan3A_231, %swap3A_1241, %swap3A_1242] : memref<2x16x1024xf32, #tpu.memory_space<vmem>> -> memref<1x16x1024xf32, #tpu.memory_space<vmem>>
        %swap3A_1244 = tpu.memref_squeeze %swap3A_1243 : memref<1x16x1024xf32, #tpu.memory_space<vmem>> -> memref<16x1024xf32, #tpu.memory_space<vmem>>
        %swap3A_1245 = arith.index_cast %add3A_263 : i32 to index
        %swap3A_1246 = arith.constant 592 : index
        %swap3A_1247 = tpu.vector_load %swap3A_1244[%swap3A_1245, %swap3A_1246] {strides = array<i32>} : memref<16x1024xf32, #tpu.memory_space<vmem>>, vector<1x16xf32>,
        %swap3A_1248 = vector.shape_cast %swap3A_1247 : vector<1x16xf32> to vector<16xf32>
        %swap3A_1249 = vector.shape_cast %add3A_1240 : vector<16xf32> to vector<1x16xf32>
        tpu.vector_store %swap3A_1244[%swap3A_1245, %swap3A_1246], %swap3A_1249 {strides = array<i32>} : memref<16x1024xf32, #tpu.memory_space<vmem>>, vector<1x16xf32>,
        %get3A_1250 = arith.constant 0 : i32
        %get3A_1251 = arith.constant 0 : i32
        %get3A_1252 = tpu.memref_slice %arg7[%scan3A_229, %get3A_1250, %get3A_1251] : memref<2x16x1024xf32, #tpu.memory_space<vmem>> -> memref<1x16x1024xf32, #tpu.memory_space<vmem>>
        %get3A_1253 = tpu.memref_squeeze %get3A_1252 : memref<1x16x1024xf32, #tpu.memory_space<vmem>> -> memref<16x1024xf32, #tpu.memory_space<vmem>>
        %get3A_1254 = arith.index_cast %add3A_263 : i32 to index
        %get3A_1255 = arith.constant 608 : index
        %get3A_1256 = tpu.vector_load %get3A_1253[%get3A_1254, %get3A_1255] {strides = array<i32>} : memref<16x1024xf32, #tpu.memory_space<vmem>>, vector<1x16xf32>,
        %get3A_1257 = vector.shape_cast %get3A_1256 : vector<1x16xf32> to vector<16xf32>
        %get3A_1258 = arith.constant 0 : i32
        %get3A_1259 = arith.constant 0 : i32
        %get3A_1260 = tpu.memref_slice %arg8[%scan3A_230, %get3A_1258, %get3A_1259] : memref<2x16x1024xf32, #tpu.memory_space<vmem>> -> memref<1x16x1024xf32, #tpu.memory_space<vmem>>
        %get3A_1261 = tpu.memref_squeeze %get3A_1260 : memref<1x16x1024xf32, #tpu.memory_space<vmem>> -> memref<16x1024xf32, #tpu.memory_space<vmem>>
        %get3A_1262 = arith.index_cast %add3A_263 : i32 to index
        %get3A_1263 = arith.constant 608 : index
        %get3A_1264 = tpu.vector_load %get3A_1261[%get3A_1262, %get3A_1263] {strides = array<i32>} : memref<16x1024xf32, #tpu.memory_space<vmem>>, vector<1x16xf32>,
        %get3A_1265 = vector.shape_cast %get3A_1264 : vector<1x16xf32> to vector<16xf32>
        %add3A_1266 = arith.addf %get3A_1257, %get3A_1265 : vector<16xf32>
        %swap3A_1267 = arith.constant 0 : i32
        %swap3A_1268 = arith.constant 0 : i32
        %swap3A_1269 = tpu.memref_slice %arg9[%scan3A_231, %swap3A_1267, %swap3A_1268] : memref<2x16x1024xf32, #tpu.memory_space<vmem>> -> memref<1x16x1024xf32, #tpu.memory_space<vmem>>
        %swap3A_1270 = tpu.memref_squeeze %swap3A_1269 : memref<1x16x1024xf32, #tpu.memory_space<vmem>> -> memref<16x1024xf32, #tpu.memory_space<vmem>>
        %swap3A_1271 = arith.index_cast %add3A_263 : i32 to index
        %swap3A_1272 = arith.constant 608 : index
        %swap3A_1273 = tpu.vector_load %swap3A_1270[%swap3A_1271, %swap3A_1272] {strides = array<i32>} : memref<16x1024xf32, #tpu.memory_space<vmem>>, vector<1x16xf32>,
        %swap3A_1274 = vector.shape_cast %swap3A_1273 : vector<1x16xf32> to vector<16xf32>
        %swap3A_1275 = vector.shape_cast %add3A_1266 : vector<16xf32> to vector<1x16xf32>
        tpu.vector_store %swap3A_1270[%swap3A_1271, %swap3A_1272], %swap3A_1275 {strides = array<i32>} : memref<16x1024xf32, #tpu.memory_space<vmem>>, vector<1x16xf32>,
        %get3A_1276 = arith.constant 0 : i32
        %get3A_1277 = arith.constant 0 : i32
        %get3A_1278 = tpu.memref_slice %arg7[%scan3A_229, %get3A_1276, %get3A_1277] : memref<2x16x1024xf32, #tpu.memory_space<vmem>> -> memref<1x16x1024xf32, #tpu.memory_space<vmem>>
        %get3A_1279 = tpu.memref_squeeze %get3A_1278 : memref<1x16x1024xf32, #tpu.memory_space<vmem>> -> memref<16x1024xf32, #tpu.memory_space<vmem>>
        %get3A_1280 = arith.index_cast %add3A_263 : i32 to index
        %get3A_1281 = arith.constant 624 : index
        %get3A_1282 = tpu.vector_load %get3A_1279[%get3A_1280, %get3A_1281] {strides = array<i32>} : memref<16x1024xf32, #tpu.memory_space<vmem>>, vector<1x16xf32>,
        %get3A_1283 = vector.shape_cast %get3A_1282 : vector<1x16xf32> to vector<16xf32>
        %get3A_1284 = arith.constant 0 : i32
        %get3A_1285 = arith.constant 0 : i32
        %get3A_1286 = tpu.memref_slice %arg8[%scan3A_230, %get3A_1284, %get3A_1285] : memref<2x16x1024xf32, #tpu.memory_space<vmem>> -> memref<1x16x1024xf32, #tpu.memory_space<vmem>>
        %get3A_1287 = tpu.memref_squeeze %get3A_1286 : memref<1x16x1024xf32, #tpu.memory_space<vmem>> -> memref<16x1024xf32, #tpu.memory_space<vmem>>
        %get3A_1288 = arith.index_cast %add3A_263 : i32 to index
        %get3A_1289 = arith.constant 624 : index
        %get3A_1290 = tpu.vector_load %get3A_1287[%get3A_1288, %get3A_1289] {strides = array<i32>} : memref<16x1024xf32, #tpu.memory_space<vmem>>, vector<1x16xf32>,
        %get3A_1291 = vector.shape_cast %get3A_1290 : vector<1x16xf32> to vector<16xf32>
        %add3A_1292 = arith.addf %get3A_1283, %get3A_1291 : vector<16xf32>
        %swap3A_1293 = arith.constant 0 : i32
        %swap3A_1294 = arith.constant 0 : i32
        %swap3A_1295 = tpu.memref_slice %arg9[%scan3A_231, %swap3A_1293, %swap3A_1294] : memref<2x16x1024xf32, #tpu.memory_space<vmem>> -> memref<1x16x1024xf32, #tpu.memory_space<vmem>>
        %swap3A_1296 = tpu.memref_squeeze %swap3A_1295 : memref<1x16x1024xf32, #tpu.memory_space<vmem>> -> memref<16x1024xf32, #tpu.memory_space<vmem>>
        %swap3A_1297 = arith.index_cast %add3A_263 : i32 to index
        %swap3A_1298 = arith.constant 624 : index
        %swap3A_1299 = tpu.vector_load %swap3A_1296[%swap3A_1297, %swap3A_1298] {strides = array<i32>} : memref<16x1024xf32, #tpu.memory_space<vmem>>, vector<1x16xf32>,
        %swap3A_1300 = vector.shape_cast %swap3A_1299 : vector<1x16xf32> to vector<16xf32>
        %swap3A_1301 = vector.shape_cast %add3A_1292 : vector<16xf32> to vector<1x16xf32>
        tpu.vector_store %swap3A_1296[%swap3A_1297, %swap3A_1298], %swap3A_1301 {strides = array<i32>} : memref<16x1024xf32, #tpu.memory_space<vmem>>, vector<1x16xf32>,
        %get3A_1302 = arith.constant 0 : i32
        %get3A_1303 = arith.constant 0 : i32
        %get3A_1304 = tpu.memref_slice %arg7[%scan3A_229, %get3A_1302, %get3A_1303] : memref<2x16x1024xf32, #tpu.memory_space<vmem>> -> memref<1x16x1024xf32, #tpu.memory_space<vmem>>
        %get3A_1305 = tpu.memref_squeeze %get3A_1304 : memref<1x16x1024xf32, #tpu.memory_space<vmem>> -> memref<16x1024xf32, #tpu.memory_space<vmem>>
        %get3A_1306 = arith.index_cast %add3A_263 : i32 to index
        %get3A_1307 = arith.constant 640 : index
        %get3A_1308 = tpu.vector_load %get3A_1305[%get3A_1306, %get3A_1307] {strides = array<i32>} : memref<16x1024xf32, #tpu.memory_space<vmem>>, vector<1x16xf32>,
        %get3A_1309 = vector.shape_cast %get3A_1308 : vector<1x16xf32> to vector<16xf32>
        %get3A_1310 = arith.constant 0 : i32
        %get3A_1311 = arith.constant 0 : i32
        %get3A_1312 = tpu.memref_slice %arg8[%scan3A_230, %get3A_1310, %get3A_1311] : memref<2x16x1024xf32, #tpu.memory_space<vmem>> -> memref<1x16x1024xf32, #tpu.memory_space<vmem>>
        %get3A_1313 = tpu.memref_squeeze %get3A_1312 : memref<1x16x1024xf32, #tpu.memory_space<vmem>> -> memref<16x1024xf32, #tpu.memory_space<vmem>>
        %get3A_1314 = arith.index_cast %add3A_263 : i32 to index
        %get3A_1315 = arith.constant 640 : index
        %get3A_1316 = tpu.vector_load %get3A_1313[%get3A_1314, %get3A_1315] {strides = array<i32>} : memref<16x1024xf32, #tpu.memory_space<vmem>>, vector<1x16xf32>,
        %get3A_1317 = vector.shape_cast %get3A_1316 : vector<1x16xf32> to vector<16xf32>
        %add3A_1318 = arith.addf %get3A_1309, %get3A_1317 : vector<16xf32>
        %swap3A_1319 = arith.constant 0 : i32
        %swap3A_1320 = arith.constant 0 : i32
        %swap3A_1321 = tpu.memref_slice %arg9[%scan3A_231, %swap3A_1319, %swap3A_1320] : memref<2x16x1024xf32, #tpu.memory_space<vmem>> -> memref<1x16x1024xf32, #tpu.memory_space<vmem>>
        %swap3A_1322 = tpu.memref_squeeze %swap3A_1321 : memref<1x16x1024xf32, #tpu.memory_space<vmem>> -> memref<16x1024xf32, #tpu.memory_space<vmem>>
        %swap3A_1323 = arith.index_cast %add3A_263 : i32 to index
        %swap3A_1324 = arith.constant 640 : index
        %swap3A_1325 = tpu.vector_load %swap3A_1322[%swap3A_1323, %swap3A_1324] {strides = array<i32>} : memref<16x1024xf32, #tpu.memory_space<vmem>>, vector<1x16xf32>,
        %swap3A_1326 = vector.shape_cast %swap3A_1325 : vector<1x16xf32> to vector<16xf32>
        %swap3A_1327 = vector.shape_cast %add3A_1318 : vector<16xf32> to vector<1x16xf32>
        tpu.vector_store %swap3A_1322[%swap3A_1323, %swap3A_1324], %swap3A_1327 {strides = array<i32>} : memref<16x1024xf32, #tpu.memory_space<vmem>>, vector<1x16xf32>,
        %get3A_1328 = arith.constant 0 : i32
        %get3A_1329 = arith.constant 0 : i32
        %get3A_1330 = tpu.memref_slice %arg7[%scan3A_229, %get3A_1328, %get3A_1329] : memref<2x16x1024xf32, #tpu.memory_space<vmem>> -> memref<1x16x1024xf32, #tpu.memory_space<vmem>>
        %get3A_1331 = tpu.memref_squeeze %get3A_1330 : memref<1x16x1024xf32, #tpu.memory_space<vmem>> -> memref<16x1024xf32, #tpu.memory_space<vmem>>
        %get3A_1332 = arith.index_cast %add3A_263 : i32 to index
        %get3A_1333 = arith.constant 656 : index
        %get3A_1334 = tpu.vector_load %get3A_1331[%get3A_1332, %get3A_1333] {strides = array<i32>} : memref<16x1024xf32, #tpu.memory_space<vmem>>, vector<1x16xf32>,
        %get3A_1335 = vector.shape_cast %get3A_1334 : vector<1x16xf32> to vector<16xf32>
        %get3A_1336 = arith.constant 0 : i32
        %get3A_1337 = arith.constant 0 : i32
        %get3A_1338 = tpu.memref_slice %arg8[%scan3A_230, %get3A_1336, %get3A_1337] : memref<2x16x1024xf32, #tpu.memory_space<vmem>> -> memref<1x16x1024xf32, #tpu.memory_space<vmem>>
        %get3A_1339 = tpu.memref_squeeze %get3A_1338 : memref<1x16x1024xf32, #tpu.memory_space<vmem>> -> memref<16x1024xf32, #tpu.memory_space<vmem>>
        %get3A_1340 = arith.index_cast %add3A_263 : i32 to index
        %get3A_1341 = arith.constant 656 : index
        %get3A_1342 = tpu.vector_load %get3A_1339[%get3A_1340, %get3A_1341] {strides = array<i32>} : memref<16x1024xf32, #tpu.memory_space<vmem>>, vector<1x16xf32>,
        %get3A_1343 = vector.shape_cast %get3A_1342 : vector<1x16xf32> to vector<16xf32>
        %add3A_1344 = arith.addf %get3A_1335, %get3A_1343 : vector<16xf32>
        %swap3A_1345 = arith.constant 0 : i32
        %swap3A_1346 = arith.constant 0 : i32
        %swap3A_1347 = tpu.memref_slice %arg9[%scan3A_231, %swap3A_1345, %swap3A_1346] : memref<2x16x1024xf32, #tpu.memory_space<vmem>> -> memref<1x16x1024xf32, #tpu.memory_space<vmem>>
        %swap3A_1348 = tpu.memref_squeeze %swap3A_1347 : memref<1x16x1024xf32, #tpu.memory_space<vmem>> -> memref<16x1024xf32, #tpu.memory_space<vmem>>
        %swap3A_1349 = arith.index_cast %add3A_263 : i32 to index
        %swap3A_1350 = arith.constant 656 : index
        %swap3A_1351 = tpu.vector_load %swap3A_1348[%swap3A_1349, %swap3A_1350] {strides = array<i32>} : memref<16x1024xf32, #tpu.memory_space<vmem>>, vector<1x16xf32>,
        %swap3A_1352 = vector.shape_cast %swap3A_1351 : vector<1x16xf32> to vector<16xf32>
        %swap3A_1353 = vector.shape_cast %add3A_1344 : vector<16xf32> to vector<1x16xf32>
        tpu.vector_store %swap3A_1348[%swap3A_1349, %swap3A_1350], %swap3A_1353 {strides = array<i32>} : memref<16x1024xf32, #tpu.memory_space<vmem>>, vector<1x16xf32>,
        %get3A_1354 = arith.constant 0 : i32
        %get3A_1355 = arith.constant 0 : i32
        %get3A_1356 = tpu.memref_slice %arg7[%scan3A_229, %get3A_1354, %get3A_1355] : memref<2x16x1024xf32, #tpu.memory_space<vmem>> -> memref<1x16x1024xf32, #tpu.memory_space<vmem>>
        %get3A_1357 = tpu.memref_squeeze %get3A_1356 : memref<1x16x1024xf32, #tpu.memory_space<vmem>> -> memref<16x1024xf32, #tpu.memory_space<vmem>>
        %get3A_1358 = arith.index_cast %add3A_263 : i32 to index
        %get3A_1359 = arith.constant 672 : index
        %get3A_1360 = tpu.vector_load %get3A_1357[%get3A_1358, %get3A_1359] {strides = array<i32>} : memref<16x1024xf32, #tpu.memory_space<vmem>>, vector<1x16xf32>,
        %get3A_1361 = vector.shape_cast %get3A_1360 : vector<1x16xf32> to vector<16xf32>
        %get3A_1362 = arith.constant 0 : i32
        %get3A_1363 = arith.constant 0 : i32
        %get3A_1364 = tpu.memref_slice %arg8[%scan3A_230, %get3A_1362, %get3A_1363] : memref<2x16x1024xf32, #tpu.memory_space<vmem>> -> memref<1x16x1024xf32, #tpu.memory_space<vmem>>
        %get3A_1365 = tpu.memref_squeeze %get3A_1364 : memref<1x16x1024xf32, #tpu.memory_space<vmem>> -> memref<16x1024xf32, #tpu.memory_space<vmem>>
        %get3A_1366 = arith.index_cast %add3A_263 : i32 to index
        %get3A_1367 = arith.constant 672 : index
        %get3A_1368 = tpu.vector_load %get3A_1365[%get3A_1366, %get3A_1367] {strides = array<i32>} : memref<16x1024xf32, #tpu.memory_space<vmem>>, vector<1x16xf32>,
        %get3A_1369 = vector.shape_cast %get3A_1368 : vector<1x16xf32> to vector<16xf32>
        %add3A_1370 = arith.addf %get3A_1361, %get3A_1369 : vector<16xf32>
        %swap3A_1371 = arith.constant 0 : i32
        %swap3A_1372 = arith.constant 0 : i32
        %swap3A_1373 = tpu.memref_slice %arg9[%scan3A_231, %swap3A_1371, %swap3A_1372] : memref<2x16x1024xf32, #tpu.memory_space<vmem>> -> memref<1x16x1024xf32, #tpu.memory_space<vmem>>
        %swap3A_1374 = tpu.memref_squeeze %swap3A_1373 : memref<1x16x1024xf32, #tpu.memory_space<vmem>> -> memref<16x1024xf32, #tpu.memory_space<vmem>>
        %swap3A_1375 = arith.index_cast %add3A_263 : i32 to index
        %swap3A_1376 = arith.constant 672 : index
        %swap3A_1377 = tpu.vector_load %swap3A_1374[%swap3A_1375, %swap3A_1376] {strides = array<i32>} : memref<16x1024xf32, #tpu.memory_space<vmem>>, vector<1x16xf32>,
        %swap3A_1378 = vector.shape_cast %swap3A_1377 : vector<1x16xf32> to vector<16xf32>
        %swap3A_1379 = vector.shape_cast %add3A_1370 : vector<16xf32> to vector<1x16xf32>
        tpu.vector_store %swap3A_1374[%swap3A_1375, %swap3A_1376], %swap3A_1379 {strides = array<i32>} : memref<16x1024xf32, #tpu.memory_space<vmem>>, vector<1x16xf32>,
        %get3A_1380 = arith.constant 0 : i32
        %get3A_1381 = arith.constant 0 : i32
        %get3A_1382 = tpu.memref_slice %arg7[%scan3A_229, %get3A_1380, %get3A_1381] : memref<2x16x1024xf32, #tpu.memory_space<vmem>> -> memref<1x16x1024xf32, #tpu.memory_space<vmem>>
        %get3A_1383 = tpu.memref_squeeze %get3A_1382 : memref<1x16x1024xf32, #tpu.memory_space<vmem>> -> memref<16x1024xf32, #tpu.memory_space<vmem>>
        %get3A_1384 = arith.index_cast %add3A_263 : i32 to index
        %get3A_1385 = arith.constant 688 : index
        %get3A_1386 = tpu.vector_load %get3A_1383[%get3A_1384, %get3A_1385] {strides = array<i32>} : memref<16x1024xf32, #tpu.memory_space<vmem>>, vector<1x16xf32>,
        %get3A_1387 = vector.shape_cast %get3A_1386 : vector<1x16xf32> to vector<16xf32>
        %get3A_1388 = arith.constant 0 : i32
        %get3A_1389 = arith.constant 0 : i32
        %get3A_1390 = tpu.memref_slice %arg8[%scan3A_230, %get3A_1388, %get3A_1389] : memref<2x16x1024xf32, #tpu.memory_space<vmem>> -> memref<1x16x1024xf32, #tpu.memory_space<vmem>>
        %get3A_1391 = tpu.memref_squeeze %get3A_1390 : memref<1x16x1024xf32, #tpu.memory_space<vmem>> -> memref<16x1024xf32, #tpu.memory_space<vmem>>
        %get3A_1392 = arith.index_cast %add3A_263 : i32 to index
        %get3A_1393 = arith.constant 688 : index
        %get3A_1394 = tpu.vector_load %get3A_1391[%get3A_1392, %get3A_1393] {strides = array<i32>} : memref<16x1024xf32, #tpu.memory_space<vmem>>, vector<1x16xf32>,
        %get3A_1395 = vector.shape_cast %get3A_1394 : vector<1x16xf32> to vector<16xf32>
        %add3A_1396 = arith.addf %get3A_1387, %get3A_1395 : vector<16xf32>
        %swap3A_1397 = arith.constant 0 : i32
        %swap3A_1398 = arith.constant 0 : i32
        %swap3A_1399 = tpu.memref_slice %arg9[%scan3A_231, %swap3A_1397, %swap3A_1398] : memref<2x16x1024xf32, #tpu.memory_space<vmem>> -> memref<1x16x1024xf32, #tpu.memory_space<vmem>>
        %swap3A_1400 = tpu.memref_squeeze %swap3A_1399 : memref<1x16x1024xf32, #tpu.memory_space<vmem>> -> memref<16x1024xf32, #tpu.memory_space<vmem>>
        %swap3A_1401 = arith.index_cast %add3A_263 : i32 to index
        %swap3A_1402 = arith.constant 688 : index
        %swap3A_1403 = tpu.vector_load %swap3A_1400[%swap3A_1401, %swap3A_1402] {strides = array<i32>} : memref<16x1024xf32, #tpu.memory_space<vmem>>, vector<1x16xf32>,
        %swap3A_1404 = vector.shape_cast %swap3A_1403 : vector<1x16xf32> to vector<16xf32>
        %swap3A_1405 = vector.shape_cast %add3A_1396 : vector<16xf32> to vector<1x16xf32>
        tpu.vector_store %swap3A_1400[%swap3A_1401, %swap3A_1402], %swap3A_1405 {strides = array<i32>} : memref<16x1024xf32, #tpu.memory_space<vmem>>, vector<1x16xf32>,
        %get3A_1406 = arith.constant 0 : i32
        %get3A_1407 = arith.constant 0 : i32
        %get3A_1408 = tpu.memref_slice %arg7[%scan3A_229, %get3A_1406, %get3A_1407] : memref<2x16x1024xf32, #tpu.memory_space<vmem>> -> memref<1x16x1024xf32, #tpu.memory_space<vmem>>
        %get3A_1409 = tpu.memref_squeeze %get3A_1408 : memref<1x16x1024xf32, #tpu.memory_space<vmem>> -> memref<16x1024xf32, #tpu.memory_space<vmem>>
        %get3A_1410 = arith.index_cast %add3A_263 : i32 to index
        %get3A_1411 = arith.constant 704 : index
        %get3A_1412 = tpu.vector_load %get3A_1409[%get3A_1410, %get3A_1411] {strides = array<i32>} : memref<16x1024xf32, #tpu.memory_space<vmem>>, vector<1x16xf32>,
        %get3A_1413 = vector.shape_cast %get3A_1412 : vector<1x16xf32> to vector<16xf32>
        %get3A_1414 = arith.constant 0 : i32
        %get3A_1415 = arith.constant 0 : i32
        %get3A_1416 = tpu.memref_slice %arg8[%scan3A_230, %get3A_1414, %get3A_1415] : memref<2x16x1024xf32, #tpu.memory_space<vmem>> -> memref<1x16x1024xf32, #tpu.memory_space<vmem>>
        %get3A_1417 = tpu.memref_squeeze %get3A_1416 : memref<1x16x1024xf32, #tpu.memory_space<vmem>> -> memref<16x1024xf32, #tpu.memory_space<vmem>>
        %get3A_1418 = arith.index_cast %add3A_263 : i32 to index
        %get3A_1419 = arith.constant 704 : index
        %get3A_1420 = tpu.vector_load %get3A_1417[%get3A_1418, %get3A_1419] {strides = array<i32>} : memref<16x1024xf32, #tpu.memory_space<vmem>>, vector<1x16xf32>,
        %get3A_1421 = vector.shape_cast %get3A_1420 : vector<1x16xf32> to vector<16xf32>
        %add3A_1422 = arith.addf %get3A_1413, %get3A_1421 : vector<16xf32>
        %swap3A_1423 = arith.constant 0 : i32
        %swap3A_1424 = arith.constant 0 : i32
        %swap3A_1425 = tpu.memref_slice %arg9[%scan3A_231, %swap3A_1423, %swap3A_1424] : memref<2x16x1024xf32, #tpu.memory_space<vmem>> -> memref<1x16x1024xf32, #tpu.memory_space<vmem>>
        %swap3A_1426 = tpu.memref_squeeze %swap3A_1425 : memref<1x16x1024xf32, #tpu.memory_space<vmem>> -> memref<16x1024xf32, #tpu.memory_space<vmem>>
        %swap3A_1427 = arith.index_cast %add3A_263 : i32 to index
        %swap3A_1428 = arith.constant 704 : index
        %swap3A_1429 = tpu.vector_load %swap3A_1426[%swap3A_1427, %swap3A_1428] {strides = array<i32>} : memref<16x1024xf32, #tpu.memory_space<vmem>>, vector<1x16xf32>,
        %swap3A_1430 = vector.shape_cast %swap3A_1429 : vector<1x16xf32> to vector<16xf32>
        %swap3A_1431 = vector.shape_cast %add3A_1422 : vector<16xf32> to vector<1x16xf32>
        tpu.vector_store %swap3A_1426[%swap3A_1427, %swap3A_1428], %swap3A_1431 {strides = array<i32>} : memref<16x1024xf32, #tpu.memory_space<vmem>>, vector<1x16xf32>,
        %get3A_1432 = arith.constant 0 : i32
        %get3A_1433 = arith.constant 0 : i32
        %get3A_1434 = tpu.memref_slice %arg7[%scan3A_229, %get3A_1432, %get3A_1433] : memref<2x16x1024xf32, #tpu.memory_space<vmem>> -> memref<1x16x1024xf32, #tpu.memory_space<vmem>>
        %get3A_1435 = tpu.memref_squeeze %get3A_1434 : memref<1x16x1024xf32, #tpu.memory_space<vmem>> -> memref<16x1024xf32, #tpu.memory_space<vmem>>
        %get3A_1436 = arith.index_cast %add3A_263 : i32 to index
        %get3A_1437 = arith.constant 720 : index
        %get3A_1438 = tpu.vector_load %get3A_1435[%get3A_1436, %get3A_1437] {strides = array<i32>} : memref<16x1024xf32, #tpu.memory_space<vmem>>, vector<1x16xf32>,
        %get3A_1439 = vector.shape_cast %get3A_1438 : vector<1x16xf32> to vector<16xf32>
        %get3A_1440 = arith.constant 0 : i32
        %get3A_1441 = arith.constant 0 : i32
        %get3A_1442 = tpu.memref_slice %arg8[%scan3A_230, %get3A_1440, %get3A_1441] : memref<2x16x1024xf32, #tpu.memory_space<vmem>> -> memref<1x16x1024xf32, #tpu.memory_space<vmem>>
        %get3A_1443 = tpu.memref_squeeze %get3A_1442 : memref<1x16x1024xf32, #tpu.memory_space<vmem>> -> memref<16x1024xf32, #tpu.memory_space<vmem>>
        %get3A_1444 = arith.index_cast %add3A_263 : i32 to index
        %get3A_1445 = arith.constant 720 : index
        %get3A_1446 = tpu.vector_load %get3A_1443[%get3A_1444, %get3A_1445] {strides = array<i32>} : memref<16x1024xf32, #tpu.memory_space<vmem>>, vector<1x16xf32>,
        %get3A_1447 = vector.shape_cast %get3A_1446 : vector<1x16xf32> to vector<16xf32>
        %add3A_1448 = arith.addf %get3A_1439, %get3A_1447 : vector<16xf32>
        %swap3A_1449 = arith.constant 0 : i32
        %swap3A_1450 = arith.constant 0 : i32
        %swap3A_1451 = tpu.memref_slice %arg9[%scan3A_231, %swap3A_1449, %swap3A_1450] : memref<2x16x1024xf32, #tpu.memory_space<vmem>> -> memref<1x16x1024xf32, #tpu.memory_space<vmem>>
        %swap3A_1452 = tpu.memref_squeeze %swap3A_1451 : memref<1x16x1024xf32, #tpu.memory_space<vmem>> -> memref<16x1024xf32, #tpu.memory_space<vmem>>
        %swap3A_1453 = arith.index_cast %add3A_263 : i32 to index
        %swap3A_1454 = arith.constant 720 : index
        %swap3A_1455 = tpu.vector_load %swap3A_1452[%swap3A_1453, %swap3A_1454] {strides = array<i32>} : memref<16x1024xf32, #tpu.memory_space<vmem>>, vector<1x16xf32>,
        %swap3A_1456 = vector.shape_cast %swap3A_1455 : vector<1x16xf32> to vector<16xf32>
        %swap3A_1457 = vector.shape_cast %add3A_1448 : vector<16xf32> to vector<1x16xf32>
        tpu.vector_store %swap3A_1452[%swap3A_1453, %swap3A_1454], %swap3A_1457 {strides = array<i32>} : memref<16x1024xf32, #tpu.memory_space<vmem>>, vector<1x16xf32>,
        %get3A_1458 = arith.constant 0 : i32
        %get3A_1459 = arith.constant 0 : i32
        %get3A_1460 = tpu.memref_slice %arg7[%scan3A_229, %get3A_1458, %get3A_1459] : memref<2x16x1024xf32, #tpu.memory_space<vmem>> -> memref<1x16x1024xf32, #tpu.memory_space<vmem>>
        %get3A_1461 = tpu.memref_squeeze %get3A_1460 : memref<1x16x1024xf32, #tpu.memory_space<vmem>> -> memref<16x1024xf32, #tpu.memory_space<vmem>>
        %get3A_1462 = arith.index_cast %add3A_263 : i32 to index
        %get3A_1463 = arith.constant 736 : index
        %get3A_1464 = tpu.vector_load %get3A_1461[%get3A_1462, %get3A_1463] {strides = array<i32>} : memref<16x1024xf32, #tpu.memory_space<vmem>>, vector<1x16xf32>,
        %get3A_1465 = vector.shape_cast %get3A_1464 : vector<1x16xf32> to vector<16xf32>
        %get3A_1466 = arith.constant 0 : i32
        %get3A_1467 = arith.constant 0 : i32
        %get3A_1468 = tpu.memref_slice %arg8[%scan3A_230, %get3A_1466, %get3A_1467] : memref<2x16x1024xf32, #tpu.memory_space<vmem>> -> memref<1x16x1024xf32, #tpu.memory_space<vmem>>
        %get3A_1469 = tpu.memref_squeeze %get3A_1468 : memref<1x16x1024xf32, #tpu.memory_space<vmem>> -> memref<16x1024xf32, #tpu.memory_space<vmem>>
        %get3A_1470 = arith.index_cast %add3A_263 : i32 to index
        %get3A_1471 = arith.constant 736 : index
        %get3A_1472 = tpu.vector_load %get3A_1469[%get3A_1470, %get3A_1471] {strides = array<i32>} : memref<16x1024xf32, #tpu.memory_space<vmem>>, vector<1x16xf32>,
        %get3A_1473 = vector.shape_cast %get3A_1472 : vector<1x16xf32> to vector<16xf32>
        %add3A_1474 = arith.addf %get3A_1465, %get3A_1473 : vector<16xf32>
        %swap3A_1475 = arith.constant 0 : i32
        %swap3A_1476 = arith.constant 0 : i32
        %swap3A_1477 = tpu.memref_slice %arg9[%scan3A_231, %swap3A_1475, %swap3A_1476] : memref<2x16x1024xf32, #tpu.memory_space<vmem>> -> memref<1x16x1024xf32, #tpu.memory_space<vmem>>
        %swap3A_1478 = tpu.memref_squeeze %swap3A_1477 : memref<1x16x1024xf32, #tpu.memory_space<vmem>> -> memref<16x1024xf32, #tpu.memory_space<vmem>>
        %swap3A_1479 = arith.index_cast %add3A_263 : i32 to index
        %swap3A_1480 = arith.constant 736 : index
        %swap3A_1481 = tpu.vector_load %swap3A_1478[%swap3A_1479, %swap3A_1480] {strides = array<i32>} : memref<16x1024xf32, #tpu.memory_space<vmem>>, vector<1x16xf32>,
        %swap3A_1482 = vector.shape_cast %swap3A_1481 : vector<1x16xf32> to vector<16xf32>
        %swap3A_1483 = vector.shape_cast %add3A_1474 : vector<16xf32> to vector<1x16xf32>
        tpu.vector_store %swap3A_1478[%swap3A_1479, %swap3A_1480], %swap3A_1483 {strides = array<i32>} : memref<16x1024xf32, #tpu.memory_space<vmem>>, vector<1x16xf32>,
        %get3A_1484 = arith.constant 0 : i32
        %get3A_1485 = arith.constant 0 : i32
        %get3A_1486 = tpu.memref_slice %arg7[%scan3A_229, %get3A_1484, %get3A_1485] : memref<2x16x1024xf32, #tpu.memory_space<vmem>> -> memref<1x16x1024xf32, #tpu.memory_space<vmem>>
        %get3A_1487 = tpu.memref_squeeze %get3A_1486 : memref<1x16x1024xf32, #tpu.memory_space<vmem>> -> memref<16x1024xf32, #tpu.memory_space<vmem>>
        %get3A_1488 = arith.index_cast %add3A_263 : i32 to index
        %get3A_1489 = arith.constant 752 : index
        %get3A_1490 = tpu.vector_load %get3A_1487[%get3A_1488, %get3A_1489] {strides = array<i32>} : memref<16x1024xf32, #tpu.memory_space<vmem>>, vector<1x16xf32>,
        %get3A_1491 = vector.shape_cast %get3A_1490 : vector<1x16xf32> to vector<16xf32>
        %get3A_1492 = arith.constant 0 : i32
        %get3A_1493 = arith.constant 0 : i32
        %get3A_1494 = tpu.memref_slice %arg8[%scan3A_230, %get3A_1492, %get3A_1493] : memref<2x16x1024xf32, #tpu.memory_space<vmem>> -> memref<1x16x1024xf32, #tpu.memory_space<vmem>>
        %get3A_1495 = tpu.memref_squeeze %get3A_1494 : memref<1x16x1024xf32, #tpu.memory_space<vmem>> -> memref<16x1024xf32, #tpu.memory_space<vmem>>
        %get3A_1496 = arith.index_cast %add3A_263 : i32 to index
        %get3A_1497 = arith.constant 752 : index
        %get3A_1498 = tpu.vector_load %get3A_1495[%get3A_1496, %get3A_1497] {strides = array<i32>} : memref<16x1024xf32, #tpu.memory_space<vmem>>, vector<1x16xf32>,
        %get3A_1499 = vector.shape_cast %get3A_1498 : vector<1x16xf32> to vector<16xf32>
        %add3A_1500 = arith.addf %get3A_1491, %get3A_1499 : vector<16xf32>
        %swap3A_1501 = arith.constant 0 : i32
        %swap3A_1502 = arith.constant 0 : i32
        %swap3A_1503 = tpu.memref_slice %arg9[%scan3A_231, %swap3A_1501, %swap3A_1502] : memref<2x16x1024xf32, #tpu.memory_space<vmem>> -> memref<1x16x1024xf32, #tpu.memory_space<vmem>>
        %swap3A_1504 = tpu.memref_squeeze %swap3A_1503 : memref<1x16x1024xf32, #tpu.memory_space<vmem>> -> memref<16x1024xf32, #tpu.memory_space<vmem>>
        %swap3A_1505 = arith.index_cast %add3A_263 : i32 to index
        %swap3A_1506 = arith.constant 752 : index
        %swap3A_1507 = tpu.vector_load %swap3A_1504[%swap3A_1505, %swap3A_1506] {strides = array<i32>} : memref<16x1024xf32, #tpu.memory_space<vmem>>, vector<1x16xf32>,
        %swap3A_1508 = vector.shape_cast %swap3A_1507 : vector<1x16xf32> to vector<16xf32>
        %swap3A_1509 = vector.shape_cast %add3A_1500 : vector<16xf32> to vector<1x16xf32>
        tpu.vector_store %swap3A_1504[%swap3A_1505, %swap3A_1506], %swap3A_1509 {strides = array<i32>} : memref<16x1024xf32, #tpu.memory_space<vmem>>, vector<1x16xf32>,
        %get3A_1510 = arith.constant 0 : i32
        %get3A_1511 = arith.constant 0 : i32
        %get3A_1512 = tpu.memref_slice %arg7[%scan3A_229, %get3A_1510, %get3A_1511] : memref<2x16x1024xf32, #tpu.memory_space<vmem>> -> memref<1x16x1024xf32, #tpu.memory_space<vmem>>
        %get3A_1513 = tpu.memref_squeeze %get3A_1512 : memref<1x16x1024xf32, #tpu.memory_space<vmem>> -> memref<16x1024xf32, #tpu.memory_space<vmem>>
        %get3A_1514 = arith.index_cast %add3A_263 : i32 to index
        %get3A_1515 = arith.constant 768 : index
        %get3A_1516 = tpu.vector_load %get3A_1513[%get3A_1514, %get3A_1515] {strides = array<i32>} : memref<16x1024xf32, #tpu.memory_space<vmem>>, vector<1x16xf32>,
        %get3A_1517 = vector.shape_cast %get3A_1516 : vector<1x16xf32> to vector<16xf32>
        %get3A_1518 = arith.constant 0 : i32
        %get3A_1519 = arith.constant 0 : i32
        %get3A_1520 = tpu.memref_slice %arg8[%scan3A_230, %get3A_1518, %get3A_1519] : memref<2x16x1024xf32, #tpu.memory_space<vmem>> -> memref<1x16x1024xf32, #tpu.memory_space<vmem>>
        %get3A_1521 = tpu.memref_squeeze %get3A_1520 : memref<1x16x1024xf32, #tpu.memory_space<vmem>> -> memref<16x1024xf32, #tpu.memory_space<vmem>>
        %get3A_1522 = arith.index_cast %add3A_263 : i32 to index
        %get3A_1523 = arith.constant 768 : index
        %get3A_1524 = tpu.vector_load %get3A_1521[%get3A_1522, %get3A_1523] {strides = array<i32>} : memref<16x1024xf32, #tpu.memory_space<vmem>>, vector<1x16xf32>,
        %get3A_1525 = vector.shape_cast %get3A_1524 : vector<1x16xf32> to vector<16xf32>
        %add3A_1526 = arith.addf %get3A_1517, %get3A_1525 : vector<16xf32>
        %swap3A_1527 = arith.constant 0 : i32
        %swap3A_1528 = arith.constant 0 : i32
        %swap3A_1529 = tpu.memref_slice %arg9[%scan3A_231, %swap3A_1527, %swap3A_1528] : memref<2x16x1024xf32, #tpu.memory_space<vmem>> -> memref<1x16x1024xf32, #tpu.memory_space<vmem>>
        %swap3A_1530 = tpu.memref_squeeze %swap3A_1529 : memref<1x16x1024xf32, #tpu.memory_space<vmem>> -> memref<16x1024xf32, #tpu.memory_space<vmem>>
        %swap3A_1531 = arith.index_cast %add3A_263 : i32 to index
        %swap3A_1532 = arith.constant 768 : index
        %swap3A_1533 = tpu.vector_load %swap3A_1530[%swap3A_1531, %swap3A_1532] {strides = array<i32>} : memref<16x1024xf32, #tpu.memory_space<vmem>>, vector<1x16xf32>,
        %swap3A_1534 = vector.shape_cast %swap3A_1533 : vector<1x16xf32> to vector<16xf32>
        %swap3A_1535 = vector.shape_cast %add3A_1526 : vector<16xf32> to vector<1x16xf32>
        tpu.vector_store %swap3A_1530[%swap3A_1531, %swap3A_1532], %swap3A_1535 {strides = array<i32>} : memref<16x1024xf32, #tpu.memory_space<vmem>>, vector<1x16xf32>,
        %get3A_1536 = arith.constant 0 : i32
        %get3A_1537 = arith.constant 0 : i32
        %get3A_1538 = tpu.memref_slice %arg7[%scan3A_229, %get3A_1536, %get3A_1537] : memref<2x16x1024xf32, #tpu.memory_space<vmem>> -> memref<1x16x1024xf32, #tpu.memory_space<vmem>>
        %get3A_1539 = tpu.memref_squeeze %get3A_1538 : memref<1x16x1024xf32, #tpu.memory_space<vmem>> -> memref<16x1024xf32, #tpu.memory_space<vmem>>
        %get3A_1540 = arith.index_cast %add3A_263 : i32 to index
        %get3A_1541 = arith.constant 784 : index
        %get3A_1542 = tpu.vector_load %get3A_1539[%get3A_1540, %get3A_1541] {strides = array<i32>} : memref<16x1024xf32, #tpu.memory_space<vmem>>, vector<1x16xf32>,
        %get3A_1543 = vector.shape_cast %get3A_1542 : vector<1x16xf32> to vector<16xf32>
        %get3A_1544 = arith.constant 0 : i32
        %get3A_1545 = arith.constant 0 : i32
        %get3A_1546 = tpu.memref_slice %arg8[%scan3A_230, %get3A_1544, %get3A_1545] : memref<2x16x1024xf32, #tpu.memory_space<vmem>> -> memref<1x16x1024xf32, #tpu.memory_space<vmem>>
        %get3A_1547 = tpu.memref_squeeze %get3A_1546 : memref<1x16x1024xf32, #tpu.memory_space<vmem>> -> memref<16x1024xf32, #tpu.memory_space<vmem>>
        %get3A_1548 = arith.index_cast %add3A_263 : i32 to index
        %get3A_1549 = arith.constant 784 : index
        %get3A_1550 = tpu.vector_load %get3A_1547[%get3A_1548, %get3A_1549] {strides = array<i32>} : memref<16x1024xf32, #tpu.memory_space<vmem>>, vector<1x16xf32>,
        %get3A_1551 = vector.shape_cast %get3A_1550 : vector<1x16xf32> to vector<16xf32>
        %add3A_1552 = arith.addf %get3A_1543, %get3A_1551 : vector<16xf32>
        %swap3A_1553 = arith.constant 0 : i32
        %swap3A_1554 = arith.constant 0 : i32
        %swap3A_1555 = tpu.memref_slice %arg9[%scan3A_231, %swap3A_1553, %swap3A_1554] : memref<2x16x1024xf32, #tpu.memory_space<vmem>> -> memref<1x16x1024xf32, #tpu.memory_space<vmem>>
        %swap3A_1556 = tpu.memref_squeeze %swap3A_1555 : memref<1x16x1024xf32, #tpu.memory_space<vmem>> -> memref<16x1024xf32, #tpu.memory_space<vmem>>
        %swap3A_1557 = arith.index_cast %add3A_263 : i32 to index
        %swap3A_1558 = arith.constant 784 : index
        %swap3A_1559 = tpu.vector_load %swap3A_1556[%swap3A_1557, %swap3A_1558] {strides = array<i32>} : memref<16x1024xf32, #tpu.memory_space<vmem>>, vector<1x16xf32>,
        %swap3A_1560 = vector.shape_cast %swap3A_1559 : vector<1x16xf32> to vector<16xf32>
        %swap3A_1561 = vector.shape_cast %add3A_1552 : vector<16xf32> to vector<1x16xf32>
        tpu.vector_store %swap3A_1556[%swap3A_1557, %swap3A_1558], %swap3A_1561 {strides = array<i32>} : memref<16x1024xf32, #tpu.memory_space<vmem>>, vector<1x16xf32>,
        %get3A_1562 = arith.constant 0 : i32
        %get3A_1563 = arith.constant 0 : i32
        %get3A_1564 = tpu.memref_slice %arg7[%scan3A_229, %get3A_1562, %get3A_1563] : memref<2x16x1024xf32, #tpu.memory_space<vmem>> -> memref<1x16x1024xf32, #tpu.memory_space<vmem>>
        %get3A_1565 = tpu.memref_squeeze %get3A_1564 : memref<1x16x1024xf32, #tpu.memory_space<vmem>> -> memref<16x1024xf32, #tpu.memory_space<vmem>>
        %get3A_1566 = arith.index_cast %add3A_263 : i32 to index
        %get3A_1567 = arith.constant 800 : index
        %get3A_1568 = tpu.vector_load %get3A_1565[%get3A_1566, %get3A_1567] {strides = array<i32>} : memref<16x1024xf32, #tpu.memory_space<vmem>>, vector<1x16xf32>,
        %get3A_1569 = vector.shape_cast %get3A_1568 : vector<1x16xf32> to vector<16xf32>
        %get3A_1570 = arith.constant 0 : i32
        %get3A_1571 = arith.constant 0 : i32
        %get3A_1572 = tpu.memref_slice %arg8[%scan3A_230, %get3A_1570, %get3A_1571] : memref<2x16x1024xf32, #tpu.memory_space<vmem>> -> memref<1x16x1024xf32, #tpu.memory_space<vmem>>
        %get3A_1573 = tpu.memref_squeeze %get3A_1572 : memref<1x16x1024xf32, #tpu.memory_space<vmem>> -> memref<16x1024xf32, #tpu.memory_space<vmem>>
        %get3A_1574 = arith.index_cast %add3A_263 : i32 to index
        %get3A_1575 = arith.constant 800 : index
        %get3A_1576 = tpu.vector_load %get3A_1573[%get3A_1574, %get3A_1575] {strides = array<i32>} : memref<16x1024xf32, #tpu.memory_space<vmem>>, vector<1x16xf32>,
        %get3A_1577 = vector.shape_cast %get3A_1576 : vector<1x16xf32> to vector<16xf32>
        %add3A_1578 = arith.addf %get3A_1569, %get3A_1577 : vector<16xf32>
        %swap3A_1579 = arith.constant 0 : i32
        %swap3A_1580 = arith.constant 0 : i32
        %swap3A_1581 = tpu.memref_slice %arg9[%scan3A_231, %swap3A_1579, %swap3A_1580] : memref<2x16x1024xf32, #tpu.memory_space<vmem>> -> memref<1x16x1024xf32, #tpu.memory_space<vmem>>
        %swap3A_1582 = tpu.memref_squeeze %swap3A_1581 : memref<1x16x1024xf32, #tpu.memory_space<vmem>> -> memref<16x1024xf32, #tpu.memory_space<vmem>>
        %swap3A_1583 = arith.index_cast %add3A_263 : i32 to index
        %swap3A_1584 = arith.constant 800 : index
        %swap3A_1585 = tpu.vector_load %swap3A_1582[%swap3A_1583, %swap3A_1584] {strides = array<i32>} : memref<16x1024xf32, #tpu.memory_space<vmem>>, vector<1x16xf32>,
        %swap3A_1586 = vector.shape_cast %swap3A_1585 : vector<1x16xf32> to vector<16xf32>
        %swap3A_1587 = vector.shape_cast %add3A_1578 : vector<16xf32> to vector<1x16xf32>
        tpu.vector_store %swap3A_1582[%swap3A_1583, %swap3A_1584], %swap3A_1587 {strides = array<i32>} : memref<16x1024xf32, #tpu.memory_space<vmem>>, vector<1x16xf32>,
        %get3A_1588 = arith.constant 0 : i32
        %get3A_1589 = arith.constant 0 : i32
        %get3A_1590 = tpu.memref_slice %arg7[%scan3A_229, %get3A_1588, %get3A_1589] : memref<2x16x1024xf32, #tpu.memory_space<vmem>> -> memref<1x16x1024xf32, #tpu.memory_space<vmem>>
        %get3A_1591 = tpu.memref_squeeze %get3A_1590 : memref<1x16x1024xf32, #tpu.memory_space<vmem>> -> memref<16x1024xf32, #tpu.memory_space<vmem>>
        %get3A_1592 = arith.index_cast %add3A_263 : i32 to index
        %get3A_1593 = arith.constant 816 : index
        %get3A_1594 = tpu.vector_load %get3A_1591[%get3A_1592, %get3A_1593] {strides = array<i32>} : memref<16x1024xf32, #tpu.memory_space<vmem>>, vector<1x16xf32>,
        %get3A_1595 = vector.shape_cast %get3A_1594 : vector<1x16xf32> to vector<16xf32>
        %get3A_1596 = arith.constant 0 : i32
        %get3A_1597 = arith.constant 0 : i32
        %get3A_1598 = tpu.memref_slice %arg8[%scan3A_230, %get3A_1596, %get3A_1597] : memref<2x16x1024xf32, #tpu.memory_space<vmem>> -> memref<1x16x1024xf32, #tpu.memory_space<vmem>>
        %get3A_1599 = tpu.memref_squeeze %get3A_1598 : memref<1x16x1024xf32, #tpu.memory_space<vmem>> -> memref<16x1024xf32, #tpu.memory_space<vmem>>
        %get3A_1600 = arith.index_cast %add3A_263 : i32 to index
        %get3A_1601 = arith.constant 816 : index
        %get3A_1602 = tpu.vector_load %get3A_1599[%get3A_1600, %get3A_1601] {strides = array<i32>} : memref<16x1024xf32, #tpu.memory_space<vmem>>, vector<1x16xf32>,
        %get3A_1603 = vector.shape_cast %get3A_1602 : vector<1x16xf32> to vector<16xf32>
        %add3A_1604 = arith.addf %get3A_1595, %get3A_1603 : vector<16xf32>
        %swap3A_1605 = arith.constant 0 : i32
        %swap3A_1606 = arith.constant 0 : i32
        %swap3A_1607 = tpu.memref_slice %arg9[%scan3A_231, %swap3A_1605, %swap3A_1606] : memref<2x16x1024xf32, #tpu.memory_space<vmem>> -> memref<1x16x1024xf32, #tpu.memory_space<vmem>>
        %swap3A_1608 = tpu.memref_squeeze %swap3A_1607 : memref<1x16x1024xf32, #tpu.memory_space<vmem>> -> memref<16x1024xf32, #tpu.memory_space<vmem>>
        %swap3A_1609 = arith.index_cast %add3A_263 : i32 to index
        %swap3A_1610 = arith.constant 816 : index
        %swap3A_1611 = tpu.vector_load %swap3A_1608[%swap3A_1609, %swap3A_1610] {strides = array<i32>} : memref<16x1024xf32, #tpu.memory_space<vmem>>, vector<1x16xf32>,
        %swap3A_1612 = vector.shape_cast %swap3A_1611 : vector<1x16xf32> to vector<16xf32>
        %swap3A_1613 = vector.shape_cast %add3A_1604 : vector<16xf32> to vector<1x16xf32>
        tpu.vector_store %swap3A_1608[%swap3A_1609, %swap3A_1610], %swap3A_1613 {strides = array<i32>} : memref<16x1024xf32, #tpu.memory_space<vmem>>, vector<1x16xf32>,
        %get3A_1614 = arith.constant 0 : i32
        %get3A_1615 = arith.constant 0 : i32
        %get3A_1616 = tpu.memref_slice %arg7[%scan3A_229, %get3A_1614, %get3A_1615] : memref<2x16x1024xf32, #tpu.memory_space<vmem>> -> memref<1x16x1024xf32, #tpu.memory_space<vmem>>
        %get3A_1617 = tpu.memref_squeeze %get3A_1616 : memref<1x16x1024xf32, #tpu.memory_space<vmem>> -> memref<16x1024xf32, #tpu.memory_space<vmem>>
        %get3A_1618 = arith.index_cast %add3A_263 : i32 to index
        %get3A_1619 = arith.constant 832 : index
        %get3A_1620 = tpu.vector_load %get3A_1617[%get3A_1618, %get3A_1619] {strides = array<i32>} : memref<16x1024xf32, #tpu.memory_space<vmem>>, vector<1x16xf32>,
        %get3A_1621 = vector.shape_cast %get3A_1620 : vector<1x16xf32> to vector<16xf32>
        %get3A_1622 = arith.constant 0 : i32
        %get3A_1623 = arith.constant 0 : i32
        %get3A_1624 = tpu.memref_slice %arg8[%scan3A_230, %get3A_1622, %get3A_1623] : memref<2x16x1024xf32, #tpu.memory_space<vmem>> -> memref<1x16x1024xf32, #tpu.memory_space<vmem>>
        %get3A_1625 = tpu.memref_squeeze %get3A_1624 : memref<1x16x1024xf32, #tpu.memory_space<vmem>> -> memref<16x1024xf32, #tpu.memory_space<vmem>>
        %get3A_1626 = arith.index_cast %add3A_263 : i32 to index
        %get3A_1627 = arith.constant 832 : index
        %get3A_1628 = tpu.vector_load %get3A_1625[%get3A_1626, %get3A_1627] {strides = array<i32>} : memref<16x1024xf32, #tpu.memory_space<vmem>>, vector<1x16xf32>,
        %get3A_1629 = vector.shape_cast %get3A_1628 : vector<1x16xf32> to vector<16xf32>
        %add3A_1630 = arith.addf %get3A_1621, %get3A_1629 : vector<16xf32>
        %swap3A_1631 = arith.constant 0 : i32
        %swap3A_1632 = arith.constant 0 : i32
        %swap3A_1633 = tpu.memref_slice %arg9[%scan3A_231, %swap3A_1631, %swap3A_1632] : memref<2x16x1024xf32, #tpu.memory_space<vmem>> -> memref<1x16x1024xf32, #tpu.memory_space<vmem>>
        %swap3A_1634 = tpu.memref_squeeze %swap3A_1633 : memref<1x16x1024xf32, #tpu.memory_space<vmem>> -> memref<16x1024xf32, #tpu.memory_space<vmem>>
        %swap3A_1635 = arith.index_cast %add3A_263 : i32 to index
        %swap3A_1636 = arith.constant 832 : index
        %swap3A_1637 = tpu.vector_load %swap3A_1634[%swap3A_1635, %swap3A_1636] {strides = array<i32>} : memref<16x1024xf32, #tpu.memory_space<vmem>>, vector<1x16xf32>,
        %swap3A_1638 = vector.shape_cast %swap3A_1637 : vector<1x16xf32> to vector<16xf32>
        %swap3A_1639 = vector.shape_cast %add3A_1630 : vector<16xf32> to vector<1x16xf32>
        tpu.vector_store %swap3A_1634[%swap3A_1635, %swap3A_1636], %swap3A_1639 {strides = array<i32>} : memref<16x1024xf32, #tpu.memory_space<vmem>>, vector<1x16xf32>,
        %get3A_1640 = arith.constant 0 : i32
        %get3A_1641 = arith.constant 0 : i32
        %get3A_1642 = tpu.memref_slice %arg7[%scan3A_229, %get3A_1640, %get3A_1641] : memref<2x16x1024xf32, #tpu.memory_space<vmem>> -> memref<1x16x1024xf32, #tpu.memory_space<vmem>>
        %get3A_1643 = tpu.memref_squeeze %get3A_1642 : memref<1x16x1024xf32, #tpu.memory_space<vmem>> -> memref<16x1024xf32, #tpu.memory_space<vmem>>
        %get3A_1644 = arith.index_cast %add3A_263 : i32 to index
        %get3A_1645 = arith.constant 848 : index
        %get3A_1646 = tpu.vector_load %get3A_1643[%get3A_1644, %get3A_1645] {strides = array<i32>} : memref<16x1024xf32, #tpu.memory_space<vmem>>, vector<1x16xf32>,
        %get3A_1647 = vector.shape_cast %get3A_1646 : vector<1x16xf32> to vector<16xf32>
        %get3A_1648 = arith.constant 0 : i32
        %get3A_1649 = arith.constant 0 : i32
        %get3A_1650 = tpu.memref_slice %arg8[%scan3A_230, %get3A_1648, %get3A_1649] : memref<2x16x1024xf32, #tpu.memory_space<vmem>> -> memref<1x16x1024xf32, #tpu.memory_space<vmem>>
        %get3A_1651 = tpu.memref_squeeze %get3A_1650 : memref<1x16x1024xf32, #tpu.memory_space<vmem>> -> memref<16x1024xf32, #tpu.memory_space<vmem>>
        %get3A_1652 = arith.index_cast %add3A_263 : i32 to index
        %get3A_1653 = arith.constant 848 : index
        %get3A_1654 = tpu.vector_load %get3A_1651[%get3A_1652, %get3A_1653] {strides = array<i32>} : memref<16x1024xf32, #tpu.memory_space<vmem>>, vector<1x16xf32>,
        %get3A_1655 = vector.shape_cast %get3A_1654 : vector<1x16xf32> to vector<16xf32>
        %add3A_1656 = arith.addf %get3A_1647, %get3A_1655 : vector<16xf32>
        %swap3A_1657 = arith.constant 0 : i32
        %swap3A_1658 = arith.constant 0 : i32
        %swap3A_1659 = tpu.memref_slice %arg9[%scan3A_231, %swap3A_1657, %swap3A_1658] : memref<2x16x1024xf32, #tpu.memory_space<vmem>> -> memref<1x16x1024xf32, #tpu.memory_space<vmem>>
        %swap3A_1660 = tpu.memref_squeeze %swap3A_1659 : memref<1x16x1024xf32, #tpu.memory_space<vmem>> -> memref<16x1024xf32, #tpu.memory_space<vmem>>
        %swap3A_1661 = arith.index_cast %add3A_263 : i32 to index
        %swap3A_1662 = arith.constant 848 : index
        %swap3A_1663 = tpu.vector_load %swap3A_1660[%swap3A_1661, %swap3A_1662] {strides = array<i32>} : memref<16x1024xf32, #tpu.memory_space<vmem>>, vector<1x16xf32>,
        %swap3A_1664 = vector.shape_cast %swap3A_1663 : vector<1x16xf32> to vector<16xf32>
        %swap3A_1665 = vector.shape_cast %add3A_1656 : vector<16xf32> to vector<1x16xf32>
        tpu.vector_store %swap3A_1660[%swap3A_1661, %swap3A_1662], %swap3A_1665 {strides = array<i32>} : memref<16x1024xf32, #tpu.memory_space<vmem>>, vector<1x16xf32>,
        %get3A_1666 = arith.constant 0 : i32
        %get3A_1667 = arith.constant 0 : i32
        %get3A_1668 = tpu.memref_slice %arg7[%scan3A_229, %get3A_1666, %get3A_1667] : memref<2x16x1024xf32, #tpu.memory_space<vmem>> -> memref<1x16x1024xf32, #tpu.memory_space<vmem>>
        %get3A_1669 = tpu.memref_squeeze %get3A_1668 : memref<1x16x1024xf32, #tpu.memory_space<vmem>> -> memref<16x1024xf32, #tpu.memory_space<vmem>>
        %get3A_1670 = arith.index_cast %add3A_263 : i32 to index
        %get3A_1671 = arith.constant 864 : index
        %get3A_1672 = tpu.vector_load %get3A_1669[%get3A_1670, %get3A_1671] {strides = array<i32>} : memref<16x1024xf32, #tpu.memory_space<vmem>>, vector<1x16xf32>,
        %get3A_1673 = vector.shape_cast %get3A_1672 : vector<1x16xf32> to vector<16xf32>
        %get3A_1674 = arith.constant 0 : i32
        %get3A_1675 = arith.constant 0 : i32
        %get3A_1676 = tpu.memref_slice %arg8[%scan3A_230, %get3A_1674, %get3A_1675] : memref<2x16x1024xf32, #tpu.memory_space<vmem>> -> memref<1x16x1024xf32, #tpu.memory_space<vmem>>
        %get3A_1677 = tpu.memref_squeeze %get3A_1676 : memref<1x16x1024xf32, #tpu.memory_space<vmem>> -> memref<16x1024xf32, #tpu.memory_space<vmem>>
        %get3A_1678 = arith.index_cast %add3A_263 : i32 to index
        %get3A_1679 = arith.constant 864 : index
        %get3A_1680 = tpu.vector_load %get3A_1677[%get3A_1678, %get3A_1679] {strides = array<i32>} : memref<16x1024xf32, #tpu.memory_space<vmem>>, vector<1x16xf32>,
        %get3A_1681 = vector.shape_cast %get3A_1680 : vector<1x16xf32> to vector<16xf32>
        %add3A_1682 = arith.addf %get3A_1673, %get3A_1681 : vector<16xf32>
        %swap3A_1683 = arith.constant 0 : i32
        %swap3A_1684 = arith.constant 0 : i32
        %swap3A_1685 = tpu.memref_slice %arg9[%scan3A_231, %swap3A_1683, %swap3A_1684] : memref<2x16x1024xf32, #tpu.memory_space<vmem>> -> memref<1x16x1024xf32, #tpu.memory_space<vmem>>
        %swap3A_1686 = tpu.memref_squeeze %swap3A_1685 : memref<1x16x1024xf32, #tpu.memory_space<vmem>> -> memref<16x1024xf32, #tpu.memory_space<vmem>>
        %swap3A_1687 = arith.index_cast %add3A_263 : i32 to index
        %swap3A_1688 = arith.constant 864 : index
        %swap3A_1689 = tpu.vector_load %swap3A_1686[%swap3A_1687, %swap3A_1688] {strides = array<i32>} : memref<16x1024xf32, #tpu.memory_space<vmem>>, vector<1x16xf32>,
        %swap3A_1690 = vector.shape_cast %swap3A_1689 : vector<1x16xf32> to vector<16xf32>
        %swap3A_1691 = vector.shape_cast %add3A_1682 : vector<16xf32> to vector<1x16xf32>
        tpu.vector_store %swap3A_1686[%swap3A_1687, %swap3A_1688], %swap3A_1691 {strides = array<i32>} : memref<16x1024xf32, #tpu.memory_space<vmem>>, vector<1x16xf32>,
        %get3A_1692 = arith.constant 0 : i32
        %get3A_1693 = arith.constant 0 : i32
        %get3A_1694 = tpu.memref_slice %arg7[%scan3A_229, %get3A_1692, %get3A_1693] : memref<2x16x1024xf32, #tpu.memory_space<vmem>> -> memref<1x16x1024xf32, #tpu.memory_space<vmem>>
        %get3A_1695 = tpu.memref_squeeze %get3A_1694 : memref<1x16x1024xf32, #tpu.memory_space<vmem>> -> memref<16x1024xf32, #tpu.memory_space<vmem>>
        %get3A_1696 = arith.index_cast %add3A_263 : i32 to index
        %get3A_1697 = arith.constant 880 : index
        %get3A_1698 = tpu.vector_load %get3A_1695[%get3A_1696, %get3A_1697] {strides = array<i32>} : memref<16x1024xf32, #tpu.memory_space<vmem>>, vector<1x16xf32>,
        %get3A_1699 = vector.shape_cast %get3A_1698 : vector<1x16xf32> to vector<16xf32>
        %get3A_1700 = arith.constant 0 : i32
        %get3A_1701 = arith.constant 0 : i32
        %get3A_1702 = tpu.memref_slice %arg8[%scan3A_230, %get3A_1700, %get3A_1701] : memref<2x16x1024xf32, #tpu.memory_space<vmem>> -> memref<1x16x1024xf32, #tpu.memory_space<vmem>>
        %get3A_1703 = tpu.memref_squeeze %get3A_1702 : memref<1x16x1024xf32, #tpu.memory_space<vmem>> -> memref<16x1024xf32, #tpu.memory_space<vmem>>
        %get3A_1704 = arith.index_cast %add3A_263 : i32 to index
        %get3A_1705 = arith.constant 880 : index
        %get3A_1706 = tpu.vector_load %get3A_1703[%get3A_1704, %get3A_1705] {strides = array<i32>} : memref<16x1024xf32, #tpu.memory_space<vmem>>, vector<1x16xf32>,
        %get3A_1707 = vector.shape_cast %get3A_1706 : vector<1x16xf32> to vector<16xf32>
        %add3A_1708 = arith.addf %get3A_1699, %get3A_1707 : vector<16xf32>
        %swap3A_1709 = arith.constant 0 : i32
        %swap3A_1710 = arith.constant 0 : i32
        %swap3A_1711 = tpu.memref_slice %arg9[%scan3A_231, %swap3A_1709, %swap3A_1710] : memref<2x16x1024xf32, #tpu.memory_space<vmem>> -> memref<1x16x1024xf32, #tpu.memory_space<vmem>>
        %swap3A_1712 = tpu.memref_squeeze %swap3A_1711 : memref<1x16x1024xf32, #tpu.memory_space<vmem>> -> memref<16x1024xf32, #tpu.memory_space<vmem>>
        %swap3A_1713 = arith.index_cast %add3A_263 : i32 to index
        %swap3A_1714 = arith.constant 880 : index
        %swap3A_1715 = tpu.vector_load %swap3A_1712[%swap3A_1713, %swap3A_1714] {strides = array<i32>} : memref<16x1024xf32, #tpu.memory_space<vmem>>, vector<1x16xf32>,
        %swap3A_1716 = vector.shape_cast %swap3A_1715 : vector<1x16xf32> to vector<16xf32>
        %swap3A_1717 = vector.shape_cast %add3A_1708 : vector<16xf32> to vector<1x16xf32>
        tpu.vector_store %swap3A_1712[%swap3A_1713, %swap3A_1714], %swap3A_1717 {strides = array<i32>} : memref<16x1024xf32, #tpu.memory_space<vmem>>, vector<1x16xf32>,
        %get3A_1718 = arith.constant 0 : i32
        %get3A_1719 = arith.constant 0 : i32
        %get3A_1720 = tpu.memref_slice %arg7[%scan3A_229, %get3A_1718, %get3A_1719] : memref<2x16x1024xf32, #tpu.memory_space<vmem>> -> memref<1x16x1024xf32, #tpu.memory_space<vmem>>
        %get3A_1721 = tpu.memref_squeeze %get3A_1720 : memref<1x16x1024xf32, #tpu.memory_space<vmem>> -> memref<16x1024xf32, #tpu.memory_space<vmem>>
        %get3A_1722 = arith.index_cast %add3A_263 : i32 to index
        %get3A_1723 = arith.constant 896 : index
        %get3A_1724 = tpu.vector_load %get3A_1721[%get3A_1722, %get3A_1723] {strides = array<i32>} : memref<16x1024xf32, #tpu.memory_space<vmem>>, vector<1x16xf32>,
        %get3A_1725 = vector.shape_cast %get3A_1724 : vector<1x16xf32> to vector<16xf32>
        %get3A_1726 = arith.constant 0 : i32
        %get3A_1727 = arith.constant 0 : i32
        %get3A_1728 = tpu.memref_slice %arg8[%scan3A_230, %get3A_1726, %get3A_1727] : memref<2x16x1024xf32, #tpu.memory_space<vmem>> -> memref<1x16x1024xf32, #tpu.memory_space<vmem>>
        %get3A_1729 = tpu.memref_squeeze %get3A_1728 : memref<1x16x1024xf32, #tpu.memory_space<vmem>> -> memref<16x1024xf32, #tpu.memory_space<vmem>>
        %get3A_1730 = arith.index_cast %add3A_263 : i32 to index
        %get3A_1731 = arith.constant 896 : index
        %get3A_1732 = tpu.vector_load %get3A_1729[%get3A_1730, %get3A_1731] {strides = array<i32>} : memref<16x1024xf32, #tpu.memory_space<vmem>>, vector<1x16xf32>,
        %get3A_1733 = vector.shape_cast %get3A_1732 : vector<1x16xf32> to vector<16xf32>
        %add3A_1734 = arith.addf %get3A_1725, %get3A_1733 : vector<16xf32>
        %swap3A_1735 = arith.constant 0 : i32
        %swap3A_1736 = arith.constant 0 : i32
        %swap3A_1737 = tpu.memref_slice %arg9[%scan3A_231, %swap3A_1735, %swap3A_1736] : memref<2x16x1024xf32, #tpu.memory_space<vmem>> -> memref<1x16x1024xf32, #tpu.memory_space<vmem>>
        %swap3A_1738 = tpu.memref_squeeze %swap3A_1737 : memref<1x16x1024xf32, #tpu.memory_space<vmem>> -> memref<16x1024xf32, #tpu.memory_space<vmem>>
        %swap3A_1739 = arith.index_cast %add3A_263 : i32 to index
        %swap3A_1740 = arith.constant 896 : index
        %swap3A_1741 = tpu.vector_load %swap3A_1738[%swap3A_1739, %swap3A_1740] {strides = array<i32>} : memref<16x1024xf32, #tpu.memory_space<vmem>>, vector<1x16xf32>,
        %swap3A_1742 = vector.shape_cast %swap3A_1741 : vector<1x16xf32> to vector<16xf32>
        %swap3A_1743 = vector.shape_cast %add3A_1734 : vector<16xf32> to vector<1x16xf32>
        tpu.vector_store %swap3A_1738[%swap3A_1739, %swap3A_1740], %swap3A_1743 {strides = array<i32>} : memref<16x1024xf32, #tpu.memory_space<vmem>>, vector<1x16xf32>,
        %get3A_1744 = arith.constant 0 : i32
        %get3A_1745 = arith.constant 0 : i32
        %get3A_1746 = tpu.memref_slice %arg7[%scan3A_229, %get3A_1744, %get3A_1745] : memref<2x16x1024xf32, #tpu.memory_space<vmem>> -> memref<1x16x1024xf32, #tpu.memory_space<vmem>>
        %get3A_1747 = tpu.memref_squeeze %get3A_1746 : memref<1x16x1024xf32, #tpu.memory_space<vmem>> -> memref<16x1024xf32, #tpu.memory_space<vmem>>
        %get3A_1748 = arith.index_cast %add3A_263 : i32 to index
        %get3A_1749 = arith.constant 912 : index
        %get3A_1750 = tpu.vector_load %get3A_1747[%get3A_1748, %get3A_1749] {strides = array<i32>} : memref<16x1024xf32, #tpu.memory_space<vmem>>, vector<1x16xf32>,
        %get3A_1751 = vector.shape_cast %get3A_1750 : vector<1x16xf32> to vector<16xf32>
        %get3A_1752 = arith.constant 0 : i32
        %get3A_1753 = arith.constant 0 : i32
        %get3A_1754 = tpu.memref_slice %arg8[%scan3A_230, %get3A_1752, %get3A_1753] : memref<2x16x1024xf32, #tpu.memory_space<vmem>> -> memref<1x16x1024xf32, #tpu.memory_space<vmem>>
        %get3A_1755 = tpu.memref_squeeze %get3A_1754 : memref<1x16x1024xf32, #tpu.memory_space<vmem>> -> memref<16x1024xf32, #tpu.memory_space<vmem>>
        %get3A_1756 = arith.index_cast %add3A_263 : i32 to index
        %get3A_1757 = arith.constant 912 : index
        %get3A_1758 = tpu.vector_load %get3A_1755[%get3A_1756, %get3A_1757] {strides = array<i32>} : memref<16x1024xf32, #tpu.memory_space<vmem>>, vector<1x16xf32>,
        %get3A_1759 = vector.shape_cast %get3A_1758 : vector<1x16xf32> to vector<16xf32>
        %add3A_1760 = arith.addf %get3A_1751, %get3A_1759 : vector<16xf32>
        %swap3A_1761 = arith.constant 0 : i32
        %swap3A_1762 = arith.constant 0 : i32
        %swap3A_1763 = tpu.memref_slice %arg9[%scan3A_231, %swap3A_1761, %swap3A_1762] : memref<2x16x1024xf32, #tpu.memory_space<vmem>> -> memref<1x16x1024xf32, #tpu.memory_space<vmem>>
        %swap3A_1764 = tpu.memref_squeeze %swap3A_1763 : memref<1x16x1024xf32, #tpu.memory_space<vmem>> -> memref<16x1024xf32, #tpu.memory_space<vmem>>
        %swap3A_1765 = arith.index_cast %add3A_263 : i32 to index
        %swap3A_1766 = arith.constant 912 : index
        %swap3A_1767 = tpu.vector_load %swap3A_1764[%swap3A_1765, %swap3A_1766] {strides = array<i32>} : memref<16x1024xf32, #tpu.memory_space<vmem>>, vector<1x16xf32>,
        %swap3A_1768 = vector.shape_cast %swap3A_1767 : vector<1x16xf32> to vector<16xf32>
        %swap3A_1769 = vector.shape_cast %add3A_1760 : vector<16xf32> to vector<1x16xf32>
        tpu.vector_store %swap3A_1764[%swap3A_1765, %swap3A_1766], %swap3A_1769 {strides = array<i32>} : memref<16x1024xf32, #tpu.memory_space<vmem>>, vector<1x16xf32>,
        %get3A_1770 = arith.constant 0 : i32
        %get3A_1771 = arith.constant 0 : i32
        %get3A_1772 = tpu.memref_slice %arg7[%scan3A_229, %get3A_1770, %get3A_1771] : memref<2x16x1024xf32, #tpu.memory_space<vmem>> -> memref<1x16x1024xf32, #tpu.memory_space<vmem>>
        %get3A_1773 = tpu.memref_squeeze %get3A_1772 : memref<1x16x1024xf32, #tpu.memory_space<vmem>> -> memref<16x1024xf32, #tpu.memory_space<vmem>>
        %get3A_1774 = arith.index_cast %add3A_263 : i32 to index
        %get3A_1775 = arith.constant 928 : index
        %get3A_1776 = tpu.vector_load %get3A_1773[%get3A_1774, %get3A_1775] {strides = array<i32>} : memref<16x1024xf32, #tpu.memory_space<vmem>>, vector<1x16xf32>,
        %get3A_1777 = vector.shape_cast %get3A_1776 : vector<1x16xf32> to vector<16xf32>
        %get3A_1778 = arith.constant 0 : i32
        %get3A_1779 = arith.constant 0 : i32
        %get3A_1780 = tpu.memref_slice %arg8[%scan3A_230, %get3A_1778, %get3A_1779] : memref<2x16x1024xf32, #tpu.memory_space<vmem>> -> memref<1x16x1024xf32, #tpu.memory_space<vmem>>
        %get3A_1781 = tpu.memref_squeeze %get3A_1780 : memref<1x16x1024xf32, #tpu.memory_space<vmem>> -> memref<16x1024xf32, #tpu.memory_space<vmem>>
        %get3A_1782 = arith.index_cast %add3A_263 : i32 to index
        %get3A_1783 = arith.constant 928 : index
        %get3A_1784 = tpu.vector_load %get3A_1781[%get3A_1782, %get3A_1783] {strides = array<i32>} : memref<16x1024xf32, #tpu.memory_space<vmem>>, vector<1x16xf32>,
        %get3A_1785 = vector.shape_cast %get3A_1784 : vector<1x16xf32> to vector<16xf32>
        %add3A_1786 = arith.addf %get3A_1777, %get3A_1785 : vector<16xf32>
        %swap3A_1787 = arith.constant 0 : i32
        %swap3A_1788 = arith.constant 0 : i32
        %swap3A_1789 = tpu.memref_slice %arg9[%scan3A_231, %swap3A_1787, %swap3A_1788] : memref<2x16x1024xf32, #tpu.memory_space<vmem>> -> memref<1x16x1024xf32, #tpu.memory_space<vmem>>
        %swap3A_1790 = tpu.memref_squeeze %swap3A_1789 : memref<1x16x1024xf32, #tpu.memory_space<vmem>> -> memref<16x1024xf32, #tpu.memory_space<vmem>>
        %swap3A_1791 = arith.index_cast %add3A_263 : i32 to index
        %swap3A_1792 = arith.constant 928 : index
        %swap3A_1793 = tpu.vector_load %swap3A_1790[%swap3A_1791, %swap3A_1792] {strides = array<i32>} : memref<16x1024xf32, #tpu.memory_space<vmem>>, vector<1x16xf32>,
        %swap3A_1794 = vector.shape_cast %swap3A_1793 : vector<1x16xf32> to vector<16xf32>
        %swap3A_1795 = vector.shape_cast %add3A_1786 : vector<16xf32> to vector<1x16xf32>
        tpu.vector_store %swap3A_1790[%swap3A_1791, %swap3A_1792], %swap3A_1795 {strides = array<i32>} : memref<16x1024xf32, #tpu.memory_space<vmem>>, vector<1x16xf32>,
        %get3A_1796 = arith.constant 0 : i32
        %get3A_1797 = arith.constant 0 : i32
        %get3A_1798 = tpu.memref_slice %arg7[%scan3A_229, %get3A_1796, %get3A_1797] : memref<2x16x1024xf32, #tpu.memory_space<vmem>> -> memref<1x16x1024xf32, #tpu.memory_space<vmem>>
        %get3A_1799 = tpu.memref_squeeze %get3A_1798 : memref<1x16x1024xf32, #tpu.memory_space<vmem>> -> memref<16x1024xf32, #tpu.memory_space<vmem>>
        %get3A_1800 = arith.index_cast %add3A_263 : i32 to index
        %get3A_1801 = arith.constant 944 : index
        %get3A_1802 = tpu.vector_load %get3A_1799[%get3A_1800, %get3A_1801] {strides = array<i32>} : memref<16x1024xf32, #tpu.memory_space<vmem>>, vector<1x16xf32>,
        %get3A_1803 = vector.shape_cast %get3A_1802 : vector<1x16xf32> to vector<16xf32>
        %get3A_1804 = arith.constant 0 : i32
        %get3A_1805 = arith.constant 0 : i32
        %get3A_1806 = tpu.memref_slice %arg8[%scan3A_230, %get3A_1804, %get3A_1805] : memref<2x16x1024xf32, #tpu.memory_space<vmem>> -> memref<1x16x1024xf32, #tpu.memory_space<vmem>>
        %get3A_1807 = tpu.memref_squeeze %get3A_1806 : memref<1x16x1024xf32, #tpu.memory_space<vmem>> -> memref<16x1024xf32, #tpu.memory_space<vmem>>
        %get3A_1808 = arith.index_cast %add3A_263 : i32 to index
        %get3A_1809 = arith.constant 944 : index
        %get3A_1810 = tpu.vector_load %get3A_1807[%get3A_1808, %get3A_1809] {strides = array<i32>} : memref<16x1024xf32, #tpu.memory_space<vmem>>, vector<1x16xf32>,
        %get3A_1811 = vector.shape_cast %get3A_1810 : vector<1x16xf32> to vector<16xf32>
        %add3A_1812 = arith.addf %get3A_1803, %get3A_1811 : vector<16xf32>
        %swap3A_1813 = arith.constant 0 : i32
        %swap3A_1814 = arith.constant 0 : i32
        %swap3A_1815 = tpu.memref_slice %arg9[%scan3A_231, %swap3A_1813, %swap3A_1814] : memref<2x16x1024xf32, #tpu.memory_space<vmem>> -> memref<1x16x1024xf32, #tpu.memory_space<vmem>>
        %swap3A_1816 = tpu.memref_squeeze %swap3A_1815 : memref<1x16x1024xf32, #tpu.memory_space<vmem>> -> memref<16x1024xf32, #tpu.memory_space<vmem>>
        %swap3A_1817 = arith.index_cast %add3A_263 : i32 to index
        %swap3A_1818 = arith.constant 944 : index
        %swap3A_1819 = tpu.vector_load %swap3A_1816[%swap3A_1817, %swap3A_1818] {strides = array<i32>} : memref<16x1024xf32, #tpu.memory_space<vmem>>, vector<1x16xf32>,
        %swap3A_1820 = vector.shape_cast %swap3A_1819 : vector<1x16xf32> to vector<16xf32>
        %swap3A_1821 = vector.shape_cast %add3A_1812 : vector<16xf32> to vector<1x16xf32>
        tpu.vector_store %swap3A_1816[%swap3A_1817, %swap3A_1818], %swap3A_1821 {strides = array<i32>} : memref<16x1024xf32, #tpu.memory_space<vmem>>, vector<1x16xf32>,
        %get3A_1822 = arith.constant 0 : i32
        %get3A_1823 = arith.constant 0 : i32
        %get3A_1824 = tpu.memref_slice %arg7[%scan3A_229, %get3A_1822, %get3A_1823] : memref<2x16x1024xf32, #tpu.memory_space<vmem>> -> memref<1x16x1024xf32, #tpu.memory_space<vmem>>
        %get3A_1825 = tpu.memref_squeeze %get3A_1824 : memref<1x16x1024xf32, #tpu.memory_space<vmem>> -> memref<16x1024xf32, #tpu.memory_space<vmem>>
        %get3A_1826 = arith.index_cast %add3A_263 : i32 to index
        %get3A_1827 = arith.constant 960 : index
        %get3A_1828 = tpu.vector_load %get3A_1825[%get3A_1826, %get3A_1827] {strides = array<i32>} : memref<16x1024xf32, #tpu.memory_space<vmem>>, vector<1x16xf32>,
        %get3A_1829 = vector.shape_cast %get3A_1828 : vector<1x16xf32> to vector<16xf32>
        %get3A_1830 = arith.constant 0 : i32
        %get3A_1831 = arith.constant 0 : i32
        %get3A_1832 = tpu.memref_slice %arg8[%scan3A_230, %get3A_1830, %get3A_1831] : memref<2x16x1024xf32, #tpu.memory_space<vmem>> -> memref<1x16x1024xf32, #tpu.memory_space<vmem>>
        %get3A_1833 = tpu.memref_squeeze %get3A_1832 : memref<1x16x1024xf32, #tpu.memory_space<vmem>> -> memref<16x1024xf32, #tpu.memory_space<vmem>>
        %get3A_1834 = arith.index_cast %add3A_263 : i32 to index
        %get3A_1835 = arith.constant 960 : index
        %get3A_1836 = tpu.vector_load %get3A_1833[%get3A_1834, %get3A_1835] {strides = array<i32>} : memref<16x1024xf32, #tpu.memory_space<vmem>>, vector<1x16xf32>,
        %get3A_1837 = vector.shape_cast %get3A_1836 : vector<1x16xf32> to vector<16xf32>
        %add3A_1838 = arith.addf %get3A_1829, %get3A_1837 : vector<16xf32>
        %swap3A_1839 = arith.constant 0 : i32
        %swap3A_1840 = arith.constant 0 : i32
        %swap3A_1841 = tpu.memref_slice %arg9[%scan3A_231, %swap3A_1839, %swap3A_1840] : memref<2x16x1024xf32, #tpu.memory_space<vmem>> -> memref<1x16x1024xf32, #tpu.memory_space<vmem>>
        %swap3A_1842 = tpu.memref_squeeze %swap3A_1841 : memref<1x16x1024xf32, #tpu.memory_space<vmem>> -> memref<16x1024xf32, #tpu.memory_space<vmem>>
        %swap3A_1843 = arith.index_cast %add3A_263 : i32 to index
        %swap3A_1844 = arith.constant 960 : index
        %swap3A_1845 = tpu.vector_load %swap3A_1842[%swap3A_1843, %swap3A_1844] {strides = array<i32>} : memref<16x1024xf32, #tpu.memory_space<vmem>>, vector<1x16xf32>,
        %swap3A_1846 = vector.shape_cast %swap3A_1845 : vector<1x16xf32> to vector<16xf32>
        %swap3A_1847 = vector.shape_cast %add3A_1838 : vector<16xf32> to vector<1x16xf32>
        tpu.vector_store %swap3A_1842[%swap3A_1843, %swap3A_1844], %swap3A_1847 {strides = array<i32>} : memref<16x1024xf32, #tpu.memory_space<vmem>>, vector<1x16xf32>,
        %get3A_1848 = arith.constant 0 : i32
        %get3A_1849 = arith.constant 0 : i32
        %get3A_1850 = tpu.memref_slice %arg7[%scan3A_229, %get3A_1848, %get3A_1849] : memref<2x16x1024xf32, #tpu.memory_space<vmem>> -> memref<1x16x1024xf32, #tpu.memory_space<vmem>>
        %get3A_1851 = tpu.memref_squeeze %get3A_1850 : memref<1x16x1024xf32, #tpu.memory_space<vmem>> -> memref<16x1024xf32, #tpu.memory_space<vmem>>
        %get3A_1852 = arith.index_cast %add3A_263 : i32 to index
        %get3A_1853 = arith.constant 976 : index
        %get3A_1854 = tpu.vector_load %get3A_1851[%get3A_1852, %get3A_1853] {strides = array<i32>} : memref<16x1024xf32, #tpu.memory_space<vmem>>, vector<1x16xf32>,
        %get3A_1855 = vector.shape_cast %get3A_1854 : vector<1x16xf32> to vector<16xf32>
        %get3A_1856 = arith.constant 0 : i32
        %get3A_1857 = arith.constant 0 : i32
        %get3A_1858 = tpu.memref_slice %arg8[%scan3A_230, %get3A_1856, %get3A_1857] : memref<2x16x1024xf32, #tpu.memory_space<vmem>> -> memref<1x16x1024xf32, #tpu.memory_space<vmem>>
        %get3A_1859 = tpu.memref_squeeze %get3A_1858 : memref<1x16x1024xf32, #tpu.memory_space<vmem>> -> memref<16x1024xf32, #tpu.memory_space<vmem>>
        %get3A_1860 = arith.index_cast %add3A_263 : i32 to index
        %get3A_1861 = arith.constant 976 : index
        %get3A_1862 = tpu.vector_load %get3A_1859[%get3A_1860, %get3A_1861] {strides = array<i32>} : memref<16x1024xf32, #tpu.memory_space<vmem>>, vector<1x16xf32>,
        %get3A_1863 = vector.shape_cast %get3A_1862 : vector<1x16xf32> to vector<16xf32>
        %add3A_1864 = arith.addf %get3A_1855, %get3A_1863 : vector<16xf32>
        %swap3A_1865 = arith.constant 0 : i32
        %swap3A_1866 = arith.constant 0 : i32
        %swap3A_1867 = tpu.memref_slice %arg9[%scan3A_231, %swap3A_1865, %swap3A_1866] : memref<2x16x1024xf32, #tpu.memory_space<vmem>> -> memref<1x16x1024xf32, #tpu.memory_space<vmem>>
        %swap3A_1868 = tpu.memref_squeeze %swap3A_1867 : memref<1x16x1024xf32, #tpu.memory_space<vmem>> -> memref<16x1024xf32, #tpu.memory_space<vmem>>
        %swap3A_1869 = arith.index_cast %add3A_263 : i32 to index
        %swap3A_1870 = arith.constant 976 : index
        %swap3A_1871 = tpu.vector_load %swap3A_1868[%swap3A_1869, %swap3A_1870] {strides = array<i32>} : memref<16x1024xf32, #tpu.memory_space<vmem>>, vector<1x16xf32>,
        %swap3A_1872 = vector.shape_cast %swap3A_1871 : vector<1x16xf32> to vector<16xf32>
        %swap3A_1873 = vector.shape_cast %add3A_1864 : vector<16xf32> to vector<1x16xf32>
        tpu.vector_store %swap3A_1868[%swap3A_1869, %swap3A_1870], %swap3A_1873 {strides = array<i32>} : memref<16x1024xf32, #tpu.memory_space<vmem>>, vector<1x16xf32>,
        %get3A_1874 = arith.constant 0 : i32
        %get3A_1875 = arith.constant 0 : i32
        %get3A_1876 = tpu.memref_slice %arg7[%scan3A_229, %get3A_1874, %get3A_1875] : memref<2x16x1024xf32, #tpu.memory_space<vmem>> -> memref<1x16x1024xf32, #tpu.memory_space<vmem>>
        %get3A_1877 = tpu.memref_squeeze %get3A_1876 : memref<1x16x1024xf32, #tpu.memory_space<vmem>> -> memref<16x1024xf32, #tpu.memory_space<vmem>>
        %get3A_1878 = arith.index_cast %add3A_263 : i32 to index
        %get3A_1879 = arith.constant 992 : index
        %get3A_1880 = tpu.vector_load %get3A_1877[%get3A_1878, %get3A_1879] {strides = array<i32>} : memref<16x1024xf32, #tpu.memory_space<vmem>>, vector<1x16xf32>,
        %get3A_1881 = vector.shape_cast %get3A_1880 : vector<1x16xf32> to vector<16xf32>
        %get3A_1882 = arith.constant 0 : i32
        %get3A_1883 = arith.constant 0 : i32
        %get3A_1884 = tpu.memref_slice %arg8[%scan3A_230, %get3A_1882, %get3A_1883] : memref<2x16x1024xf32, #tpu.memory_space<vmem>> -> memref<1x16x1024xf32, #tpu.memory_space<vmem>>
        %get3A_1885 = tpu.memref_squeeze %get3A_1884 : memref<1x16x1024xf32, #tpu.memory_space<vmem>> -> memref<16x1024xf32, #tpu.memory_space<vmem>>
        %get3A_1886 = arith.index_cast %add3A_263 : i32 to index
        %get3A_1887 = arith.constant 992 : index
        %get3A_1888 = tpu.vector_load %get3A_1885[%get3A_1886, %get3A_1887] {strides = array<i32>} : memref<16x1024xf32, #tpu.memory_space<vmem>>, vector<1x16xf32>,
        %get3A_1889 = vector.shape_cast %get3A_1888 : vector<1x16xf32> to vector<16xf32>
        %add3A_1890 = arith.addf %get3A_1881, %get3A_1889 : vector<16xf32>
        %swap3A_1891 = arith.constant 0 : i32
        %swap3A_1892 = arith.constant 0 : i32
        %swap3A_1893 = tpu.memref_slice %arg9[%scan3A_231, %swap3A_1891, %swap3A_1892] : memref<2x16x1024xf32, #tpu.memory_space<vmem>> -> memref<1x16x1024xf32, #tpu.memory_space<vmem>>
        %swap3A_1894 = tpu.memref_squeeze %swap3A_1893 : memref<1x16x1024xf32, #tpu.memory_space<vmem>> -> memref<16x1024xf32, #tpu.memory_space<vmem>>
        %swap3A_1895 = arith.index_cast %add3A_263 : i32 to index
        %swap3A_1896 = arith.constant 992 : index
        %swap3A_1897 = tpu.vector_load %swap3A_1894[%swap3A_1895, %swap3A_1896] {strides = array<i32>} : memref<16x1024xf32, #tpu.memory_space<vmem>>, vector<1x16xf32>,
        %swap3A_1898 = vector.shape_cast %swap3A_1897 : vector<1x16xf32> to vector<16xf32>
        %swap3A_1899 = vector.shape_cast %add3A_1890 : vector<16xf32> to vector<1x16xf32>
        tpu.vector_store %swap3A_1894[%swap3A_1895, %swap3A_1896], %swap3A_1899 {strides = array<i32>} : memref<16x1024xf32, #tpu.memory_space<vmem>>, vector<1x16xf32>,
        %get3A_1900 = arith.constant 0 : i32
        %get3A_1901 = arith.constant 0 : i32
        %get3A_1902 = tpu.memref_slice %arg7[%scan3A_229, %get3A_1900, %get3A_1901] : memref<2x16x1024xf32, #tpu.memory_space<vmem>> -> memref<1x16x1024xf32, #tpu.memory_space<vmem>>
        %get3A_1903 = tpu.memref_squeeze %get3A_1902 : memref<1x16x1024xf32, #tpu.memory_space<vmem>> -> memref<16x1024xf32, #tpu.memory_space<vmem>>
        %get3A_1904 = arith.index_cast %add3A_263 : i32 to index
        %get3A_1905 = arith.constant 1008 : index
        %get3A_1906 = tpu.vector_load %get3A_1903[%get3A_1904, %get3A_1905] {strides = array<i32>} : memref<16x1024xf32, #tpu.memory_space<vmem>>, vector<1x16xf32>,
        %get3A_1907 = vector.shape_cast %get3A_1906 : vector<1x16xf32> to vector<16xf32>
        %get3A_1908 = arith.constant 0 : i32
        %get3A_1909 = arith.constant 0 : i32
        %get3A_1910 = tpu.memref_slice %arg8[%scan3A_230, %get3A_1908, %get3A_1909] : memref<2x16x1024xf32, #tpu.memory_space<vmem>> -> memref<1x16x1024xf32, #tpu.memory_space<vmem>>
        %get3A_1911 = tpu.memref_squeeze %get3A_1910 : memref<1x16x1024xf32, #tpu.memory_space<vmem>> -> memref<16x1024xf32, #tpu.memory_space<vmem>>
        %get3A_1912 = arith.index_cast %add3A_263 : i32 to index
        %get3A_1913 = arith.constant 1008 : index
        %get3A_1914 = tpu.vector_load %get3A_1911[%get3A_1912, %get3A_1913] {strides = array<i32>} : memref<16x1024xf32, #tpu.memory_space<vmem>>, vector<1x16xf32>,
        %get3A_1915 = vector.shape_cast %get3A_1914 : vector<1x16xf32> to vector<16xf32>
        %add3A_1916 = arith.addf %get3A_1907, %get3A_1915 : vector<16xf32>
        %swap3A_1917 = arith.constant 0 : i32
        %swap3A_1918 = arith.constant 0 : i32
        %swap3A_1919 = tpu.memref_slice %arg9[%scan3A_231, %swap3A_1917, %swap3A_1918] : memref<2x16x1024xf32, #tpu.memory_space<vmem>> -> memref<1x16x1024xf32, #tpu.memory_space<vmem>>
        %swap3A_1920 = tpu.memref_squeeze %swap3A_1919 : memref<1x16x1024xf32, #tpu.memory_space<vmem>> -> memref<16x1024xf32, #tpu.memory_space<vmem>>
        %swap3A_1921 = arith.index_cast %add3A_263 : i32 to index
        %swap3A_1922 = arith.constant 1008 : index
        %swap3A_1923 = tpu.vector_load %swap3A_1920[%swap3A_1921, %swap3A_1922] {strides = array<i32>} : memref<16x1024xf32, #tpu.memory_space<vmem>>, vector<1x16xf32>,
        %swap3A_1924 = vector.shape_cast %swap3A_1923 : vector<1x16xf32> to vector<16xf32>
        %swap3A_1925 = vector.shape_cast %add3A_1916 : vector<16xf32> to vector<1x16xf32>
        tpu.vector_store %swap3A_1920[%swap3A_1921, %swap3A_1922], %swap3A_1925 {strides = array<i32>} : memref<16x1024xf32, #tpu.memory_space<vmem>>, vector<1x16xf32>,
      }
      %scan3A_236 = arith.constant 16 : i32
      %dma_start3A_237 = arith.constant 1 : i32
      %dma_start3A_238 = arith.constant 0 : i32
      %dma_start3A_239 = arith.constant 0 : i32
      %dma_start3A_240 = tpu.memref_slice %arg9[%dma_start3A_237, %dma_start3A_238, %dma_start3A_239] : memref<2x16x1024xf32, #tpu.memory_space<vmem>> -> memref<1x16x1024xf32, #tpu.memory_space<vmem>>
      %dma_start3A_241 = tpu.memref_squeeze %dma_start3A_240 : memref<1x16x1024xf32, #tpu.memory_space<vmem>> -> memref<16x1024xf32, #tpu.memory_space<vmem>>
      %dma_start3A_242 = tpu.memref_reshape %arg5 : memref<2x8192x1024xf32, #tpu.memory_space<hbm>> -> memref<16384x1024xf32, #tpu.memory_space<hbm>>
      %dma_start3A_243 = arith.constant 0 : i32
      %dma_start3A_244 = tpu.memref_slice %dma_start3A_242[%add3A_198, %dma_start3A_243] : memref<16384x1024xf32, #tpu.memory_space<hbm>> -> memref<16x1024xf32, #tpu.memory_space<hbm>>
      %dma_start3A_245 = tpu.memref_reshape %arg5 : memref<2x8192x1024xf32, #tpu.memory_space<hbm>> -> memref<16384x1024xf32, #tpu.memory_space<hbm>>
      %dma_start3A_246 = arith.constant 0 : i32
      %dma_start3A_247 = tpu.memref_slice %dma_start3A_245[%add3A_198, %dma_start3A_246] : memref<16384x1024xf32, #tpu.memory_space<hbm>> -> memref<16x1024xf32, #tpu.memory_space<hbm>>
      %dma_start3A_248 = arith.constant 0 : i32
      %dma_start3A_249 = arith.constant 0 : i32
      %dma_start3A_250 = tpu.memref_slice %arg9[%dma_start3A_237, %dma_start3A_248, %dma_start3A_249] : memref<2x16x1024xf32, #tpu.memory_space<vmem>> -> memref<1x16x1024xf32, #tpu.memory_space<vmem>>
      %dma_start3A_251 = tpu.memref_squeeze %dma_start3A_250 : memref<1x16x1024xf32, #tpu.memory_space<vmem>> -> memref<16x1024xf32, #tpu.memory_space<vmem>>
      tpu.enqueue_dma source(%dma_start3A_251 : memref<16x1024xf32, #tpu.memory_space<vmem>>) target(%dma_start3A_247 : memref<16x1024xf32, #tpu.memory_space<hbm>>) target_semaphore(%arg15 : memref<!tpu.dma_semaphore, #tpu.memory_space<semaphore_mem>>)
      %add3A_252 = arith.constant 2 : i32
      %add3A_253 = arith.addi %add3A_131, %add3A_252 : i32
      %lt3A_254 = arith.constant 32 : i32
      %lt3A_255 = arith.cmpi slt, %add3A_253, %lt3A_254 : i32
      %convert_element_type3A_256 = arith.extui %lt3A_255 : i1 to i32
      %cond3A_257 = arith.constant 0 : i32
      %cond3A_258 = arith.cmpi ne, %convert_element_type3A_256, %cond3A_257 : i32
      scf.if %cond3A_258 {
        %add3A_259 = arith.constant 32 : i32
        %add3A_260 = arith.addi %mul3A_197, %add3A_259 : i32
        %dma_start3A_261 = arith.constant 1 : i32
        %dma_start3A_262 = arith.constant 0 : i32
        %dma_start3A_263 = arith.constant 0 : i32
        %dma_start3A_264 = tpu.memref_slice %arg7[%dma_start3A_261, %dma_start3A_262, %dma_start3A_263] : memref<2x16x1024xf32, #tpu.memory_space<vmem>> -> memref<1x16x1024xf32, #tpu.memory_space<vmem>>
        %dma_start3A_265 = tpu.memref_squeeze %dma_start3A_264 : memref<1x16x1024xf32, #tpu.memory_space<vmem>> -> memref<16x1024xf32, #tpu.memory_space<vmem>>
        %dma_start3A_266 = tpu.memref_slice %arg6[%add3A_260] : memref<512xi32, #tpu.memory_space<vmem>> -> memref<16xi32, #tpu.memory_space<vmem>>
        %dma_start3A_267 = tpu.memref_reshape %arg4 : memref<8192x1x1024xf32, #tpu.memory_space<hbm>> -> memref<8192x1024xf32, #tpu.memory_space<hbm>>
        %dma_start3A_268 = arith.constant 0 : i32
        %dma_start3A_269 = arith.constant 0 : i32
        %dma_start3A_270 = tpu.memref_slice %dma_start3A_267[%dma_start3A_268, %dma_start3A_269] : memref<8192x1024xf32, #tpu.memory_space<hbm>> -> memref<8192x1024xf32, #tpu.memory_space<hbm>>
        tpu.enqueue_indirect_dma source(%dma_start3A_270 : memref<8192x1024xf32, #tpu.memory_space<hbm>>) target(%dma_start3A_265 : memref<16x1024xf32, #tpu.memory_space<vmem>>) offsets(%dma_start3A_266 : memref<16xi32, #tpu.memory_space<vmem>>) semaphore(%arg11 : memref<!tpu.dma_semaphore, #tpu.memory_space<semaphore_mem>>)
        %add3A_271 = arith.addi %mul3A_2, %add3A_260 : i32
        %dma_start3A_272 = arith.constant 1 : i32
        %dma_start3A_273 = arith.constant 0 : i32
        %dma_start3A_274 = arith.constant 0 : i32
        %dma_start3A_275 = tpu.memref_slice %arg8[%dma_start3A_272, %dma_start3A_273, %dma_start3A_274] : memref<2x16x1024xf32, #tpu.memory_space<vmem>> -> memref<1x16x1024xf32, #tpu.memory_space<vmem>>
        %dma_start3A_276 = tpu.memref_squeeze %dma_start3A_275 : memref<1x16x1024xf32, #tpu.memory_space<vmem>> -> memref<16x1024xf32, #tpu.memory_space<vmem>>
        %dma_start3A_277 = tpu.memref_reshape %arg2 : memref<2x8192x1024xf32, #tpu.memory_space<hbm>> -> memref<16384x1024xf32, #tpu.memory_space<hbm>>
        %dma_start3A_278 = arith.constant 0 : i32
        %dma_start3A_279 = tpu.memref_slice %dma_start3A_277[%add3A_271, %dma_start3A_278] : memref<16384x1024xf32, #tpu.memory_space<hbm>> -> memref<16x1024xf32, #tpu.memory_space<hbm>>
        %dma_start3A_280 = arith.constant 0 : i32
        %dma_start3A_281 = arith.constant 0 : i32
        %dma_start3A_282 = tpu.memref_slice %arg8[%dma_start3A_272, %dma_start3A_280, %dma_start3A_281] : memref<2x16x1024xf32, #tpu.memory_space<vmem>> -> memref<1x16x1024xf32, #tpu.memory_space<vmem>>
        %dma_start3A_283 = tpu.memref_squeeze %dma_start3A_282 : memref<1x16x1024xf32, #tpu.memory_space<vmem>> -> memref<16x1024xf32, #tpu.memory_space<vmem>>
        %dma_start3A_284 = tpu.memref_reshape %arg2 : memref<2x8192x1024xf32, #tpu.memory_space<hbm>> -> memref<16384x1024xf32, #tpu.memory_space<hbm>>
        %dma_start3A_285 = arith.constant 0 : i32
        %dma_start3A_286 = tpu.memref_slice %dma_start3A_284[%add3A_271, %dma_start3A_285] : memref<16384x1024xf32, #tpu.memory_space<hbm>> -> memref<16x1024xf32, #tpu.memory_space<hbm>>
        tpu.enqueue_dma source(%dma_start3A_286 : memref<16x1024xf32, #tpu.memory_space<hbm>>) target(%dma_start3A_283 : memref<16x1024xf32, #tpu.memory_space<vmem>>) target_semaphore(%arg13 : memref<!tpu.dma_semaphore, #tpu.memory_space<semaphore_mem>>)
      } else {
      }
    }
    %scan3A_93 = arith.constant 16 : i32
    %add3A_94 = arith.constant 480 : i32
    %add3A_95 = arith.addi %mul3A_2, %add3A_94 : i32
    %dma_wait3A = arith.constant 0 : i32
    %dma_wait3A_96 = arith.constant 0 : i32
    %dma_wait3A_97 = arith.constant 0 : i32
    %dma_wait3A_98 = tpu.memref_slice %arg9[%dma_wait3A, %dma_wait3A_96, %dma_wait3A_97] : memref<2x16x1024xf32, #tpu.memory_space<vmem>> -> memref<1x16x1024xf32, #tpu.memory_space<vmem>>
    %dma_wait3A_99 = tpu.memref_squeeze %dma_wait3A_98 : memref<1x16x1024xf32, #tpu.memory_space<vmem>> -> memref<16x1024xf32, #tpu.memory_space<vmem>>
    %dma_wait3A_100 = tpu.memref_reshape %arg5 : memref<2x8192x1024xf32, #tpu.memory_space<hbm>> -> memref<16384x1024xf32, #tpu.memory_space<hbm>>
    %dma_wait3A_101 = arith.constant 0 : i32
    %dma_wait3A_102 = tpu.memref_slice %dma_wait3A_100[%add3A_95, %dma_wait3A_101] : memref<16384x1024xf32, #tpu.memory_space<hbm>> -> memref<16x1024xf32, #tpu.memory_space<hbm>>
    %dma_wait3A_103 = tpu.memref_reshape %arg5 : memref<2x8192x1024xf32, #tpu.memory_space<hbm>> -> memref<16384x1024xf32, #tpu.memory_space<hbm>>
    %dma_wait3A_104 = arith.constant 0 : i32
    %dma_wait3A_105 = tpu.memref_slice %dma_wait3A_103[%add3A_95, %dma_wait3A_104] : memref<16384x1024xf32, #tpu.memory_space<hbm>> -> memref<16x1024xf32, #tpu.memory_space<hbm>>
    %dma_wait3A_106 = arith.constant 0 : i32
    %dma_wait3A_107 = arith.constant 0 : i32
    %dma_wait3A_108 = tpu.memref_slice %arg9[%dma_wait3A, %dma_wait3A_106, %dma_wait3A_107] : memref<2x16x1024xf32, #tpu.memory_space<vmem>> -> memref<1x16x1024xf32, #tpu.memory_space<vmem>>
    %dma_wait3A_109 = tpu.memref_squeeze %dma_wait3A_108 : memref<1x16x1024xf32, #tpu.memory_space<vmem>> -> memref<16x1024xf32, #tpu.memory_space<vmem>>
    tpu.wait_dma2 semaphore(%arg14 : memref<!tpu.dma_semaphore, #tpu.memory_space<semaphore_mem>>) src(%dma_wait3A_109 : memref<16x1024xf32, #tpu.memory_space<vmem>>) dst(%dma_wait3A_105 : memref<16x1024xf32, #tpu.memory_space<hbm>>)
    %add3A_110 = arith.constant 496 : i32
    %add3A_111 = arith.addi %mul3A_2, %add3A_110 : i32
    %dma_wait3A_112 = arith.constant 1 : i32
    %dma_wait3A_113 = arith.constant 0 : i32
    %dma_wait3A_114 = arith.constant 0 : i32
    %dma_wait3A_115 = tpu.memref_slice %arg9[%dma_wait3A_112, %dma_wait3A_113, %dma_wait3A_114] : memref<2x16x1024xf32, #tpu.memory_space<vmem>> -> memref<1x16x1024xf32, #tpu.memory_space<vmem>>
    %dma_wait3A_116 = tpu.memref_squeeze %dma_wait3A_115 : memref<1x16x1024xf32, #tpu.memory_space<vmem>> -> memref<16x1024xf32, #tpu.memory_space<vmem>>
    %dma_wait3A_117 = tpu.memref_reshape %arg5 : memref<2x8192x1024xf32, #tpu.memory_space<hbm>> -> memref<16384x1024xf32, #tpu.memory_space<hbm>>
    %dma_wait3A_118 = arith.constant 0 : i32
    %dma_wait3A_119 = tpu.memref_slice %dma_wait3A_117[%add3A_111, %dma_wait3A_118] : memref<16384x1024xf32, #tpu.memory_space<hbm>> -> memref<16x1024xf32, #tpu.memory_space<hbm>>
    %dma_wait3A_120 = tpu.memref_reshape %arg5 : memref<2x8192x1024xf32, #tpu.memory_space<hbm>> -> memref<16384x1024xf32, #tpu.memory_space<hbm>>
    %dma_wait3A_121 = arith.constant 0 : i32
    %dma_wait3A_122 = tpu.memref_slice %dma_wait3A_120[%add3A_111, %dma_wait3A_121] : memref<16384x1024xf32, #tpu.memory_space<hbm>> -> memref<16x1024xf32, #tpu.memory_space<hbm>>
    %dma_wait3A_123 = arith.constant 0 : i32
    %dma_wait3A_124 = arith.constant 0 : i32
    %dma_wait3A_125 = tpu.memref_slice %arg9[%dma_wait3A_112, %dma_wait3A_123, %dma_wait3A_124] : memref<2x16x1024xf32, #tpu.memory_space<vmem>> -> memref<1x16x1024xf32, #tpu.memory_space<vmem>>
    %dma_wait3A_126 = tpu.memref_squeeze %dma_wait3A_125 : memref<1x16x1024xf32, #tpu.memory_space<vmem>> -> memref<16x1024xf32, #tpu.memory_space<vmem>>
    tpu.wait_dma2 semaphore(%arg15 : memref<!tpu.dma_semaphore, #tpu.memory_space<semaphore_mem>>) src(%dma_wait3A_126 : memref<16x1024xf32, #tpu.memory_space<vmem>>) dst(%dma_wait3A_122 : memref<16x1024xf32, #tpu.memory_space<hbm>>)
    return
  }
}

</mosaic_0001>

<sc_bundles>
// kernel: kernel.3.cloned.1.call-start
scs
__scs_entry_jumppad:
0x0: {  	(pc) =	sbr.rel $0x88, $3  }
0x1: {  	(tag) =	ssettag $0x0;
	lr =	simm.s32 $0x1  }
0x2: {  	[smem:$0x3F9E] =	sst lr;
	_ =	strace $0xD0000000  }
0x3: {  	_ = 	snop  }
0x4: {  	_ = 	snop  }
0x5: {  	_ = 	snop  }
0x6: {  	_ = 	snop  }
0x7: {  	_ = 	snop  }
__scs_overlays_trampoline_lowered:
0x8: {  	[smem:$0x3FAD] =	sst s0  }
0x9: {  	[smem:$0x3FAE] =	sst s1  }
0xa: {  	[smem:$0x3FAF] =	sst s2  }
0xb: {  	[smem:$0x3FB0] =	sst s3  }
0xc: {  	[smem:$0x3FB1] =	sst s4  }
0xd: {  	[smem:$0x3FB2] =	sst s5  }
0xe: {  	[smem:$0x3FB3] =	sst s6  }
0xf: {  	[smem:$0x3FB4] =	sst s7  }
0x10: {  	[smem:$0x3FB5] =	sst s8  }
0x11: {  	[smem:$0x3FB6] =	sst s9;
	s0 =	simm.s32 @!p0 $0x0  }
0x12: {  	s1 =	sld [smem:$0x3F9C];
	s0 =	simm.s32 @p0 $0x1  }
0x13: {  	[smem:$0x3FB7] =	sst s0;
	s0 =	simm.s32 @!p1 $0x0  }
0x14: {  	s2 =	sld [smem:$0x3F9B];
	s0 =	simm.s32 @p1 $0x1  }
0x15: {  	[smem:$0x3FB8] =	sst s0;
	s0 =	simm.s32 @!p2 $0x0  }
0x16: {  	s3 =	sld [smem:$0x3FDB];
	s0 =	simm.s32 @p2 $0x1  }
0x17: {  	s4 =	simm.s32 $0x1BF5;
	[smem:$0x3FBA] =	sst s0  }
0x18: {  	s0 =	sld [smem:$0x3F9D];
	_ =	swait.ge [sflag:s4], $0x0  }
0x19: {  	s7 =	sld [smem:$0x3F9E]  }
0x1a: {  	s8 =	sadd.s32 $0xFFFFE003, lr  }
0x1b: {  	s9 =	sadd.s32 $0xFFFFFEF7, lr;
	s5 =	simm.s32 $0xFFFFFFFF;
	p2 =	slt.u32 s8, $0xFFFFF086  }
0x1c: {  	p1 =	slt.u32 s9, $0xF7A;
	s5 =	simm.s32 @!p2 $0x0  }
0x1d: {  	s5 =	simm.s32 @p1 $0x1;
	p0 =	seq.s32 s7, s2  }
0x1e: {  	s7 =	smul.u32 @!p0 $0xF7A, s2;
	p2 =	seq.s32 @!p0 s5, $0x0  }
0x1f: {  	s9 =	smul.u32 $0xF7A, s1;
	s8 =	simm.s32 @!p0 $0x1BF5;
	p2 =	por !p2, p0  }
0x20: {  	[sflag:s8] =	ssyncset.s32 @!p0 $0xFFFFF086;
	s6 =	sadd.s32 @!p0 s3, s7;
	s7 =	simm.s32 @!p0 $0x108  }
0x21: {  	s3 =	sadd.s32 s3, s9;
	s6 =	sadd.s32 @!p0 $0x88, s6;
	s7 =	simm.s32 @p2 $0x1082  }
0x22: {  	[simem:s7], [sflag:s8] =	dma.local @!p0 [hbm:s6], $0xF7A  }
0x23: {  	s9 =	sor.u32 $0xD0000000, s2;
	s6 =	simm.s32 $0x108;
	_ =	swait.ge @!p0 [sflag:s8], $0x0  }
0x24: {  	s3 =	sadd.s32 $0x88, s3;
	s6 =	simm.s32 @!p1 $0x1082;
	[sflag:s4] =	ssyncset.s32 $0xFFFFF086  }
0x25: {  	[simem:s6], [sflag:s4] =	dma.local [hbm:s3], $0xF7A  }
0x26: {  	[smem:$0x3F9E] =	sst s1;
	(tag) =	ssettag s2;
	_ =	strace s9  }
0x27: {  	s1 =	sld [smem:$0x3FAE]  }
0x28: {  	s2 =	sld [smem:$0x3FAF]  }
0x29: {  	s4 =	sld [smem:$0x3FB1]  }
0x2a: {  	p0 =	seq.s32 s5, $0x0;
	s5 =	sld [smem:$0x3FB2]  }
0x2b: {  	s6 =	sld [smem:$0x3FB3]  }
0x2c: {  	s7 =	sld [smem:$0x3FB4]  }
0x2d: {  	s3 =	simm.s32 $0x108;
	s8 =	sld [smem:$0x3FB5]  }
0x2e: {  	s3 =	simm.s32 @!p0 $0x1082;
	s9 =	sld [smem:$0x3FB6]  }
0x2f: {  	lr =	sadd.s32 s0, s3;
	s0 =	sld [smem:$0x3FAD]  }
0x30: {  	s3 =	sld [smem:$0x3FB0]  }
0x31: {  	[smem:$0x3FB9] =	sst s10  }
0x32: {  	s10 =	sld [smem:$0x3FB7];
	_ =	sdelay $0x3  }
0x33: {  	p0 =	seq.s32 s10, $0x1;
	s10 =	sld [smem:$0x3FB9];
	_ =	sdelay $0x3  }
0x34: {  	[smem:$0x3FB9] =	sst s10  }
0x35: {  	s10 =	sld [smem:$0x3FB8];
	_ =	sdelay $0x3  }
0x36: {  	p1 =	seq.s32 s10, $0x1;
	s10 =	sld [smem:$0x3FB9];
	_ =	sdelay $0x3  }
0x37: {  	[smem:$0x3FB9] =	sst s10  }
0x38: {  	s10 =	sld [smem:$0x3FBA]  }
0x39: {  	_ = 	snop;
	(pc) =	sbr.ind lr, $3  }
0x3a: {  	_ = 	snop  }
0x3b: {  	_ = 	snop  }
0x3c: {  	p2 =	seq.s32 s10, $0x1;
	s10 =	sld [smem:$0x3FB9]  }
0x3d: {  	_ =	shalt  }
0x3e: {  	_ =	shalt  }
0x3f: {  	_ =	shalt  }
0x40: {  	_ =	shalt  }
0x41: {  	_ =	shalt  }
0x42: {  	_ =	shalt  }
0x43: {  	_ =	shalt  }
0x44: {  	_ =	shalt  }
0x45: {  	_ =	shalt  }
0x46: {  	_ =	shalt  }
0x47: {  	_ =	shalt  }
0x48: {  	_ =	shalt  }
0x49: {  	_ =	shalt  }
0x4a: {  	_ =	shalt  }
0x4b: {  	_ =	shalt  }
0x4c: {  	_ =	shalt  }
0x4d: {  	_ =	shalt  }
0x4e: {  	_ =	shalt  }
0x4f: {  	_ =	shalt  }
0x50: {  	_ =	shalt  }
0x51: {  	_ =	shalt  }
0x52: {  	_ =	shalt  }
0x53: {  	_ =	shalt  }
0x54: {  	_ =	shalt  }
0x55: {  	_ =	shalt  }
0x56: {  	_ =	shalt  }
0x57: {  	_ =	shalt  }
0x58: {  	_ =	shalt  }
0x59: {  	_ =	shalt  }
0x5a: {  	_ =	shalt  }
0x5b: {  	_ =	shalt  }
0x5c: {  	_ =	shalt  }
0x5d: {  	_ =	shalt  }
0x5e: {  	_ =	shalt  }
0x5f: {  	_ =	shalt  }
0x60: {  	_ =	shalt  }
0x61: {  	_ =	shalt  }
0x62: {  	_ =	shalt  }
0x63: {  	_ =	shalt  }
0x64: {  	_ =	shalt  }
0x65: {  	_ =	shalt  }
0x66: {  	_ =	shalt  }
0x67: {  	_ =	shalt  }
0x68: {  	_ =	shalt  }
0x69: {  	_ =	shalt  }
0x6a: {  	_ =	shalt  }
0x6b: {  	_ =	shalt  }
0x6c: {  	_ =	shalt  }
0x6d: {  	_ =	shalt  }
0x6e: {  	_ =	shalt  }
0x6f: {  	_ =	shalt  }
0x70: {  	_ =	shalt  }
0x71: {  	_ =	shalt  }
0x72: {  	_ =	shalt  }
0x73: {  	_ =	shalt  }
0x74: {  	_ =	shalt  }
0x75: {  	_ =	shalt  }
0x76: {  	_ =	shalt  }
0x77: {  	_ =	shalt  }
0x78: {  	_ =	shalt  }
0x79: {  	_ =	shalt  }
0x7a: {  	_ =	shalt  }
0x7b: {  	_ =	shalt  }
0x7c: {  	_ =	shalt  }
0x7d: {  	_ =	shalt  }
0x7e: {  	_ =	shalt  }
0x7f: {  	_ =	shalt  }
0x80: {  	_ =	shalt  }
0x81: {  	_ =	shalt  }
0x82: {  	_ =	shalt  }
0x83: {  	_ =	shalt  }
0x84: {  	_ =	shalt  }
0x85: {  	_ =	shalt  }
0x86: {  	_ =	shalt  }
0x87: {  	_ =	shalt  }
.Lfunc_end0:
.L_simem_size_0:
called_computation_lowered:
.L_overlay_start_0:
0x88: {  	s2 =	sld [smem:$0x3FD9]  }
0x89: {  	s3 =	sld [smem:$0x3FFE];
	_ =	sdelay $0x1  }
0x8a: {  	s1 =	srdreg.scid  }
0x8b: {  	s0 =	sand.u32 $0x1, s1  }
0x8c: {  	s18 =	sshll.u32 s0, $0xA;
	s2 =	sadd.s32 s3, s2  }
0x8d: {  	s2 =	sadd.s32 s2, s18  }
0x8e: {  	[smem:$0x3FC5] =	sst s2  }
0x8f: {  	_ = 	snop  }
0x90: {  	s2 =	sld [smem:$0x3FC9]  }
0x91: {  	s19 =	sld [smem:$0x3FC8]  }
0x92: {  	s4 =	sld [smem:$0x3FC7]  }
0x93: {  	s5 =	sld [smem:$0x3FD0];
	(tm) =	ssettm $0x1  }
0x94: {  	s6 =	sld [smem:$0x3FFB];
	_ =	sdelay $0x3  }
0x95: {  	_ =	strace s6  }
0x96: {  	s6 =	sld [smem:$0x3FFC];
	_ =	sdelay $0x3  }
0x97: {  	_ =	strace s6  }
0x98: {  	s6 =	sld [smem:$0x3FFD];
	_ =	sdelay $0x3  }
0x99: {  	_ =	strace s6  }
0x9a: {  	_ =	strace $0x8FFFFFFF  }
0x9b: {  	s20 =	sld [smem:$0x3FDB];
	_ =	sdelay $0x1  }
0x9c: {  	s7 =	simm.s32 $_scs_section_size  }
0x9d: {  	s8 =	simm.s32 $_size__tile_overlayer_lowered;
	s9 =	simm.s32 $_tile_overlayer_lowered  }
0x9e: {  	s23 =	simm.s32 $0x1BFF;
	s22 =	sshll.u32 s9, $0x1;
	s6 =	sadd.s32 s7, s20  }
0x9f: {  	s10 =	simm.s32 $0x0;
	s21 =	sshll.u32 s8, $0x1;
	s8 =	sadd.s32 s22, s6  }
0xa0: {  	[timem:s10], [sflag:s23] =	dma.local [hbm:s8], s21  }
0xa1: {  	_ =	swait.ge [sflag:s23], s21  }
0xa2: {  	s7 =	ssub.s32 $0x0, s21;
	[sflag:s23] =	ssyncset.done $0x0  }
0xa3: {  	[sflag:s23] =	ssyncadd.s32 s7;
	_ =	sdelay $0x1  }
0xa4: {  	s24 =	simm.s32 $0x1B8B  }
0xa5: {  	_ =	swait.ge [sflag:s24], $0x1  }
0xa6: {  	[sflag:s24] =	ssyncset.done $0x0  }
0xa7: {  	s25 =	simm.s32 $0x1B8E;
	[sflag:s24] =	ssyncadd.s32 $0xFFFFFFFF  }
0xa8: {  	s26 =	simm.s32 $execute0_lowered;
	[smem:$0x3FD2] =	sst s25  }
0xa9: {  	s7 =	sshll.u32 s26, $0x1;
	_ =	strace $0x80000046;
	[dreg:$0x1] =	wrdreg $0xFFFFFFFF  }
0xaa: {  	s28 =	simm.s32 $_size_execute0_lowered;
	s6 =	sadd.s32 s6, s7;
	[dreg:$0x0] =	wrdreg $0x0  }
0xab: {  	s7 =	sshll.u32 s28, $0x1;
	[dreg:$0x2] =	wrdreg s6  }
0xac: {  	[dreg:$0x3] =	wrdreg s7  }
0xad: {  	[dreg:$0x4] =	wrdreg $0xC0  }
0xae: {  	_ =	task [dreg:s10], $0x5FFFF  }
0xaf: {  	[dreg:$0x1] =	wrdreg $0xFFFFFFFF  }
0xb0: {  	[dreg:$0x0] =	wrdreg $0x60  }
0xb1: {  	[dreg:$0x2] =	wrdreg s2  }
0xb2: {  	[dreg:$0x3] =	wrdreg s19  }
0xb3: {  	[dreg:$0x4] =	wrdreg s4  }
0xb4: {  	[dreg:$0x5] =	wrdreg s5  }
0xb5: {  	[dreg:$0x6] =	wrdreg $0x9  }
0xb6: {  	_ =	task.clear_ibuf [dreg:s10], $0x7FFFF;
	_ =	strace $0x90000046  }
0xb7: {  	s29 =	simm.s32 $0x9;
	_ =	strace $0x80000048  }
0xb8: {  	_ =	swait.ge [sflag:s29], $0x1  }
0xb9: {  	[sflag:s29] =	ssyncadd.s32 $0xFFFFFFFF  }
0xba: {  	_ =	strace $0x90000048  }
0xbb: {  	_ =	sfence  }
0xbc: {  	s30 =	sld [smem:$0x0];
	_ =	sdelay $0x2  }
0xbd: {  	s31 =	sshll.u32 s1, $0xD;
	s1 =	sshrl.u32 s1, $0x2  }
0xbe: {  	s3 =	sand.u32 $0x4000, s31;
	s1 =	sadd.s32 s1, s30  }
0xbf: {  	s0 =	sor.u32 s3, s0;
	s1 =	sshll.u32 s1, $0x11  }
0xc0: {  	s0 =	sor.u32 s1, s0  }
0xc1: {  	s0 =	sadd.s32 $0x8F2B, s0  }
0xc2: {  	[sflag:s0] =	ssyncadd.remote.s32 $0x1  }
0xc3: {  	_ =	sfence.sel $0xFFFF  }
0xc4: {  	[dreg:$0x0] =	wrdreg $0xFFFFFFFF;
	(pc) =	sbr.abs _section_cstart, $3  }
0xc5: {  	[dreg:$0x1] =	wrdreg $0xFFFFFFFF  }
0xc6: {  	_ =	task.clear_ibuf [dreg:s10], $0x2FFFF;
	_ =	strace $0x9FFFFFFF  }
0xc7: {  	(tm) =	ssettm $0x7FFFFFFF  }
tec
execute0_lowered:
.L_overlay_start_1:
0x0: {  	(tag) =	ssettag $0x1  }
0x1: {  	s1 =	rddreg [dreg:$0x0]  }
0x2: {  	s0 =	rddreg [dreg:$0x1]  }
0x3: {  	s2 =	rddreg [dreg:$0x2]  }
0x4: {  	s4 =	rddreg [dreg:$0x3];
	s5 =	simm.s32 $0x0;
	s3 =	srdreg.scid  }
0x5: {  	s6 =	stileid.u32;
	s28 =	simm.s32 $0x4A00;
	s29 =	simm.s32 $0x5200  }
0x6: {  	s30 =	simm.s32 $0x5A00;
	s31 =	simm.s32 $0x6200;
	s14 =	simm.s32 $0x7A00  }
0x7: {  	s15 =	simm.s32 $0xC200;
	s17 =	simm.s32 $0x1;
	s18 =	simm.s32 $0x3  }
0x8: {  	s19 =	simm.s32 $0x10200;
	s20 =	simm.s32 $0x2;
	s21 =	simm.s32 $0x4  }
0x9: {  	s22 =	simm.s32 $0x14200;
	s12 =	simm.s32 $0x0;
	[smem:$0x7FF] =	sst s5  }
0xa: {  	s3 =	sand.u32 $0x1, s3;
	s6 =	sshll.u32 s6, $0x1;
	s11 =	sadd.s32 $0x60, s2  }
0xb: {  	_ =	strace $0x80000047;
	s7 =	ssub.s32 $0x2, s3;
	s3 =	sor.u32 s3, s6  }
0xc: {  	s6 =	sand.u32 $0x10, s6;
	s8 =	sshrl.u32 s7, $0x1;
	s9 =	sshll.u32 s3, $0x7  }
0xd: {  	s0 =	sadd.s32 s0, s6;
	s6 =	sshll.u32 s3, $0x9;
	s24 =	sand.u32 $0x780, s9  }
.Ltmp0:
0xe: {  	s7 =	ssub.s32 s7, s8;
	s0 =	sadd.s32 s24, s0;
	(pc) =	sbr.rel .LBB2_1-.Ltmp0, $4  }
0xf: {  	s25 =	sshll.u32 s3, $0x10;
	s26 =	smax.u32 s7, $0x1;
	[dreg:$0x5] =	wrdreg s0  }
0x10: {  	s3 =	simm.s32 $0x7200;
	s0 =	sadd.s32 s1, s25;
	[dreg:$0x8] =	wrdreg s26  }
0x11: {  	v2 =	vlaneseq.u32;
	vm0 =	vmmov $0xffff;
	s8 =	sadd.s32 $0x20, s2;
	[dreg:$0x6] =	wrdreg s0;
	s0 =	sadd.s32 $0x800, s0  }
0x12: {  	v0 =	vand.u32 $0x7, v2;
	v1 =	vshrl.u32 v2, $0x3;
	v2 =	vor.u32 $0x8, v2;
	s9 =	sadd.s32 $0x40, s2;
	[dreg:$0x7] =	wrdreg s0;
	s0 =	simm.s32 $0x6A00  }
.LBB2_8:
0x13: {  	s7 =	simm.s32 $0x5  }
0x14: {  	_ =	swait.ge [sflag:s7], $0x4000  }
0x15: {  	[sflag:s7] =	ssyncset.done $0x0  }
0x16: {  	s10 =	simm.s32 $0x6;
	[sflag:s7] =	ssyncadd.s32 $0xFFFFC000  }
0x17: {  	_ =	swait.ge [sflag:s10], $0x4000  }
0x18: {  	s12 =	rddreg [dreg:$0x9]  }
0x19: {  	s26 =	rddreg [dreg:$0x8];
	s12 =	sadd.s32 $0x1, s12  }
0x1a: {  	p0 =	sne.s32 s12, s26  }
.Ltmp1:
0x1b: {  	_ = 	snop;
	(pc) =	sbr.rel @!p0 .LBB2_9-.Ltmp1, $3  }
0x1c: {  	_ =	sdelay $0x1  }
0x1d: {  	[sflag:s10] =	ssyncset.done $0x0  }
0x1e: {  	[sflag:s10] =	ssyncadd.s32 $0xFFFFC000  }
.LBB2_1:
0x1f: {  	[dreg:$0x9] =	wrdreg s12  }
0x20: {  	s7 =	rddreg [dreg:$0x5]  }
0x21: {  	s10 =	simm.s32 $0x80;
	s13 =	simm.s32 $0x100;
	s16 =	simm.s32 $0x7  }
0x22: {  	[tilespmem:s5], [sflag:$0x7] =	stream.strided.gather [hbm4b:s7+s10], $0x200, s13, s10, $0x38;
	[tilespmem:$0x18200] =	vst v63  }
0x23: {  	_ =	swait.ge [sflag:s16], $0x200  }
0x24: {  	[sflag:s16] =	ssyncset.done $0x0  }
0x25: {  	[sflag:s16] =	ssyncadd.s32 $0xFFFFFE00  }
0x26: {  	v3 =	vld [tilespmem:$0x0];
	_ =	sdelay $0x4  }
0x27: {  	v3 =	vshll.u32 v3, $0x3  }
0x28: {  	v4 =	vperm.xlane v3, v0;
	_ =	sdelay $0x1  }
0x29: {  	v4 =	vadd.s32 v1, v4;
	_ =	sdelay $0x3  }
0x2a: {  	s23 =	simm.s32 $0x200  }
0x2b: {  	[tilespmem:s23], [sflag:$0x1] =	stream.indirect_vreg.gather [hbm4b:s2+s5], $0x80, v4, vm0, $0xb8;
	[tilespmem:$0x18200] =	vst v63  }
0x2c: {  	s24 =	simm.s32 $0xA00;
	v3 =	vperm.xlane v3, v2  }
0x2d: {  	[tilespmem:s24], [sflag:$0x1] =	stream.indirect_vreg.gather [hbm4b:s8+s5], $0x80, v4, vm0, $0xb8;
	[tilespmem:$0x18200] =	vst v63  }
0x2e: {  	s25 =	simm.s32 $0x1200;
	v3 =	vadd.s32 v1, v3  }
0x2f: {  	[tilespmem:s25], [sflag:$0x1] =	stream.indirect_vreg.gather [hbm4b:s9+s5], $0x80, v4, vm0, $0xb8;
	[tilespmem:$0x18200] =	vst v63  }
0x30: {  	s26 =	simm.s32 $0x1A00  }
0x31: {  	[tilespmem:s26], [sflag:$0x1] =	stream.indirect_vreg.gather [hbm4b:s11+s5], $0x80, v4, vm0, $0xb8;
	[tilespmem:$0x18200] =	vst v63  }
0x32: {  	s10 =	simm.s32 $0x2200  }
0x33: {  	[tilespmem:s10], [sflag:$0x1] =	stream.indirect_vreg.gather [hbm4b:s2+s5], $0x80, v3, vm0, $0xb8;
	[tilespmem:$0x18200] =	vst v63  }
0x34: {  	s12 =	simm.s32 $0x2A00  }
0x35: {  	[tilespmem:s12], [sflag:$0x1] =	stream.indirect_vreg.gather [hbm4b:s8+s5], $0x80, v3, vm0, $0xb8;
	[tilespmem:$0x18200] =	vst v63  }
0x36: {  	s13 =	simm.s32 $0x3200  }
0x37: {  	[tilespmem:s13], [sflag:$0x1] =	stream.indirect_vreg.gather [hbm4b:s9+s5], $0x80, v3, vm0, $0xb8;
	[tilespmem:$0x18200] =	vst v63  }
0x38: {  	s16 =	simm.s32 $0x3A00  }
0x39: {  	[tilespmem:s16], [sflag:$0x1] =	stream.indirect_vreg.gather [hbm4b:s11+s5], $0x80, v3, vm0, $0xb8;
	[tilespmem:$0x18200] =	vst v63  }
0x3a: {  	s23 =	rddreg [dreg:$0x6];
	s24 =	simm.s32 $0x8200  }
0x3b: {  	[tilespmem:s24], [sflag:$0x3] =	stream.linear.gather [hbm4b:s23+s5], $0x4000, $0x38;
	[tilespmem:$0x18200] =	vst v63  }
0x3c: {  	v3 =	vld [tilespmem:$0x10];
	_ =	sdelay $0x4  }
0x3d: {  	v3 =	vshll.u32 v3, $0x3  }
0x3e: {  	v63 =	vperm.xlane v3, v0;
	_ =	sdelay $0x1  }
0x3f: {  	v4 =	vadd.s32 v1, v63;
	_ =	sdelay $0x3  }
0x40: {  	s25 =	simm.s32 $0x4200  }
0x41: {  	[tilespmem:s25], [sflag:$0x2] =	stream.indirect_vreg.gather [hbm4b:s2+s5], $0x80, v4, vm0, $0xb8;
	[tilespmem:$0x18200] =	vst v63  }
0x42: {  	v3 =	vperm.xlane v3, v2  }
0x43: {  	[tilespmem:s28], [sflag:$0x2] =	stream.indirect_vreg.gather [hbm4b:s8+s5], $0x80, v4, vm0, $0xb8;
	[tilespmem:$0x18200] =	vst v63  }
0x44: {  	v3 =	vadd.s32 v1, v3  }
0x45: {  	[tilespmem:s29], [sflag:$0x2] =	stream.indirect_vreg.gather [hbm4b:s9+s5], $0x80, v4, vm0, $0xb8;
	[tilespmem:$0x18200] =	vst v63  }
0x46: {  	_ = 	snop  }
0x47: {  	[tilespmem:s30], [sflag:$0x2] =	stream.indirect_vreg.gather [hbm4b:s11+s5], $0x80, v4, vm0, $0xb8;
	[tilespmem:$0x18200] =	vst v63  }
0x48: {  	_ = 	snop  }
0x49: {  	[tilespmem:s31], [sflag:$0x2] =	stream.indirect_vreg.gather [hbm4b:s2+s5], $0x80, v3, vm0, $0xb8;
	[tilespmem:$0x18200] =	vst v63  }
0x4a: {  	_ = 	snop  }
0x4b: {  	[tilespmem:s0], [sflag:$0x2] =	stream.indirect_vreg.gather [hbm4b:s8+s5], $0x80, v3, vm0, $0xb8;
	[tilespmem:$0x18200] =	vst v63  }
0x4c: {  	_ = 	snop  }
0x4d: {  	[tilespmem:s3], [sflag:$0x2] =	stream.indirect_vreg.gather [hbm4b:s9+s5], $0x80, v3, vm0, $0xb8;
	[tilespmem:$0x18200] =	vst v63  }
0x4e: {  	_ = 	snop  }
0x4f: {  	[tilespmem:s14], [sflag:$0x2] =	stream.indirect_vreg.gather [hbm4b:s11+s5], $0x80, v3, vm0, $0xb8;
	[tilespmem:$0x18200] =	vst v63  }
0x50: {  	s7 =	simm.s32 $0x0;
	s26 =	rddreg [dreg:$0x7]  }
0x51: {  	[tilespmem:s15], [sflag:$0x4] =	stream.linear.gather [hbm4b:s26+s5], $0x4000, $0x38;
	[tilespmem:$0x18200] =	vst v63  }
.LBB2_2:
0x52: {  	_ =	swait.ge [sflag:s17], $0x4000  }
0x53: {  	[sflag:s17] =	ssyncset.done $0x0  }
0x54: {  	[sflag:s17] =	ssyncadd.s32 $0xFFFFC000  }
0x55: {  	_ =	swait.ge [sflag:s18], $0x4000  }
0x56: {  	p0 =	seq.s32 s7, $0x0;
	[sflag:s18] =	ssyncset.done $0x0  }
0x57: {  	s10 =	simm.s32 @!p0 $0x5;
	[sflag:s18] =	ssyncadd.s32 $0xFFFFC000  }
0x58: {  	s12 =	sshll.u32 s7, $0x5;
	s16 =	simm.s32 $0xFFFFC000;
	_ =	swait.ge @!p0 [sflag:s10], $0x4000  }
0x59: {  	s23 =	simm.s32 $0x0;
	s24 =	simm.s32 $0x0;
	[sflag:s10] =	ssyncset.done @!p0 $0x0  }
0x5a: {  	s13 =	sadd.s32 s6, s12;
	[sflag:s10] =	ssyncadd.s32 @!p0 $0xFFFFC000;
	s10 =	simm.s32 $0x0  }
.LBB2_3:
0x5b: {  	s25 =	sadd.s32 $0x4000, s16  }
0x5c: {  	s26 =	sand.u32 $0x380, s24;
	s25 =	sand.u32 $0x2000, s25  }
0x5d: {  	s25 =	sor.u32 s26, s25  }
0x5e: {  	v3 =	vld [tilespmem:s25+$0x200]  }
0x5f: {  	v4 =	vld [tilespmem:s25+$0x8200]  }
0x60: {  	v5 =	vld [tilespmem:s25+$0x210]  }
0x61: {  	v6 =	vld [tilespmem:s25+$0x8210]  }
0x62: {  	v7 =	vld [tilespmem:s25+$0x220]  }
0x63: {  	v8 =	vld [tilespmem:s25+$0x8220]  }
0x64: {  	v9 =	vld [tilespmem:s25+$0x230]  }
0x65: {  	v10 =	vld [tilespmem:s25+$0x8230]  }
0x66: {  	v11 =	vld [tilespmem:s25+$0x240]  }
0x67: {  	v12 =	vld [tilespmem:s25+$0x8240]  }
0x68: {  	v13 =	vld [tilespmem:s25+$0x250]  }
0x69: {  	v14 =	vld [tilespmem:s25+$0x8250]  }
0x6a: {  	v15 =	vld [tilespmem:s25+$0x260]  }
0x6b: {  	v16 =	vld [tilespmem:s25+$0x8260]  }
0x6c: {  	v17 =	vld [tilespmem:s25+$0x270]  }
0x6d: {  	v18 =	vld [tilespmem:s25+$0x8270]  }
0x6e: {  	v19 =	vld [tilespmem:s25+$0x600]  }
0x6f: {  	v20 =	vld [tilespmem:s25+$0x8600]  }
0x70: {  	v21 =	vld [tilespmem:s25+$0x610]  }
0x71: {  	v22 =	vld [tilespmem:s25+$0x8610]  }
0x72: {  	v23 =	vld [tilespmem:s25+$0x620]  }
0x73: {  	v24 =	vld [tilespmem:s25+$0x8620]  }
0x74: {  	v25 =	vld [tilespmem:s25+$0x630]  }
0x75: {  	v26 =	vld [tilespmem:s25+$0x8630]  }
0x76: {  	v27 =	vld [tilespmem:s25+$0x640]  }
0x77: {  	v28 =	vld [tilespmem:s25+$0x8640]  }
0x78: {  	v29 =	vld [tilespmem:s25+$0x650]  }
0x79: {  	v30 =	vld [tilespmem:s25+$0x8650]  }
0x7a: {  	v31 =	vld [tilespmem:s25+$0x660]  }
0x7b: {  	v32 =	vld [tilespmem:s25+$0x8660]  }
0x7c: {  	v33 =	vld [tilespmem:s25+$0x670]  }
0x7d: {  	v34 =	vld [tilespmem:s25+$0x8670]  }
0x7e: {  	v35 =	vld [tilespmem:s25+$0xA00]  }
0x7f: {  	v36 =	vld [tilespmem:s25+$0x8A00]  }
0x80: {  	v37 =	vld [tilespmem:s25+$0xA10]  }
0x81: {  	v38 =	vld [tilespmem:s25+$0x8A10]  }
0x82: {  	v39 =	vld [tilespmem:s25+$0xA20]  }
0x83: {  	v40 =	vld [tilespmem:s25+$0x8A20]  }
0x84: {  	v41 =	vld [tilespmem:s25+$0xA30]  }
0x85: {  	v42 =	vld [tilespmem:s25+$0x8A30]  }
0x86: {  	v43 =	vld [tilespmem:s25+$0xA40]  }
0x87: {  	v44 =	vld [tilespmem:s25+$0x8A40]  }
0x88: {  	v45 =	vld [tilespmem:s25+$0xA50]  }
0x89: {  	v46 =	vld [tilespmem:s25+$0x8A50]  }
0x8a: {  	v47 =	vld [tilespmem:s25+$0xA60]  }
0x8b: {  	v48 =	vld [tilespmem:s25+$0x8A60]  }
0x8c: {  	v49 =	vld [tilespmem:s25+$0xA70]  }
0x8d: {  	v50 =	vld [tilespmem:s25+$0x8A70]  }
0x8e: {  	v51 =	vld [tilespmem:s25+$0xE00]  }
0x8f: {  	v52 =	vld [tilespmem:s25+$0x8E00]  }
0x90: {  	v53 =	vld [tilespmem:s25+$0xE10]  }
0x91: {  	v54 =	vld [tilespmem:s25+$0x8E10]  }
0x92: {  	v55 =	vld [tilespmem:s25+$0xE20]  }
0x93: {  	v56 =	vld [tilespmem:s25+$0x8E20]  }
0x94: {  	v57 =	vld [tilespmem:s25+$0xE30]  }
0x95: {  	v58 =	vld [tilespmem:s25+$0x8E30]  }
0x96: {  	v59 =	vld [tilespmem:s25+$0xE40]  }
0x97: {  	v60 =	vld [tilespmem:s25+$0x8E40]  }
0x98: {  	v61 =	vld [tilespmem:s25+$0xE50]  }
0x99: {  	v62 =	vld [tilespmem:s25+$0x8E50]  }
0x9a: {  	v63 =	vld [tilespmem:s25+$0xE60]  }
0x9b: {  	v3 =	vadd.f32 v4, v3;
	v4 =	vld [tilespmem:s25+$0x8E60]  }
0x9c: {  	v5 =	vadd.f32 v6, v5;
	v6 =	vld [tilespmem:s25+$0xE70]  }
0x9d: {  	v14 =	vadd.f32 v14, v13;
	v13 =	vld [tilespmem:s25+$0x9220];
	[tilespmem:s25+$0x10200] =	vst v3  }
0x9e: {  	v18 =	vadd.f32 v18, v17;
	v17 =	vld [tilespmem:s25+$0x9240];
	v3 =	vadd.f32 v8, v7;
	[tilespmem:s25+$0x10210] =	vst v5  }
0x9f: {  	v22 =	vadd.f32 v22, v21;
	v21 =	vld [tilespmem:s25+$0x9260];
	[tilespmem:s25+$0x10250] =	vst v14  }
0xa0: {  	v7 =	vld [tilespmem:s25+$0x8E70];
	[tilespmem:s25+$0x10220] =	vst v3;
	v3 =	vadd.f32 v12, v11  }
0xa1: {  	v8 =	vld [tilespmem:s25+$0x1200];
	[tilespmem:s25+$0x10270] =	vst v18  }
0xa2: {  	v5 =	vadd.f32 v10, v9;
	v9 =	vld [tilespmem:s25+$0x9200];
	[tilespmem:s25+$0x10240] =	vst v3;
	v3 =	vadd.f32 v16, v15  }
0xa3: {  	v26 =	vadd.f32 v26, v25;
	v10 =	vld [tilespmem:s25+$0x1210];
	[tilespmem:s25+$0x10610] =	vst v22  }
0xa4: {  	v14 =	vld [tilespmem:s25+$0x1230];
	[tilespmem:s25+$0x10260] =	vst v3;
	v3 =	vadd.f32 v20, v19  }
0xa5: {  	v30 =	vadd.f32 v30, v29;
	[tilespmem:s25+$0x10630] =	vst v26;
	v18 =	vld [tilespmem:s25+$0x1250]  }
0xa6: {  	v19 =	vld [tilespmem:s25+$0x9250];
	[tilespmem:s25+$0x10600] =	vst v3;
	v3 =	vadd.f32 v24, v23  }
0xa7: {  	v34 =	vadd.f32 v34, v33;
	[tilespmem:s25+$0x10650] =	vst v30;
	v22 =	vld [tilespmem:s25+$0x1270]  }
0xa8: {  	v11 =	vld [tilespmem:s25+$0x9210];
	[tilespmem:s25+$0x10620] =	vst v3;
	v3 =	vadd.f32 v28, v27  }
0xa9: {  	[tilespmem:s25+$0x10670] =	vst v34;
	v12 =	vld [tilespmem:s25+$0x1220]  }
0xaa: {  	v15 =	vld [tilespmem:s25+$0x9230];
	[tilespmem:s25+$0x10640] =	vst v3;
	v3 =	vadd.f32 v32, v31  }
0xab: {  	[tilespmem:s25+$0x10230] =	vst v5;
	v16 =	vld [tilespmem:s25+$0x1240];
	v19 =	vadd.f32 v19, v18  }
0xac: {  	v20 =	vld [tilespmem:s25+$0x1260];
	[tilespmem:s25+$0x10660] =	vst v3;
	v3 =	vadd.f32 v36, v35  }
0xad: {  	v24 =	vld [tilespmem:s25+$0x1600];
	[tilespmem:s25+$0x11250] =	vst v19;
	v36 =	vadd.f32 v38, v37  }
0xae: {  	v37 =	vld [tilespmem:s25+$0x9270];
	[tilespmem:s25+$0x10A00] =	vst v3;
	v3 =	vadd.f32 v40, v39  }
0xaf: {  	v38 =	vadd.f32 v42, v41;
	v41 =	vld [tilespmem:s25+$0x1610];
	[tilespmem:s25+$0x10A10] =	vst v36  }
0xb0: {  	v42 =	vld [tilespmem:s25+$0x9610];
	[tilespmem:s25+$0x10A20] =	vst v3;
	v3 =	vadd.f32 v44, v43  }
0xb1: {  	v35 =	vld [tilespmem:s25+$0x1A10];
	[tilespmem:s25+$0x10A30] =	vst v38;
	v40 =	vadd.f32 v46, v45  }
0xb2: {  	v39 =	vld [tilespmem:s25+$0x9600];
	[tilespmem:s25+$0x10A40] =	vst v3;
	v3 =	vadd.f32 v48, v47  }
0xb3: {  	v45 =	vld [tilespmem:s25+$0x9620];
	v46 =	vadd.f32 v54, v53;
	[tilespmem:s25+$0x10A50] =	vst v40  }
0xb4: {  	v53 =	vld [tilespmem:s25+$0x1650];
	[tilespmem:s25+$0x10A60] =	vst v3;
	v3 =	vadd.f32 v52, v51  }
0xb5: {  	v54 =	vld [tilespmem:s25+$0x9650];
	v43 =	vadd.f32 v50, v49;
	[tilespmem:s25+$0x10E10] =	vst v46  }
0xb6: {  	v36 =	vld [tilespmem:s25+$0x9A10];
	[tilespmem:s25+$0x10E00] =	vst v3;
	v3 =	vadd.f32 v56, v55  }
0xb7: {  	v38 =	vld [tilespmem:s25+$0x1A20];
	v49 =	vadd.f32 v58, v57;
	[tilespmem:s25+$0x10A70] =	vst v43  }
0xb8: {  	v44 =	vld [tilespmem:s25+$0x1620];
	[tilespmem:s25+$0x10E20] =	vst v3;
	v3 =	vadd.f32 v60, v59  }
0xb9: {  	v50 =	vld [tilespmem:s25+$0x1640];
	v58 =	vadd.f32 v11, v10;
	[tilespmem:s25+$0x10E30] =	vst v49  }
0xba: {  	v57 =	vld [tilespmem:s25+$0x9660];
	[tilespmem:s25+$0x10E40] =	vst v3;
	v3 =	vadd.f32 v4, v63  }
0xbb: {  	v46 =	vld [tilespmem:s25+$0x1A50];
	v37 =	vadd.f32 v37, v22;
	[tilespmem:s25+$0x11210] =	vst v58  }
0xbc: {  	v40 =	vadd.f32 v42, v41;
	v41 =	vld [tilespmem:s25+$0x1A30];
	[tilespmem:s25+$0x10E60] =	vst v3;
	v3 =	vadd.f32 v9, v8  }
0xbd: {  	v42 =	vld [tilespmem:s25+$0x9A30];
	[tilespmem:s25+$0x11270] =	vst v37  }
0xbe: {  	v47 =	vld [tilespmem:s25+$0x1630];
	[tilespmem:s25+$0x11200] =	vst v3;
	v3 =	vadd.f32 v13, v12  }
0xbf: {  	v48 =	vld [tilespmem:s25+$0x9630];
	[tilespmem:s25+$0x11610] =	vst v40;
	v52 =	vadd.f32 v62, v61  }
0xc0: {  	v49 =	vld [tilespmem:s25+$0x1A60];
	[tilespmem:s25+$0x11220] =	vst v3;
	v3 =	vadd.f32 v17, v16  }
0xc1: {  	v51 =	vld [tilespmem:s25+$0x9640];
	v61 =	vadd.f32 v15, v14;
	[tilespmem:s25+$0x10E50] =	vst v52  }
0xc2: {  	v62 =	vld [tilespmem:s25+$0x1A00];
	[tilespmem:s25+$0x11240] =	vst v3;
	v3 =	vadd.f32 v21, v20  }
0xc3: {  	v55 =	vadd.f32 v7, v6;
	v56 =	vld [tilespmem:s25+$0x1660];
	[tilespmem:s25+$0x11230] =	vst v61  }
0xc4: {  	v52 =	vld [tilespmem:s25+$0x1A70];
	[tilespmem:s25+$0x11260] =	vst v3;
	v3 =	vadd.f32 v39, v24  }
0xc5: {  	v43 =	vadd.f32 v48, v47;
	v47 =	vld [tilespmem:s25+$0x9A50];
	[tilespmem:s25+$0x10E70] =	vst v55  }
0xc6: {  	v59 =	vld [tilespmem:s25+$0x1670];
	[tilespmem:s25+$0x11600] =	vst v3;
	v3 =	vadd.f32 v45, v44  }
0xc7: {  	[tilespmem:s25+$0x11630] =	vst v43;
	v63 =	vld [tilespmem:s25+$0x9A00];
	v4 =	vadd.f32 v54, v53  }
0xc8: {  	v60 =	vld [tilespmem:s25+$0x9670];
	[tilespmem:s25+$0x11620] =	vst v3;
	v3 =	vadd.f32 v51, v50  }
0xc9: {  	v54 =	vadd.f32 v42, v41;
	[tilespmem:s25+$0x11650] =	vst v4;
	v39 =	vld [tilespmem:s25+$0x9A20]  }
0xca: {  	v44 =	vld [tilespmem:s25+$0x1A40];
	[tilespmem:s25+$0x11640] =	vst v3;
	v3 =	vadd.f32 v57, v56  }
0xcb: {  	[tilespmem:s25+$0x11A30] =	vst v54;
	v55 =	vadd.f32 v47, v46;
	v45 =	vld [tilespmem:s25+$0x9A40]  }
0xcc: {  	v53 =	vld [tilespmem:s25+$0x9A70];
	[tilespmem:s25+$0x11660] =	vst v3;
	v3 =	vadd.f32 v63, v62  }
0xcd: {  	v48 =	vadd.f32 v60, v59;
	[tilespmem:s25+$0x11A50] =	vst v55;
	v50 =	vld [tilespmem:s25+$0x9A60]  }
0xce: {  	[tilespmem:s25+$0x11A00] =	vst v3;
	v3 =	vadd.f32 v39, v38  }
0xcf: {  	[tilespmem:s25+$0x11670] =	vst v48;
	v51 =	vadd.f32 v36, v35  }
0xd0: {  	[tilespmem:s25+$0x11A20] =	vst v3;
	v3 =	vadd.f32 v45, v44  }
0xd1: {  	s26 =	sand.u32 $0x7, s10;
	[tilespmem:s25+$0x11A10] =	vst v51;
	v56 =	vadd.f32 v53, v52  }
0xd2: {  	s26 =	sshll.u32 s26, $0x7;
	[tilespmem:s25+$0x11A40] =	vst v3;
	v3 =	vadd.f32 v50, v49  }
0xd3: {  	s26 =	sadd.s32 s26, s23;
	[tilespmem:s25+$0x11A70] =	vst v56  }
0xd4: {  	[tilespmem:s25+$0x11A60] =	vst v3;
	s25 =	sor.u32 $0x1C00, s26  }
0xd5: {  	v3 =	vld [tilespmem:s25+$0x200]  }
0xd6: {  	v4 =	vld [tilespmem:s25+$0x8200];
	_ =	sdelay $0x4  }
0xd7: {  	v3 =	vadd.f32 v4, v3;
	_ =	sdelay $0x1  }
0xd8: {  	[tilespmem:s25+$0x10200] =	vst v3;
	s25 =	sor.u32 $0x1C10, s26  }
0xd9: {  	v3 =	vld [tilespmem:s25+$0x200]  }
0xda: {  	v57 =	vld [tilespmem:s25+$0x8200];
	_ =	sdelay $0x4  }
0xdb: {  	v3 =	vadd.f32 v57, v3;
	_ =	sdelay $0x1  }
0xdc: {  	[tilespmem:s25+$0x10200] =	vst v3;
	s25 =	sor.u32 $0x1C20, s26  }
0xdd: {  	v3 =	vld [tilespmem:s25+$0x200]  }
0xde: {  	v58 =	vld [tilespmem:s25+$0x8200];
	_ =	sdelay $0x4  }
0xdf: {  	v3 =	vadd.f32 v58, v3;
	_ =	sdelay $0x1  }
0xe0: {  	[tilespmem:s25+$0x10200] =	vst v3;
	s25 =	sor.u32 $0x1C30, s26  }
0xe1: {  	v3 =	vld [tilespmem:s25+$0x200]  }
0xe2: {  	v59 =	vld [tilespmem:s25+$0x8200];
	_ =	sdelay $0x4  }
0xe3: {  	v3 =	vadd.f32 v59, v3;
	_ =	sdelay $0x1  }
0xe4: {  	[tilespmem:s25+$0x10200] =	vst v3;
	s25 =	sor.u32 $0x1C40, s26  }
0xe5: {  	v3 =	vld [tilespmem:s25+$0x200]  }
0xe6: {  	v60 =	vld [tilespmem:s25+$0x8200];
	_ =	sdelay $0x4  }
0xe7: {  	v3 =	vadd.f32 v60, v3;
	_ =	sdelay $0x1  }
0xe8: {  	[tilespmem:s25+$0x10200] =	vst v3;
	s25 =	sor.u32 $0x1C50, s26  }
0xe9: {  	v3 =	vld [tilespmem:s25+$0x200]  }
0xea: {  	v61 =	vld [tilespmem:s25+$0x8200];
	_ =	sdelay $0x4  }
0xeb: {  	v3 =	vadd.f32 v61, v3;
	_ =	sdelay $0x1  }
0xec: {  	[tilespmem:s25+$0x10200] =	vst v3;
	s25 =	sor.u32 $0x1C60, s26  }
0xed: {  	v3 =	vld [tilespmem:s25+$0x200]  }
0xee: {  	v62 =	vld [tilespmem:s25+$0x8200];
	_ =	sdelay $0x4  }
0xef: {  	v3 =	vadd.f32 v62, v3;
	_ =	sdelay $0x1  }
0xf0: {  	s26 =	sor.u32 $0x1C70, s26;
	[tilespmem:s25+$0x10200] =	vst v3  }
0xf1: {  	v3 =	vld [tilespmem:s26+$0x200]  }
0xf2: {  	v63 =	vld [tilespmem:s26+$0x8200];
	_ =	sdelay $0x1  }
0xf3: {  	p1 =	sne.s32 s24, $0x780  }
.Ltmp2:
0xf4: {  	_ = 	snop;
	(pc) =	sbr.rel @p1 .LBB2_3-.Ltmp2, $4  }
0xf5: {  	_ = 	snop  }
0xf6: {  	v3 =	vadd.f32 v63, v3  }
0xf7: {  	s16 =	sadd.s32 $0x400, s16  }
0xf8: {  	s24 =	sadd.s32 $0x80, s24;
	s10 =	sadd.s32 $0x1, s10;
	s23 =	sadd.s32 $0x400, s23;
	[tilespmem:s26+$0x10200] =	vst v3  }
0xf9: {  	s10 =	sshll.u32 s13, $0x7  }
0xfa: {  	p1 =	seq.s32 s7, $0xF;
	s10 =	sadd.s32 s4, s10  }
0xfb: {  	[hbm4b:s10+s5] =	stream.linear.scatter [tilespmem:s19], [sflag:$0x5], $0x4000, $0x38;
	[tilespmem:$0x18200] =	vst v63  }
0xfc: {  	v3 =	vld @!p1 [tilespmem:s12+$0x20];
	_ =	sdelay $0x3  }
0xfd: {  	v4 =	vlaneseq.u32 @!p1  }
0xfe: {  	v5 =	vand.u32 @!p1 $0x7, v4;
	v3 =	vshll.u32 @!p1 v3, $0x3  }
0xff: {  	v5 =	vperm.xlane @!p1 v3, v5  }
0x100: {  	v6 =	vshrl.u32 @!p1 v4, $0x3  }
0x101: {  	v5 =	vadd.s32 @!p1 v6, v5;
	_ =	sdelay $0x3  }
0x102: {  	vm1 =	vmmov @!p1 $0xffff;
	s13 =	simm.s32 @!p1 $0x200;
	s10 =	simm.s32 @!p1 $0x0  }
0x103: {  	v4 =	vor.u32 @!p1 $0x8, v4;
	[tilespmem:s13], [sflag:$0x1] =	stream.indirect_vreg.gather @!p1 [hbm4b:s2+s10], $0x80, v5, vm1, $0xb8;
	[tilespmem:$0x18200] =	vst v63  }
0x104: {  	v3 =	vperm.xlane @!p1 v3, v4;
	s13 =	simm.s32 @!p1 $0xA00  }
0x105: {  	[tilespmem:s13], [sflag:$0x1] =	stream.indirect_vreg.gather @!p1 [hbm4b:s8+s10], $0x80, v5, vm1, $0xb8;
	[tilespmem:$0x18200] =	vst v63  }
0x106: {  	v3 =	vadd.s32 @!p1 v6, v3;
	s13 =	simm.s32 @!p1 $0x1200  }
0x107: {  	[tilespmem:s13], [sflag:$0x1] =	stream.indirect_vreg.gather @!p1 [hbm4b:s9+s10], $0x80, v5, vm1, $0xb8;
	[tilespmem:$0x18200] =	vst v63  }
0x108: {  	s13 =	simm.s32 @!p1 $0x1A00  }
0x109: {  	[tilespmem:s13], [sflag:$0x1] =	stream.indirect_vreg.gather @!p1 [hbm4b:s11+s10], $0x80, v5, vm1, $0xb8;
	[tilespmem:$0x18200] =	vst v63  }
0x10a: {  	s13 =	simm.s32 @!p1 $0x2200  }
0x10b: {  	[tilespmem:s13], [sflag:$0x1] =	stream.indirect_vreg.gather @!p1 [hbm4b:s2+s10], $0x80, v3, vm1, $0xb8;
	[tilespmem:$0x18200] =	vst v63  }
0x10c: {  	s13 =	simm.s32 @!p1 $0x2A00  }
0x10d: {  	[tilespmem:s13], [sflag:$0x1] =	stream.indirect_vreg.gather @!p1 [hbm4b:s8+s10], $0x80, v3, vm1, $0xb8;
	[tilespmem:$0x18200] =	vst v63  }
0x10e: {  	s13 =	simm.s32 @!p1 $0x3200  }
0x10f: {  	[tilespmem:s13], [sflag:$0x1] =	stream.indirect_vreg.gather @!p1 [hbm4b:s9+s10], $0x80, v3, vm1, $0xb8;
	[tilespmem:$0x18200] =	vst v63  }
0x110: {  	s13 =	sadd.s32 @!p1 $0x20, s12  }
0x111: {  	s16 =	simm.s32 @!p1 $0x3A00;
	s13 =	sadd.s32 @!p1 s6, s13  }
0x112: {  	[tilespmem:s16], [sflag:$0x1] =	stream.indirect_vreg.gather @!p1 [hbm4b:s11+s10], $0x80, v3, vm1, $0xb8;
	[tilespmem:$0x18200] =	vst v63  }
0x113: {  	s13 =	sshll.u32 @!p1 s13, $0x7  }
0x114: {  	s16 =	simm.s32 @!p1 $0x8200;
	s13 =	sadd.s32 @!p1 s1, s13  }
0x115: {  	[tilespmem:s16], [sflag:$0x3] =	stream.linear.gather @!p1 [hbm4b:s13+s10], $0x4000, $0x38;
	[tilespmem:$0x18200] =	vst v63  }
0x116: {  	_ =	swait.ge [sflag:s20], $0x4000  }
0x117: {  	[sflag:s20] =	ssyncset.done $0x0  }
0x118: {  	[sflag:s20] =	ssyncadd.s32 $0xFFFFC000  }
0x119: {  	_ =	swait.ge [sflag:s21], $0x4000  }
0x11a: {  	[sflag:s21] =	ssyncset.done $0x0  }
0x11b: {  	s10 =	simm.s32 @!p0 $0x6;
	[sflag:s21] =	ssyncadd.s32 $0xFFFFC000  }
0x11c: {  	s26 =	sadd.s32 s12, s6;
	s23 =	simm.s32 $0x0;
	_ =	swait.ge @!p0 [sflag:s10], $0x4000  }
0x11d: {  	s24 =	simm.s32 $0x0;
	s13 =	sadd.s32 $0x10, s26;
	[sflag:s10] =	ssyncset.done @!p0 $0x0  }
0x11e: {  	s16 =	simm.s32 $0xFFFFC000;
	[sflag:s10] =	ssyncadd.s32 @!p0 $0xFFFFC000;
	s10 =	simm.s32 $0x0  }
.LBB2_5:
0x11f: {  	s25 =	sadd.s32 $0x4000, s16  }
0x120: {  	s26 =	sand.u32 $0x380, s24;
	s25 =	sand.u32 $0x2000, s25  }
0x121: {  	s25 =	sor.u32 s26, s25  }
0x122: {  	v3 =	vld [tilespmem:s25+$0x4200]  }
0x123: {  	v4 =	vld [tilespmem:s25+$0xC200]  }
0x124: {  	v5 =	vld [tilespmem:s25+$0x4210]  }
0x125: {  	v6 =	vld [tilespmem:s25+$0xC210]  }
0x126: {  	v7 =	vld [tilespmem:s25+$0x4220]  }
0x127: {  	v8 =	vld [tilespmem:s25+$0xC220]  }
0x128: {  	v9 =	vld [tilespmem:s25+$0x4230]  }
0x129: {  	v10 =	vld [tilespmem:s25+$0xC230]  }
0x12a: {  	v11 =	vld [tilespmem:s25+$0x4240]  }
0x12b: {  	v12 =	vld [tilespmem:s25+$0xC240]  }
0x12c: {  	v13 =	vld [tilespmem:s25+$0x4250]  }
0x12d: {  	v14 =	vld [tilespmem:s25+$0xC250]  }
0x12e: {  	v15 =	vld [tilespmem:s25+$0x4260]  }
0x12f: {  	v16 =	vld [tilespmem:s25+$0xC260]  }
0x130: {  	v17 =	vld [tilespmem:s25+$0x4270]  }
0x131: {  	v18 =	vld [tilespmem:s25+$0xC270]  }
0x132: {  	v19 =	vld [tilespmem:s25+$0x4600]  }
0x133: {  	v20 =	vld [tilespmem:s25+$0xC600]  }
0x134: {  	v21 =	vld [tilespmem:s25+$0x4610]  }
0x135: {  	v22 =	vld [tilespmem:s25+$0xC610]  }
0x136: {  	v23 =	vld [tilespmem:s25+$0x4620]  }
0x137: {  	v24 =	vld [tilespmem:s25+$0xC620]  }
0x138: {  	v25 =	vld [tilespmem:s25+$0x4630]  }
0x139: {  	v26 =	vld [tilespmem:s25+$0xC630]  }
0x13a: {  	v27 =	vld [tilespmem:s25+$0x4640]  }
0x13b: {  	v28 =	vld [tilespmem:s25+$0xC640]  }
0x13c: {  	v29 =	vld [tilespmem:s25+$0x4650]  }
0x13d: {  	v30 =	vld [tilespmem:s25+$0xC650]  }
0x13e: {  	v31 =	vld [tilespmem:s25+$0x4660]  }
0x13f: {  	v32 =	vld [tilespmem:s25+$0xC660]  }
0x140: {  	v33 =	vld [tilespmem:s25+$0x4670]  }
0x141: {  	v34 =	vld [tilespmem:s25+$0xC670]  }
0x142: {  	v35 =	vld [tilespmem:s25+$0x4A00]  }
0x143: {  	v36 =	vld [tilespmem:s25+$0xCA00]  }
0x144: {  	v37 =	vld [tilespmem:s25+$0x4A10]  }
0x145: {  	v38 =	vld [tilespmem:s25+$0xCA10]  }
0x146: {  	v39 =	vld [tilespmem:s25+$0x4A20]  }
0x147: {  	v40 =	vld [tilespmem:s25+$0xCA20]  }
0x148: {  	v41 =	vld [tilespmem:s25+$0x4A30]  }
0x149: {  	v42 =	vld [tilespmem:s25+$0xCA30]  }
0x14a: {  	v43 =	vld [tilespmem:s25+$0x4A40]  }
0x14b: {  	v44 =	vld [tilespmem:s25+$0xCA40]  }
0x14c: {  	v45 =	vld [tilespmem:s25+$0x4A50]  }
0x14d: {  	v46 =	vld [tilespmem:s25+$0xCA50]  }
0x14e: {  	v47 =	vld [tilespmem:s25+$0x4A60]  }
0x14f: {  	v48 =	vld [tilespmem:s25+$0xCA60]  }
0x150: {  	v49 =	vld [tilespmem:s25+$0x4A70]  }
0x151: {  	v50 =	vld [tilespmem:s25+$0xCA70]  }
0x152: {  	v51 =	vld [tilespmem:s25+$0x4E00]  }
0x153: {  	v52 =	vld [tilespmem:s25+$0xCE00]  }
0x154: {  	v53 =	vld [tilespmem:s25+$0x4E10]  }
0x155: {  	v54 =	vld [tilespmem:s25+$0xCE10]  }
0x156: {  	v55 =	vld [tilespmem:s25+$0x4E20]  }
0x157: {  	v56 =	vld [tilespmem:s25+$0xCE20]  }
0x158: {  	v57 =	vld [tilespmem:s25+$0x4E30]  }
0x159: {  	v58 =	vld [tilespmem:s25+$0xCE30]  }
0x15a: {  	v59 =	vld [tilespmem:s25+$0x4E40]  }
0x15b: {  	v60 =	vld [tilespmem:s25+$0xCE40]  }
0x15c: {  	v61 =	vld [tilespmem:s25+$0x4E50]  }
0x15d: {  	v62 =	vld [tilespmem:s25+$0xCE50]  }
0x15e: {  	v63 =	vld [tilespmem:s25+$0x4E60]  }
0x15f: {  	v3 =	vadd.f32 v4, v3;
	v4 =	vld [tilespmem:s25+$0xCE60]  }
0x160: {  	v5 =	vadd.f32 v6, v5;
	v6 =	vld [tilespmem:s25+$0x4E70]  }
0x161: {  	v14 =	vadd.f32 v14, v13;
	v13 =	vld [tilespmem:s25+$0xD220];
	[tilespmem:s25+$0x14200] =	vst v3  }
0x162: {  	v18 =	vadd.f32 v18, v17;
	v17 =	vld [tilespmem:s25+$0xD240];
	v3 =	vadd.f32 v8, v7;
	[tilespmem:s25+$0x14210] =	vst v5  }
0x163: {  	v22 =	vadd.f32 v22, v21;
	v21 =	vld [tilespmem:s25+$0xD260];
	[tilespmem:s25+$0x14250] =	vst v14  }
0x164: {  	v7 =	vld [tilespmem:s25+$0xCE70];
	[tilespmem:s25+$0x14220] =	vst v3;
	v3 =	vadd.f32 v12, v11  }
0x165: {  	v8 =	vld [tilespmem:s25+$0x5200];
	[tilespmem:s25+$0x14270] =	vst v18  }
0x166: {  	v5 =	vadd.f32 v10, v9;
	v9 =	vld [tilespmem:s25+$0xD200];
	[tilespmem:s25+$0x14240] =	vst v3;
	v3 =	vadd.f32 v16, v15  }
0x167: {  	v26 =	vadd.f32 v26, v25;
	v10 =	vld [tilespmem:s25+$0x5210];
	[tilespmem:s25+$0x14610] =	vst v22  }
0x168: {  	v14 =	vld [tilespmem:s25+$0x5230];
	[tilespmem:s25+$0x14260] =	vst v3;
	v3 =	vadd.f32 v20, v19  }
0x169: {  	v30 =	vadd.f32 v30, v29;
	[tilespmem:s25+$0x14630] =	vst v26;
	v18 =	vld [tilespmem:s25+$0x5250]  }
0x16a: {  	v19 =	vld [tilespmem:s25+$0xD250];
	[tilespmem:s25+$0x14600] =	vst v3;
	v3 =	vadd.f32 v24, v23  }
0x16b: {  	v34 =	vadd.f32 v34, v33;
	[tilespmem:s25+$0x14650] =	vst v30;
	v22 =	vld [tilespmem:s25+$0x5270]  }
0x16c: {  	v11 =	vld [tilespmem:s25+$0xD210];
	[tilespmem:s25+$0x14620] =	vst v3;
	v3 =	vadd.f32 v28, v27  }
0x16d: {  	[tilespmem:s25+$0x14670] =	vst v34;
	v12 =	vld [tilespmem:s25+$0x5220]  }
0x16e: {  	v15 =	vld [tilespmem:s25+$0xD230];
	[tilespmem:s25+$0x14640] =	vst v3;
	v3 =	vadd.f32 v32, v31  }
0x16f: {  	[tilespmem:s25+$0x14230] =	vst v5;
	v16 =	vld [tilespmem:s25+$0x5240];
	v19 =	vadd.f32 v19, v18  }
0x170: {  	v20 =	vld [tilespmem:s25+$0x5260];
	[tilespmem:s25+$0x14660] =	vst v3;
	v3 =	vadd.f32 v36, v35  }
0x171: {  	v24 =	vld [tilespmem:s25+$0x5600];
	[tilespmem:s25+$0x15250] =	vst v19;
	v36 =	vadd.f32 v38, v37  }
0x172: {  	v37 =	vld [tilespmem:s25+$0xD270];
	[tilespmem:s25+$0x14A00] =	vst v3;
	v3 =	vadd.f32 v40, v39  }
0x173: {  	v38 =	vadd.f32 v42, v41;
	v41 =	vld [tilespmem:s25+$0x5610];
	[tilespmem:s25+$0x14A10] =	vst v36  }
0x174: {  	v42 =	vld [tilespmem:s25+$0xD610];
	[tilespmem:s25+$0x14A20] =	vst v3;
	v3 =	vadd.f32 v44, v43  }
0x175: {  	v35 =	vld [tilespmem:s25+$0x5A10];
	[tilespmem:s25+$0x14A30] =	vst v38;
	v40 =	vadd.f32 v46, v45  }
0x176: {  	v39 =	vld [tilespmem:s25+$0xD600];
	[tilespmem:s25+$0x14A40] =	vst v3;
	v3 =	vadd.f32 v48, v47  }
0x177: {  	v45 =	vld [tilespmem:s25+$0xD620];
	v46 =	vadd.f32 v54, v53;
	[tilespmem:s25+$0x14A50] =	vst v40  }
0x178: {  	v53 =	vld [tilespmem:s25+$0x5650];
	[tilespmem:s25+$0x14A60] =	vst v3;
	v3 =	vadd.f32 v52, v51  }
0x179: {  	v54 =	vld [tilespmem:s25+$0xD650];
	v43 =	vadd.f32 v50, v49;
	[tilespmem:s25+$0x14E10] =	vst v46  }
0x17a: {  	v36 =	vld [tilespmem:s25+$0xDA10];
	[tilespmem:s25+$0x14E00] =	vst v3;
	v3 =	vadd.f32 v56, v55  }
0x17b: {  	v38 =	vld [tilespmem:s25+$0x5A20];
	v49 =	vadd.f32 v58, v57;
	[tilespmem:s25+$0x14A70] =	vst v43  }
0x17c: {  	v44 =	vld [tilespmem:s25+$0x5620];
	[tilespmem:s25+$0x14E20] =	vst v3;
	v3 =	vadd.f32 v60, v59  }
0x17d: {  	v50 =	vld [tilespmem:s25+$0x5640];
	v58 =	vadd.f32 v11, v10;
	[tilespmem:s25+$0x14E30] =	vst v49  }
0x17e: {  	v57 =	vld [tilespmem:s25+$0xD660];
	[tilespmem:s25+$0x14E40] =	vst v3;
	v3 =	vadd.f32 v4, v63  }
0x17f: {  	v46 =	vld [tilespmem:s25+$0x5A50];
	v37 =	vadd.f32 v37, v22;
	[tilespmem:s25+$0x15210] =	vst v58  }
0x180: {  	v40 =	vadd.f32 v42, v41;
	v41 =	vld [tilespmem:s25+$0x5A30];
	[tilespmem:s25+$0x14E60] =	vst v3;
	v3 =	vadd.f32 v9, v8  }
0x181: {  	v42 =	vld [tilespmem:s25+$0xDA30];
	[tilespmem:s25+$0x15270] =	vst v37  }
0x182: {  	v47 =	vld [tilespmem:s25+$0x5630];
	[tilespmem:s25+$0x15200] =	vst v3;
	v3 =	vadd.f32 v13, v12  }
0x183: {  	v48 =	vld [tilespmem:s25+$0xD630];
	[tilespmem:s25+$0x15610] =	vst v40;
	v52 =	vadd.f32 v62, v61  }
0x184: {  	v49 =	vld [tilespmem:s25+$0x5A60];
	[tilespmem:s25+$0x15220] =	vst v3;
	v3 =	vadd.f32 v17, v16  }
0x185: {  	v51 =	vld [tilespmem:s25+$0xD640];
	v61 =	vadd.f32 v15, v14;
	[tilespmem:s25+$0x14E50] =	vst v52  }
0x186: {  	v62 =	vld [tilespmem:s25+$0x5A00];
	[tilespmem:s25+$0x15240] =	vst v3;
	v3 =	vadd.f32 v21, v20  }
0x187: {  	v55 =	vadd.f32 v7, v6;
	v56 =	vld [tilespmem:s25+$0x5660];
	[tilespmem:s25+$0x15230] =	vst v61  }
0x188: {  	v52 =	vld [tilespmem:s25+$0x5A70];
	[tilespmem:s25+$0x15260] =	vst v3;
	v3 =	vadd.f32 v39, v24  }
0x189: {  	v43 =	vadd.f32 v48, v47;
	v47 =	vld [tilespmem:s25+$0xDA50];
	[tilespmem:s25+$0x14E70] =	vst v55  }
0x18a: {  	v59 =	vld [tilespmem:s25+$0x5670];
	[tilespmem:s25+$0x15600] =	vst v3;
	v3 =	vadd.f32 v45, v44  }
0x18b: {  	[tilespmem:s25+$0x15630] =	vst v43;
	v63 =	vld [tilespmem:s25+$0xDA00];
	v4 =	vadd.f32 v54, v53  }
0x18c: {  	v60 =	vld [tilespmem:s25+$0xD670];
	[tilespmem:s25+$0x15620] =	vst v3;
	v3 =	vadd.f32 v51, v50  }
0x18d: {  	v54 =	vadd.f32 v42, v41;
	[tilespmem:s25+$0x15650] =	vst v4;
	v39 =	vld [tilespmem:s25+$0xDA20]  }
0x18e: {  	v44 =	vld [tilespmem:s25+$0x5A40];
	[tilespmem:s25+$0x15640] =	vst v3;
	v3 =	vadd.f32 v57, v56  }
0x18f: {  	[tilespmem:s25+$0x15A30] =	vst v54;
	v55 =	vadd.f32 v47, v46;
	v45 =	vld [tilespmem:s25+$0xDA40]  }
0x190: {  	v53 =	vld [tilespmem:s25+$0xDA70];
	[tilespmem:s25+$0x15660] =	vst v3;
	v3 =	vadd.f32 v63, v62  }
0x191: {  	v48 =	vadd.f32 v60, v59;
	[tilespmem:s25+$0x15A50] =	vst v55;
	v50 =	vld [tilespmem:s25+$0xDA60]  }
0x192: {  	[tilespmem:s25+$0x15A00] =	vst v3;
	v3 =	vadd.f32 v39, v38  }
0x193: {  	[tilespmem:s25+$0x15670] =	vst v48;
	v51 =	vadd.f32 v36, v35  }
0x194: {  	[tilespmem:s25+$0x15A20] =	vst v3;
	v3 =	vadd.f32 v45, v44  }
0x195: {  	s26 =	sand.u32 $0x7, s10;
	[tilespmem:s25+$0x15A10] =	vst v51;
	v56 =	vadd.f32 v53, v52  }
0x196: {  	s26 =	sshll.u32 s26, $0x7;
	[tilespmem:s25+$0x15A40] =	vst v3;
	v3 =	vadd.f32 v50, v49  }
0x197: {  	s26 =	sadd.s32 s26, s23;
	[tilespmem:s25+$0x15A70] =	vst v56  }
0x198: {  	[tilespmem:s25+$0x15A60] =	vst v3;
	s25 =	sor.u32 $0x1C00, s26  }
0x199: {  	v3 =	vld [tilespmem:s25+$0x4200]  }
0x19a: {  	v4 =	vld [tilespmem:s25+$0xC200];
	_ =	sdelay $0x4  }
0x19b: {  	v3 =	vadd.f32 v4, v3;
	_ =	sdelay $0x1  }
0x19c: {  	[tilespmem:s25+$0x14200] =	vst v3;
	s25 =	sor.u32 $0x1C10, s26  }
0x19d: {  	v3 =	vld [tilespmem:s25+$0x4200]  }
0x19e: {  	v57 =	vld [tilespmem:s25+$0xC200];
	_ =	sdelay $0x4  }
0x19f: {  	v3 =	vadd.f32 v57, v3;
	_ =	sdelay $0x1  }
0x1a0: {  	[tilespmem:s25+$0x14200] =	vst v3;
	s25 =	sor.u32 $0x1C20, s26  }
0x1a1: {  	v3 =	vld [tilespmem:s25+$0x4200]  }
0x1a2: {  	v58 =	vld [tilespmem:s25+$0xC200];
	_ =	sdelay $0x4  }
0x1a3: {  	v3 =	vadd.f32 v58, v3;
	_ =	sdelay $0x1  }
0x1a4: {  	[tilespmem:s25+$0x14200] =	vst v3;
	s25 =	sor.u32 $0x1C30, s26  }
0x1a5: {  	v3 =	vld [tilespmem:s25+$0x4200]  }
0x1a6: {  	v59 =	vld [tilespmem:s25+$0xC200];
	_ =	sdelay $0x4  }
0x1a7: {  	v3 =	vadd.f32 v59, v3;
	_ =	sdelay $0x1  }
0x1a8: {  	[tilespmem:s25+$0x14200] =	vst v3;
	s25 =	sor.u32 $0x1C40, s26  }
0x1a9: {  	v3 =	vld [tilespmem:s25+$0x4200]  }
0x1aa: {  	v60 =	vld [tilespmem:s25+$0xC200];
	_ =	sdelay $0x4  }
0x1ab: {  	v3 =	vadd.f32 v60, v3;
	_ =	sdelay $0x1  }
0x1ac: {  	[tilespmem:s25+$0x14200] =	vst v3;
	s25 =	sor.u32 $0x1C50, s26  }
0x1ad: {  	v3 =	vld [tilespmem:s25+$0x4200]  }
0x1ae: {  	v61 =	vld [tilespmem:s25+$0xC200];
	_ =	sdelay $0x4  }
0x1af: {  	v3 =	vadd.f32 v61, v3;
	_ =	sdelay $0x1  }
0x1b0: {  	[tilespmem:s25+$0x14200] =	vst v3;
	s25 =	sor.u32 $0x1C60, s26  }
0x1b1: {  	v3 =	vld [tilespmem:s25+$0x4200]  }
0x1b2: {  	v62 =	vld [tilespmem:s25+$0xC200];
	_ =	sdelay $0x4  }
0x1b3: {  	v3 =	vadd.f32 v62, v3;
	_ =	sdelay $0x1  }
0x1b4: {  	s26 =	sor.u32 $0x1C70, s26;
	[tilespmem:s25+$0x14200] =	vst v3  }
0x1b5: {  	v3 =	vld [tilespmem:s26+$0x4200]  }
0x1b6: {  	v63 =	vld [tilespmem:s26+$0xC200];
	_ =	sdelay $0x1  }
0x1b7: {  	p0 =	sne.s32 s24, $0x780  }
.Ltmp3:
0x1b8: {  	_ = 	snop;
	(pc) =	sbr.rel @p0 .LBB2_5-.Ltmp3, $4  }
0x1b9: {  	_ = 	snop  }
0x1ba: {  	v3 =	vadd.f32 v63, v3  }
0x1bb: {  	s16 =	sadd.s32 $0x400, s16  }
0x1bc: {  	s24 =	sadd.s32 $0x80, s24;
	s10 =	sadd.s32 $0x1, s10;
	s23 =	sadd.s32 $0x400, s23;
	[tilespmem:s26+$0x14200] =	vst v3  }
.Ltmp4:
0x1bd: {  	(pc) =	sbr.rel @p1 .LBB2_8-.Ltmp4, $4  }
0x1be: {  	_ = 	snop  }
0x1bf: {  	s10 =	sshll.u32 s13, $0x7  }
0x1c0: {  	s10 =	sadd.s32 s4, s10  }
0x1c1: {  	[hbm4b:s10+s5] =	stream.linear.scatter [tilespmem:s22], [sflag:$0x6], $0x4000, $0x38;
	[tilespmem:$0x18200] =	vst v63  }
0x1c2: {  	v3 =	vld [tilespmem:s12+$0x30];
	_ =	sdelay $0x4  }
0x1c3: {  	v3 =	vshll.u32 v3, $0x3  }
0x1c4: {  	v4 =	vperm.xlane v3, v0;
	_ =	sdelay $0x1  }
0x1c5: {  	v4 =	vadd.s32 v1, v4;
	_ =	sdelay $0x3  }
0x1c6: {  	s10 =	simm.s32 $0x4200  }
0x1c7: {  	[tilespmem:s10], [sflag:$0x2] =	stream.indirect_vreg.gather [hbm4b:s2+s5], $0x80, v4, vm0, $0xb8;
	[tilespmem:$0x18200] =	vst v63  }
0x1c8: {  	v3 =	vperm.xlane v3, v2  }
0x1c9: {  	[tilespmem:s28], [sflag:$0x2] =	stream.indirect_vreg.gather [hbm4b:s8+s5], $0x80, v4, vm0, $0xb8;
	[tilespmem:$0x18200] =	vst v63  }
0x1ca: {  	v3 =	vadd.s32 v1, v3  }
0x1cb: {  	[tilespmem:s29], [sflag:$0x2] =	stream.indirect_vreg.gather [hbm4b:s9+s5], $0x80, v4, vm0, $0xb8;
	[tilespmem:$0x18200] =	vst v63  }
0x1cc: {  	_ = 	snop  }
0x1cd: {  	[tilespmem:s30], [sflag:$0x2] =	stream.indirect_vreg.gather [hbm4b:s11+s5], $0x80, v4, vm0, $0xb8;
	[tilespmem:$0x18200] =	vst v63  }
0x1ce: {  	_ = 	snop  }
0x1cf: {  	[tilespmem:s31], [sflag:$0x2] =	stream.indirect_vreg.gather [hbm4b:s2+s5], $0x80, v3, vm0, $0xb8;
	[tilespmem:$0x18200] =	vst v63  }
0x1d0: {  	_ = 	snop  }
0x1d1: {  	[tilespmem:s0], [sflag:$0x2] =	stream.indirect_vreg.gather [hbm4b:s8+s5], $0x80, v3, vm0, $0xb8;
	[tilespmem:$0x18200] =	vst v63  }
0x1d2: {  	s26 =	sadd.s32 $0x30, s12  }
0x1d3: {  	[tilespmem:s3], [sflag:$0x2] =	stream.indirect_vreg.gather [hbm4b:s9+s5], $0x80, v3, vm0, $0xb8;
	[tilespmem:$0x18200] =	vst v63  }
.Ltmp5:
0x1d4: {  	s10 =	sadd.s32 s6, s26;
	(pc) =	sbr.rel .LBB2_2-.Ltmp5, $4  }
0x1d5: {  	s10 =	sshll.u32 s10, $0x7  }
0x1d6: {  	[tilespmem:s14], [sflag:$0x2] =	stream.indirect_vreg.gather [hbm4b:s11+s5], $0x80, v3, vm0, $0xb8;
	[tilespmem:$0x18200] =	vst v63  }
0x1d7: {  	s7 =	sadd.s32 $0x1, s7;
	s10 =	sadd.s32 s1, s10  }
0x1d8: {  	[tilespmem:s15], [sflag:$0x4] =	stream.linear.gather [hbm4b:s10+s5], $0x4000, $0x38;
	[tilespmem:$0x18200] =	vst v63  }
.LBB2_9:
0x1d9: {  	_ =	sfence.sel $0x180000  }
0x1da: {  	[bflag:$0x0] =	sbarrier.arrive $0xFFFF  }
0x1db: {  	_ =	strace $0x90000047  }
0x1dc: {  	s0 =	stileid.u32;
	[bflag:$0x2] =	sbarrier.arrive $0xFFFF  }
0x1dd: {  	p0 =	sne.s32 s0, $0x0;
	s0 =	rddreg [dreg:$0x4]  }
0x1de: {  	s0 =	sadd.s32 @!p0 $0x100000, s0  }
0x1df: {  	[sflag:s0] =	ssyncadd.tile.s32 @!p0 $0x1;
	_ =	shalt  }
.Lfunc_end2:
_tile_overlayer_lowered:
.L_overlay_start_2:
0x1e0: {  	(tag) =	ssettag $0x2  }
0x1e1: {  	s0 =	rddreg [dreg:$0x0];
	s2 =	stileid.u32  }
0x1e2: {  	s1 =	rddreg [dreg:$0x1];
	p0 =	sne.s32 s2, $0x0  }
0x1e3: {  	s3 =	rddreg [dreg:$0x2];
	[bflag:$0x3] =	sbarrier.arrive $0xFFFF;
	s2 =	simm.s32 @!p0 $0x1C07  }
0x1e4: {  	[timem:s3], [sflag:s2] =	dma.local @!p0 [hbm:s0], s1  }
0x1e5: {  	s0 =	simm.s32 @!p0 $0x7  }
0x1e6: {  	_ =	swait.ge @!p0 [sflag:s0], s1  }
0x1e7: {  	s1 =	ssub.s32 @!p0 $0x0, s1;
	[sflag:s0] =	ssyncset.done @!p0 $0x0  }
0x1e8: {  	[sflag:s0] =	ssyncadd.s32 @!p0 s1  }
0x1e9: {  	[bflag:$0x3] =	sbarrier.arrive $0xFFFF  }
0x1ea: {  	_ =	shalt  }

</sc_bundles>
